<compile_context>
chip_gen: v7x
topology: tpu7x:2x2x1
jax: 0.10.2.dev20260603
libtpu: 0.0.44.dev20260713+nightly
codegen_flags: <defaults>
</compile_context>

<pallas_src>
import functools

import jax
import jax.numpy as jnp
from jax import lax
from jax.experimental import pallas as pl
from jax.experimental.pallas import tpu as pltpu
from jax.experimental.pallas import tpu_sc as plsc

F32 = jnp.float32
BF16 = jnp.bfloat16

_NC, _NS = 2, 16
_NW = _NC * _NS
_CH = 128
_WL = 128
_CNT = 35
_SC_PARAMS = pltpu.CompilerParams(use_tc_tiling_on_sc=False)


def _sc_gather(table, idx3):
    nw, k, ch = idx3.shape
    d = table.shape[1]
    epw = k * ch
    e_pad = nw * epw
    mesh = plsc.VectorSubcoreMesh(core_axis_name="c", subcore_axis_name="s")

    @functools.partial(
        pl.kernel,
        out_type=jax.ShapeDtypeStruct((e_pad, _WL), F32),
        mesh=mesh,
        scratch_types=[
            pltpu.VMEM((k, ch), jnp.int32),
            pltpu.VMEM((epw, d), F32),
            pltpu.SemaphoreType.DMA,
        ],
        compiler_params=_SC_PARAMS,
    )
    def kern(table_hbm, idx_hbm, out_hbm, idx_v, rows_v, sem):
        wid = lax.axis_index("s") * _NC + lax.axis_index("c")
        base = pl.multiple_of(wid * epw, ch)
        pltpu.sync_copy(idx_hbm.at[wid], idx_v)
        cps = [
            pltpu.async_copy(table_hbm.at[idx_v.at[j]],
                             rows_v.at[pl.ds(j * ch, ch)], sem)
            for j in range(k)
        ]
        for c in cps:
            c.wait()
        pltpu.sync_copy(rows_v, out_hbm.at[pl.ds(base, epw), pl.ds(0, d)])

    return kern(table, idx3)


def _sc_scatter(msgs, widths, dst3, zeros_d):
    nw, k, ch = dst3.shape
    n_acc = zeros_d.shape[0]
    rpt = n_acc // _NS
    epw = k * ch
    nm = len(msgs)
    mesh = plsc.VectorSubcoreMesh(core_axis_name="c", subcore_axis_name="s")

    out_type = tuple(jax.ShapeDtypeStruct((_NC * n_acc, _WL), F32)
                     for _ in range(nm))
    scratch = [pltpu.VMEM((k, ch), jnp.int32)]
    for w in widths:
        scratch.append(pltpu.VMEM((ch, w), F32))
        scratch.append(pltpu.VMEM_SHARED((n_acc, w), F32))

    def kern(*refs):
        msg_hbm = refs[:nm]
        dst_hbm, zd_hbm = refs[nm], refs[nm + 1]
        outs = refs[nm + 2:nm + 2 + nm]
        idx_v = refs[nm + 2 + nm]
        bufs = refs[nm + 3 + nm::2]
        accs = refs[nm + 4 + nm::2]
        cid = lax.axis_index("c")
        sid = lax.axis_index("s")
        wid = sid * _NC + cid
        base = pl.multiple_of(wid * epw, ch)
        stripe = pl.multiple_of(sid * rpt, 8)
        pltpu.sync_copy(dst_hbm.at[wid], idx_v)
        for m in range(nm):
            pltpu.sync_copy(zd_hbm.at[pl.ds(stripe, rpt), pl.ds(0, widths[m])],
                            accs[m].at[pl.ds(stripe, rpt)])
        plsc.subcore_barrier()
        for j in range(k):
            for m in range(nm):
                pltpu.sync_copy(
                    msg_hbm[m].at[pl.ds(base + j * ch, ch),
                                  pl.ds(0, widths[m])], bufs[m])
                pltpu.sync_copy(bufs[m], accs[m].at[idx_v.at[j]], add=True)
        plsc.subcore_barrier()
        obase = pl.multiple_of(cid * n_acc + stripe, 8)
        for m in range(nm):
            pltpu.sync_copy(accs[m].at[pl.ds(stripe, rpt)],
                            outs[m].at[pl.ds(obase, rpt),
                                       pl.ds(0, widths[m])])

    f = pl.kernel(kern, out_type=out_type, mesh=mesh,
                  scratch_types=scratch, compiler_params=_SC_PARAMS)
    res = f(*msgs, dst3, zeros_d)
    return list(res) if isinstance(res, (tuple, list)) else [res]


def _tc_messages(xj, attr, w_p, b_p, d_in, n_out, add_count, be=1024):
    e_pad = xj.shape[0]
    doutp = w_p.shape[1]

    def body(xj_ref, a_ref, w_ref, b_ref, *o_refs):
        a = jnp.reshape(a_ref[...], (be, 1)).astype(BF16)
        xjb = xj_ref[...].astype(BF16)
        w = w_ref[...].astype(BF16)
        b = b_ref[...].astype(BF16)
        acc = jnp.zeros((be, doutp), BF16)
        for i in range(d_in):
            ew = jnp.maximum(a * w[i:i + 1, :] + b[i:i + 1, :], BF16(0.0))
            acc = acc + xjb[:, i:i + 1] * ew
        out = acc.astype(F32)
        if add_count:
            col = lax.broadcasted_iota(jnp.int32, (1, doutp), 1)
            out = out + jnp.where(col == _CNT, 1.0, 0.0).astype(F32)
        for m, o_ref in enumerate(o_refs):
            o_ref[...] = out[:, m * _WL:(m + 1) * _WL]

    return pl.pallas_call(
        body,
        grid=(e_pad // be,),
        in_specs=[
            pl.BlockSpec((be, _WL), lambda i: (i, 0)),
            pl.BlockSpec((1, 1, be), lambda i: (i, 0, 0)),
            pl.BlockSpec(w_p.shape, lambda i: (0, 0)),
            pl.BlockSpec(b_p.shape, lambda i: (0, 0)),
        ],
        out_specs=[pl.BlockSpec((be, _WL), lambda i: (i, 0))
                   for _ in range(n_out)],
        out_shape=[jax.ShapeDtypeStruct((e_pad, _WL), F32)
                   for _ in range(n_out)],
    )(xj, attr, w_p, b_p)


def _tc_combine1(s_cat, xin, root_p, bias, gamma, beta, n, n_acc, dp):

    def body(s_ref, x_ref, r_ref, b_ref, g_ref, be_ref, o_ref):
        s = s_ref[...]
        ssum = s[:n] + s[n_acc:n_acc + n]
        cnt = jnp.maximum(ssum[:, _CNT:_CNT + 1], 1.0)
        agg = ssum[:, :dp] / cnt
        h = agg + jnp.dot(x_ref[...], r_ref[...],
                          preferred_element_type=F32) + b_ref[...]
        m = jnp.mean(h, axis=0, keepdims=True)
        v = jnp.mean((h - m) ** 2, axis=0, keepdims=True)
        z = (h - m) * lax.rsqrt(v + 1e-3) * g_ref[...] + be_ref[...]
        x1v = jax.nn.sigmoid(z)
        col = lax.broadcasted_iota(jnp.int32, (1, dp), 1)
        o_ref[...] = jnp.where(col == _CNT, cnt, x1v)

    return pl.pallas_call(
        body,
        out_shape=jax.ShapeDtypeStruct((n, dp), F32),
    )(s_cat, xin, root_p, bias, gamma, beta)


def _tc_combine2(sa_cat, sb_cat, x1, root_p, bias, gamma, beta,
                 n, n_acc, d_out):

    def body(sa_ref, sb_ref, x_ref, r_ref, b_ref, g_ref, be_ref,
             o_ref):
        sa = sa_ref[...]
        sb = sb_ref[...]
        cnt = x_ref[:, _CNT:_CNT + 1]
        ha = sa[:n] + sa[n_acc:n_acc + n]
        hb = sb[:n, :d_out - _WL] + sb[n_acc:n_acc + n, :d_out - _WL]
        h = jnp.concatenate([ha, hb], axis=1) / cnt
        h = h + jnp.dot(x_ref[...], r_ref[...],
                        preferred_element_type=F32) + b_ref[...]
        m = jnp.mean(h, axis=0, keepdims=True)
        v = jnp.mean((h - m) ** 2, axis=0, keepdims=True)
        z = (h - m) * lax.rsqrt(v + 1e-3) * g_ref[...] + be_ref[...]
        x2 = jax.nn.sigmoid(z)
        o_ref[...] = lax.dot_general(x2, x2, (((0,), (0,)), ((), ())),
                                     preferred_element_type=F32)

    return pl.pallas_call(
        body,
        out_shape=jax.ShapeDtypeStruct((d_out, d_out), F32),
    )(sa_cat, sb_cat, x1, root_p, bias, gamma, beta)


def kernel(x, edge_index, edge_attr, w1, b1, root1, bias1, gamma1, beta1,
           w2, b2, root2, bias2, gamma2, beta2):
    n, d_in = x.shape
    e = edge_index.shape[1]
    d_mid = root1.shape[1]
    d_out = root2.shape[1]
    dp = 48
    wr = 40
    k = -(-e // (_NW * _CH))
    e_pad = _NW * _CH * k
    pad_e = e_pad - e
    n_acc = -(-(n + 1) // 128) * 128

    src = edge_index[0].astype(jnp.int32)
    dst = edge_index[1].astype(jnp.int32)
    src_p = jnp.concatenate(
        [src, jnp.zeros((pad_e,), jnp.int32)]).reshape(_NW, k, _CH)
    dst_p = jnp.concatenate(
        [dst, jnp.full((pad_e,), n, jnp.int32)]).reshape(_NW, k, _CH)
    attr_p = jnp.pad(edge_attr.astype(F32)[:, 0],
                     (0, pad_e)).reshape(-1, 1, 1024)
    xp = jnp.pad(x, ((0, 0), (0, dp - d_in)))

    w1m = jnp.pad(w1[:, 0].reshape(d_in, d_mid),
                  ((0, wr - d_in), (0, _WL - d_mid)))
    b1m = jnp.pad(b1.reshape(d_in, d_mid), ((0, wr - d_in), (0, _WL - d_mid)))
    w2m = jnp.pad(w2[:, 0].reshape(d_mid, d_out),
                  ((0, wr - d_mid), (0, 2 * _WL - d_out)))
    b2m = jnp.pad(b2.reshape(d_mid, d_out),
                  ((0, wr - d_mid), (0, 2 * _WL - d_out)))
    root1p = jnp.pad(root1, ((0, dp - d_in), (0, dp - d_mid)))
    root2p = jnp.pad(root2, ((0, dp - d_mid), (0, 0)))
    bias1p = jnp.pad(bias1, (0, dp - d_mid)).reshape(1, dp)
    gamma1p = jnp.pad(gamma1, (0, dp - d_mid)).reshape(1, dp)
    beta1p = jnp.pad(beta1, (0, dp - d_mid)).reshape(1, dp)
    bias2p = bias2.reshape(1, d_out)
    gamma2p = gamma2.reshape(1, d_out)
    beta2p = beta2.reshape(1, d_out)
    zeros_d = jnp.zeros((n_acc, _WL), F32)

    xj1 = _sc_gather(xp, src_p)
    (msg1,) = _tc_messages(xj1, attr_p, w1m, b1m, d_in, 1, True)
    (s1,) = _sc_scatter([msg1], [_WL], dst_p, zeros_d)
    x1 = _tc_combine1(s1, xp, root1p, bias1p, gamma1p, beta1p, n, n_acc, dp)
    xj2 = _sc_gather(x1, src_p)
    msg2a, msg2b = _tc_messages(xj2, attr_p, w2m, b2m, d_mid, 2, False)
    s2a, s2b = _sc_scatter([msg2a, msg2b], [_WL, d_out - _WL], dst_p, zeros_d)
    x3 = _tc_combine2(s2a, s2b, x1, root2p, bias2p, gamma2p, beta2p,
                      n, n_acc, d_out)
    return x3

# --- scband reference (transcript-rebuilt; emitter-appended) ---
"""Pipeline reference for scband-generator1-9208409883011 (READ-ONLY COPY).

The authoritative reference and input builder live on the scoring server;
editing this copy changes nothing except your own understanding.
"""

import jax, jax.numpy as jnp
import numpy as np

N, E, D_IN, D_MID, D_OUT = 10000, 50000, 35, 35, 160

def setup_inputs(seed: int = 0):
    key = jax.random.key(seed)
    ks = jax.random.split(key, 16)
    inp = {}
    inp['x'] = jax.random.normal(ks[0], (N, D_IN), dtype=jnp.float32)
    inp['edge_index'] = jax.random.randint(ks[1], (2, E), 0, N)
    inp['edge_attr'] = jax.random.uniform(ks[2], (E, 1), dtype=jnp.float32)
    # edge-conditioned weight MLP 1: Linear(1, 35*35)
    inp['w1'] = jax.random.normal(ks[3], (D_IN * D_MID, 1), dtype=jnp.float32) * 0.1
    inp['b1'] = jax.random.normal(ks[4], (D_IN * D_MID,), dtype=jnp.float32) * 0.1
    inp['root1'] = jax.random.normal(ks[5], (D_IN, D_MID), dtype=jnp.float32) * 0.1
    inp['bias1'] = jnp.zeros((D_MID,), jnp.float32)
    inp['gamma1'] = jnp.ones((D_MID,), jnp.float32)
    inp['beta1'] = jnp.zeros((D_MID,), jnp.float32)
    # edge-conditioned weight MLP 2: Linear(1, 35*160)
    inp['w2'] = jax.random.normal(ks[6], (D_MID * D_OUT, 1), dtype=jnp.float32) * 0.1
    inp['b2'] = jax.random.normal(ks[7], (D_MID * D_OUT,), dtype=jnp.float32) * 0.1
    inp['root2'] = jax.random.normal(ks[8], (D_MID, D_OUT), dtype=jnp.float32) * 0.1
    inp['bias2'] = jnp.zeros((D_OUT,), jnp.float32)
    inp['gamma2'] = jnp.ones((D_OUT,), jnp.float32)
    inp['beta2'] = jnp.zeros((D_OUT,), jnp.float32)
    return inp

def _nnconv(x, src, dst, edge_attr, w, b, root, bias, d_in, d_out):
    # edge network: Linear(1, d_in*d_out) + ReLU, producing per-edge weight matrices
    ew = jax.nn.relu(edge_attr @ w.T + b).reshape(-1, d_in, d_out)
    xj = jnp.take(x, src, axis=0)  # gather source node features
    msg = jnp.einsum('ei,eio->eo', xj, ew)
    n = x.shape[0]
    s = jax.ops.segment_sum(msg, dst, num_segments=n)
    c = jax.ops.segment_sum(jnp.ones((msg.shape[0],), jnp.float32), dst, num_segments=n)
    agg = s / jnp.clip(c, 1.0, None)[:, None]  # aggr='mean'
    return agg + x @ root + bias  # root_weight + bias

def _bn(h, gamma, beta, eps=1e-3):
    # training-mode batch norm over the node dimension (biased variance, like torch)
    m = h.mean(axis=0)
    v = h.var(axis=0)
    return (h - m) / jnp.sqrt(v + eps) * gamma + beta

def reference(x, edge_index, edge_attr, w1, b1, root1, bias1, gamma1, beta1, w2, b2, root2, bias2, gamma2, beta2):
    src, dst = edge_index[0], edge_index[1]
    h1 = _nnconv(x, src, dst, edge_attr, w1, b1, root1, bias1, D_IN, D_MID)
    x1 = jax.nn.sigmoid(_bn(h1, gamma1, beta1))
    # dropout is identity in eval mode
    h2 = _nnconv(x1, src, dst, edge_attr, w2, b2, root2, bias2, D_MID, D_OUT)
    x2 = jax.nn.sigmoid(_bn(h2, gamma2, beta2))
    x3 = x2.T @ x2
    return x3

if __name__ == "__main__":
    import jax
    _d = setup_inputs()
    print(jax.jit(kernel)(*tuple(_d.values())))

</pallas_src>

<mosaic_0001>
#map = affine_map<(d0, d1) -> (0, 0)>
#map1 = affine_map<(d0, d1) -> (0, 0, 0)>
module attributes {stable_mosaic.version = 14 : i64} {
  func.func @kern(%arg0: i32, %arg1: i32, %arg2: memref<10000x48xf32, #tpu.memory_space<hbm>>, %arg3: memref<32x13x128xi32, #tpu.memory_space<hbm>>, %arg4: memref<53248x128xf32, #tpu.memory_space<hbm>>, %arg5: memref<13x128xi32, #tpu.memory_space<vmem>>, %arg6: memref<1664x48xf32, #tpu.memory_space<vmem>>, %arg7: memref<!tpu.dma_semaphore, #tpu.memory_space<semaphore_mem>>) attributes {dimension_semantics = [#tpu.dimension_semantics<core_parallel>, #tpu.dimension_semantics<subcore_parallel>], iteration_bounds = array<i64: 2, 16>, scalar_prefetch = 0 : i64, scratch_operands = 3 : i64, tpu.core_type = #tpu.core_type<sc_vector_subcore>, window_params = [{transform_indices = #map}, {transform_indices = #map1}, {transform_indices = #map}]} {
    %mul3A = arith.constant 2 : i32
    %mul3A_0 = arith.muli %arg1, %mul3A : i32
    %add3A = arith.addi %mul3A_0, %arg0 : i32
    %mul3A_1 = arith.constant 1664 : i32
    %mul3A_2 = arith.muli %add3A, %mul3A_1 : i32
    %multiple_of3A = tpu.assume_multiple %mul3A_2, 128 : i32
    "tpu.region"() ({
      %run_scoped3A = tpu.sem_alloc : memref<!tpu.dma_semaphore, #tpu.memory_space<semaphore_mem>>
      %dma_start3A_261 = arith.constant 0 : i32
      %dma_start3A_262 = arith.constant 0 : i32
      %dma_start3A_263 = tpu.memref_slice %arg3[%add3A, %dma_start3A_261, %dma_start3A_262] : memref<32x13x128xi32, #tpu.memory_space<hbm>> -> memref<1x13x128xi32, #tpu.memory_space<hbm>>
      %dma_start3A_264 = tpu.memref_squeeze %dma_start3A_263 : memref<1x13x128xi32, #tpu.memory_space<hbm>> -> memref<13x128xi32, #tpu.memory_space<hbm>>
      %dma_start3A_265 = arith.constant 0 : i32
      %dma_start3A_266 = arith.constant 0 : i32
      %dma_start3A_267 = tpu.memref_slice %arg3[%add3A, %dma_start3A_265, %dma_start3A_266] : memref<32x13x128xi32, #tpu.memory_space<hbm>> -> memref<1x13x128xi32, #tpu.memory_space<hbm>>
      %dma_start3A_268 = tpu.memref_squeeze %dma_start3A_267 : memref<1x13x128xi32, #tpu.memory_space<hbm>> -> memref<13x128xi32, #tpu.memory_space<hbm>>
      tpu.enqueue_dma source(%dma_start3A_268 : memref<13x128xi32, #tpu.memory_space<hbm>>) target(%arg5 : memref<13x128xi32, #tpu.memory_space<vmem>>) target_semaphore(%run_scoped3A : memref<!tpu.dma_semaphore, #tpu.memory_space<semaphore_mem>>)
      %dma_wait3A_269 = arith.constant 0 : i32
      %dma_wait3A_270 = arith.constant 0 : i32
      %dma_wait3A_271 = tpu.memref_slice %arg3[%add3A, %dma_wait3A_269, %dma_wait3A_270] : memref<32x13x128xi32, #tpu.memory_space<hbm>> -> memref<1x13x128xi32, #tpu.memory_space<hbm>>
      %dma_wait3A_272 = tpu.memref_squeeze %dma_wait3A_271 : memref<1x13x128xi32, #tpu.memory_space<hbm>> -> memref<13x128xi32, #tpu.memory_space<hbm>>
      %dma_wait3A_273 = arith.constant 0 : i32
      %dma_wait3A_274 = arith.constant 0 : i32
      %dma_wait3A_275 = tpu.memref_slice %arg3[%add3A, %dma_wait3A_273, %dma_wait3A_274] : memref<32x13x128xi32, #tpu.memory_space<hbm>> -> memref<1x13x128xi32, #tpu.memory_space<hbm>>
      %dma_wait3A_276 = tpu.memref_squeeze %dma_wait3A_275 : memref<1x13x128xi32, #tpu.memory_space<hbm>> -> memref<13x128xi32, #tpu.memory_space<hbm>>
      tpu.wait_dma2 semaphore(%run_scoped3A : memref<!tpu.dma_semaphore, #tpu.memory_space<semaphore_mem>>) src(%dma_wait3A_276 : memref<13x128xi32, #tpu.memory_space<hbm>>) dst(%arg5 : memref<13x128xi32, #tpu.memory_space<vmem>>)
      tpu.yield
    }) : () -> ()
    %dma_start3A = arith.constant 0 : i32
    %dma_start3A_3 = arith.constant 0 : i32
    %dma_start3A_4 = arith.constant 0 : i32
    %dma_start3A_5 = tpu.memref_slice %arg6[%dma_start3A_3, %dma_start3A_4] : memref<1664x48xf32, #tpu.memory_space<vmem>> -> memref<128x48xf32, #tpu.memory_space<vmem>>
    %dma_start3A_6 = arith.constant 0 : i32
    %dma_start3A_7 = tpu.memref_slice %arg5[%dma_start3A, %dma_start3A_6] : memref<13x128xi32, #tpu.memory_space<vmem>> -> memref<1x128xi32, #tpu.memory_space<vmem>>
    %dma_start3A_8 = tpu.memref_squeeze %dma_start3A_7 : memref<1x128xi32, #tpu.memory_space<vmem>> -> memref<128xi32, #tpu.memory_space<vmem>>
    %dma_start3A_9 = arith.constant 0 : i32
    %dma_start3A_10 = arith.constant 0 : i32
    %dma_start3A_11 = tpu.memref_slice %arg2[%dma_start3A_9, %dma_start3A_10] : memref<10000x48xf32, #tpu.memory_space<hbm>> -> memref<10000x48xf32, #tpu.memory_space<hbm>>
    tpu.enqueue_indirect_dma source(%dma_start3A_11 : memref<10000x48xf32, #tpu.memory_space<hbm>>) target(%dma_start3A_5 : memref<128x48xf32, #tpu.memory_space<vmem>>) offsets(%dma_start3A_8 : memref<128xi32, #tpu.memory_space<vmem>>) semaphore(%arg7 : memref<!tpu.dma_semaphore, #tpu.memory_space<semaphore_mem>>)
    %dma_start3A_12 = arith.constant 1 : i32
    %dma_start3A_13 = arith.constant 128 : i32
    %dma_start3A_14 = arith.constant 0 : i32
    %dma_start3A_15 = tpu.memref_slice %arg6[%dma_start3A_13, %dma_start3A_14] : memref<1664x48xf32, #tpu.memory_space<vmem>> -> memref<128x48xf32, #tpu.memory_space<vmem>>
    %dma_start3A_16 = arith.constant 0 : i32
    %dma_start3A_17 = tpu.memref_slice %arg5[%dma_start3A_12, %dma_start3A_16] : memref<13x128xi32, #tpu.memory_space<vmem>> -> memref<1x128xi32, #tpu.memory_space<vmem>>
    %dma_start3A_18 = tpu.memref_squeeze %dma_start3A_17 : memref<1x128xi32, #tpu.memory_space<vmem>> -> memref<128xi32, #tpu.memory_space<vmem>>
    %dma_start3A_19 = arith.constant 0 : i32
    %dma_start3A_20 = arith.constant 0 : i32
    %dma_start3A_21 = tpu.memref_slice %arg2[%dma_start3A_19, %dma_start3A_20] : memref<10000x48xf32, #tpu.memory_space<hbm>> -> memref<10000x48xf32, #tpu.memory_space<hbm>>
    tpu.enqueue_indirect_dma source(%dma_start3A_21 : memref<10000x48xf32, #tpu.memory_space<hbm>>) target(%dma_start3A_15 : memref<128x48xf32, #tpu.memory_space<vmem>>) offsets(%dma_start3A_18 : memref<128xi32, #tpu.memory_space<vmem>>) semaphore(%arg7 : memref<!tpu.dma_semaphore, #tpu.memory_space<semaphore_mem>>)
    %dma_start3A_22 = arith.constant 2 : i32
    %dma_start3A_23 = arith.constant 256 : i32
    %dma_start3A_24 = arith.constant 0 : i32
    %dma_start3A_25 = tpu.memref_slice %arg6[%dma_start3A_23, %dma_start3A_24] : memref<1664x48xf32, #tpu.memory_space<vmem>> -> memref<128x48xf32, #tpu.memory_space<vmem>>
    %dma_start3A_26 = arith.constant 0 : i32
    %dma_start3A_27 = tpu.memref_slice %arg5[%dma_start3A_22, %dma_start3A_26] : memref<13x128xi32, #tpu.memory_space<vmem>> -> memref<1x128xi32, #tpu.memory_space<vmem>>
    %dma_start3A_28 = tpu.memref_squeeze %dma_start3A_27 : memref<1x128xi32, #tpu.memory_space<vmem>> -> memref<128xi32, #tpu.memory_space<vmem>>
    %dma_start3A_29 = arith.constant 0 : i32
    %dma_start3A_30 = arith.constant 0 : i32
    %dma_start3A_31 = tpu.memref_slice %arg2[%dma_start3A_29, %dma_start3A_30] : memref<10000x48xf32, #tpu.memory_space<hbm>> -> memref<10000x48xf32, #tpu.memory_space<hbm>>
    tpu.enqueue_indirect_dma source(%dma_start3A_31 : memref<10000x48xf32, #tpu.memory_space<hbm>>) target(%dma_start3A_25 : memref<128x48xf32, #tpu.memory_space<vmem>>) offsets(%dma_start3A_28 : memref<128xi32, #tpu.memory_space<vmem>>) semaphore(%arg7 : memref<!tpu.dma_semaphore, #tpu.memory_space<semaphore_mem>>)
    %dma_start3A_32 = arith.constant 3 : i32
    %dma_start3A_33 = arith.constant 384 : i32
    %dma_start3A_34 = arith.constant 0 : i32
    %dma_start3A_35 = tpu.memref_slice %arg6[%dma_start3A_33, %dma_start3A_34] : memref<1664x48xf32, #tpu.memory_space<vmem>> -> memref<128x48xf32, #tpu.memory_space<vmem>>
    %dma_start3A_36 = arith.constant 0 : i32
    %dma_start3A_37 = tpu.memref_slice %arg5[%dma_start3A_32, %dma_start3A_36] : memref<13x128xi32, #tpu.memory_space<vmem>> -> memref<1x128xi32, #tpu.memory_space<vmem>>
    %dma_start3A_38 = tpu.memref_squeeze %dma_start3A_37 : memref<1x128xi32, #tpu.memory_space<vmem>> -> memref<128xi32, #tpu.memory_space<vmem>>
    %dma_start3A_39 = arith.constant 0 : i32
    %dma_start3A_40 = arith.constant 0 : i32
    %dma_start3A_41 = tpu.memref_slice %arg2[%dma_start3A_39, %dma_start3A_40] : memref<10000x48xf32, #tpu.memory_space<hbm>> -> memref<10000x48xf32, #tpu.memory_space<hbm>>
    tpu.enqueue_indirect_dma source(%dma_start3A_41 : memref<10000x48xf32, #tpu.memory_space<hbm>>) target(%dma_start3A_35 : memref<128x48xf32, #tpu.memory_space<vmem>>) offsets(%dma_start3A_38 : memref<128xi32, #tpu.memory_space<vmem>>) semaphore(%arg7 : memref<!tpu.dma_semaphore, #tpu.memory_space<semaphore_mem>>)
    %dma_start3A_42 = arith.constant 4 : i32
    %dma_start3A_43 = arith.constant 512 : i32
    %dma_start3A_44 = arith.constant 0 : i32
    %dma_start3A_45 = tpu.memref_slice %arg6[%dma_start3A_43, %dma_start3A_44] : memref<1664x48xf32, #tpu.memory_space<vmem>> -> memref<128x48xf32, #tpu.memory_space<vmem>>
    %dma_start3A_46 = arith.constant 0 : i32
    %dma_start3A_47 = tpu.memref_slice %arg5[%dma_start3A_42, %dma_start3A_46] : memref<13x128xi32, #tpu.memory_space<vmem>> -> memref<1x128xi32, #tpu.memory_space<vmem>>
    %dma_start3A_48 = tpu.memref_squeeze %dma_start3A_47 : memref<1x128xi32, #tpu.memory_space<vmem>> -> memref<128xi32, #tpu.memory_space<vmem>>
    %dma_start3A_49 = arith.constant 0 : i32
    %dma_start3A_50 = arith.constant 0 : i32
    %dma_start3A_51 = tpu.memref_slice %arg2[%dma_start3A_49, %dma_start3A_50] : memref<10000x48xf32, #tpu.memory_space<hbm>> -> memref<10000x48xf32, #tpu.memory_space<hbm>>
    tpu.enqueue_indirect_dma source(%dma_start3A_51 : memref<10000x48xf32, #tpu.memory_space<hbm>>) target(%dma_start3A_45 : memref<128x48xf32, #tpu.memory_space<vmem>>) offsets(%dma_start3A_48 : memref<128xi32, #tpu.memory_space<vmem>>) semaphore(%arg7 : memref<!tpu.dma_semaphore, #tpu.memory_space<semaphore_mem>>)
    %dma_start3A_52 = arith.constant 5 : i32
    %dma_start3A_53 = arith.constant 640 : i32
    %dma_start3A_54 = arith.constant 0 : i32
    %dma_start3A_55 = tpu.memref_slice %arg6[%dma_start3A_53, %dma_start3A_54] : memref<1664x48xf32, #tpu.memory_space<vmem>> -> memref<128x48xf32, #tpu.memory_space<vmem>>
    %dma_start3A_56 = arith.constant 0 : i32
    %dma_start3A_57 = tpu.memref_slice %arg5[%dma_start3A_52, %dma_start3A_56] : memref<13x128xi32, #tpu.memory_space<vmem>> -> memref<1x128xi32, #tpu.memory_space<vmem>>
    %dma_start3A_58 = tpu.memref_squeeze %dma_start3A_57 : memref<1x128xi32, #tpu.memory_space<vmem>> -> memref<128xi32, #tpu.memory_space<vmem>>
    %dma_start3A_59 = arith.constant 0 : i32
    %dma_start3A_60 = arith.constant 0 : i32
    %dma_start3A_61 = tpu.memref_slice %arg2[%dma_start3A_59, %dma_start3A_60] : memref<10000x48xf32, #tpu.memory_space<hbm>> -> memref<10000x48xf32, #tpu.memory_space<hbm>>
    tpu.enqueue_indirect_dma source(%dma_start3A_61 : memref<10000x48xf32, #tpu.memory_space<hbm>>) target(%dma_start3A_55 : memref<128x48xf32, #tpu.memory_space<vmem>>) offsets(%dma_start3A_58 : memref<128xi32, #tpu.memory_space<vmem>>) semaphore(%arg7 : memref<!tpu.dma_semaphore, #tpu.memory_space<semaphore_mem>>)
    %dma_start3A_62 = arith.constant 6 : i32
    %dma_start3A_63 = arith.constant 768 : i32
    %dma_start3A_64 = arith.constant 0 : i32
    %dma_start3A_65 = tpu.memref_slice %arg6[%dma_start3A_63, %dma_start3A_64] : memref<1664x48xf32, #tpu.memory_space<vmem>> -> memref<128x48xf32, #tpu.memory_space<vmem>>
    %dma_start3A_66 = arith.constant 0 : i32
    %dma_start3A_67 = tpu.memref_slice %arg5[%dma_start3A_62, %dma_start3A_66] : memref<13x128xi32, #tpu.memory_space<vmem>> -> memref<1x128xi32, #tpu.memory_space<vmem>>
    %dma_start3A_68 = tpu.memref_squeeze %dma_start3A_67 : memref<1x128xi32, #tpu.memory_space<vmem>> -> memref<128xi32, #tpu.memory_space<vmem>>
    %dma_start3A_69 = arith.constant 0 : i32
    %dma_start3A_70 = arith.constant 0 : i32
    %dma_start3A_71 = tpu.memref_slice %arg2[%dma_start3A_69, %dma_start3A_70] : memref<10000x48xf32, #tpu.memory_space<hbm>> -> memref<10000x48xf32, #tpu.memory_space<hbm>>
    tpu.enqueue_indirect_dma source(%dma_start3A_71 : memref<10000x48xf32, #tpu.memory_space<hbm>>) target(%dma_start3A_65 : memref<128x48xf32, #tpu.memory_space<vmem>>) offsets(%dma_start3A_68 : memref<128xi32, #tpu.memory_space<vmem>>) semaphore(%arg7 : memref<!tpu.dma_semaphore, #tpu.memory_space<semaphore_mem>>)
    %dma_start3A_72 = arith.constant 7 : i32
    %dma_start3A_73 = arith.constant 896 : i32
    %dma_start3A_74 = arith.constant 0 : i32
    %dma_start3A_75 = tpu.memref_slice %arg6[%dma_start3A_73, %dma_start3A_74] : memref<1664x48xf32, #tpu.memory_space<vmem>> -> memref<128x48xf32, #tpu.memory_space<vmem>>
    %dma_start3A_76 = arith.constant 0 : i32
    %dma_start3A_77 = tpu.memref_slice %arg5[%dma_start3A_72, %dma_start3A_76] : memref<13x128xi32, #tpu.memory_space<vmem>> -> memref<1x128xi32, #tpu.memory_space<vmem>>
    %dma_start3A_78 = tpu.memref_squeeze %dma_start3A_77 : memref<1x128xi32, #tpu.memory_space<vmem>> -> memref<128xi32, #tpu.memory_space<vmem>>
    %dma_start3A_79 = arith.constant 0 : i32
    %dma_start3A_80 = arith.constant 0 : i32
    %dma_start3A_81 = tpu.memref_slice %arg2[%dma_start3A_79, %dma_start3A_80] : memref<10000x48xf32, #tpu.memory_space<hbm>> -> memref<10000x48xf32, #tpu.memory_space<hbm>>
    tpu.enqueue_indirect_dma source(%dma_start3A_81 : memref<10000x48xf32, #tpu.memory_space<hbm>>) target(%dma_start3A_75 : memref<128x48xf32, #tpu.memory_space<vmem>>) offsets(%dma_start3A_78 : memref<128xi32, #tpu.memory_space<vmem>>) semaphore(%arg7 : memref<!tpu.dma_semaphore, #tpu.memory_space<semaphore_mem>>)
    %dma_start3A_82 = arith.constant 8 : i32
    %dma_start3A_83 = arith.constant 1024 : i32
    %dma_start3A_84 = arith.constant 0 : i32
    %dma_start3A_85 = tpu.memref_slice %arg6[%dma_start3A_83, %dma_start3A_84] : memref<1664x48xf32, #tpu.memory_space<vmem>> -> memref<128x48xf32, #tpu.memory_space<vmem>>
    %dma_start3A_86 = arith.constant 0 : i32
    %dma_start3A_87 = tpu.memref_slice %arg5[%dma_start3A_82, %dma_start3A_86] : memref<13x128xi32, #tpu.memory_space<vmem>> -> memref<1x128xi32, #tpu.memory_space<vmem>>
    %dma_start3A_88 = tpu.memref_squeeze %dma_start3A_87 : memref<1x128xi32, #tpu.memory_space<vmem>> -> memref<128xi32, #tpu.memory_space<vmem>>
    %dma_start3A_89 = arith.constant 0 : i32
    %dma_start3A_90 = arith.constant 0 : i32
    %dma_start3A_91 = tpu.memref_slice %arg2[%dma_start3A_89, %dma_start3A_90] : memref<10000x48xf32, #tpu.memory_space<hbm>> -> memref<10000x48xf32, #tpu.memory_space<hbm>>
    tpu.enqueue_indirect_dma source(%dma_start3A_91 : memref<10000x48xf32, #tpu.memory_space<hbm>>) target(%dma_start3A_85 : memref<128x48xf32, #tpu.memory_space<vmem>>) offsets(%dma_start3A_88 : memref<128xi32, #tpu.memory_space<vmem>>) semaphore(%arg7 : memref<!tpu.dma_semaphore, #tpu.memory_space<semaphore_mem>>)
    %dma_start3A_92 = arith.constant 9 : i32
    %dma_start3A_93 = arith.constant 1152 : i32
    %dma_start3A_94 = arith.constant 0 : i32
    %dma_start3A_95 = tpu.memref_slice %arg6[%dma_start3A_93, %dma_start3A_94] : memref<1664x48xf32, #tpu.memory_space<vmem>> -> memref<128x48xf32, #tpu.memory_space<vmem>>
    %dma_start3A_96 = arith.constant 0 : i32
    %dma_start3A_97 = tpu.memref_slice %arg5[%dma_start3A_92, %dma_start3A_96] : memref<13x128xi32, #tpu.memory_space<vmem>> -> memref<1x128xi32, #tpu.memory_space<vmem>>
    %dma_start3A_98 = tpu.memref_squeeze %dma_start3A_97 : memref<1x128xi32, #tpu.memory_space<vmem>> -> memref<128xi32, #tpu.memory_space<vmem>>
    %dma_start3A_99 = arith.constant 0 : i32
    %dma_start3A_100 = arith.constant 0 : i32
    %dma_start3A_101 = tpu.memref_slice %arg2[%dma_start3A_99, %dma_start3A_100] : memref<10000x48xf32, #tpu.memory_space<hbm>> -> memref<10000x48xf32, #tpu.memory_space<hbm>>
    tpu.enqueue_indirect_dma source(%dma_start3A_101 : memref<10000x48xf32, #tpu.memory_space<hbm>>) target(%dma_start3A_95 : memref<128x48xf32, #tpu.memory_space<vmem>>) offsets(%dma_start3A_98 : memref<128xi32, #tpu.memory_space<vmem>>) semaphore(%arg7 : memref<!tpu.dma_semaphore, #tpu.memory_space<semaphore_mem>>)
    %dma_start3A_102 = arith.constant 10 : i32
    %dma_start3A_103 = arith.constant 1280 : i32
    %dma_start3A_104 = arith.constant 0 : i32
    %dma_start3A_105 = tpu.memref_slice %arg6[%dma_start3A_103, %dma_start3A_104] : memref<1664x48xf32, #tpu.memory_space<vmem>> -> memref<128x48xf32, #tpu.memory_space<vmem>>
    %dma_start3A_106 = arith.constant 0 : i32
    %dma_start3A_107 = tpu.memref_slice %arg5[%dma_start3A_102, %dma_start3A_106] : memref<13x128xi32, #tpu.memory_space<vmem>> -> memref<1x128xi32, #tpu.memory_space<vmem>>
    %dma_start3A_108 = tpu.memref_squeeze %dma_start3A_107 : memref<1x128xi32, #tpu.memory_space<vmem>> -> memref<128xi32, #tpu.memory_space<vmem>>
    %dma_start3A_109 = arith.constant 0 : i32
    %dma_start3A_110 = arith.constant 0 : i32
    %dma_start3A_111 = tpu.memref_slice %arg2[%dma_start3A_109, %dma_start3A_110] : memref<10000x48xf32, #tpu.memory_space<hbm>> -> memref<10000x48xf32, #tpu.memory_space<hbm>>
    tpu.enqueue_indirect_dma source(%dma_start3A_111 : memref<10000x48xf32, #tpu.memory_space<hbm>>) target(%dma_start3A_105 : memref<128x48xf32, #tpu.memory_space<vmem>>) offsets(%dma_start3A_108 : memref<128xi32, #tpu.memory_space<vmem>>) semaphore(%arg7 : memref<!tpu.dma_semaphore, #tpu.memory_space<semaphore_mem>>)
    %dma_start3A_112 = arith.constant 11 : i32
    %dma_start3A_113 = arith.constant 1408 : i32
    %dma_start3A_114 = arith.constant 0 : i32
    %dma_start3A_115 = tpu.memref_slice %arg6[%dma_start3A_113, %dma_start3A_114] : memref<1664x48xf32, #tpu.memory_space<vmem>> -> memref<128x48xf32, #tpu.memory_space<vmem>>
    %dma_start3A_116 = arith.constant 0 : i32
    %dma_start3A_117 = tpu.memref_slice %arg5[%dma_start3A_112, %dma_start3A_116] : memref<13x128xi32, #tpu.memory_space<vmem>> -> memref<1x128xi32, #tpu.memory_space<vmem>>
    %dma_start3A_118 = tpu.memref_squeeze %dma_start3A_117 : memref<1x128xi32, #tpu.memory_space<vmem>> -> memref<128xi32, #tpu.memory_space<vmem>>
    %dma_start3A_119 = arith.constant 0 : i32
    %dma_start3A_120 = arith.constant 0 : i32
    %dma_start3A_121 = tpu.memref_slice %arg2[%dma_start3A_119, %dma_start3A_120] : memref<10000x48xf32, #tpu.memory_space<hbm>> -> memref<10000x48xf32, #tpu.memory_space<hbm>>
    tpu.enqueue_indirect_dma source(%dma_start3A_121 : memref<10000x48xf32, #tpu.memory_space<hbm>>) target(%dma_start3A_115 : memref<128x48xf32, #tpu.memory_space<vmem>>) offsets(%dma_start3A_118 : memref<128xi32, #tpu.memory_space<vmem>>) semaphore(%arg7 : memref<!tpu.dma_semaphore, #tpu.memory_space<semaphore_mem>>)
    %dma_start3A_122 = arith.constant 12 : i32
    %dma_start3A_123 = arith.constant 1536 : i32
    %dma_start3A_124 = arith.constant 0 : i32
    %dma_start3A_125 = tpu.memref_slice %arg6[%dma_start3A_123, %dma_start3A_124] : memref<1664x48xf32, #tpu.memory_space<vmem>> -> memref<128x48xf32, #tpu.memory_space<vmem>>
    %dma_start3A_126 = arith.constant 0 : i32
    %dma_start3A_127 = tpu.memref_slice %arg5[%dma_start3A_122, %dma_start3A_126] : memref<13x128xi32, #tpu.memory_space<vmem>> -> memref<1x128xi32, #tpu.memory_space<vmem>>
    %dma_start3A_128 = tpu.memref_squeeze %dma_start3A_127 : memref<1x128xi32, #tpu.memory_space<vmem>> -> memref<128xi32, #tpu.memory_space<vmem>>
    %dma_start3A_129 = arith.constant 0 : i32
    %dma_start3A_130 = arith.constant 0 : i32
    %dma_start3A_131 = tpu.memref_slice %arg2[%dma_start3A_129, %dma_start3A_130] : memref<10000x48xf32, #tpu.memory_space<hbm>> -> memref<10000x48xf32, #tpu.memory_space<hbm>>
    tpu.enqueue_indirect_dma source(%dma_start3A_131 : memref<10000x48xf32, #tpu.memory_space<hbm>>) target(%dma_start3A_125 : memref<128x48xf32, #tpu.memory_space<vmem>>) offsets(%dma_start3A_128 : memref<128xi32, #tpu.memory_space<vmem>>) semaphore(%arg7 : memref<!tpu.dma_semaphore, #tpu.memory_space<semaphore_mem>>)
    %dma_wait3A = arith.constant 0 : i32
    %dma_wait3A_132 = arith.constant 0 : i32
    %dma_wait3A_133 = arith.constant 0 : i32
    %dma_wait3A_134 = tpu.memref_slice %arg6[%dma_wait3A_132, %dma_wait3A_133] : memref<1664x48xf32, #tpu.memory_space<vmem>> -> memref<128x48xf32, #tpu.memory_space<vmem>>
    %dma_wait3A_135 = arith.constant 0 : i32
    %dma_wait3A_136 = tpu.memref_slice %arg5[%dma_wait3A, %dma_wait3A_135] : memref<13x128xi32, #tpu.memory_space<vmem>> -> memref<1x128xi32, #tpu.memory_space<vmem>>
    %dma_wait3A_137 = tpu.memref_squeeze %dma_wait3A_136 : memref<1x128xi32, #tpu.memory_space<vmem>> -> memref<128xi32, #tpu.memory_space<vmem>>
    %dma_wait3A_138 = arith.constant 0 : i32
    %dma_wait3A_139 = arith.constant 0 : i32
    %dma_wait3A_140 = tpu.memref_slice %arg2[%dma_wait3A_138, %dma_wait3A_139] : memref<10000x48xf32, #tpu.memory_space<hbm>> -> memref<10000x48xf32, #tpu.memory_space<hbm>>
    tpu.wait_indirect_dma semaphore(%arg7 : memref<!tpu.dma_semaphore, #tpu.memory_space<semaphore_mem>>) src(%dma_wait3A_140 : memref<10000x48xf32, #tpu.memory_space<hbm>>) dst(%dma_wait3A_134 : memref<128x48xf32, #tpu.memory_space<vmem>>)
    %dma_wait3A_141 = arith.constant 1 : i32
    %dma_wait3A_142 = arith.constant 128 : i32
    %dma_wait3A_143 = arith.constant 0 : i32
    %dma_wait3A_144 = tpu.memref_slice %arg6[%dma_wait3A_142, %dma_wait3A_143] : memref<1664x48xf32, #tpu.memory_space<vmem>> -> memref<128x48xf32, #tpu.memory_space<vmem>>
    %dma_wait3A_145 = arith.constant 0 : i32
    %dma_wait3A_146 = tpu.memref_slice %arg5[%dma_wait3A_141, %dma_wait3A_145] : memref<13x128xi32, #tpu.memory_space<vmem>> -> memref<1x128xi32, #tpu.memory_space<vmem>>
    %dma_wait3A_147 = tpu.memref_squeeze %dma_wait3A_146 : memref<1x128xi32, #tpu.memory_space<vmem>> -> memref<128xi32, #tpu.memory_space<vmem>>
    %dma_wait3A_148 = arith.constant 0 : i32
    %dma_wait3A_149 = arith.constant 0 : i32
    %dma_wait3A_150 = tpu.memref_slice %arg2[%dma_wait3A_148, %dma_wait3A_149] : memref<10000x48xf32, #tpu.memory_space<hbm>> -> memref<10000x48xf32, #tpu.memory_space<hbm>>
    tpu.wait_indirect_dma semaphore(%arg7 : memref<!tpu.dma_semaphore, #tpu.memory_space<semaphore_mem>>) src(%dma_wait3A_150 : memref<10000x48xf32, #tpu.memory_space<hbm>>) dst(%dma_wait3A_144 : memref<128x48xf32, #tpu.memory_space<vmem>>)
    %dma_wait3A_151 = arith.constant 2 : i32
    %dma_wait3A_152 = arith.constant 256 : i32
    %dma_wait3A_153 = arith.constant 0 : i32
    %dma_wait3A_154 = tpu.memref_slice %arg6[%dma_wait3A_152, %dma_wait3A_153] : memref<1664x48xf32, #tpu.memory_space<vmem>> -> memref<128x48xf32, #tpu.memory_space<vmem>>
    %dma_wait3A_155 = arith.constant 0 : i32
    %dma_wait3A_156 = tpu.memref_slice %arg5[%dma_wait3A_151, %dma_wait3A_155] : memref<13x128xi32, #tpu.memory_space<vmem>> -> memref<1x128xi32, #tpu.memory_space<vmem>>
    %dma_wait3A_157 = tpu.memref_squeeze %dma_wait3A_156 : memref<1x128xi32, #tpu.memory_space<vmem>> -> memref<128xi32, #tpu.memory_space<vmem>>
    %dma_wait3A_158 = arith.constant 0 : i32
    %dma_wait3A_159 = arith.constant 0 : i32
    %dma_wait3A_160 = tpu.memref_slice %arg2[%dma_wait3A_158, %dma_wait3A_159] : memref<10000x48xf32, #tpu.memory_space<hbm>> -> memref<10000x48xf32, #tpu.memory_space<hbm>>
    tpu.wait_indirect_dma semaphore(%arg7 : memref<!tpu.dma_semaphore, #tpu.memory_space<semaphore_mem>>) src(%dma_wait3A_160 : memref<10000x48xf32, #tpu.memory_space<hbm>>) dst(%dma_wait3A_154 : memref<128x48xf32, #tpu.memory_space<vmem>>)
    %dma_wait3A_161 = arith.constant 3 : i32
    %dma_wait3A_162 = arith.constant 384 : i32
    %dma_wait3A_163 = arith.constant 0 : i32
    %dma_wait3A_164 = tpu.memref_slice %arg6[%dma_wait3A_162, %dma_wait3A_163] : memref<1664x48xf32, #tpu.memory_space<vmem>> -> memref<128x48xf32, #tpu.memory_space<vmem>>
    %dma_wait3A_165 = arith.constant 0 : i32
    %dma_wait3A_166 = tpu.memref_slice %arg5[%dma_wait3A_161, %dma_wait3A_165] : memref<13x128xi32, #tpu.memory_space<vmem>> -> memref<1x128xi32, #tpu.memory_space<vmem>>
    %dma_wait3A_167 = tpu.memref_squeeze %dma_wait3A_166 : memref<1x128xi32, #tpu.memory_space<vmem>> -> memref<128xi32, #tpu.memory_space<vmem>>
    %dma_wait3A_168 = arith.constant 0 : i32
    %dma_wait3A_169 = arith.constant 0 : i32
    %dma_wait3A_170 = tpu.memref_slice %arg2[%dma_wait3A_168, %dma_wait3A_169] : memref<10000x48xf32, #tpu.memory_space<hbm>> -> memref<10000x48xf32, #tpu.memory_space<hbm>>
    tpu.wait_indirect_dma semaphore(%arg7 : memref<!tpu.dma_semaphore, #tpu.memory_space<semaphore_mem>>) src(%dma_wait3A_170 : memref<10000x48xf32, #tpu.memory_space<hbm>>) dst(%dma_wait3A_164 : memref<128x48xf32, #tpu.memory_space<vmem>>)
    %dma_wait3A_171 = arith.constant 4 : i32
    %dma_wait3A_172 = arith.constant 512 : i32
    %dma_wait3A_173 = arith.constant 0 : i32
    %dma_wait3A_174 = tpu.memref_slice %arg6[%dma_wait3A_172, %dma_wait3A_173] : memref<1664x48xf32, #tpu.memory_space<vmem>> -> memref<128x48xf32, #tpu.memory_space<vmem>>
    %dma_wait3A_175 = arith.constant 0 : i32
    %dma_wait3A_176 = tpu.memref_slice %arg5[%dma_wait3A_171, %dma_wait3A_175] : memref<13x128xi32, #tpu.memory_space<vmem>> -> memref<1x128xi32, #tpu.memory_space<vmem>>
    %dma_wait3A_177 = tpu.memref_squeeze %dma_wait3A_176 : memref<1x128xi32, #tpu.memory_space<vmem>> -> memref<128xi32, #tpu.memory_space<vmem>>
    %dma_wait3A_178 = arith.constant 0 : i32
    %dma_wait3A_179 = arith.constant 0 : i32
    %dma_wait3A_180 = tpu.memref_slice %arg2[%dma_wait3A_178, %dma_wait3A_179] : memref<10000x48xf32, #tpu.memory_space<hbm>> -> memref<10000x48xf32, #tpu.memory_space<hbm>>
    tpu.wait_indirect_dma semaphore(%arg7 : memref<!tpu.dma_semaphore, #tpu.memory_space<semaphore_mem>>) src(%dma_wait3A_180 : memref<10000x48xf32, #tpu.memory_space<hbm>>) dst(%dma_wait3A_174 : memref<128x48xf32, #tpu.memory_space<vmem>>)
    %dma_wait3A_181 = arith.constant 5 : i32
    %dma_wait3A_182 = arith.constant 640 : i32
    %dma_wait3A_183 = arith.constant 0 : i32
    %dma_wait3A_184 = tpu.memref_slice %arg6[%dma_wait3A_182, %dma_wait3A_183] : memref<1664x48xf32, #tpu.memory_space<vmem>> -> memref<128x48xf32, #tpu.memory_space<vmem>>
    %dma_wait3A_185 = arith.constant 0 : i32
    %dma_wait3A_186 = tpu.memref_slice %arg5[%dma_wait3A_181, %dma_wait3A_185] : memref<13x128xi32, #tpu.memory_space<vmem>> -> memref<1x128xi32, #tpu.memory_space<vmem>>
    %dma_wait3A_187 = tpu.memref_squeeze %dma_wait3A_186 : memref<1x128xi32, #tpu.memory_space<vmem>> -> memref<128xi32, #tpu.memory_space<vmem>>
    %dma_wait3A_188 = arith.constant 0 : i32
    %dma_wait3A_189 = arith.constant 0 : i32
    %dma_wait3A_190 = tpu.memref_slice %arg2[%dma_wait3A_188, %dma_wait3A_189] : memref<10000x48xf32, #tpu.memory_space<hbm>> -> memref<10000x48xf32, #tpu.memory_space<hbm>>
    tpu.wait_indirect_dma semaphore(%arg7 : memref<!tpu.dma_semaphore, #tpu.memory_space<semaphore_mem>>) src(%dma_wait3A_190 : memref<10000x48xf32, #tpu.memory_space<hbm>>) dst(%dma_wait3A_184 : memref<128x48xf32, #tpu.memory_space<vmem>>)
    %dma_wait3A_191 = arith.constant 6 : i32
    %dma_wait3A_192 = arith.constant 768 : i32
    %dma_wait3A_193 = arith.constant 0 : i32
    %dma_wait3A_194 = tpu.memref_slice %arg6[%dma_wait3A_192, %dma_wait3A_193] : memref<1664x48xf32, #tpu.memory_space<vmem>> -> memref<128x48xf32, #tpu.memory_space<vmem>>
    %dma_wait3A_195 = arith.constant 0 : i32
    %dma_wait3A_196 = tpu.memref_slice %arg5[%dma_wait3A_191, %dma_wait3A_195] : memref<13x128xi32, #tpu.memory_space<vmem>> -> memref<1x128xi32, #tpu.memory_space<vmem>>
    %dma_wait3A_197 = tpu.memref_squeeze %dma_wait3A_196 : memref<1x128xi32, #tpu.memory_space<vmem>> -> memref<128xi32, #tpu.memory_space<vmem>>
    %dma_wait3A_198 = arith.constant 0 : i32
    %dma_wait3A_199 = arith.constant 0 : i32
    %dma_wait3A_200 = tpu.memref_slice %arg2[%dma_wait3A_198, %dma_wait3A_199] : memref<10000x48xf32, #tpu.memory_space<hbm>> -> memref<10000x48xf32, #tpu.memory_space<hbm>>
    tpu.wait_indirect_dma semaphore(%arg7 : memref<!tpu.dma_semaphore, #tpu.memory_space<semaphore_mem>>) src(%dma_wait3A_200 : memref<10000x48xf32, #tpu.memory_space<hbm>>) dst(%dma_wait3A_194 : memref<128x48xf32, #tpu.memory_space<vmem>>)
    %dma_wait3A_201 = arith.constant 7 : i32
    %dma_wait3A_202 = arith.constant 896 : i32
    %dma_wait3A_203 = arith.constant 0 : i32
    %dma_wait3A_204 = tpu.memref_slice %arg6[%dma_wait3A_202, %dma_wait3A_203] : memref<1664x48xf32, #tpu.memory_space<vmem>> -> memref<128x48xf32, #tpu.memory_space<vmem>>
    %dma_wait3A_205 = arith.constant 0 : i32
    %dma_wait3A_206 = tpu.memref_slice %arg5[%dma_wait3A_201, %dma_wait3A_205] : memref<13x128xi32, #tpu.memory_space<vmem>> -> memref<1x128xi32, #tpu.memory_space<vmem>>
    %dma_wait3A_207 = tpu.memref_squeeze %dma_wait3A_206 : memref<1x128xi32, #tpu.memory_space<vmem>> -> memref<128xi32, #tpu.memory_space<vmem>>
    %dma_wait3A_208 = arith.constant 0 : i32
    %dma_wait3A_209 = arith.constant 0 : i32
    %dma_wait3A_210 = tpu.memref_slice %arg2[%dma_wait3A_208, %dma_wait3A_209] : memref<10000x48xf32, #tpu.memory_space<hbm>> -> memref<10000x48xf32, #tpu.memory_space<hbm>>
    tpu.wait_indirect_dma semaphore(%arg7 : memref<!tpu.dma_semaphore, #tpu.memory_space<semaphore_mem>>) src(%dma_wait3A_210 : memref<10000x48xf32, #tpu.memory_space<hbm>>) dst(%dma_wait3A_204 : memref<128x48xf32, #tpu.memory_space<vmem>>)
    %dma_wait3A_211 = arith.constant 8 : i32
    %dma_wait3A_212 = arith.constant 1024 : i32
    %dma_wait3A_213 = arith.constant 0 : i32
    %dma_wait3A_214 = tpu.memref_slice %arg6[%dma_wait3A_212, %dma_wait3A_213] : memref<1664x48xf32, #tpu.memory_space<vmem>> -> memref<128x48xf32, #tpu.memory_space<vmem>>
    %dma_wait3A_215 = arith.constant 0 : i32
    %dma_wait3A_216 = tpu.memref_slice %arg5[%dma_wait3A_211, %dma_wait3A_215] : memref<13x128xi32, #tpu.memory_space<vmem>> -> memref<1x128xi32, #tpu.memory_space<vmem>>
    %dma_wait3A_217 = tpu.memref_squeeze %dma_wait3A_216 : memref<1x128xi32, #tpu.memory_space<vmem>> -> memref<128xi32, #tpu.memory_space<vmem>>
    %dma_wait3A_218 = arith.constant 0 : i32
    %dma_wait3A_219 = arith.constant 0 : i32
    %dma_wait3A_220 = tpu.memref_slice %arg2[%dma_wait3A_218, %dma_wait3A_219] : memref<10000x48xf32, #tpu.memory_space<hbm>> -> memref<10000x48xf32, #tpu.memory_space<hbm>>
    tpu.wait_indirect_dma semaphore(%arg7 : memref<!tpu.dma_semaphore, #tpu.memory_space<semaphore_mem>>) src(%dma_wait3A_220 : memref<10000x48xf32, #tpu.memory_space<hbm>>) dst(%dma_wait3A_214 : memref<128x48xf32, #tpu.memory_space<vmem>>)
    %dma_wait3A_221 = arith.constant 9 : i32
    %dma_wait3A_222 = arith.constant 1152 : i32
    %dma_wait3A_223 = arith.constant 0 : i32
    %dma_wait3A_224 = tpu.memref_slice %arg6[%dma_wait3A_222, %dma_wait3A_223] : memref<1664x48xf32, #tpu.memory_space<vmem>> -> memref<128x48xf32, #tpu.memory_space<vmem>>
    %dma_wait3A_225 = arith.constant 0 : i32
    %dma_wait3A_226 = tpu.memref_slice %arg5[%dma_wait3A_221, %dma_wait3A_225] : memref<13x128xi32, #tpu.memory_space<vmem>> -> memref<1x128xi32, #tpu.memory_space<vmem>>
    %dma_wait3A_227 = tpu.memref_squeeze %dma_wait3A_226 : memref<1x128xi32, #tpu.memory_space<vmem>> -> memref<128xi32, #tpu.memory_space<vmem>>
    %dma_wait3A_228 = arith.constant 0 : i32
    %dma_wait3A_229 = arith.constant 0 : i32
    %dma_wait3A_230 = tpu.memref_slice %arg2[%dma_wait3A_228, %dma_wait3A_229] : memref<10000x48xf32, #tpu.memory_space<hbm>> -> memref<10000x48xf32, #tpu.memory_space<hbm>>
    tpu.wait_indirect_dma semaphore(%arg7 : memref<!tpu.dma_semaphore, #tpu.memory_space<semaphore_mem>>) src(%dma_wait3A_230 : memref<10000x48xf32, #tpu.memory_space<hbm>>) dst(%dma_wait3A_224 : memref<128x48xf32, #tpu.memory_space<vmem>>)
    %dma_wait3A_231 = arith.constant 10 : i32
    %dma_wait3A_232 = arith.constant 1280 : i32
    %dma_wait3A_233 = arith.constant 0 : i32
    %dma_wait3A_234 = tpu.memref_slice %arg6[%dma_wait3A_232, %dma_wait3A_233] : memref<1664x48xf32, #tpu.memory_space<vmem>> -> memref<128x48xf32, #tpu.memory_space<vmem>>
    %dma_wait3A_235 = arith.constant 0 : i32
    %dma_wait3A_236 = tpu.memref_slice %arg5[%dma_wait3A_231, %dma_wait3A_235] : memref<13x128xi32, #tpu.memory_space<vmem>> -> memref<1x128xi32, #tpu.memory_space<vmem>>
    %dma_wait3A_237 = tpu.memref_squeeze %dma_wait3A_236 : memref<1x128xi32, #tpu.memory_space<vmem>> -> memref<128xi32, #tpu.memory_space<vmem>>
    %dma_wait3A_238 = arith.constant 0 : i32
    %dma_wait3A_239 = arith.constant 0 : i32
    %dma_wait3A_240 = tpu.memref_slice %arg2[%dma_wait3A_238, %dma_wait3A_239] : memref<10000x48xf32, #tpu.memory_space<hbm>> -> memref<10000x48xf32, #tpu.memory_space<hbm>>
    tpu.wait_indirect_dma semaphore(%arg7 : memref<!tpu.dma_semaphore, #tpu.memory_space<semaphore_mem>>) src(%dma_wait3A_240 : memref<10000x48xf32, #tpu.memory_space<hbm>>) dst(%dma_wait3A_234 : memref<128x48xf32, #tpu.memory_space<vmem>>)
    %dma_wait3A_241 = arith.constant 11 : i32
    %dma_wait3A_242 = arith.constant 1408 : i32
    %dma_wait3A_243 = arith.constant 0 : i32
    %dma_wait3A_244 = tpu.memref_slice %arg6[%dma_wait3A_242, %dma_wait3A_243] : memref<1664x48xf32, #tpu.memory_space<vmem>> -> memref<128x48xf32, #tpu.memory_space<vmem>>
    %dma_wait3A_245 = arith.constant 0 : i32
    %dma_wait3A_246 = tpu.memref_slice %arg5[%dma_wait3A_241, %dma_wait3A_245] : memref<13x128xi32, #tpu.memory_space<vmem>> -> memref<1x128xi32, #tpu.memory_space<vmem>>
    %dma_wait3A_247 = tpu.memref_squeeze %dma_wait3A_246 : memref<1x128xi32, #tpu.memory_space<vmem>> -> memref<128xi32, #tpu.memory_space<vmem>>
    %dma_wait3A_248 = arith.constant 0 : i32
    %dma_wait3A_249 = arith.constant 0 : i32
    %dma_wait3A_250 = tpu.memref_slice %arg2[%dma_wait3A_248, %dma_wait3A_249] : memref<10000x48xf32, #tpu.memory_space<hbm>> -> memref<10000x48xf32, #tpu.memory_space<hbm>>
    tpu.wait_indirect_dma semaphore(%arg7 : memref<!tpu.dma_semaphore, #tpu.memory_space<semaphore_mem>>) src(%dma_wait3A_250 : memref<10000x48xf32, #tpu.memory_space<hbm>>) dst(%dma_wait3A_244 : memref<128x48xf32, #tpu.memory_space<vmem>>)
    %dma_wait3A_251 = arith.constant 12 : i32
    %dma_wait3A_252 = arith.constant 1536 : i32
    %dma_wait3A_253 = arith.constant 0 : i32
    %dma_wait3A_254 = tpu.memref_slice %arg6[%dma_wait3A_252, %dma_wait3A_253] : memref<1664x48xf32, #tpu.memory_space<vmem>> -> memref<128x48xf32, #tpu.memory_space<vmem>>
    %dma_wait3A_255 = arith.constant 0 : i32
    %dma_wait3A_256 = tpu.memref_slice %arg5[%dma_wait3A_251, %dma_wait3A_255] : memref<13x128xi32, #tpu.memory_space<vmem>> -> memref<1x128xi32, #tpu.memory_space<vmem>>
    %dma_wait3A_257 = tpu.memref_squeeze %dma_wait3A_256 : memref<1x128xi32, #tpu.memory_space<vmem>> -> memref<128xi32, #tpu.memory_space<vmem>>
    %dma_wait3A_258 = arith.constant 0 : i32
    %dma_wait3A_259 = arith.constant 0 : i32
    %dma_wait3A_260 = tpu.memref_slice %arg2[%dma_wait3A_258, %dma_wait3A_259] : memref<10000x48xf32, #tpu.memory_space<hbm>> -> memref<10000x48xf32, #tpu.memory_space<hbm>>
    tpu.wait_indirect_dma semaphore(%arg7 : memref<!tpu.dma_semaphore, #tpu.memory_space<semaphore_mem>>) src(%dma_wait3A_260 : memref<10000x48xf32, #tpu.memory_space<hbm>>) dst(%dma_wait3A_254 : memref<128x48xf32, #tpu.memory_space<vmem>>)
    "tpu.region"() ({
      %run_scoped3A = tpu.sem_alloc : memref<!tpu.dma_semaphore, #tpu.memory_space<semaphore_mem>>
      %dma_start3A_261 = arith.constant 0 : i32
      %dma_start3A_262 = tpu.memref_slice %arg4[%multiple_of3A, %dma_start3A_261] : memref<53248x128xf32, #tpu.memory_space<hbm>> -> memref<1664x48xf32, #tpu.memory_space<hbm>>
      %dma_start3A_263 = arith.constant 0 : i32
      %dma_start3A_264 = tpu.memref_slice %arg4[%multiple_of3A, %dma_start3A_263] : memref<53248x128xf32, #tpu.memory_space<hbm>> -> memref<1664x48xf32, #tpu.memory_space<hbm>>
      tpu.enqueue_dma source(%arg6 : memref<1664x48xf32, #tpu.memory_space<vmem>>) target(%dma_start3A_264 : memref<1664x48xf32, #tpu.memory_space<hbm>>) target_semaphore(%run_scoped3A : memref<!tpu.dma_semaphore, #tpu.memory_space<semaphore_mem>>)
      %dma_wait3A_265 = arith.constant 0 : i32
      %dma_wait3A_266 = tpu.memref_slice %arg4[%multiple_of3A, %dma_wait3A_265] : memref<53248x128xf32, #tpu.memory_space<hbm>> -> memref<1664x48xf32, #tpu.memory_space<hbm>>
      %dma_wait3A_267 = arith.constant 0 : i32
      %dma_wait3A_268 = tpu.memref_slice %arg4[%multiple_of3A, %dma_wait3A_267] : memref<53248x128xf32, #tpu.memory_space<hbm>> -> memref<1664x48xf32, #tpu.memory_space<hbm>>
      tpu.wait_dma2 semaphore(%run_scoped3A : memref<!tpu.dma_semaphore, #tpu.memory_space<semaphore_mem>>) src(%arg6 : memref<1664x48xf32, #tpu.memory_space<vmem>>) dst(%dma_wait3A_268 : memref<1664x48xf32, #tpu.memory_space<hbm>>)
      tpu.yield
    }) : () -> ()
    return
  }
}

#map = affine_map<(d0, d1) -> (0, 0)>
#map1 = affine_map<(d0, d1) -> (0, 0, 0)>
module attributes {stable_mosaic.version = 14 : i64} {
  func.func @kern(%arg0: i32, %arg1: i32, %arg2: memref<10000x48xf32, #tpu.memory_space<hbm>>, %arg3: memref<32x13x128xi32, #tpu.memory_space<hbm>>, %arg4: memref<53248x128xf32, #tpu.memory_space<hbm>>, %arg5: memref<13x128xi32, #tpu.memory_space<vmem>>, %arg6: memref<1664x48xf32, #tpu.memory_space<vmem>>, %arg7: memref<!tpu.dma_semaphore, #tpu.memory_space<semaphore_mem>>) attributes {dimension_semantics = [#tpu.dimension_semantics<core_parallel>, #tpu.dimension_semantics<subcore_parallel>], iteration_bounds = array<i64: 2, 16>, scalar_prefetch = 0 : i64, scratch_operands = 3 : i64, tpu.core_type = #tpu.core_type<sc_vector_subcore>, window_params = [{transform_indices = #map}, {transform_indices = #map1}, {transform_indices = #map}]} {
    %mul3A = arith.constant 2 : i32
    %mul3A_0 = arith.muli %arg1, %mul3A : i32
    %add3A = arith.addi %mul3A_0, %arg0 : i32
    %mul3A_1 = arith.constant 1664 : i32
    %mul3A_2 = arith.muli %add3A, %mul3A_1 : i32
    %multiple_of3A = tpu.assume_multiple %mul3A_2, 128 : i32
    "tpu.region"() ({
      %run_scoped3A = tpu.sem_alloc : memref<!tpu.dma_semaphore, #tpu.memory_space<semaphore_mem>>
      %dma_start3A_261 = arith.constant 0 : i32
      %dma_start3A_262 = arith.constant 0 : i32
      %dma_start3A_263 = tpu.memref_slice %arg3[%add3A, %dma_start3A_261, %dma_start3A_262] : memref<32x13x128xi32, #tpu.memory_space<hbm>> -> memref<1x13x128xi32, #tpu.memory_space<hbm>>
      %dma_start3A_264 = tpu.memref_squeeze %dma_start3A_263 : memref<1x13x128xi32, #tpu.memory_space<hbm>> -> memref<13x128xi32, #tpu.memory_space<hbm>>
      %dma_start3A_265 = arith.constant 0 : i32
      %dma_start3A_266 = arith.constant 0 : i32
      %dma_start3A_267 = tpu.memref_slice %arg3[%add3A, %dma_start3A_265, %dma_start3A_266] : memref<32x13x128xi32, #tpu.memory_space<hbm>> -> memref<1x13x128xi32, #tpu.memory_space<hbm>>
      %dma_start3A_268 = tpu.memref_squeeze %dma_start3A_267 : memref<1x13x128xi32, #tpu.memory_space<hbm>> -> memref<13x128xi32, #tpu.memory_space<hbm>>
      tpu.enqueue_dma source(%dma_start3A_268 : memref<13x128xi32, #tpu.memory_space<hbm>>) target(%arg5 : memref<13x128xi32, #tpu.memory_space<vmem>>) target_semaphore(%run_scoped3A : memref<!tpu.dma_semaphore, #tpu.memory_space<semaphore_mem>>)
      %dma_wait3A_269 = arith.constant 0 : i32
      %dma_wait3A_270 = arith.constant 0 : i32
      %dma_wait3A_271 = tpu.memref_slice %arg3[%add3A, %dma_wait3A_269, %dma_wait3A_270] : memref<32x13x128xi32, #tpu.memory_space<hbm>> -> memref<1x13x128xi32, #tpu.memory_space<hbm>>
      %dma_wait3A_272 = tpu.memref_squeeze %dma_wait3A_271 : memref<1x13x128xi32, #tpu.memory_space<hbm>> -> memref<13x128xi32, #tpu.memory_space<hbm>>
      %dma_wait3A_273 = arith.constant 0 : i32
      %dma_wait3A_274 = arith.constant 0 : i32
      %dma_wait3A_275 = tpu.memref_slice %arg3[%add3A, %dma_wait3A_273, %dma_wait3A_274] : memref<32x13x128xi32, #tpu.memory_space<hbm>> -> memref<1x13x128xi32, #tpu.memory_space<hbm>>
      %dma_wait3A_276 = tpu.memref_squeeze %dma_wait3A_275 : memref<1x13x128xi32, #tpu.memory_space<hbm>> -> memref<13x128xi32, #tpu.memory_space<hbm>>
      tpu.wait_dma2 semaphore(%run_scoped3A : memref<!tpu.dma_semaphore, #tpu.memory_space<semaphore_mem>>) src(%dma_wait3A_276 : memref<13x128xi32, #tpu.memory_space<hbm>>) dst(%arg5 : memref<13x128xi32, #tpu.memory_space<vmem>>)
      tpu.yield
    }) : () -> ()
    %dma_start3A = arith.constant 0 : i32
    %dma_start3A_3 = arith.constant 0 : i32
    %dma_start3A_4 = arith.constant 0 : i32
    %dma_start3A_5 = tpu.memref_slice %arg6[%dma_start3A_3, %dma_start3A_4] : memref<1664x48xf32, #tpu.memory_space<vmem>> -> memref<128x48xf32, #tpu.memory_space<vmem>>
    %dma_start3A_6 = arith.constant 0 : i32
    %dma_start3A_7 = tpu.memref_slice %arg5[%dma_start3A, %dma_start3A_6] : memref<13x128xi32, #tpu.memory_space<vmem>> -> memref<1x128xi32, #tpu.memory_space<vmem>>
    %dma_start3A_8 = tpu.memref_squeeze %dma_start3A_7 : memref<1x128xi32, #tpu.memory_space<vmem>> -> memref<128xi32, #tpu.memory_space<vmem>>
    %dma_start3A_9 = arith.constant 0 : i32
    %dma_start3A_10 = arith.constant 0 : i32
    %dma_start3A_11 = tpu.memref_slice %arg2[%dma_start3A_9, %dma_start3A_10] : memref<10000x48xf32, #tpu.memory_space<hbm>> -> memref<10000x48xf32, #tpu.memory_space<hbm>>
    tpu.enqueue_indirect_dma source(%dma_start3A_11 : memref<10000x48xf32, #tpu.memory_space<hbm>>) target(%dma_start3A_5 : memref<128x48xf32, #tpu.memory_space<vmem>>) offsets(%dma_start3A_8 : memref<128xi32, #tpu.memory_space<vmem>>) semaphore(%arg7 : memref<!tpu.dma_semaphore, #tpu.memory_space<semaphore_mem>>)
    %dma_start3A_12 = arith.constant 1 : i32
    %dma_start3A_13 = arith.constant 128 : i32
    %dma_start3A_14 = arith.constant 0 : i32
    %dma_start3A_15 = tpu.memref_slice %arg6[%dma_start3A_13, %dma_start3A_14] : memref<1664x48xf32, #tpu.memory_space<vmem>> -> memref<128x48xf32, #tpu.memory_space<vmem>>
    %dma_start3A_16 = arith.constant 0 : i32
    %dma_start3A_17 = tpu.memref_slice %arg5[%dma_start3A_12, %dma_start3A_16] : memref<13x128xi32, #tpu.memory_space<vmem>> -> memref<1x128xi32, #tpu.memory_space<vmem>>
    %dma_start3A_18 = tpu.memref_squeeze %dma_start3A_17 : memref<1x128xi32, #tpu.memory_space<vmem>> -> memref<128xi32, #tpu.memory_space<vmem>>
    %dma_start3A_19 = arith.constant 0 : i32
    %dma_start3A_20 = arith.constant 0 : i32
    %dma_start3A_21 = tpu.memref_slice %arg2[%dma_start3A_19, %dma_start3A_20] : memref<10000x48xf32, #tpu.memory_space<hbm>> -> memref<10000x48xf32, #tpu.memory_space<hbm>>
    tpu.enqueue_indirect_dma source(%dma_start3A_21 : memref<10000x48xf32, #tpu.memory_space<hbm>>) target(%dma_start3A_15 : memref<128x48xf32, #tpu.memory_space<vmem>>) offsets(%dma_start3A_18 : memref<128xi32, #tpu.memory_space<vmem>>) semaphore(%arg7 : memref<!tpu.dma_semaphore, #tpu.memory_space<semaphore_mem>>)
    %dma_start3A_22 = arith.constant 2 : i32
    %dma_start3A_23 = arith.constant 256 : i32
    %dma_start3A_24 = arith.constant 0 : i32
    %dma_start3A_25 = tpu.memref_slice %arg6[%dma_start3A_23, %dma_start3A_24] : memref<1664x48xf32, #tpu.memory_space<vmem>> -> memref<128x48xf32, #tpu.memory_space<vmem>>
    %dma_start3A_26 = arith.constant 0 : i32
    %dma_start3A_27 = tpu.memref_slice %arg5[%dma_start3A_22, %dma_start3A_26] : memref<13x128xi32, #tpu.memory_space<vmem>> -> memref<1x128xi32, #tpu.memory_space<vmem>>
    %dma_start3A_28 = tpu.memref_squeeze %dma_start3A_27 : memref<1x128xi32, #tpu.memory_space<vmem>> -> memref<128xi32, #tpu.memory_space<vmem>>
    %dma_start3A_29 = arith.constant 0 : i32
    %dma_start3A_30 = arith.constant 0 : i32
    %dma_start3A_31 = tpu.memref_slice %arg2[%dma_start3A_29, %dma_start3A_30] : memref<10000x48xf32, #tpu.memory_space<hbm>> -> memref<10000x48xf32, #tpu.memory_space<hbm>>
    tpu.enqueue_indirect_dma source(%dma_start3A_31 : memref<10000x48xf32, #tpu.memory_space<hbm>>) target(%dma_start3A_25 : memref<128x48xf32, #tpu.memory_space<vmem>>) offsets(%dma_start3A_28 : memref<128xi32, #tpu.memory_space<vmem>>) semaphore(%arg7 : memref<!tpu.dma_semaphore, #tpu.memory_space<semaphore_mem>>)
    %dma_start3A_32 = arith.constant 3 : i32
    %dma_start3A_33 = arith.constant 384 : i32
    %dma_start3A_34 = arith.constant 0 : i32
    %dma_start3A_35 = tpu.memref_slice %arg6[%dma_start3A_33, %dma_start3A_34] : memref<1664x48xf32, #tpu.memory_space<vmem>> -> memref<128x48xf32, #tpu.memory_space<vmem>>
    %dma_start3A_36 = arith.constant 0 : i32
    %dma_start3A_37 = tpu.memref_slice %arg5[%dma_start3A_32, %dma_start3A_36] : memref<13x128xi32, #tpu.memory_space<vmem>> -> memref<1x128xi32, #tpu.memory_space<vmem>>
    %dma_start3A_38 = tpu.memref_squeeze %dma_start3A_37 : memref<1x128xi32, #tpu.memory_space<vmem>> -> memref<128xi32, #tpu.memory_space<vmem>>
    %dma_start3A_39 = arith.constant 0 : i32
    %dma_start3A_40 = arith.constant 0 : i32
    %dma_start3A_41 = tpu.memref_slice %arg2[%dma_start3A_39, %dma_start3A_40] : memref<10000x48xf32, #tpu.memory_space<hbm>> -> memref<10000x48xf32, #tpu.memory_space<hbm>>
    tpu.enqueue_indirect_dma source(%dma_start3A_41 : memref<10000x48xf32, #tpu.memory_space<hbm>>) target(%dma_start3A_35 : memref<128x48xf32, #tpu.memory_space<vmem>>) offsets(%dma_start3A_38 : memref<128xi32, #tpu.memory_space<vmem>>) semaphore(%arg7 : memref<!tpu.dma_semaphore, #tpu.memory_space<semaphore_mem>>)
    %dma_start3A_42 = arith.constant 4 : i32
    %dma_start3A_43 = arith.constant 512 : i32
    %dma_start3A_44 = arith.constant 0 : i32
    %dma_start3A_45 = tpu.memref_slice %arg6[%dma_start3A_43, %dma_start3A_44] : memref<1664x48xf32, #tpu.memory_space<vmem>> -> memref<128x48xf32, #tpu.memory_space<vmem>>
    %dma_start3A_46 = arith.constant 0 : i32
    %dma_start3A_47 = tpu.memref_slice %arg5[%dma_start3A_42, %dma_start3A_46] : memref<13x128xi32, #tpu.memory_space<vmem>> -> memref<1x128xi32, #tpu.memory_space<vmem>>
    %dma_start3A_48 = tpu.memref_squeeze %dma_start3A_47 : memref<1x128xi32, #tpu.memory_space<vmem>> -> memref<128xi32, #tpu.memory_space<vmem>>
    %dma_start3A_49 = arith.constant 0 : i32
    %dma_start3A_50 = arith.constant 0 : i32
    %dma_start3A_51 = tpu.memref_slice %arg2[%dma_start3A_49, %dma_start3A_50] : memref<10000x48xf32, #tpu.memory_space<hbm>> -> memref<10000x48xf32, #tpu.memory_space<hbm>>
    tpu.enqueue_indirect_dma source(%dma_start3A_51 : memref<10000x48xf32, #tpu.memory_space<hbm>>) target(%dma_start3A_45 : memref<128x48xf32, #tpu.memory_space<vmem>>) offsets(%dma_start3A_48 : memref<128xi32, #tpu.memory_space<vmem>>) semaphore(%arg7 : memref<!tpu.dma_semaphore, #tpu.memory_space<semaphore_mem>>)
    %dma_start3A_52 = arith.constant 5 : i32
    %dma_start3A_53 = arith.constant 640 : i32
    %dma_start3A_54 = arith.constant 0 : i32
    %dma_start3A_55 = tpu.memref_slice %arg6[%dma_start3A_53, %dma_start3A_54] : memref<1664x48xf32, #tpu.memory_space<vmem>> -> memref<128x48xf32, #tpu.memory_space<vmem>>
    %dma_start3A_56 = arith.constant 0 : i32
    %dma_start3A_57 = tpu.memref_slice %arg5[%dma_start3A_52, %dma_start3A_56] : memref<13x128xi32, #tpu.memory_space<vmem>> -> memref<1x128xi32, #tpu.memory_space<vmem>>
    %dma_start3A_58 = tpu.memref_squeeze %dma_start3A_57 : memref<1x128xi32, #tpu.memory_space<vmem>> -> memref<128xi32, #tpu.memory_space<vmem>>
    %dma_start3A_59 = arith.constant 0 : i32
    %dma_start3A_60 = arith.constant 0 : i32
    %dma_start3A_61 = tpu.memref_slice %arg2[%dma_start3A_59, %dma_start3A_60] : memref<10000x48xf32, #tpu.memory_space<hbm>> -> memref<10000x48xf32, #tpu.memory_space<hbm>>
    tpu.enqueue_indirect_dma source(%dma_start3A_61 : memref<10000x48xf32, #tpu.memory_space<hbm>>) target(%dma_start3A_55 : memref<128x48xf32, #tpu.memory_space<vmem>>) offsets(%dma_start3A_58 : memref<128xi32, #tpu.memory_space<vmem>>) semaphore(%arg7 : memref<!tpu.dma_semaphore, #tpu.memory_space<semaphore_mem>>)
    %dma_start3A_62 = arith.constant 6 : i32
    %dma_start3A_63 = arith.constant 768 : i32
    %dma_start3A_64 = arith.constant 0 : i32
    %dma_start3A_65 = tpu.memref_slice %arg6[%dma_start3A_63, %dma_start3A_64] : memref<1664x48xf32, #tpu.memory_space<vmem>> -> memref<128x48xf32, #tpu.memory_space<vmem>>
    %dma_start3A_66 = arith.constant 0 : i32
    %dma_start3A_67 = tpu.memref_slice %arg5[%dma_start3A_62, %dma_start3A_66] : memref<13x128xi32, #tpu.memory_space<vmem>> -> memref<1x128xi32, #tpu.memory_space<vmem>>
    %dma_start3A_68 = tpu.memref_squeeze %dma_start3A_67 : memref<1x128xi32, #tpu.memory_space<vmem>> -> memref<128xi32, #tpu.memory_space<vmem>>
    %dma_start3A_69 = arith.constant 0 : i32
    %dma_start3A_70 = arith.constant 0 : i32
    %dma_start3A_71 = tpu.memref_slice %arg2[%dma_start3A_69, %dma_start3A_70] : memref<10000x48xf32, #tpu.memory_space<hbm>> -> memref<10000x48xf32, #tpu.memory_space<hbm>>
    tpu.enqueue_indirect_dma source(%dma_start3A_71 : memref<10000x48xf32, #tpu.memory_space<hbm>>) target(%dma_start3A_65 : memref<128x48xf32, #tpu.memory_space<vmem>>) offsets(%dma_start3A_68 : memref<128xi32, #tpu.memory_space<vmem>>) semaphore(%arg7 : memref<!tpu.dma_semaphore, #tpu.memory_space<semaphore_mem>>)
    %dma_start3A_72 = arith.constant 7 : i32
    %dma_start3A_73 = arith.constant 896 : i32
    %dma_start3A_74 = arith.constant 0 : i32
    %dma_start3A_75 = tpu.memref_slice %arg6[%dma_start3A_73, %dma_start3A_74] : memref<1664x48xf32, #tpu.memory_space<vmem>> -> memref<128x48xf32, #tpu.memory_space<vmem>>
    %dma_start3A_76 = arith.constant 0 : i32
    %dma_start3A_77 = tpu.memref_slice %arg5[%dma_start3A_72, %dma_start3A_76] : memref<13x128xi32, #tpu.memory_space<vmem>> -> memref<1x128xi32, #tpu.memory_space<vmem>>
    %dma_start3A_78 = tpu.memref_squeeze %dma_start3A_77 : memref<1x128xi32, #tpu.memory_space<vmem>> -> memref<128xi32, #tpu.memory_space<vmem>>
    %dma_start3A_79 = arith.constant 0 : i32
    %dma_start3A_80 = arith.constant 0 : i32
    %dma_start3A_81 = tpu.memref_slice %arg2[%dma_start3A_79, %dma_start3A_80] : memref<10000x48xf32, #tpu.memory_space<hbm>> -> memref<10000x48xf32, #tpu.memory_space<hbm>>
    tpu.enqueue_indirect_dma source(%dma_start3A_81 : memref<10000x48xf32, #tpu.memory_space<hbm>>) target(%dma_start3A_75 : memref<128x48xf32, #tpu.memory_space<vmem>>) offsets(%dma_start3A_78 : memref<128xi32, #tpu.memory_space<vmem>>) semaphore(%arg7 : memref<!tpu.dma_semaphore, #tpu.memory_space<semaphore_mem>>)
    %dma_start3A_82 = arith.constant 8 : i32
    %dma_start3A_83 = arith.constant 1024 : i32
    %dma_start3A_84 = arith.constant 0 : i32
    %dma_start3A_85 = tpu.memref_slice %arg6[%dma_start3A_83, %dma_start3A_84] : memref<1664x48xf32, #tpu.memory_space<vmem>> -> memref<128x48xf32, #tpu.memory_space<vmem>>
    %dma_start3A_86 = arith.constant 0 : i32
    %dma_start3A_87 = tpu.memref_slice %arg5[%dma_start3A_82, %dma_start3A_86] : memref<13x128xi32, #tpu.memory_space<vmem>> -> memref<1x128xi32, #tpu.memory_space<vmem>>
    %dma_start3A_88 = tpu.memref_squeeze %dma_start3A_87 : memref<1x128xi32, #tpu.memory_space<vmem>> -> memref<128xi32, #tpu.memory_space<vmem>>
    %dma_start3A_89 = arith.constant 0 : i32
    %dma_start3A_90 = arith.constant 0 : i32
    %dma_start3A_91 = tpu.memref_slice %arg2[%dma_start3A_89, %dma_start3A_90] : memref<10000x48xf32, #tpu.memory_space<hbm>> -> memref<10000x48xf32, #tpu.memory_space<hbm>>
    tpu.enqueue_indirect_dma source(%dma_start3A_91 : memref<10000x48xf32, #tpu.memory_space<hbm>>) target(%dma_start3A_85 : memref<128x48xf32, #tpu.memory_space<vmem>>) offsets(%dma_start3A_88 : memref<128xi32, #tpu.memory_space<vmem>>) semaphore(%arg7 : memref<!tpu.dma_semaphore, #tpu.memory_space<semaphore_mem>>)
    %dma_start3A_92 = arith.constant 9 : i32
    %dma_start3A_93 = arith.constant 1152 : i32
    %dma_start3A_94 = arith.constant 0 : i32
    %dma_start3A_95 = tpu.memref_slice %arg6[%dma_start3A_93, %dma_start3A_94] : memref<1664x48xf32, #tpu.memory_space<vmem>> -> memref<128x48xf32, #tpu.memory_space<vmem>>
    %dma_start3A_96 = arith.constant 0 : i32
    %dma_start3A_97 = tpu.memref_slice %arg5[%dma_start3A_92, %dma_start3A_96] : memref<13x128xi32, #tpu.memory_space<vmem>> -> memref<1x128xi32, #tpu.memory_space<vmem>>
    %dma_start3A_98 = tpu.memref_squeeze %dma_start3A_97 : memref<1x128xi32, #tpu.memory_space<vmem>> -> memref<128xi32, #tpu.memory_space<vmem>>
    %dma_start3A_99 = arith.constant 0 : i32
    %dma_start3A_100 = arith.constant 0 : i32
    %dma_start3A_101 = tpu.memref_slice %arg2[%dma_start3A_99, %dma_start3A_100] : memref<10000x48xf32, #tpu.memory_space<hbm>> -> memref<10000x48xf32, #tpu.memory_space<hbm>>
    tpu.enqueue_indirect_dma source(%dma_start3A_101 : memref<10000x48xf32, #tpu.memory_space<hbm>>) target(%dma_start3A_95 : memref<128x48xf32, #tpu.memory_space<vmem>>) offsets(%dma_start3A_98 : memref<128xi32, #tpu.memory_space<vmem>>) semaphore(%arg7 : memref<!tpu.dma_semaphore, #tpu.memory_space<semaphore_mem>>)
    %dma_start3A_102 = arith.constant 10 : i32
    %dma_start3A_103 = arith.constant 1280 : i32
    %dma_start3A_104 = arith.constant 0 : i32
    %dma_start3A_105 = tpu.memref_slice %arg6[%dma_start3A_103, %dma_start3A_104] : memref<1664x48xf32, #tpu.memory_space<vmem>> -> memref<128x48xf32, #tpu.memory_space<vmem>>
    %dma_start3A_106 = arith.constant 0 : i32
    %dma_start3A_107 = tpu.memref_slice %arg5[%dma_start3A_102, %dma_start3A_106] : memref<13x128xi32, #tpu.memory_space<vmem>> -> memref<1x128xi32, #tpu.memory_space<vmem>>
    %dma_start3A_108 = tpu.memref_squeeze %dma_start3A_107 : memref<1x128xi32, #tpu.memory_space<vmem>> -> memref<128xi32, #tpu.memory_space<vmem>>
    %dma_start3A_109 = arith.constant 0 : i32
    %dma_start3A_110 = arith.constant 0 : i32
    %dma_start3A_111 = tpu.memref_slice %arg2[%dma_start3A_109, %dma_start3A_110] : memref<10000x48xf32, #tpu.memory_space<hbm>> -> memref<10000x48xf32, #tpu.memory_space<hbm>>
    tpu.enqueue_indirect_dma source(%dma_start3A_111 : memref<10000x48xf32, #tpu.memory_space<hbm>>) target(%dma_start3A_105 : memref<128x48xf32, #tpu.memory_space<vmem>>) offsets(%dma_start3A_108 : memref<128xi32, #tpu.memory_space<vmem>>) semaphore(%arg7 : memref<!tpu.dma_semaphore, #tpu.memory_space<semaphore_mem>>)
    %dma_start3A_112 = arith.constant 11 : i32
    %dma_start3A_113 = arith.constant 1408 : i32
    %dma_start3A_114 = arith.constant 0 : i32
    %dma_start3A_115 = tpu.memref_slice %arg6[%dma_start3A_113, %dma_start3A_114] : memref<1664x48xf32, #tpu.memory_space<vmem>> -> memref<128x48xf32, #tpu.memory_space<vmem>>
    %dma_start3A_116 = arith.constant 0 : i32
    %dma_start3A_117 = tpu.memref_slice %arg5[%dma_start3A_112, %dma_start3A_116] : memref<13x128xi32, #tpu.memory_space<vmem>> -> memref<1x128xi32, #tpu.memory_space<vmem>>
    %dma_start3A_118 = tpu.memref_squeeze %dma_start3A_117 : memref<1x128xi32, #tpu.memory_space<vmem>> -> memref<128xi32, #tpu.memory_space<vmem>>
    %dma_start3A_119 = arith.constant 0 : i32
    %dma_start3A_120 = arith.constant 0 : i32
    %dma_start3A_121 = tpu.memref_slice %arg2[%dma_start3A_119, %dma_start3A_120] : memref<10000x48xf32, #tpu.memory_space<hbm>> -> memref<10000x48xf32, #tpu.memory_space<hbm>>
    tpu.enqueue_indirect_dma source(%dma_start3A_121 : memref<10000x48xf32, #tpu.memory_space<hbm>>) target(%dma_start3A_115 : memref<128x48xf32, #tpu.memory_space<vmem>>) offsets(%dma_start3A_118 : memref<128xi32, #tpu.memory_space<vmem>>) semaphore(%arg7 : memref<!tpu.dma_semaphore, #tpu.memory_space<semaphore_mem>>)
    %dma_start3A_122 = arith.constant 12 : i32
    %dma_start3A_123 = arith.constant 1536 : i32
    %dma_start3A_124 = arith.constant 0 : i32
    %dma_start3A_125 = tpu.memref_slice %arg6[%dma_start3A_123, %dma_start3A_124] : memref<1664x48xf32, #tpu.memory_space<vmem>> -> memref<128x48xf32, #tpu.memory_space<vmem>>
    %dma_start3A_126 = arith.constant 0 : i32
    %dma_start3A_127 = tpu.memref_slice %arg5[%dma_start3A_122, %dma_start3A_126] : memref<13x128xi32, #tpu.memory_space<vmem>> -> memref<1x128xi32, #tpu.memory_space<vmem>>
    %dma_start3A_128 = tpu.memref_squeeze %dma_start3A_127 : memref<1x128xi32, #tpu.memory_space<vmem>> -> memref<128xi32, #tpu.memory_space<vmem>>
    %dma_start3A_129 = arith.constant 0 : i32
    %dma_start3A_130 = arith.constant 0 : i32
    %dma_start3A_131 = tpu.memref_slice %arg2[%dma_start3A_129, %dma_start3A_130] : memref<10000x48xf32, #tpu.memory_space<hbm>> -> memref<10000x48xf32, #tpu.memory_space<hbm>>
    tpu.enqueue_indirect_dma source(%dma_start3A_131 : memref<10000x48xf32, #tpu.memory_space<hbm>>) target(%dma_start3A_125 : memref<128x48xf32, #tpu.memory_space<vmem>>) offsets(%dma_start3A_128 : memref<128xi32, #tpu.memory_space<vmem>>) semaphore(%arg7 : memref<!tpu.dma_semaphore, #tpu.memory_space<semaphore_mem>>)
    %dma_wait3A = arith.constant 0 : i32
    %dma_wait3A_132 = arith.constant 0 : i32
    %dma_wait3A_133 = arith.constant 0 : i32
    %dma_wait3A_134 = tpu.memref_slice %arg6[%dma_wait3A_132, %dma_wait3A_133] : memref<1664x48xf32, #tpu.memory_space<vmem>> -> memref<128x48xf32, #tpu.memory_space<vmem>>
    %dma_wait3A_135 = arith.constant 0 : i32
    %dma_wait3A_136 = tpu.memref_slice %arg5[%dma_wait3A, %dma_wait3A_135] : memref<13x128xi32, #tpu.memory_space<vmem>> -> memref<1x128xi32, #tpu.memory_space<vmem>>
    %dma_wait3A_137 = tpu.memref_squeeze %dma_wait3A_136 : memref<1x128xi32, #tpu.memory_space<vmem>> -> memref<128xi32, #tpu.memory_space<vmem>>
    %dma_wait3A_138 = arith.constant 0 : i32
    %dma_wait3A_139 = arith.constant 0 : i32
    %dma_wait3A_140 = tpu.memref_slice %arg2[%dma_wait3A_138, %dma_wait3A_139] : memref<10000x48xf32, #tpu.memory_space<hbm>> -> memref<10000x48xf32, #tpu.memory_space<hbm>>
    tpu.wait_indirect_dma semaphore(%arg7 : memref<!tpu.dma_semaphore, #tpu.memory_space<semaphore_mem>>) src(%dma_wait3A_140 : memref<10000x48xf32, #tpu.memory_space<hbm>>) dst(%dma_wait3A_134 : memref<128x48xf32, #tpu.memory_space<vmem>>)
    %dma_wait3A_141 = arith.constant 1 : i32
    %dma_wait3A_142 = arith.constant 128 : i32
    %dma_wait3A_143 = arith.constant 0 : i32
    %dma_wait3A_144 = tpu.memref_slice %arg6[%dma_wait3A_142, %dma_wait3A_143] : memref<1664x48xf32, #tpu.memory_space<vmem>> -> memref<128x48xf32, #tpu.memory_space<vmem>>
    %dma_wait3A_145 = arith.constant 0 : i32
    %dma_wait3A_146 = tpu.memref_slice %arg5[%dma_wait3A_141, %dma_wait3A_145] : memref<13x128xi32, #tpu.memory_space<vmem>> -> memref<1x128xi32, #tpu.memory_space<vmem>>
    %dma_wait3A_147 = tpu.memref_squeeze %dma_wait3A_146 : memref<1x128xi32, #tpu.memory_space<vmem>> -> memref<128xi32, #tpu.memory_space<vmem>>
    %dma_wait3A_148 = arith.constant 0 : i32
    %dma_wait3A_149 = arith.constant 0 : i32
    %dma_wait3A_150 = tpu.memref_slice %arg2[%dma_wait3A_148, %dma_wait3A_149] : memref<10000x48xf32, #tpu.memory_space<hbm>> -> memref<10000x48xf32, #tpu.memory_space<hbm>>
    tpu.wait_indirect_dma semaphore(%arg7 : memref<!tpu.dma_semaphore, #tpu.memory_space<semaphore_mem>>) src(%dma_wait3A_150 : memref<10000x48xf32, #tpu.memory_space<hbm>>) dst(%dma_wait3A_144 : memref<128x48xf32, #tpu.memory_space<vmem>>)
    %dma_wait3A_151 = arith.constant 2 : i32
    %dma_wait3A_152 = arith.constant 256 : i32
    %dma_wait3A_153 = arith.constant 0 : i32
    %dma_wait3A_154 = tpu.memref_slice %arg6[%dma_wait3A_152, %dma_wait3A_153] : memref<1664x48xf32, #tpu.memory_space<vmem>> -> memref<128x48xf32, #tpu.memory_space<vmem>>
    %dma_wait3A_155 = arith.constant 0 : i32
    %dma_wait3A_156 = tpu.memref_slice %arg5[%dma_wait3A_151, %dma_wait3A_155] : memref<13x128xi32, #tpu.memory_space<vmem>> -> memref<1x128xi32, #tpu.memory_space<vmem>>
    %dma_wait3A_157 = tpu.memref_squeeze %dma_wait3A_156 : memref<1x128xi32, #tpu.memory_space<vmem>> -> memref<128xi32, #tpu.memory_space<vmem>>
    %dma_wait3A_158 = arith.constant 0 : i32
    %dma_wait3A_159 = arith.constant 0 : i32
    %dma_wait3A_160 = tpu.memref_slice %arg2[%dma_wait3A_158, %dma_wait3A_159] : memref<10000x48xf32, #tpu.memory_space<hbm>> -> memref<10000x48xf32, #tpu.memory_space<hbm>>
    tpu.wait_indirect_dma semaphore(%arg7 : memref<!tpu.dma_semaphore, #tpu.memory_space<semaphore_mem>>) src(%dma_wait3A_160 : memref<10000x48xf32, #tpu.memory_space<hbm>>) dst(%dma_wait3A_154 : memref<128x48xf32, #tpu.memory_space<vmem>>)
    %dma_wait3A_161 = arith.constant 3 : i32
    %dma_wait3A_162 = arith.constant 384 : i32
    %dma_wait3A_163 = arith.constant 0 : i32
    %dma_wait3A_164 = tpu.memref_slice %arg6[%dma_wait3A_162, %dma_wait3A_163] : memref<1664x48xf32, #tpu.memory_space<vmem>> -> memref<128x48xf32, #tpu.memory_space<vmem>>
    %dma_wait3A_165 = arith.constant 0 : i32
    %dma_wait3A_166 = tpu.memref_slice %arg5[%dma_wait3A_161, %dma_wait3A_165] : memref<13x128xi32, #tpu.memory_space<vmem>> -> memref<1x128xi32, #tpu.memory_space<vmem>>
    %dma_wait3A_167 = tpu.memref_squeeze %dma_wait3A_166 : memref<1x128xi32, #tpu.memory_space<vmem>> -> memref<128xi32, #tpu.memory_space<vmem>>
    %dma_wait3A_168 = arith.constant 0 : i32
    %dma_wait3A_169 = arith.constant 0 : i32
    %dma_wait3A_170 = tpu.memref_slice %arg2[%dma_wait3A_168, %dma_wait3A_169] : memref<10000x48xf32, #tpu.memory_space<hbm>> -> memref<10000x48xf32, #tpu.memory_space<hbm>>
    tpu.wait_indirect_dma semaphore(%arg7 : memref<!tpu.dma_semaphore, #tpu.memory_space<semaphore_mem>>) src(%dma_wait3A_170 : memref<10000x48xf32, #tpu.memory_space<hbm>>) dst(%dma_wait3A_164 : memref<128x48xf32, #tpu.memory_space<vmem>>)
    %dma_wait3A_171 = arith.constant 4 : i32
    %dma_wait3A_172 = arith.constant 512 : i32
    %dma_wait3A_173 = arith.constant 0 : i32
    %dma_wait3A_174 = tpu.memref_slice %arg6[%dma_wait3A_172, %dma_wait3A_173] : memref<1664x48xf32, #tpu.memory_space<vmem>> -> memref<128x48xf32, #tpu.memory_space<vmem>>
    %dma_wait3A_175 = arith.constant 0 : i32
    %dma_wait3A_176 = tpu.memref_slice %arg5[%dma_wait3A_171, %dma_wait3A_175] : memref<13x128xi32, #tpu.memory_space<vmem>> -> memref<1x128xi32, #tpu.memory_space<vmem>>
    %dma_wait3A_177 = tpu.memref_squeeze %dma_wait3A_176 : memref<1x128xi32, #tpu.memory_space<vmem>> -> memref<128xi32, #tpu.memory_space<vmem>>
    %dma_wait3A_178 = arith.constant 0 : i32
    %dma_wait3A_179 = arith.constant 0 : i32
    %dma_wait3A_180 = tpu.memref_slice %arg2[%dma_wait3A_178, %dma_wait3A_179] : memref<10000x48xf32, #tpu.memory_space<hbm>> -> memref<10000x48xf32, #tpu.memory_space<hbm>>
    tpu.wait_indirect_dma semaphore(%arg7 : memref<!tpu.dma_semaphore, #tpu.memory_space<semaphore_mem>>) src(%dma_wait3A_180 : memref<10000x48xf32, #tpu.memory_space<hbm>>) dst(%dma_wait3A_174 : memref<128x48xf32, #tpu.memory_space<vmem>>)
    %dma_wait3A_181 = arith.constant 5 : i32
    %dma_wait3A_182 = arith.constant 640 : i32
    %dma_wait3A_183 = arith.constant 0 : i32
    %dma_wait3A_184 = tpu.memref_slice %arg6[%dma_wait3A_182, %dma_wait3A_183] : memref<1664x48xf32, #tpu.memory_space<vmem>> -> memref<128x48xf32, #tpu.memory_space<vmem>>
    %dma_wait3A_185 = arith.constant 0 : i32
    %dma_wait3A_186 = tpu.memref_slice %arg5[%dma_wait3A_181, %dma_wait3A_185] : memref<13x128xi32, #tpu.memory_space<vmem>> -> memref<1x128xi32, #tpu.memory_space<vmem>>
    %dma_wait3A_187 = tpu.memref_squeeze %dma_wait3A_186 : memref<1x128xi32, #tpu.memory_space<vmem>> -> memref<128xi32, #tpu.memory_space<vmem>>
    %dma_wait3A_188 = arith.constant 0 : i32
    %dma_wait3A_189 = arith.constant 0 : i32
    %dma_wait3A_190 = tpu.memref_slice %arg2[%dma_wait3A_188, %dma_wait3A_189] : memref<10000x48xf32, #tpu.memory_space<hbm>> -> memref<10000x48xf32, #tpu.memory_space<hbm>>
    tpu.wait_indirect_dma semaphore(%arg7 : memref<!tpu.dma_semaphore, #tpu.memory_space<semaphore_mem>>) src(%dma_wait3A_190 : memref<10000x48xf32, #tpu.memory_space<hbm>>) dst(%dma_wait3A_184 : memref<128x48xf32, #tpu.memory_space<vmem>>)
    %dma_wait3A_191 = arith.constant 6 : i32
    %dma_wait3A_192 = arith.constant 768 : i32
    %dma_wait3A_193 = arith.constant 0 : i32
    %dma_wait3A_194 = tpu.memref_slice %arg6[%dma_wait3A_192, %dma_wait3A_193] : memref<1664x48xf32, #tpu.memory_space<vmem>> -> memref<128x48xf32, #tpu.memory_space<vmem>>
    %dma_wait3A_195 = arith.constant 0 : i32
    %dma_wait3A_196 = tpu.memref_slice %arg5[%dma_wait3A_191, %dma_wait3A_195] : memref<13x128xi32, #tpu.memory_space<vmem>> -> memref<1x128xi32, #tpu.memory_space<vmem>>
    %dma_wait3A_197 = tpu.memref_squeeze %dma_wait3A_196 : memref<1x128xi32, #tpu.memory_space<vmem>> -> memref<128xi32, #tpu.memory_space<vmem>>
    %dma_wait3A_198 = arith.constant 0 : i32
    %dma_wait3A_199 = arith.constant 0 : i32
    %dma_wait3A_200 = tpu.memref_slice %arg2[%dma_wait3A_198, %dma_wait3A_199] : memref<10000x48xf32, #tpu.memory_space<hbm>> -> memref<10000x48xf32, #tpu.memory_space<hbm>>
    tpu.wait_indirect_dma semaphore(%arg7 : memref<!tpu.dma_semaphore, #tpu.memory_space<semaphore_mem>>) src(%dma_wait3A_200 : memref<10000x48xf32, #tpu.memory_space<hbm>>) dst(%dma_wait3A_194 : memref<128x48xf32, #tpu.memory_space<vmem>>)
    %dma_wait3A_201 = arith.constant 7 : i32
    %dma_wait3A_202 = arith.constant 896 : i32
    %dma_wait3A_203 = arith.constant 0 : i32
    %dma_wait3A_204 = tpu.memref_slice %arg6[%dma_wait3A_202, %dma_wait3A_203] : memref<1664x48xf32, #tpu.memory_space<vmem>> -> memref<128x48xf32, #tpu.memory_space<vmem>>
    %dma_wait3A_205 = arith.constant 0 : i32
    %dma_wait3A_206 = tpu.memref_slice %arg5[%dma_wait3A_201, %dma_wait3A_205] : memref<13x128xi32, #tpu.memory_space<vmem>> -> memref<1x128xi32, #tpu.memory_space<vmem>>
    %dma_wait3A_207 = tpu.memref_squeeze %dma_wait3A_206 : memref<1x128xi32, #tpu.memory_space<vmem>> -> memref<128xi32, #tpu.memory_space<vmem>>
    %dma_wait3A_208 = arith.constant 0 : i32
    %dma_wait3A_209 = arith.constant 0 : i32
    %dma_wait3A_210 = tpu.memref_slice %arg2[%dma_wait3A_208, %dma_wait3A_209] : memref<10000x48xf32, #tpu.memory_space<hbm>> -> memref<10000x48xf32, #tpu.memory_space<hbm>>
    tpu.wait_indirect_dma semaphore(%arg7 : memref<!tpu.dma_semaphore, #tpu.memory_space<semaphore_mem>>) src(%dma_wait3A_210 : memref<10000x48xf32, #tpu.memory_space<hbm>>) dst(%dma_wait3A_204 : memref<128x48xf32, #tpu.memory_space<vmem>>)
    %dma_wait3A_211 = arith.constant 8 : i32
    %dma_wait3A_212 = arith.constant 1024 : i32
    %dma_wait3A_213 = arith.constant 0 : i32
    %dma_wait3A_214 = tpu.memref_slice %arg6[%dma_wait3A_212, %dma_wait3A_213] : memref<1664x48xf32, #tpu.memory_space<vmem>> -> memref<128x48xf32, #tpu.memory_space<vmem>>
    %dma_wait3A_215 = arith.constant 0 : i32
    %dma_wait3A_216 = tpu.memref_slice %arg5[%dma_wait3A_211, %dma_wait3A_215] : memref<13x128xi32, #tpu.memory_space<vmem>> -> memref<1x128xi32, #tpu.memory_space<vmem>>
    %dma_wait3A_217 = tpu.memref_squeeze %dma_wait3A_216 : memref<1x128xi32, #tpu.memory_space<vmem>> -> memref<128xi32, #tpu.memory_space<vmem>>
    %dma_wait3A_218 = arith.constant 0 : i32
    %dma_wait3A_219 = arith.constant 0 : i32
    %dma_wait3A_220 = tpu.memref_slice %arg2[%dma_wait3A_218, %dma_wait3A_219] : memref<10000x48xf32, #tpu.memory_space<hbm>> -> memref<10000x48xf32, #tpu.memory_space<hbm>>
    tpu.wait_indirect_dma semaphore(%arg7 : memref<!tpu.dma_semaphore, #tpu.memory_space<semaphore_mem>>) src(%dma_wait3A_220 : memref<10000x48xf32, #tpu.memory_space<hbm>>) dst(%dma_wait3A_214 : memref<128x48xf32, #tpu.memory_space<vmem>>)
    %dma_wait3A_221 = arith.constant 9 : i32
    %dma_wait3A_222 = arith.constant 1152 : i32
    %dma_wait3A_223 = arith.constant 0 : i32
    %dma_wait3A_224 = tpu.memref_slice %arg6[%dma_wait3A_222, %dma_wait3A_223] : memref<1664x48xf32, #tpu.memory_space<vmem>> -> memref<128x48xf32, #tpu.memory_space<vmem>>
    %dma_wait3A_225 = arith.constant 0 : i32
    %dma_wait3A_226 = tpu.memref_slice %arg5[%dma_wait3A_221, %dma_wait3A_225] : memref<13x128xi32, #tpu.memory_space<vmem>> -> memref<1x128xi32, #tpu.memory_space<vmem>>
    %dma_wait3A_227 = tpu.memref_squeeze %dma_wait3A_226 : memref<1x128xi32, #tpu.memory_space<vmem>> -> memref<128xi32, #tpu.memory_space<vmem>>
    %dma_wait3A_228 = arith.constant 0 : i32
    %dma_wait3A_229 = arith.constant 0 : i32
    %dma_wait3A_230 = tpu.memref_slice %arg2[%dma_wait3A_228, %dma_wait3A_229] : memref<10000x48xf32, #tpu.memory_space<hbm>> -> memref<10000x48xf32, #tpu.memory_space<hbm>>
    tpu.wait_indirect_dma semaphore(%arg7 : memref<!tpu.dma_semaphore, #tpu.memory_space<semaphore_mem>>) src(%dma_wait3A_230 : memref<10000x48xf32, #tpu.memory_space<hbm>>) dst(%dma_wait3A_224 : memref<128x48xf32, #tpu.memory_space<vmem>>)
    %dma_wait3A_231 = arith.constant 10 : i32
    %dma_wait3A_232 = arith.constant 1280 : i32
    %dma_wait3A_233 = arith.constant 0 : i32
    %dma_wait3A_234 = tpu.memref_slice %arg6[%dma_wait3A_232, %dma_wait3A_233] : memref<1664x48xf32, #tpu.memory_space<vmem>> -> memref<128x48xf32, #tpu.memory_space<vmem>>
    %dma_wait3A_235 = arith.constant 0 : i32
    %dma_wait3A_236 = tpu.memref_slice %arg5[%dma_wait3A_231, %dma_wait3A_235] : memref<13x128xi32, #tpu.memory_space<vmem>> -> memref<1x128xi32, #tpu.memory_space<vmem>>
    %dma_wait3A_237 = tpu.memref_squeeze %dma_wait3A_236 : memref<1x128xi32, #tpu.memory_space<vmem>> -> memref<128xi32, #tpu.memory_space<vmem>>
    %dma_wait3A_238 = arith.constant 0 : i32
    %dma_wait3A_239 = arith.constant 0 : i32
    %dma_wait3A_240 = tpu.memref_slice %arg2[%dma_wait3A_238, %dma_wait3A_239] : memref<10000x48xf32, #tpu.memory_space<hbm>> -> memref<10000x48xf32, #tpu.memory_space<hbm>>
    tpu.wait_indirect_dma semaphore(%arg7 : memref<!tpu.dma_semaphore, #tpu.memory_space<semaphore_mem>>) src(%dma_wait3A_240 : memref<10000x48xf32, #tpu.memory_space<hbm>>) dst(%dma_wait3A_234 : memref<128x48xf32, #tpu.memory_space<vmem>>)
    %dma_wait3A_241 = arith.constant 11 : i32
    %dma_wait3A_242 = arith.constant 1408 : i32
    %dma_wait3A_243 = arith.constant 0 : i32
    %dma_wait3A_244 = tpu.memref_slice %arg6[%dma_wait3A_242, %dma_wait3A_243] : memref<1664x48xf32, #tpu.memory_space<vmem>> -> memref<128x48xf32, #tpu.memory_space<vmem>>
    %dma_wait3A_245 = arith.constant 0 : i32
    %dma_wait3A_246 = tpu.memref_slice %arg5[%dma_wait3A_241, %dma_wait3A_245] : memref<13x128xi32, #tpu.memory_space<vmem>> -> memref<1x128xi32, #tpu.memory_space<vmem>>
    %dma_wait3A_247 = tpu.memref_squeeze %dma_wait3A_246 : memref<1x128xi32, #tpu.memory_space<vmem>> -> memref<128xi32, #tpu.memory_space<vmem>>
    %dma_wait3A_248 = arith.constant 0 : i32
    %dma_wait3A_249 = arith.constant 0 : i32
    %dma_wait3A_250 = tpu.memref_slice %arg2[%dma_wait3A_248, %dma_wait3A_249] : memref<10000x48xf32, #tpu.memory_space<hbm>> -> memref<10000x48xf32, #tpu.memory_space<hbm>>
    tpu.wait_indirect_dma semaphore(%arg7 : memref<!tpu.dma_semaphore, #tpu.memory_space<semaphore_mem>>) src(%dma_wait3A_250 : memref<10000x48xf32, #tpu.memory_space<hbm>>) dst(%dma_wait3A_244 : memref<128x48xf32, #tpu.memory_space<vmem>>)
    %dma_wait3A_251 = arith.constant 12 : i32
    %dma_wait3A_252 = arith.constant 1536 : i32
    %dma_wait3A_253 = arith.constant 0 : i32
    %dma_wait3A_254 = tpu.memref_slice %arg6[%dma_wait3A_252, %dma_wait3A_253] : memref<1664x48xf32, #tpu.memory_space<vmem>> -> memref<128x48xf32, #tpu.memory_space<vmem>>
    %dma_wait3A_255 = arith.constant 0 : i32
    %dma_wait3A_256 = tpu.memref_slice %arg5[%dma_wait3A_251, %dma_wait3A_255] : memref<13x128xi32, #tpu.memory_space<vmem>> -> memref<1x128xi32, #tpu.memory_space<vmem>>
    %dma_wait3A_257 = tpu.memref_squeeze %dma_wait3A_256 : memref<1x128xi32, #tpu.memory_space<vmem>> -> memref<128xi32, #tpu.memory_space<vmem>>
    %dma_wait3A_258 = arith.constant 0 : i32
    %dma_wait3A_259 = arith.constant 0 : i32
    %dma_wait3A_260 = tpu.memref_slice %arg2[%dma_wait3A_258, %dma_wait3A_259] : memref<10000x48xf32, #tpu.memory_space<hbm>> -> memref<10000x48xf32, #tpu.memory_space<hbm>>
    tpu.wait_indirect_dma semaphore(%arg7 : memref<!tpu.dma_semaphore, #tpu.memory_space<semaphore_mem>>) src(%dma_wait3A_260 : memref<10000x48xf32, #tpu.memory_space<hbm>>) dst(%dma_wait3A_254 : memref<128x48xf32, #tpu.memory_space<vmem>>)
    "tpu.region"() ({
      %run_scoped3A = tpu.sem_alloc : memref<!tpu.dma_semaphore, #tpu.memory_space<semaphore_mem>>
      %dma_start3A_261 = arith.constant 0 : i32
      %dma_start3A_262 = tpu.memref_slice %arg4[%multiple_of3A, %dma_start3A_261] : memref<53248x128xf32, #tpu.memory_space<hbm>> -> memref<1664x48xf32, #tpu.memory_space<hbm>>
      %dma_start3A_263 = arith.constant 0 : i32
      %dma_start3A_264 = tpu.memref_slice %arg4[%multiple_of3A, %dma_start3A_263] : memref<53248x128xf32, #tpu.memory_space<hbm>> -> memref<1664x48xf32, #tpu.memory_space<hbm>>
      tpu.enqueue_dma source(%arg6 : memref<1664x48xf32, #tpu.memory_space<vmem>>) target(%dma_start3A_264 : memref<1664x48xf32, #tpu.memory_space<hbm>>) target_semaphore(%run_scoped3A : memref<!tpu.dma_semaphore, #tpu.memory_space<semaphore_mem>>)
      %dma_wait3A_265 = arith.constant 0 : i32
      %dma_wait3A_266 = tpu.memref_slice %arg4[%multiple_of3A, %dma_wait3A_265] : memref<53248x128xf32, #tpu.memory_space<hbm>> -> memref<1664x48xf32, #tpu.memory_space<hbm>>
      %dma_wait3A_267 = arith.constant 0 : i32
      %dma_wait3A_268 = tpu.memref_slice %arg4[%multiple_of3A, %dma_wait3A_267] : memref<53248x128xf32, #tpu.memory_space<hbm>> -> memref<1664x48xf32, #tpu.memory_space<hbm>>
      tpu.wait_dma2 semaphore(%run_scoped3A : memref<!tpu.dma_semaphore, #tpu.memory_space<semaphore_mem>>) src(%arg6 : memref<1664x48xf32, #tpu.memory_space<vmem>>) dst(%dma_wait3A_268 : memref<1664x48xf32, #tpu.memory_space<hbm>>)
      tpu.yield
    }) : () -> ()
    return
  }
}

#map = affine_map<(d0, d1) -> (0, 0)>
#map1 = affine_map<(d0, d1) -> (0, 0, 0)>
module attributes {stable_mosaic.version = 14 : i64} {
  func.func @kern(%arg0: i32, %arg1: i32, %arg2: memref<53248x128xf32, #tpu.memory_space<hbm>>, %arg3: memref<32x13x128xi32, #tpu.memory_space<hbm>>, %arg4: memref<10112x128xf32, #tpu.memory_space<hbm>>, %arg5: memref<20224x128xf32, #tpu.memory_space<hbm>>, %arg6: memref<13x128xi32, #tpu.memory_space<vmem>>, %arg7: memref<128x128xf32, #tpu.memory_space<vmem>>, %arg8: memref<10112x128xf32, #tpu.memory_space<vmem_shared>>) attributes {dimension_semantics = [#tpu.dimension_semantics<core_parallel>, #tpu.dimension_semantics<subcore_parallel>], iteration_bounds = array<i64: 2, 16>, scalar_prefetch = 0 : i64, scratch_operands = 3 : i64, tpu.core_type = #tpu.core_type<sc_vector_subcore>, window_params = [{transform_indices = #map}, {transform_indices = #map1}, {transform_indices = #map}, {transform_indices = #map}]} {
    %mul3A = arith.constant 2 : i32
    %mul3A_0 = arith.muli %arg1, %mul3A : i32
    %add3A = arith.addi %mul3A_0, %arg0 : i32
    %mul3A_1 = arith.constant 1664 : i32
    %mul3A_2 = arith.muli %add3A, %mul3A_1 : i32
    %multiple_of3A = tpu.assume_multiple %mul3A_2, 128 : i32
    %mul3A_3 = arith.constant 632 : i32
    %mul3A_4 = arith.muli %arg1, %mul3A_3 : i32
    %multiple_of3A_5 = tpu.assume_multiple %mul3A_4, 8 : i32
    "tpu.region"() ({
      %run_scoped3A_49 = tpu.sem_alloc : memref<!tpu.dma_semaphore, #tpu.memory_space<semaphore_mem>>
      %dma_start3A = arith.constant 0 : i32
      %dma_start3A_50 = arith.constant 0 : i32
      %dma_start3A_51 = tpu.memref_slice %arg3[%add3A, %dma_start3A, %dma_start3A_50] : memref<32x13x128xi32, #tpu.memory_space<hbm>> -> memref<1x13x128xi32, #tpu.memory_space<hbm>>
      %dma_start3A_52 = tpu.memref_squeeze %dma_start3A_51 : memref<1x13x128xi32, #tpu.memory_space<hbm>> -> memref<13x128xi32, #tpu.memory_space<hbm>>
      %dma_start3A_53 = arith.constant 0 : i32
      %dma_start3A_54 = arith.constant 0 : i32
      %dma_start3A_55 = tpu.memref_slice %arg3[%add3A, %dma_start3A_53, %dma_start3A_54] : memref<32x13x128xi32, #tpu.memory_space<hbm>> -> memref<1x13x128xi32, #tpu.memory_space<hbm>>
      %dma_start3A_56 = tpu.memref_squeeze %dma_start3A_55 : memref<1x13x128xi32, #tpu.memory_space<hbm>> -> memref<13x128xi32, #tpu.memory_space<hbm>>
      tpu.enqueue_dma source(%dma_start3A_56 : memref<13x128xi32, #tpu.memory_space<hbm>>) target(%arg6 : memref<13x128xi32, #tpu.memory_space<vmem>>) target_semaphore(%run_scoped3A_49 : memref<!tpu.dma_semaphore, #tpu.memory_space<semaphore_mem>>)
      %dma_wait3A = arith.constant 0 : i32
      %dma_wait3A_57 = arith.constant 0 : i32
      %dma_wait3A_58 = tpu.memref_slice %arg3[%add3A, %dma_wait3A, %dma_wait3A_57] : memref<32x13x128xi32, #tpu.memory_space<hbm>> -> memref<1x13x128xi32, #tpu.memory_space<hbm>>
      %dma_wait3A_59 = tpu.memref_squeeze %dma_wait3A_58 : memref<1x13x128xi32, #tpu.memory_space<hbm>> -> memref<13x128xi32, #tpu.memory_space<hbm>>
      %dma_wait3A_60 = arith.constant 0 : i32
      %dma_wait3A_61 = arith.constant 0 : i32
      %dma_wait3A_62 = tpu.memref_slice %arg3[%add3A, %dma_wait3A_60, %dma_wait3A_61] : memref<32x13x128xi32, #tpu.memory_space<hbm>> -> memref<1x13x128xi32, #tpu.memory_space<hbm>>
      %dma_wait3A_63 = tpu.memref_squeeze %dma_wait3A_62 : memref<1x13x128xi32, #tpu.memory_space<hbm>> -> memref<13x128xi32, #tpu.memory_space<hbm>>
      tpu.wait_dma2 semaphore(%run_scoped3A_49 : memref<!tpu.dma_semaphore, #tpu.memory_space<semaphore_mem>>) src(%dma_wait3A_63 : memref<13x128xi32, #tpu.memory_space<hbm>>) dst(%arg6 : memref<13x128xi32, #tpu.memory_space<vmem>>)
      tpu.yield
    }) : () -> ()
    "tpu.region"() ({
      %run_scoped3A_49 = tpu.sem_alloc : memref<!tpu.dma_semaphore, #tpu.memory_space<semaphore_mem>>
      %dma_start3A = arith.constant 0 : i32
      %dma_start3A_50 = tpu.memref_slice %arg8[%multiple_of3A_5, %dma_start3A] : memref<10112x128xf32, #tpu.memory_space<vmem_shared>> -> memref<632x128xf32, #tpu.memory_space<vmem_shared>>
      %dma_start3A_51 = arith.constant 0 : i32
      %dma_start3A_52 = tpu.memref_slice %arg4[%multiple_of3A_5, %dma_start3A_51] : memref<10112x128xf32, #tpu.memory_space<hbm>> -> memref<632x128xf32, #tpu.memory_space<hbm>>
      tpu.enqueue_dma source(%dma_start3A_52 : memref<632x128xf32, #tpu.memory_space<hbm>>) target(%dma_start3A_50 : memref<632x128xf32, #tpu.memory_space<vmem_shared>>) target_semaphore(%run_scoped3A_49 : memref<!tpu.dma_semaphore, #tpu.memory_space<semaphore_mem>>)
      %dma_wait3A = arith.constant 0 : i32
      %dma_wait3A_53 = tpu.memref_slice %arg8[%multiple_of3A_5, %dma_wait3A] : memref<10112x128xf32, #tpu.memory_space<vmem_shared>> -> memref<632x128xf32, #tpu.memory_space<vmem_shared>>
      %dma_wait3A_54 = arith.constant 0 : i32
      %dma_wait3A_55 = tpu.memref_slice %arg4[%multiple_of3A_5, %dma_wait3A_54] : memref<10112x128xf32, #tpu.memory_space<hbm>> -> memref<632x128xf32, #tpu.memory_space<hbm>>
      tpu.wait_dma2 semaphore(%run_scoped3A_49 : memref<!tpu.dma_semaphore, #tpu.memory_space<semaphore_mem>>) src(%dma_wait3A_55 : memref<632x128xf32, #tpu.memory_space<hbm>>) dst(%dma_wait3A_53 : memref<632x128xf32, #tpu.memory_space<vmem_shared>>)
      tpu.yield
    }) : () -> ()
    %barrier3A = arith.constant 0 : index
    tpu.barrier barrier_id(%barrier3A)
    %add3A_6 = arith.constant 0 : i32
    %add3A_7 = arith.addi %multiple_of3A, %add3A_6 : i32
    "tpu.region"() ({
      %run_scoped3A_49 = tpu.sem_alloc : memref<!tpu.dma_semaphore, #tpu.memory_space<semaphore_mem>>
      %dma_start3A = arith.constant 0 : i32
      %dma_start3A_50 = tpu.memref_slice %arg2[%add3A_7, %dma_start3A] : memref<53248x128xf32, #tpu.memory_space<hbm>> -> memref<128x128xf32, #tpu.memory_space<hbm>>
      %dma_start3A_51 = arith.constant 0 : i32
      %dma_start3A_52 = tpu.memref_slice %arg2[%add3A_7, %dma_start3A_51] : memref<53248x128xf32, #tpu.memory_space<hbm>> -> memref<128x128xf32, #tpu.memory_space<hbm>>
      tpu.enqueue_dma source(%dma_start3A_52 : memref<128x128xf32, #tpu.memory_space<hbm>>) target(%arg7 : memref<128x128xf32, #tpu.memory_space<vmem>>) target_semaphore(%run_scoped3A_49 : memref<!tpu.dma_semaphore, #tpu.memory_space<semaphore_mem>>)
      %dma_wait3A = arith.constant 0 : i32
      %dma_wait3A_53 = tpu.memref_slice %arg2[%add3A_7, %dma_wait3A] : memref<53248x128xf32, #tpu.memory_space<hbm>> -> memref<128x128xf32, #tpu.memory_space<hbm>>
      %dma_wait3A_54 = arith.constant 0 : i32
      %dma_wait3A_55 = tpu.memref_slice %arg2[%add3A_7, %dma_wait3A_54] : memref<53248x128xf32, #tpu.memory_space<hbm>> -> memref<128x128xf32, #tpu.memory_space<hbm>>
      tpu.wait_dma2 semaphore(%run_scoped3A_49 : memref<!tpu.dma_semaphore, #tpu.memory_space<semaphore_mem>>) src(%dma_wait3A_55 : memref<128x128xf32, #tpu.memory_space<hbm>>) dst(%arg7 : memref<128x128xf32, #tpu.memory_space<vmem>>)
      tpu.yield
    }) : () -> ()
    %run_scoped3A = arith.constant 0 : i32
    "tpu.region"() ({
      %run_scoped3A_49 = tpu.sem_alloc : memref<!tpu.dma_semaphore, #tpu.memory_space<semaphore_mem>>
      %dma_start3A = arith.constant 0 : i32
      %dma_start3A_50 = tpu.memref_slice %arg6[%run_scoped3A, %dma_start3A] : memref<13x128xi32, #tpu.memory_space<vmem>> -> memref<1x128xi32, #tpu.memory_space<vmem>>
      %dma_start3A_51 = tpu.memref_squeeze %dma_start3A_50 : memref<1x128xi32, #tpu.memory_space<vmem>> -> memref<128xi32, #tpu.memory_space<vmem>>
      %dma_start3A_52 = arith.constant 0 : i32
      %dma_start3A_53 = arith.constant 0 : i32
      %dma_start3A_54 = tpu.memref_slice %arg8[%dma_start3A_52, %dma_start3A_53] : memref<10112x128xf32, #tpu.memory_space<vmem_shared>> -> memref<10112x128xf32, #tpu.memory_space<vmem_shared>>
      tpu.enqueue_indirect_dma source(%arg7 : memref<128x128xf32, #tpu.memory_space<vmem>>) target(%dma_start3A_54 : memref<10112x128xf32, #tpu.memory_space<vmem_shared>>) offsets(%dma_start3A_51 : memref<128xi32, #tpu.memory_space<vmem>>) semaphore(%run_scoped3A_49 : memref<!tpu.dma_semaphore, #tpu.memory_space<semaphore_mem>>) {add = true}
      %dma_wait3A = arith.constant 0 : i32
      %dma_wait3A_55 = tpu.memref_slice %arg6[%run_scoped3A, %dma_wait3A] : memref<13x128xi32, #tpu.memory_space<vmem>> -> memref<1x128xi32, #tpu.memory_space<vmem>>
      %dma_wait3A_56 = tpu.memref_squeeze %dma_wait3A_55 : memref<1x128xi32, #tpu.memory_space<vmem>> -> memref<128xi32, #tpu.memory_space<vmem>>
      %dma_wait3A_57 = arith.constant 0 : i32
      %dma_wait3A_58 = arith.constant 0 : i32
      %dma_wait3A_59 = tpu.memref_slice %arg8[%dma_wait3A_57, %dma_wait3A_58] : memref<10112x128xf32, #tpu.memory_space<vmem_shared>> -> memref<10112x128xf32, #tpu.memory_space<vmem_shared>>
      tpu.wait_indirect_dma semaphore(%run_scoped3A_49 : memref<!tpu.dma_semaphore, #tpu.memory_space<semaphore_mem>>) src(%arg7 : memref<128x128xf32, #tpu.memory_space<vmem>>) dst(%dma_wait3A_59 : memref<10112x128xf32, #tpu.memory_space<vmem_shared>>)
      tpu.yield
    }) : () -> ()
    %add3A_8 = arith.constant 128 : i32
    %add3A_9 = arith.addi %multiple_of3A, %add3A_8 : i32
    "tpu.region"() ({
      %run_scoped3A_49 = tpu.sem_alloc : memref<!tpu.dma_semaphore, #tpu.memory_space<semaphore_mem>>
      %dma_start3A = arith.constant 0 : i32
      %dma_start3A_50 = tpu.memref_slice %arg2[%add3A_9, %dma_start3A] : memref<53248x128xf32, #tpu.memory_space<hbm>> -> memref<128x128xf32, #tpu.memory_space<hbm>>
      %dma_start3A_51 = arith.constant 0 : i32
      %dma_start3A_52 = tpu.memref_slice %arg2[%add3A_9, %dma_start3A_51] : memref<53248x128xf32, #tpu.memory_space<hbm>> -> memref<128x128xf32, #tpu.memory_space<hbm>>
      tpu.enqueue_dma source(%dma_start3A_52 : memref<128x128xf32, #tpu.memory_space<hbm>>) target(%arg7 : memref<128x128xf32, #tpu.memory_space<vmem>>) target_semaphore(%run_scoped3A_49 : memref<!tpu.dma_semaphore, #tpu.memory_space<semaphore_mem>>)
      %dma_wait3A = arith.constant 0 : i32
      %dma_wait3A_53 = tpu.memref_slice %arg2[%add3A_9, %dma_wait3A] : memref<53248x128xf32, #tpu.memory_space<hbm>> -> memref<128x128xf32, #tpu.memory_space<hbm>>
      %dma_wait3A_54 = arith.constant 0 : i32
      %dma_wait3A_55 = tpu.memref_slice %arg2[%add3A_9, %dma_wait3A_54] : memref<53248x128xf32, #tpu.memory_space<hbm>> -> memref<128x128xf32, #tpu.memory_space<hbm>>
      tpu.wait_dma2 semaphore(%run_scoped3A_49 : memref<!tpu.dma_semaphore, #tpu.memory_space<semaphore_mem>>) src(%dma_wait3A_55 : memref<128x128xf32, #tpu.memory_space<hbm>>) dst(%arg7 : memref<128x128xf32, #tpu.memory_space<vmem>>)
      tpu.yield
    }) : () -> ()
    %run_scoped3A_10 = arith.constant 1 : i32
    "tpu.region"() ({
      %run_scoped3A_49 = tpu.sem_alloc : memref<!tpu.dma_semaphore, #tpu.memory_space<semaphore_mem>>
      %dma_start3A = arith.constant 0 : i32
      %dma_start3A_50 = tpu.memref_slice %arg6[%run_scoped3A_10, %dma_start3A] : memref<13x128xi32, #tpu.memory_space<vmem>> -> memref<1x128xi32, #tpu.memory_space<vmem>>
      %dma_start3A_51 = tpu.memref_squeeze %dma_start3A_50 : memref<1x128xi32, #tpu.memory_space<vmem>> -> memref<128xi32, #tpu.memory_space<vmem>>
      %dma_start3A_52 = arith.constant 0 : i32
      %dma_start3A_53 = arith.constant 0 : i32
      %dma_start3A_54 = tpu.memref_slice %arg8[%dma_start3A_52, %dma_start3A_53] : memref<10112x128xf32, #tpu.memory_space<vmem_shared>> -> memref<10112x128xf32, #tpu.memory_space<vmem_shared>>
      tpu.enqueue_indirect_dma source(%arg7 : memref<128x128xf32, #tpu.memory_space<vmem>>) target(%dma_start3A_54 : memref<10112x128xf32, #tpu.memory_space<vmem_shared>>) offsets(%dma_start3A_51 : memref<128xi32, #tpu.memory_space<vmem>>) semaphore(%run_scoped3A_49 : memref<!tpu.dma_semaphore, #tpu.memory_space<semaphore_mem>>) {add = true}
      %dma_wait3A = arith.constant 0 : i32
      %dma_wait3A_55 = tpu.memref_slice %arg6[%run_scoped3A_10, %dma_wait3A] : memref<13x128xi32, #tpu.memory_space<vmem>> -> memref<1x128xi32, #tpu.memory_space<vmem>>
      %dma_wait3A_56 = tpu.memref_squeeze %dma_wait3A_55 : memref<1x128xi32, #tpu.memory_space<vmem>> -> memref<128xi32, #tpu.memory_space<vmem>>
      %dma_wait3A_57 = arith.constant 0 : i32
      %dma_wait3A_58 = arith.constant 0 : i32
      %dma_wait3A_59 = tpu.memref_slice %arg8[%dma_wait3A_57, %dma_wait3A_58] : memref<10112x128xf32, #tpu.memory_space<vmem_shared>> -> memref<10112x128xf32, #tpu.memory_space<vmem_shared>>
      tpu.wait_indirect_dma semaphore(%run_scoped3A_49 : memref<!tpu.dma_semaphore, #tpu.memory_space<semaphore_mem>>) src(%arg7 : memref<128x128xf32, #tpu.memory_space<vmem>>) dst(%dma_wait3A_59 : memref<10112x128xf32, #tpu.memory_space<vmem_shared>>)
      tpu.yield
    }) : () -> ()
    %add3A_11 = arith.constant 256 : i32
    %add3A_12 = arith.addi %multiple_of3A, %add3A_11 : i32
    "tpu.region"() ({
      %run_scoped3A_49 = tpu.sem_alloc : memref<!tpu.dma_semaphore, #tpu.memory_space<semaphore_mem>>
      %dma_start3A = arith.constant 0 : i32
      %dma_start3A_50 = tpu.memref_slice %arg2[%add3A_12, %dma_start3A] : memref<53248x128xf32, #tpu.memory_space<hbm>> -> memref<128x128xf32, #tpu.memory_space<hbm>>
      %dma_start3A_51 = arith.constant 0 : i32
      %dma_start3A_52 = tpu.memref_slice %arg2[%add3A_12, %dma_start3A_51] : memref<53248x128xf32, #tpu.memory_space<hbm>> -> memref<128x128xf32, #tpu.memory_space<hbm>>
      tpu.enqueue_dma source(%dma_start3A_52 : memref<128x128xf32, #tpu.memory_space<hbm>>) target(%arg7 : memref<128x128xf32, #tpu.memory_space<vmem>>) target_semaphore(%run_scoped3A_49 : memref<!tpu.dma_semaphore, #tpu.memory_space<semaphore_mem>>)
      %dma_wait3A = arith.constant 0 : i32
      %dma_wait3A_53 = tpu.memref_slice %arg2[%add3A_12, %dma_wait3A] : memref<53248x128xf32, #tpu.memory_space<hbm>> -> memref<128x128xf32, #tpu.memory_space<hbm>>
      %dma_wait3A_54 = arith.constant 0 : i32
      %dma_wait3A_55 = tpu.memref_slice %arg2[%add3A_12, %dma_wait3A_54] : memref<53248x128xf32, #tpu.memory_space<hbm>> -> memref<128x128xf32, #tpu.memory_space<hbm>>
      tpu.wait_dma2 semaphore(%run_scoped3A_49 : memref<!tpu.dma_semaphore, #tpu.memory_space<semaphore_mem>>) src(%dma_wait3A_55 : memref<128x128xf32, #tpu.memory_space<hbm>>) dst(%arg7 : memref<128x128xf32, #tpu.memory_space<vmem>>)
      tpu.yield
    }) : () -> ()
    %run_scoped3A_13 = arith.constant 2 : i32
    "tpu.region"() ({
      %run_scoped3A_49 = tpu.sem_alloc : memref<!tpu.dma_semaphore, #tpu.memory_space<semaphore_mem>>
      %dma_start3A = arith.constant 0 : i32
      %dma_start3A_50 = tpu.memref_slice %arg6[%run_scoped3A_13, %dma_start3A] : memref<13x128xi32, #tpu.memory_space<vmem>> -> memref<1x128xi32, #tpu.memory_space<vmem>>
      %dma_start3A_51 = tpu.memref_squeeze %dma_start3A_50 : memref<1x128xi32, #tpu.memory_space<vmem>> -> memref<128xi32, #tpu.memory_space<vmem>>
      %dma_start3A_52 = arith.constant 0 : i32
      %dma_start3A_53 = arith.constant 0 : i32
      %dma_start3A_54 = tpu.memref_slice %arg8[%dma_start3A_52, %dma_start3A_53] : memref<10112x128xf32, #tpu.memory_space<vmem_shared>> -> memref<10112x128xf32, #tpu.memory_space<vmem_shared>>
      tpu.enqueue_indirect_dma source(%arg7 : memref<128x128xf32, #tpu.memory_space<vmem>>) target(%dma_start3A_54 : memref<10112x128xf32, #tpu.memory_space<vmem_shared>>) offsets(%dma_start3A_51 : memref<128xi32, #tpu.memory_space<vmem>>) semaphore(%run_scoped3A_49 : memref<!tpu.dma_semaphore, #tpu.memory_space<semaphore_mem>>) {add = true}
      %dma_wait3A = arith.constant 0 : i32
      %dma_wait3A_55 = tpu.memref_slice %arg6[%run_scoped3A_13, %dma_wait3A] : memref<13x128xi32, #tpu.memory_space<vmem>> -> memref<1x128xi32, #tpu.memory_space<vmem>>
      %dma_wait3A_56 = tpu.memref_squeeze %dma_wait3A_55 : memref<1x128xi32, #tpu.memory_space<vmem>> -> memref<128xi32, #tpu.memory_space<vmem>>
      %dma_wait3A_57 = arith.constant 0 : i32
      %dma_wait3A_58 = arith.constant 0 : i32
      %dma_wait3A_59 = tpu.memref_slice %arg8[%dma_wait3A_57, %dma_wait3A_58] : memref<10112x128xf32, #tpu.memory_space<vmem_shared>> -> memref<10112x128xf32, #tpu.memory_space<vmem_shared>>
      tpu.wait_indirect_dma semaphore(%run_scoped3A_49 : memref<!tpu.dma_semaphore, #tpu.memory_space<semaphore_mem>>) src(%arg7 : memref<128x128xf32, #tpu.memory_space<vmem>>) dst(%dma_wait3A_59 : memref<10112x128xf32, #tpu.memory_space<vmem_shared>>)
      tpu.yield
    }) : () -> ()
    %add3A_14 = arith.constant 384 : i32
    %add3A_15 = arith.addi %multiple_of3A, %add3A_14 : i32
    "tpu.region"() ({
      %run_scoped3A_49 = tpu.sem_alloc : memref<!tpu.dma_semaphore, #tpu.memory_space<semaphore_mem>>
      %dma_start3A = arith.constant 0 : i32
      %dma_start3A_50 = tpu.memref_slice %arg2[%add3A_15, %dma_start3A] : memref<53248x128xf32, #tpu.memory_space<hbm>> -> memref<128x128xf32, #tpu.memory_space<hbm>>
      %dma_start3A_51 = arith.constant 0 : i32
      %dma_start3A_52 = tpu.memref_slice %arg2[%add3A_15, %dma_start3A_51] : memref<53248x128xf32, #tpu.memory_space<hbm>> -> memref<128x128xf32, #tpu.memory_space<hbm>>
      tpu.enqueue_dma source(%dma_start3A_52 : memref<128x128xf32, #tpu.memory_space<hbm>>) target(%arg7 : memref<128x128xf32, #tpu.memory_space<vmem>>) target_semaphore(%run_scoped3A_49 : memref<!tpu.dma_semaphore, #tpu.memory_space<semaphore_mem>>)
      %dma_wait3A = arith.constant 0 : i32
      %dma_wait3A_53 = tpu.memref_slice %arg2[%add3A_15, %dma_wait3A] : memref<53248x128xf32, #tpu.memory_space<hbm>> -> memref<128x128xf32, #tpu.memory_space<hbm>>
      %dma_wait3A_54 = arith.constant 0 : i32
      %dma_wait3A_55 = tpu.memref_slice %arg2[%add3A_15, %dma_wait3A_54] : memref<53248x128xf32, #tpu.memory_space<hbm>> -> memref<128x128xf32, #tpu.memory_space<hbm>>
      tpu.wait_dma2 semaphore(%run_scoped3A_49 : memref<!tpu.dma_semaphore, #tpu.memory_space<semaphore_mem>>) src(%dma_wait3A_55 : memref<128x128xf32, #tpu.memory_space<hbm>>) dst(%arg7 : memref<128x128xf32, #tpu.memory_space<vmem>>)
      tpu.yield
    }) : () -> ()
    %run_scoped3A_16 = arith.constant 3 : i32
    "tpu.region"() ({
      %run_scoped3A_49 = tpu.sem_alloc : memref<!tpu.dma_semaphore, #tpu.memory_space<semaphore_mem>>
      %dma_start3A = arith.constant 0 : i32
      %dma_start3A_50 = tpu.memref_slice %arg6[%run_scoped3A_16, %dma_start3A] : memref<13x128xi32, #tpu.memory_space<vmem>> -> memref<1x128xi32, #tpu.memory_space<vmem>>
      %dma_start3A_51 = tpu.memref_squeeze %dma_start3A_50 : memref<1x128xi32, #tpu.memory_space<vmem>> -> memref<128xi32, #tpu.memory_space<vmem>>
      %dma_start3A_52 = arith.constant 0 : i32
      %dma_start3A_53 = arith.constant 0 : i32
      %dma_start3A_54 = tpu.memref_slice %arg8[%dma_start3A_52, %dma_start3A_53] : memref<10112x128xf32, #tpu.memory_space<vmem_shared>> -> memref<10112x128xf32, #tpu.memory_space<vmem_shared>>
      tpu.enqueue_indirect_dma source(%arg7 : memref<128x128xf32, #tpu.memory_space<vmem>>) target(%dma_start3A_54 : memref<10112x128xf32, #tpu.memory_space<vmem_shared>>) offsets(%dma_start3A_51 : memref<128xi32, #tpu.memory_space<vmem>>) semaphore(%run_scoped3A_49 : memref<!tpu.dma_semaphore, #tpu.memory_space<semaphore_mem>>) {add = true}
      %dma_wait3A = arith.constant 0 : i32
      %dma_wait3A_55 = tpu.memref_slice %arg6[%run_scoped3A_16, %dma_wait3A] : memref<13x128xi32, #tpu.memory_space<vmem>> -> memref<1x128xi32, #tpu.memory_space<vmem>>
      %dma_wait3A_56 = tpu.memref_squeeze %dma_wait3A_55 : memref<1x128xi32, #tpu.memory_space<vmem>> -> memref<128xi32, #tpu.memory_space<vmem>>
      %dma_wait3A_57 = arith.constant 0 : i32
      %dma_wait3A_58 = arith.constant 0 : i32
      %dma_wait3A_59 = tpu.memref_slice %arg8[%dma_wait3A_57, %dma_wait3A_58] : memref<10112x128xf32, #tpu.memory_space<vmem_shared>> -> memref<10112x128xf32, #tpu.memory_space<vmem_shared>>
      tpu.wait_indirect_dma semaphore(%run_scoped3A_49 : memref<!tpu.dma_semaphore, #tpu.memory_space<semaphore_mem>>) src(%arg7 : memref<128x128xf32, #tpu.memory_space<vmem>>) dst(%dma_wait3A_59 : memref<10112x128xf32, #tpu.memory_space<vmem_shared>>)
      tpu.yield
    }) : () -> ()
    %add3A_17 = arith.constant 512 : i32
    %add3A_18 = arith.addi %multiple_of3A, %add3A_17 : i32
    "tpu.region"() ({
      %run_scoped3A_49 = tpu.sem_alloc : memref<!tpu.dma_semaphore, #tpu.memory_space<semaphore_mem>>
      %dma_start3A = arith.constant 0 : i32
      %dma_start3A_50 = tpu.memref_slice %arg2[%add3A_18, %dma_start3A] : memref<53248x128xf32, #tpu.memory_space<hbm>> -> memref<128x128xf32, #tpu.memory_space<hbm>>
      %dma_start3A_51 = arith.constant 0 : i32
      %dma_start3A_52 = tpu.memref_slice %arg2[%add3A_18, %dma_start3A_51] : memref<53248x128xf32, #tpu.memory_space<hbm>> -> memref<128x128xf32, #tpu.memory_space<hbm>>
      tpu.enqueue_dma source(%dma_start3A_52 : memref<128x128xf32, #tpu.memory_space<hbm>>) target(%arg7 : memref<128x128xf32, #tpu.memory_space<vmem>>) target_semaphore(%run_scoped3A_49 : memref<!tpu.dma_semaphore, #tpu.memory_space<semaphore_mem>>)
      %dma_wait3A = arith.constant 0 : i32
      %dma_wait3A_53 = tpu.memref_slice %arg2[%add3A_18, %dma_wait3A] : memref<53248x128xf32, #tpu.memory_space<hbm>> -> memref<128x128xf32, #tpu.memory_space<hbm>>
      %dma_wait3A_54 = arith.constant 0 : i32
      %dma_wait3A_55 = tpu.memref_slice %arg2[%add3A_18, %dma_wait3A_54] : memref<53248x128xf32, #tpu.memory_space<hbm>> -> memref<128x128xf32, #tpu.memory_space<hbm>>
      tpu.wait_dma2 semaphore(%run_scoped3A_49 : memref<!tpu.dma_semaphore, #tpu.memory_space<semaphore_mem>>) src(%dma_wait3A_55 : memref<128x128xf32, #tpu.memory_space<hbm>>) dst(%arg7 : memref<128x128xf32, #tpu.memory_space<vmem>>)
      tpu.yield
    }) : () -> ()
    %run_scoped3A_19 = arith.constant 4 : i32
    "tpu.region"() ({
      %run_scoped3A_49 = tpu.sem_alloc : memref<!tpu.dma_semaphore, #tpu.memory_space<semaphore_mem>>
      %dma_start3A = arith.constant 0 : i32
      %dma_start3A_50 = tpu.memref_slice %arg6[%run_scoped3A_19, %dma_start3A] : memref<13x128xi32, #tpu.memory_space<vmem>> -> memref<1x128xi32, #tpu.memory_space<vmem>>
      %dma_start3A_51 = tpu.memref_squeeze %dma_start3A_50 : memref<1x128xi32, #tpu.memory_space<vmem>> -> memref<128xi32, #tpu.memory_space<vmem>>
      %dma_start3A_52 = arith.constant 0 : i32
      %dma_start3A_53 = arith.constant 0 : i32
      %dma_start3A_54 = tpu.memref_slice %arg8[%dma_start3A_52, %dma_start3A_53] : memref<10112x128xf32, #tpu.memory_space<vmem_shared>> -> memref<10112x128xf32, #tpu.memory_space<vmem_shared>>
      tpu.enqueue_indirect_dma source(%arg7 : memref<128x128xf32, #tpu.memory_space<vmem>>) target(%dma_start3A_54 : memref<10112x128xf32, #tpu.memory_space<vmem_shared>>) offsets(%dma_start3A_51 : memref<128xi32, #tpu.memory_space<vmem>>) semaphore(%run_scoped3A_49 : memref<!tpu.dma_semaphore, #tpu.memory_space<semaphore_mem>>) {add = true}
      %dma_wait3A = arith.constant 0 : i32
      %dma_wait3A_55 = tpu.memref_slice %arg6[%run_scoped3A_19, %dma_wait3A] : memref<13x128xi32, #tpu.memory_space<vmem>> -> memref<1x128xi32, #tpu.memory_space<vmem>>
      %dma_wait3A_56 = tpu.memref_squeeze %dma_wait3A_55 : memref<1x128xi32, #tpu.memory_space<vmem>> -> memref<128xi32, #tpu.memory_space<vmem>>
      %dma_wait3A_57 = arith.constant 0 : i32
      %dma_wait3A_58 = arith.constant 0 : i32
      %dma_wait3A_59 = tpu.memref_slice %arg8[%dma_wait3A_57, %dma_wait3A_58] : memref<10112x128xf32, #tpu.memory_space<vmem_shared>> -> memref<10112x128xf32, #tpu.memory_space<vmem_shared>>
      tpu.wait_indirect_dma semaphore(%run_scoped3A_49 : memref<!tpu.dma_semaphore, #tpu.memory_space<semaphore_mem>>) src(%arg7 : memref<128x128xf32, #tpu.memory_space<vmem>>) dst(%dma_wait3A_59 : memref<10112x128xf32, #tpu.memory_space<vmem_shared>>)
      tpu.yield
    }) : () -> ()
    %add3A_20 = arith.constant 640 : i32
    %add3A_21 = arith.addi %multiple_of3A, %add3A_20 : i32
    "tpu.region"() ({
      %run_scoped3A_49 = tpu.sem_alloc : memref<!tpu.dma_semaphore, #tpu.memory_space<semaphore_mem>>
      %dma_start3A = arith.constant 0 : i32
      %dma_start3A_50 = tpu.memref_slice %arg2[%add3A_21, %dma_start3A] : memref<53248x128xf32, #tpu.memory_space<hbm>> -> memref<128x128xf32, #tpu.memory_space<hbm>>
      %dma_start3A_51 = arith.constant 0 : i32
      %dma_start3A_52 = tpu.memref_slice %arg2[%add3A_21, %dma_start3A_51] : memref<53248x128xf32, #tpu.memory_space<hbm>> -> memref<128x128xf32, #tpu.memory_space<hbm>>
      tpu.enqueue_dma source(%dma_start3A_52 : memref<128x128xf32, #tpu.memory_space<hbm>>) target(%arg7 : memref<128x128xf32, #tpu.memory_space<vmem>>) target_semaphore(%run_scoped3A_49 : memref<!tpu.dma_semaphore, #tpu.memory_space<semaphore_mem>>)
      %dma_wait3A = arith.constant 0 : i32
      %dma_wait3A_53 = tpu.memref_slice %arg2[%add3A_21, %dma_wait3A] : memref<53248x128xf32, #tpu.memory_space<hbm>> -> memref<128x128xf32, #tpu.memory_space<hbm>>
      %dma_wait3A_54 = arith.constant 0 : i32
      %dma_wait3A_55 = tpu.memref_slice %arg2[%add3A_21, %dma_wait3A_54] : memref<53248x128xf32, #tpu.memory_space<hbm>> -> memref<128x128xf32, #tpu.memory_space<hbm>>
      tpu.wait_dma2 semaphore(%run_scoped3A_49 : memref<!tpu.dma_semaphore, #tpu.memory_space<semaphore_mem>>) src(%dma_wait3A_55 : memref<128x128xf32, #tpu.memory_space<hbm>>) dst(%arg7 : memref<128x128xf32, #tpu.memory_space<vmem>>)
      tpu.yield
    }) : () -> ()
    %run_scoped3A_22 = arith.constant 5 : i32
    "tpu.region"() ({
      %run_scoped3A_49 = tpu.sem_alloc : memref<!tpu.dma_semaphore, #tpu.memory_space<semaphore_mem>>
      %dma_start3A = arith.constant 0 : i32
      %dma_start3A_50 = tpu.memref_slice %arg6[%run_scoped3A_22, %dma_start3A] : memref<13x128xi32, #tpu.memory_space<vmem>> -> memref<1x128xi32, #tpu.memory_space<vmem>>
      %dma_start3A_51 = tpu.memref_squeeze %dma_start3A_50 : memref<1x128xi32, #tpu.memory_space<vmem>> -> memref<128xi32, #tpu.memory_space<vmem>>
      %dma_start3A_52 = arith.constant 0 : i32
      %dma_start3A_53 = arith.constant 0 : i32
      %dma_start3A_54 = tpu.memref_slice %arg8[%dma_start3A_52, %dma_start3A_53] : memref<10112x128xf32, #tpu.memory_space<vmem_shared>> -> memref<10112x128xf32, #tpu.memory_space<vmem_shared>>
      tpu.enqueue_indirect_dma source(%arg7 : memref<128x128xf32, #tpu.memory_space<vmem>>) target(%dma_start3A_54 : memref<10112x128xf32, #tpu.memory_space<vmem_shared>>) offsets(%dma_start3A_51 : memref<128xi32, #tpu.memory_space<vmem>>) semaphore(%run_scoped3A_49 : memref<!tpu.dma_semaphore, #tpu.memory_space<semaphore_mem>>) {add = true}
      %dma_wait3A = arith.constant 0 : i32
      %dma_wait3A_55 = tpu.memref_slice %arg6[%run_scoped3A_22, %dma_wait3A] : memref<13x128xi32, #tpu.memory_space<vmem>> -> memref<1x128xi32, #tpu.memory_space<vmem>>
      %dma_wait3A_56 = tpu.memref_squeeze %dma_wait3A_55 : memref<1x128xi32, #tpu.memory_space<vmem>> -> memref<128xi32, #tpu.memory_space<vmem>>
      %dma_wait3A_57 = arith.constant 0 : i32
      %dma_wait3A_58 = arith.constant 0 : i32
      %dma_wait3A_59 = tpu.memref_slice %arg8[%dma_wait3A_57, %dma_wait3A_58] : memref<10112x128xf32, #tpu.memory_space<vmem_shared>> -> memref<10112x128xf32, #tpu.memory_space<vmem_shared>>
      tpu.wait_indirect_dma semaphore(%run_scoped3A_49 : memref<!tpu.dma_semaphore, #tpu.memory_space<semaphore_mem>>) src(%arg7 : memref<128x128xf32, #tpu.memory_space<vmem>>) dst(%dma_wait3A_59 : memref<10112x128xf32, #tpu.memory_space<vmem_shared>>)
      tpu.yield
    }) : () -> ()
    %add3A_23 = arith.constant 768 : i32
    %add3A_24 = arith.addi %multiple_of3A, %add3A_23 : i32
    "tpu.region"() ({
      %run_scoped3A_49 = tpu.sem_alloc : memref<!tpu.dma_semaphore, #tpu.memory_space<semaphore_mem>>
      %dma_start3A = arith.constant 0 : i32
      %dma_start3A_50 = tpu.memref_slice %arg2[%add3A_24, %dma_start3A] : memref<53248x128xf32, #tpu.memory_space<hbm>> -> memref<128x128xf32, #tpu.memory_space<hbm>>
      %dma_start3A_51 = arith.constant 0 : i32
      %dma_start3A_52 = tpu.memref_slice %arg2[%add3A_24, %dma_start3A_51] : memref<53248x128xf32, #tpu.memory_space<hbm>> -> memref<128x128xf32, #tpu.memory_space<hbm>>
      tpu.enqueue_dma source(%dma_start3A_52 : memref<128x128xf32, #tpu.memory_space<hbm>>) target(%arg7 : memref<128x128xf32, #tpu.memory_space<vmem>>) target_semaphore(%run_scoped3A_49 : memref<!tpu.dma_semaphore, #tpu.memory_space<semaphore_mem>>)
      %dma_wait3A = arith.constant 0 : i32
      %dma_wait3A_53 = tpu.memref_slice %arg2[%add3A_24, %dma_wait3A] : memref<53248x128xf32, #tpu.memory_space<hbm>> -> memref<128x128xf32, #tpu.memory_space<hbm>>
      %dma_wait3A_54 = arith.constant 0 : i32
      %dma_wait3A_55 = tpu.memref_slice %arg2[%add3A_24, %dma_wait3A_54] : memref<53248x128xf32, #tpu.memory_space<hbm>> -> memref<128x128xf32, #tpu.memory_space<hbm>>
      tpu.wait_dma2 semaphore(%run_scoped3A_49 : memref<!tpu.dma_semaphore, #tpu.memory_space<semaphore_mem>>) src(%dma_wait3A_55 : memref<128x128xf32, #tpu.memory_space<hbm>>) dst(%arg7 : memref<128x128xf32, #tpu.memory_space<vmem>>)
      tpu.yield
    }) : () -> ()
    %run_scoped3A_25 = arith.constant 6 : i32
    "tpu.region"() ({
      %run_scoped3A_49 = tpu.sem_alloc : memref<!tpu.dma_semaphore, #tpu.memory_space<semaphore_mem>>
      %dma_start3A = arith.constant 0 : i32
      %dma_start3A_50 = tpu.memref_slice %arg6[%run_scoped3A_25, %dma_start3A] : memref<13x128xi32, #tpu.memory_space<vmem>> -> memref<1x128xi32, #tpu.memory_space<vmem>>
      %dma_start3A_51 = tpu.memref_squeeze %dma_start3A_50 : memref<1x128xi32, #tpu.memory_space<vmem>> -> memref<128xi32, #tpu.memory_space<vmem>>
      %dma_start3A_52 = arith.constant 0 : i32
      %dma_start3A_53 = arith.constant 0 : i32
      %dma_start3A_54 = tpu.memref_slice %arg8[%dma_start3A_52, %dma_start3A_53] : memref<10112x128xf32, #tpu.memory_space<vmem_shared>> -> memref<10112x128xf32, #tpu.memory_space<vmem_shared>>
      tpu.enqueue_indirect_dma source(%arg7 : memref<128x128xf32, #tpu.memory_space<vmem>>) target(%dma_start3A_54 : memref<10112x128xf32, #tpu.memory_space<vmem_shared>>) offsets(%dma_start3A_51 : memref<128xi32, #tpu.memory_space<vmem>>) semaphore(%run_scoped3A_49 : memref<!tpu.dma_semaphore, #tpu.memory_space<semaphore_mem>>) {add = true}
      %dma_wait3A = arith.constant 0 : i32
      %dma_wait3A_55 = tpu.memref_slice %arg6[%run_scoped3A_25, %dma_wait3A] : memref<13x128xi32, #tpu.memory_space<vmem>> -> memref<1x128xi32, #tpu.memory_space<vmem>>
      %dma_wait3A_56 = tpu.memref_squeeze %dma_wait3A_55 : memref<1x128xi32, #tpu.memory_space<vmem>> -> memref<128xi32, #tpu.memory_space<vmem>>
      %dma_wait3A_57 = arith.constant 0 : i32
      %dma_wait3A_58 = arith.constant 0 : i32
      %dma_wait3A_59 = tpu.memref_slice %arg8[%dma_wait3A_57, %dma_wait3A_58] : memref<10112x128xf32, #tpu.memory_space<vmem_shared>> -> memref<10112x128xf32, #tpu.memory_space<vmem_shared>>
      tpu.wait_indirect_dma semaphore(%run_scoped3A_49 : memref<!tpu.dma_semaphore, #tpu.memory_space<semaphore_mem>>) src(%arg7 : memref<128x128xf32, #tpu.memory_space<vmem>>) dst(%dma_wait3A_59 : memref<10112x128xf32, #tpu.memory_space<vmem_shared>>)
      tpu.yield
    }) : () -> ()
    %add3A_26 = arith.constant 896 : i32
    %add3A_27 = arith.addi %multiple_of3A, %add3A_26 : i32
    "tpu.region"() ({
      %run_scoped3A_49 = tpu.sem_alloc : memref<!tpu.dma_semaphore, #tpu.memory_space<semaphore_mem>>
      %dma_start3A = arith.constant 0 : i32
      %dma_start3A_50 = tpu.memref_slice %arg2[%add3A_27, %dma_start3A] : memref<53248x128xf32, #tpu.memory_space<hbm>> -> memref<128x128xf32, #tpu.memory_space<hbm>>
      %dma_start3A_51 = arith.constant 0 : i32
      %dma_start3A_52 = tpu.memref_slice %arg2[%add3A_27, %dma_start3A_51] : memref<53248x128xf32, #tpu.memory_space<hbm>> -> memref<128x128xf32, #tpu.memory_space<hbm>>
      tpu.enqueue_dma source(%dma_start3A_52 : memref<128x128xf32, #tpu.memory_space<hbm>>) target(%arg7 : memref<128x128xf32, #tpu.memory_space<vmem>>) target_semaphore(%run_scoped3A_49 : memref<!tpu.dma_semaphore, #tpu.memory_space<semaphore_mem>>)
      %dma_wait3A = arith.constant 0 : i32
      %dma_wait3A_53 = tpu.memref_slice %arg2[%add3A_27, %dma_wait3A] : memref<53248x128xf32, #tpu.memory_space<hbm>> -> memref<128x128xf32, #tpu.memory_space<hbm>>
      %dma_wait3A_54 = arith.constant 0 : i32
      %dma_wait3A_55 = tpu.memref_slice %arg2[%add3A_27, %dma_wait3A_54] : memref<53248x128xf32, #tpu.memory_space<hbm>> -> memref<128x128xf32, #tpu.memory_space<hbm>>
      tpu.wait_dma2 semaphore(%run_scoped3A_49 : memref<!tpu.dma_semaphore, #tpu.memory_space<semaphore_mem>>) src(%dma_wait3A_55 : memref<128x128xf32, #tpu.memory_space<hbm>>) dst(%arg7 : memref<128x128xf32, #tpu.memory_space<vmem>>)
      tpu.yield
    }) : () -> ()
    %run_scoped3A_28 = arith.constant 7 : i32
    "tpu.region"() ({
      %run_scoped3A_49 = tpu.sem_alloc : memref<!tpu.dma_semaphore, #tpu.memory_space<semaphore_mem>>
      %dma_start3A = arith.constant 0 : i32
      %dma_start3A_50 = tpu.memref_slice %arg6[%run_scoped3A_28, %dma_start3A] : memref<13x128xi32, #tpu.memory_space<vmem>> -> memref<1x128xi32, #tpu.memory_space<vmem>>
      %dma_start3A_51 = tpu.memref_squeeze %dma_start3A_50 : memref<1x128xi32, #tpu.memory_space<vmem>> -> memref<128xi32, #tpu.memory_space<vmem>>
      %dma_start3A_52 = arith.constant 0 : i32
      %dma_start3A_53 = arith.constant 0 : i32
      %dma_start3A_54 = tpu.memref_slice %arg8[%dma_start3A_52, %dma_start3A_53] : memref<10112x128xf32, #tpu.memory_space<vmem_shared>> -> memref<10112x128xf32, #tpu.memory_space<vmem_shared>>
      tpu.enqueue_indirect_dma source(%arg7 : memref<128x128xf32, #tpu.memory_space<vmem>>) target(%dma_start3A_54 : memref<10112x128xf32, #tpu.memory_space<vmem_shared>>) offsets(%dma_start3A_51 : memref<128xi32, #tpu.memory_space<vmem>>) semaphore(%run_scoped3A_49 : memref<!tpu.dma_semaphore, #tpu.memory_space<semaphore_mem>>) {add = true}
      %dma_wait3A = arith.constant 0 : i32
      %dma_wait3A_55 = tpu.memref_slice %arg6[%run_scoped3A_28, %dma_wait3A] : memref<13x128xi32, #tpu.memory_space<vmem>> -> memref<1x128xi32, #tpu.memory_space<vmem>>
      %dma_wait3A_56 = tpu.memref_squeeze %dma_wait3A_55 : memref<1x128xi32, #tpu.memory_space<vmem>> -> memref<128xi32, #tpu.memory_space<vmem>>
      %dma_wait3A_57 = arith.constant 0 : i32
      %dma_wait3A_58 = arith.constant 0 : i32
      %dma_wait3A_59 = tpu.memref_slice %arg8[%dma_wait3A_57, %dma_wait3A_58] : memref<10112x128xf32, #tpu.memory_space<vmem_shared>> -> memref<10112x128xf32, #tpu.memory_space<vmem_shared>>
      tpu.wait_indirect_dma semaphore(%run_scoped3A_49 : memref<!tpu.dma_semaphore, #tpu.memory_space<semaphore_mem>>) src(%arg7 : memref<128x128xf32, #tpu.memory_space<vmem>>) dst(%dma_wait3A_59 : memref<10112x128xf32, #tpu.memory_space<vmem_shared>>)
      tpu.yield
    }) : () -> ()
    %add3A_29 = arith.constant 1024 : i32
    %add3A_30 = arith.addi %multiple_of3A, %add3A_29 : i32
    "tpu.region"() ({
      %run_scoped3A_49 = tpu.sem_alloc : memref<!tpu.dma_semaphore, #tpu.memory_space<semaphore_mem>>
      %dma_start3A = arith.constant 0 : i32
      %dma_start3A_50 = tpu.memref_slice %arg2[%add3A_30, %dma_start3A] : memref<53248x128xf32, #tpu.memory_space<hbm>> -> memref<128x128xf32, #tpu.memory_space<hbm>>
      %dma_start3A_51 = arith.constant 0 : i32
      %dma_start3A_52 = tpu.memref_slice %arg2[%add3A_30, %dma_start3A_51] : memref<53248x128xf32, #tpu.memory_space<hbm>> -> memref<128x128xf32, #tpu.memory_space<hbm>>
      tpu.enqueue_dma source(%dma_start3A_52 : memref<128x128xf32, #tpu.memory_space<hbm>>) target(%arg7 : memref<128x128xf32, #tpu.memory_space<vmem>>) target_semaphore(%run_scoped3A_49 : memref<!tpu.dma_semaphore, #tpu.memory_space<semaphore_mem>>)
      %dma_wait3A = arith.constant 0 : i32
      %dma_wait3A_53 = tpu.memref_slice %arg2[%add3A_30, %dma_wait3A] : memref<53248x128xf32, #tpu.memory_space<hbm>> -> memref<128x128xf32, #tpu.memory_space<hbm>>
      %dma_wait3A_54 = arith.constant 0 : i32
      %dma_wait3A_55 = tpu.memref_slice %arg2[%add3A_30, %dma_wait3A_54] : memref<53248x128xf32, #tpu.memory_space<hbm>> -> memref<128x128xf32, #tpu.memory_space<hbm>>
      tpu.wait_dma2 semaphore(%run_scoped3A_49 : memref<!tpu.dma_semaphore, #tpu.memory_space<semaphore_mem>>) src(%dma_wait3A_55 : memref<128x128xf32, #tpu.memory_space<hbm>>) dst(%arg7 : memref<128x128xf32, #tpu.memory_space<vmem>>)
      tpu.yield
    }) : () -> ()
    %run_scoped3A_31 = arith.constant 8 : i32
    "tpu.region"() ({
      %run_scoped3A_49 = tpu.sem_alloc : memref<!tpu.dma_semaphore, #tpu.memory_space<semaphore_mem>>
      %dma_start3A = arith.constant 0 : i32
      %dma_start3A_50 = tpu.memref_slice %arg6[%run_scoped3A_31, %dma_start3A] : memref<13x128xi32, #tpu.memory_space<vmem>> -> memref<1x128xi32, #tpu.memory_space<vmem>>
      %dma_start3A_51 = tpu.memref_squeeze %dma_start3A_50 : memref<1x128xi32, #tpu.memory_space<vmem>> -> memref<128xi32, #tpu.memory_space<vmem>>
      %dma_start3A_52 = arith.constant 0 : i32
      %dma_start3A_53 = arith.constant 0 : i32
      %dma_start3A_54 = tpu.memref_slice %arg8[%dma_start3A_52, %dma_start3A_53] : memref<10112x128xf32, #tpu.memory_space<vmem_shared>> -> memref<10112x128xf32, #tpu.memory_space<vmem_shared>>
      tpu.enqueue_indirect_dma source(%arg7 : memref<128x128xf32, #tpu.memory_space<vmem>>) target(%dma_start3A_54 : memref<10112x128xf32, #tpu.memory_space<vmem_shared>>) offsets(%dma_start3A_51 : memref<128xi32, #tpu.memory_space<vmem>>) semaphore(%run_scoped3A_49 : memref<!tpu.dma_semaphore, #tpu.memory_space<semaphore_mem>>) {add = true}
      %dma_wait3A = arith.constant 0 : i32
      %dma_wait3A_55 = tpu.memref_slice %arg6[%run_scoped3A_31, %dma_wait3A] : memref<13x128xi32, #tpu.memory_space<vmem>> -> memref<1x128xi32, #tpu.memory_space<vmem>>
      %dma_wait3A_56 = tpu.memref_squeeze %dma_wait3A_55 : memref<1x128xi32, #tpu.memory_space<vmem>> -> memref<128xi32, #tpu.memory_space<vmem>>
      %dma_wait3A_57 = arith.constant 0 : i32
      %dma_wait3A_58 = arith.constant 0 : i32
      %dma_wait3A_59 = tpu.memref_slice %arg8[%dma_wait3A_57, %dma_wait3A_58] : memref<10112x128xf32, #tpu.memory_space<vmem_shared>> -> memref<10112x128xf32, #tpu.memory_space<vmem_shared>>
      tpu.wait_indirect_dma semaphore(%run_scoped3A_49 : memref<!tpu.dma_semaphore, #tpu.memory_space<semaphore_mem>>) src(%arg7 : memref<128x128xf32, #tpu.memory_space<vmem>>) dst(%dma_wait3A_59 : memref<10112x128xf32, #tpu.memory_space<vmem_shared>>)
      tpu.yield
    }) : () -> ()
    %add3A_32 = arith.constant 1152 : i32
    %add3A_33 = arith.addi %multiple_of3A, %add3A_32 : i32
    "tpu.region"() ({
      %run_scoped3A_49 = tpu.sem_alloc : memref<!tpu.dma_semaphore, #tpu.memory_space<semaphore_mem>>
      %dma_start3A = arith.constant 0 : i32
      %dma_start3A_50 = tpu.memref_slice %arg2[%add3A_33, %dma_start3A] : memref<53248x128xf32, #tpu.memory_space<hbm>> -> memref<128x128xf32, #tpu.memory_space<hbm>>
      %dma_start3A_51 = arith.constant 0 : i32
      %dma_start3A_52 = tpu.memref_slice %arg2[%add3A_33, %dma_start3A_51] : memref<53248x128xf32, #tpu.memory_space<hbm>> -> memref<128x128xf32, #tpu.memory_space<hbm>>
      tpu.enqueue_dma source(%dma_start3A_52 : memref<128x128xf32, #tpu.memory_space<hbm>>) target(%arg7 : memref<128x128xf32, #tpu.memory_space<vmem>>) target_semaphore(%run_scoped3A_49 : memref<!tpu.dma_semaphore, #tpu.memory_space<semaphore_mem>>)
      %dma_wait3A = arith.constant 0 : i32
      %dma_wait3A_53 = tpu.memref_slice %arg2[%add3A_33, %dma_wait3A] : memref<53248x128xf32, #tpu.memory_space<hbm>> -> memref<128x128xf32, #tpu.memory_space<hbm>>
      %dma_wait3A_54 = arith.constant 0 : i32
      %dma_wait3A_55 = tpu.memref_slice %arg2[%add3A_33, %dma_wait3A_54] : memref<53248x128xf32, #tpu.memory_space<hbm>> -> memref<128x128xf32, #tpu.memory_space<hbm>>
      tpu.wait_dma2 semaphore(%run_scoped3A_49 : memref<!tpu.dma_semaphore, #tpu.memory_space<semaphore_mem>>) src(%dma_wait3A_55 : memref<128x128xf32, #tpu.memory_space<hbm>>) dst(%arg7 : memref<128x128xf32, #tpu.memory_space<vmem>>)
      tpu.yield
    }) : () -> ()
    %run_scoped3A_34 = arith.constant 9 : i32
    "tpu.region"() ({
      %run_scoped3A_49 = tpu.sem_alloc : memref<!tpu.dma_semaphore, #tpu.memory_space<semaphore_mem>>
      %dma_start3A = arith.constant 0 : i32
      %dma_start3A_50 = tpu.memref_slice %arg6[%run_scoped3A_34, %dma_start3A] : memref<13x128xi32, #tpu.memory_space<vmem>> -> memref<1x128xi32, #tpu.memory_space<vmem>>
      %dma_start3A_51 = tpu.memref_squeeze %dma_start3A_50 : memref<1x128xi32, #tpu.memory_space<vmem>> -> memref<128xi32, #tpu.memory_space<vmem>>
      %dma_start3A_52 = arith.constant 0 : i32
      %dma_start3A_53 = arith.constant 0 : i32
      %dma_start3A_54 = tpu.memref_slice %arg8[%dma_start3A_52, %dma_start3A_53] : memref<10112x128xf32, #tpu.memory_space<vmem_shared>> -> memref<10112x128xf32, #tpu.memory_space<vmem_shared>>
      tpu.enqueue_indirect_dma source(%arg7 : memref<128x128xf32, #tpu.memory_space<vmem>>) target(%dma_start3A_54 : memref<10112x128xf32, #tpu.memory_space<vmem_shared>>) offsets(%dma_start3A_51 : memref<128xi32, #tpu.memory_space<vmem>>) semaphore(%run_scoped3A_49 : memref<!tpu.dma_semaphore, #tpu.memory_space<semaphore_mem>>) {add = true}
      %dma_wait3A = arith.constant 0 : i32
      %dma_wait3A_55 = tpu.memref_slice %arg6[%run_scoped3A_34, %dma_wait3A] : memref<13x128xi32, #tpu.memory_space<vmem>> -> memref<1x128xi32, #tpu.memory_space<vmem>>
      %dma_wait3A_56 = tpu.memref_squeeze %dma_wait3A_55 : memref<1x128xi32, #tpu.memory_space<vmem>> -> memref<128xi32, #tpu.memory_space<vmem>>
      %dma_wait3A_57 = arith.constant 0 : i32
      %dma_wait3A_58 = arith.constant 0 : i32
      %dma_wait3A_59 = tpu.memref_slice %arg8[%dma_wait3A_57, %dma_wait3A_58] : memref<10112x128xf32, #tpu.memory_space<vmem_shared>> -> memref<10112x128xf32, #tpu.memory_space<vmem_shared>>
      tpu.wait_indirect_dma semaphore(%run_scoped3A_49 : memref<!tpu.dma_semaphore, #tpu.memory_space<semaphore_mem>>) src(%arg7 : memref<128x128xf32, #tpu.memory_space<vmem>>) dst(%dma_wait3A_59 : memref<10112x128xf32, #tpu.memory_space<vmem_shared>>)
      tpu.yield
    }) : () -> ()
    %add3A_35 = arith.constant 1280 : i32
    %add3A_36 = arith.addi %multiple_of3A, %add3A_35 : i32
    "tpu.region"() ({
      %run_scoped3A_49 = tpu.sem_alloc : memref<!tpu.dma_semaphore, #tpu.memory_space<semaphore_mem>>
      %dma_start3A = arith.constant 0 : i32
      %dma_start3A_50 = tpu.memref_slice %arg2[%add3A_36, %dma_start3A] : memref<53248x128xf32, #tpu.memory_space<hbm>> -> memref<128x128xf32, #tpu.memory_space<hbm>>
      %dma_start3A_51 = arith.constant 0 : i32
      %dma_start3A_52 = tpu.memref_slice %arg2[%add3A_36, %dma_start3A_51] : memref<53248x128xf32, #tpu.memory_space<hbm>> -> memref<128x128xf32, #tpu.memory_space<hbm>>
      tpu.enqueue_dma source(%dma_start3A_52 : memref<128x128xf32, #tpu.memory_space<hbm>>) target(%arg7 : memref<128x128xf32, #tpu.memory_space<vmem>>) target_semaphore(%run_scoped3A_49 : memref<!tpu.dma_semaphore, #tpu.memory_space<semaphore_mem>>)
      %dma_wait3A = arith.constant 0 : i32
      %dma_wait3A_53 = tpu.memref_slice %arg2[%add3A_36, %dma_wait3A] : memref<53248x128xf32, #tpu.memory_space<hbm>> -> memref<128x128xf32, #tpu.memory_space<hbm>>
      %dma_wait3A_54 = arith.constant 0 : i32
      %dma_wait3A_55 = tpu.memref_slice %arg2[%add3A_36, %dma_wait3A_54] : memref<53248x128xf32, #tpu.memory_space<hbm>> -> memref<128x128xf32, #tpu.memory_space<hbm>>
      tpu.wait_dma2 semaphore(%run_scoped3A_49 : memref<!tpu.dma_semaphore, #tpu.memory_space<semaphore_mem>>) src(%dma_wait3A_55 : memref<128x128xf32, #tpu.memory_space<hbm>>) dst(%arg7 : memref<128x128xf32, #tpu.memory_space<vmem>>)
      tpu.yield
    }) : () -> ()
    %run_scoped3A_37 = arith.constant 10 : i32
    "tpu.region"() ({
      %run_scoped3A_49 = tpu.sem_alloc : memref<!tpu.dma_semaphore, #tpu.memory_space<semaphore_mem>>
      %dma_start3A = arith.constant 0 : i32
      %dma_start3A_50 = tpu.memref_slice %arg6[%run_scoped3A_37, %dma_start3A] : memref<13x128xi32, #tpu.memory_space<vmem>> -> memref<1x128xi32, #tpu.memory_space<vmem>>
      %dma_start3A_51 = tpu.memref_squeeze %dma_start3A_50 : memref<1x128xi32, #tpu.memory_space<vmem>> -> memref<128xi32, #tpu.memory_space<vmem>>
      %dma_start3A_52 = arith.constant 0 : i32
      %dma_start3A_53 = arith.constant 0 : i32
      %dma_start3A_54 = tpu.memref_slice %arg8[%dma_start3A_52, %dma_start3A_53] : memref<10112x128xf32, #tpu.memory_space<vmem_shared>> -> memref<10112x128xf32, #tpu.memory_space<vmem_shared>>
      tpu.enqueue_indirect_dma source(%arg7 : memref<128x128xf32, #tpu.memory_space<vmem>>) target(%dma_start3A_54 : memref<10112x128xf32, #tpu.memory_space<vmem_shared>>) offsets(%dma_start3A_51 : memref<128xi32, #tpu.memory_space<vmem>>) semaphore(%run_scoped3A_49 : memref<!tpu.dma_semaphore, #tpu.memory_space<semaphore_mem>>) {add = true}
      %dma_wait3A = arith.constant 0 : i32
      %dma_wait3A_55 = tpu.memref_slice %arg6[%run_scoped3A_37, %dma_wait3A] : memref<13x128xi32, #tpu.memory_space<vmem>> -> memref<1x128xi32, #tpu.memory_space<vmem>>
      %dma_wait3A_56 = tpu.memref_squeeze %dma_wait3A_55 : memref<1x128xi32, #tpu.memory_space<vmem>> -> memref<128xi32, #tpu.memory_space<vmem>>
      %dma_wait3A_57 = arith.constant 0 : i32
      %dma_wait3A_58 = arith.constant 0 : i32
      %dma_wait3A_59 = tpu.memref_slice %arg8[%dma_wait3A_57, %dma_wait3A_58] : memref<10112x128xf32, #tpu.memory_space<vmem_shared>> -> memref<10112x128xf32, #tpu.memory_space<vmem_shared>>
      tpu.wait_indirect_dma semaphore(%run_scoped3A_49 : memref<!tpu.dma_semaphore, #tpu.memory_space<semaphore_mem>>) src(%arg7 : memref<128x128xf32, #tpu.memory_space<vmem>>) dst(%dma_wait3A_59 : memref<10112x128xf32, #tpu.memory_space<vmem_shared>>)
      tpu.yield
    }) : () -> ()
    %add3A_38 = arith.constant 1408 : i32
    %add3A_39 = arith.addi %multiple_of3A, %add3A_38 : i32
    "tpu.region"() ({
      %run_scoped3A_49 = tpu.sem_alloc : memref<!tpu.dma_semaphore, #tpu.memory_space<semaphore_mem>>
      %dma_start3A = arith.constant 0 : i32
      %dma_start3A_50 = tpu.memref_slice %arg2[%add3A_39, %dma_start3A] : memref<53248x128xf32, #tpu.memory_space<hbm>> -> memref<128x128xf32, #tpu.memory_space<hbm>>
      %dma_start3A_51 = arith.constant 0 : i32
      %dma_start3A_52 = tpu.memref_slice %arg2[%add3A_39, %dma_start3A_51] : memref<53248x128xf32, #tpu.memory_space<hbm>> -> memref<128x128xf32, #tpu.memory_space<hbm>>
      tpu.enqueue_dma source(%dma_start3A_52 : memref<128x128xf32, #tpu.memory_space<hbm>>) target(%arg7 : memref<128x128xf32, #tpu.memory_space<vmem>>) target_semaphore(%run_scoped3A_49 : memref<!tpu.dma_semaphore, #tpu.memory_space<semaphore_mem>>)
      %dma_wait3A = arith.constant 0 : i32
      %dma_wait3A_53 = tpu.memref_slice %arg2[%add3A_39, %dma_wait3A] : memref<53248x128xf32, #tpu.memory_space<hbm>> -> memref<128x128xf32, #tpu.memory_space<hbm>>
      %dma_wait3A_54 = arith.constant 0 : i32
      %dma_wait3A_55 = tpu.memref_slice %arg2[%add3A_39, %dma_wait3A_54] : memref<53248x128xf32, #tpu.memory_space<hbm>> -> memref<128x128xf32, #tpu.memory_space<hbm>>
      tpu.wait_dma2 semaphore(%run_scoped3A_49 : memref<!tpu.dma_semaphore, #tpu.memory_space<semaphore_mem>>) src(%dma_wait3A_55 : memref<128x128xf32, #tpu.memory_space<hbm>>) dst(%arg7 : memref<128x128xf32, #tpu.memory_space<vmem>>)
      tpu.yield
    }) : () -> ()
    %run_scoped3A_40 = arith.constant 11 : i32
    "tpu.region"() ({
      %run_scoped3A_49 = tpu.sem_alloc : memref<!tpu.dma_semaphore, #tpu.memory_space<semaphore_mem>>
      %dma_start3A = arith.constant 0 : i32
      %dma_start3A_50 = tpu.memref_slice %arg6[%run_scoped3A_40, %dma_start3A] : memref<13x128xi32, #tpu.memory_space<vmem>> -> memref<1x128xi32, #tpu.memory_space<vmem>>
      %dma_start3A_51 = tpu.memref_squeeze %dma_start3A_50 : memref<1x128xi32, #tpu.memory_space<vmem>> -> memref<128xi32, #tpu.memory_space<vmem>>
      %dma_start3A_52 = arith.constant 0 : i32
      %dma_start3A_53 = arith.constant 0 : i32
      %dma_start3A_54 = tpu.memref_slice %arg8[%dma_start3A_52, %dma_start3A_53] : memref<10112x128xf32, #tpu.memory_space<vmem_shared>> -> memref<10112x128xf32, #tpu.memory_space<vmem_shared>>
      tpu.enqueue_indirect_dma source(%arg7 : memref<128x128xf32, #tpu.memory_space<vmem>>) target(%dma_start3A_54 : memref<10112x128xf32, #tpu.memory_space<vmem_shared>>) offsets(%dma_start3A_51 : memref<128xi32, #tpu.memory_space<vmem>>) semaphore(%run_scoped3A_49 : memref<!tpu.dma_semaphore, #tpu.memory_space<semaphore_mem>>) {add = true}
      %dma_wait3A = arith.constant 0 : i32
      %dma_wait3A_55 = tpu.memref_slice %arg6[%run_scoped3A_40, %dma_wait3A] : memref<13x128xi32, #tpu.memory_space<vmem>> -> memref<1x128xi32, #tpu.memory_space<vmem>>
      %dma_wait3A_56 = tpu.memref_squeeze %dma_wait3A_55 : memref<1x128xi32, #tpu.memory_space<vmem>> -> memref<128xi32, #tpu.memory_space<vmem>>
      %dma_wait3A_57 = arith.constant 0 : i32
      %dma_wait3A_58 = arith.constant 0 : i32
      %dma_wait3A_59 = tpu.memref_slice %arg8[%dma_wait3A_57, %dma_wait3A_58] : memref<10112x128xf32, #tpu.memory_space<vmem_shared>> -> memref<10112x128xf32, #tpu.memory_space<vmem_shared>>
      tpu.wait_indirect_dma semaphore(%run_scoped3A_49 : memref<!tpu.dma_semaphore, #tpu.memory_space<semaphore_mem>>) src(%arg7 : memref<128x128xf32, #tpu.memory_space<vmem>>) dst(%dma_wait3A_59 : memref<10112x128xf32, #tpu.memory_space<vmem_shared>>)
      tpu.yield
    }) : () -> ()
    %add3A_41 = arith.constant 1536 : i32
    %add3A_42 = arith.addi %multiple_of3A, %add3A_41 : i32
    "tpu.region"() ({
      %run_scoped3A_49 = tpu.sem_alloc : memref<!tpu.dma_semaphore, #tpu.memory_space<semaphore_mem>>
      %dma_start3A = arith.constant 0 : i32
      %dma_start3A_50 = tpu.memref_slice %arg2[%add3A_42, %dma_start3A] : memref<53248x128xf32, #tpu.memory_space<hbm>> -> memref<128x128xf32, #tpu.memory_space<hbm>>
      %dma_start3A_51 = arith.constant 0 : i32
      %dma_start3A_52 = tpu.memref_slice %arg2[%add3A_42, %dma_start3A_51] : memref<53248x128xf32, #tpu.memory_space<hbm>> -> memref<128x128xf32, #tpu.memory_space<hbm>>
      tpu.enqueue_dma source(%dma_start3A_52 : memref<128x128xf32, #tpu.memory_space<hbm>>) target(%arg7 : memref<128x128xf32, #tpu.memory_space<vmem>>) target_semaphore(%run_scoped3A_49 : memref<!tpu.dma_semaphore, #tpu.memory_space<semaphore_mem>>)
      %dma_wait3A = arith.constant 0 : i32
      %dma_wait3A_53 = tpu.memref_slice %arg2[%add3A_42, %dma_wait3A] : memref<53248x128xf32, #tpu.memory_space<hbm>> -> memref<128x128xf32, #tpu.memory_space<hbm>>
      %dma_wait3A_54 = arith.constant 0 : i32
      %dma_wait3A_55 = tpu.memref_slice %arg2[%add3A_42, %dma_wait3A_54] : memref<53248x128xf32, #tpu.memory_space<hbm>> -> memref<128x128xf32, #tpu.memory_space<hbm>>
      tpu.wait_dma2 semaphore(%run_scoped3A_49 : memref<!tpu.dma_semaphore, #tpu.memory_space<semaphore_mem>>) src(%dma_wait3A_55 : memref<128x128xf32, #tpu.memory_space<hbm>>) dst(%arg7 : memref<128x128xf32, #tpu.memory_space<vmem>>)
      tpu.yield
    }) : () -> ()
    %run_scoped3A_43 = arith.constant 12 : i32
    "tpu.region"() ({
      %run_scoped3A_49 = tpu.sem_alloc : memref<!tpu.dma_semaphore, #tpu.memory_space<semaphore_mem>>
      %dma_start3A = arith.constant 0 : i32
      %dma_start3A_50 = tpu.memref_slice %arg6[%run_scoped3A_43, %dma_start3A] : memref<13x128xi32, #tpu.memory_space<vmem>> -> memref<1x128xi32, #tpu.memory_space<vmem>>
      %dma_start3A_51 = tpu.memref_squeeze %dma_start3A_50 : memref<1x128xi32, #tpu.memory_space<vmem>> -> memref<128xi32, #tpu.memory_space<vmem>>
      %dma_start3A_52 = arith.constant 0 : i32
      %dma_start3A_53 = arith.constant 0 : i32
      %dma_start3A_54 = tpu.memref_slice %arg8[%dma_start3A_52, %dma_start3A_53] : memref<10112x128xf32, #tpu.memory_space<vmem_shared>> -> memref<10112x128xf32, #tpu.memory_space<vmem_shared>>
      tpu.enqueue_indirect_dma source(%arg7 : memref<128x128xf32, #tpu.memory_space<vmem>>) target(%dma_start3A_54 : memref<10112x128xf32, #tpu.memory_space<vmem_shared>>) offsets(%dma_start3A_51 : memref<128xi32, #tpu.memory_space<vmem>>) semaphore(%run_scoped3A_49 : memref<!tpu.dma_semaphore, #tpu.memory_space<semaphore_mem>>) {add = true}
      %dma_wait3A = arith.constant 0 : i32
      %dma_wait3A_55 = tpu.memref_slice %arg6[%run_scoped3A_43, %dma_wait3A] : memref<13x128xi32, #tpu.memory_space<vmem>> -> memref<1x128xi32, #tpu.memory_space<vmem>>
      %dma_wait3A_56 = tpu.memref_squeeze %dma_wait3A_55 : memref<1x128xi32, #tpu.memory_space<vmem>> -> memref<128xi32, #tpu.memory_space<vmem>>
      %dma_wait3A_57 = arith.constant 0 : i32
      %dma_wait3A_58 = arith.constant 0 : i32
      %dma_wait3A_59 = tpu.memref_slice %arg8[%dma_wait3A_57, %dma_wait3A_58] : memref<10112x128xf32, #tpu.memory_space<vmem_shared>> -> memref<10112x128xf32, #tpu.memory_space<vmem_shared>>
      tpu.wait_indirect_dma semaphore(%run_scoped3A_49 : memref<!tpu.dma_semaphore, #tpu.memory_space<semaphore_mem>>) src(%arg7 : memref<128x128xf32, #tpu.memory_space<vmem>>) dst(%dma_wait3A_59 : memref<10112x128xf32, #tpu.memory_space<vmem_shared>>)
      tpu.yield
    }) : () -> ()
    %barrier3A_44 = arith.constant 0 : index
    tpu.barrier barrier_id(%barrier3A_44)
    %mul3A_45 = arith.constant 10112 : i32
    %mul3A_46 = arith.muli %arg0, %mul3A_45 : i32
    %add3A_47 = arith.addi %mul3A_46, %multiple_of3A_5 : i32
    %multiple_of3A_48 = tpu.assume_multiple %add3A_47, 8 : i32
    "tpu.region"() ({
      %run_scoped3A_49 = tpu.sem_alloc : memref<!tpu.dma_semaphore, #tpu.memory_space<semaphore_mem>>
      %dma_start3A = arith.constant 0 : i32
      %dma_start3A_50 = tpu.memref_slice %arg5[%multiple_of3A_48, %dma_start3A] : memref<20224x128xf32, #tpu.memory_space<hbm>> -> memref<632x128xf32, #tpu.memory_space<hbm>>
      %dma_start3A_51 = arith.constant 0 : i32
      %dma_start3A_52 = tpu.memref_slice %arg8[%multiple_of3A_5, %dma_start3A_51] : memref<10112x128xf32, #tpu.memory_space<vmem_shared>> -> memref<632x128xf32, #tpu.memory_space<vmem_shared>>
      tpu.enqueue_dma source(%dma_start3A_52 : memref<632x128xf32, #tpu.memory_space<vmem_shared>>) target(%dma_start3A_50 : memref<632x128xf32, #tpu.memory_space<hbm>>) target_semaphore(%run_scoped3A_49 : memref<!tpu.dma_semaphore, #tpu.memory_space<semaphore_mem>>)
      %dma_wait3A = arith.constant 0 : i32
      %dma_wait3A_53 = tpu.memref_slice %arg5[%multiple_of3A_48, %dma_wait3A] : memref<20224x128xf32, #tpu.memory_space<hbm>> -> memref<632x128xf32, #tpu.memory_space<hbm>>
      %dma_wait3A_54 = arith.constant 0 : i32
      %dma_wait3A_55 = tpu.memref_slice %arg8[%multiple_of3A_5, %dma_wait3A_54] : memref<10112x128xf32, #tpu.memory_space<vmem_shared>> -> memref<632x128xf32, #tpu.memory_space<vmem_shared>>
      tpu.wait_dma2 semaphore(%run_scoped3A_49 : memref<!tpu.dma_semaphore, #tpu.memory_space<semaphore_mem>>) src(%dma_wait3A_55 : memref<632x128xf32, #tpu.memory_space<vmem_shared>>) dst(%dma_wait3A_53 : memref<632x128xf32, #tpu.memory_space<hbm>>)
      tpu.yield
    }) : () -> ()
    return
  }
}

#map = affine_map<(d0, d1) -> (0, 0)>
#map1 = affine_map<(d0, d1) -> (0, 0, 0)>
module attributes {stable_mosaic.version = 14 : i64} {
  func.func @kern(%arg0: i32, %arg1: i32, %arg2: memref<53248x128xf32, #tpu.memory_space<hbm>>, %arg3: memref<53248x128xf32, #tpu.memory_space<hbm>>, %arg4: memref<32x13x128xi32, #tpu.memory_space<hbm>>, %arg5: memref<10112x128xf32, #tpu.memory_space<hbm>>, %arg6: memref<20224x128xf32, #tpu.memory_space<hbm>>, %arg7: memref<20224x128xf32, #tpu.memory_space<hbm>>, %arg8: memref<13x128xi32, #tpu.memory_space<vmem>>, %arg9: memref<128x128xf32, #tpu.memory_space<vmem>>, %arg10: memref<10112x128xf32, #tpu.memory_space<vmem_shared>>, %arg11: memref<128x32xf32, #tpu.memory_space<vmem>>, %arg12: memref<10112x32xf32, #tpu.memory_space<vmem_shared>>) attributes {dimension_semantics = [#tpu.dimension_semantics<core_parallel>, #tpu.dimension_semantics<subcore_parallel>], iteration_bounds = array<i64: 2, 16>, scalar_prefetch = 0 : i64, scratch_operands = 5 : i64, tpu.core_type = #tpu.core_type<sc_vector_subcore>, window_params = [{transform_indices = #map}, {transform_indices = #map}, {transform_indices = #map1}, {transform_indices = #map}, {transform_indices = #map}, {transform_indices = #map}]} {
    %mul3A = arith.constant 2 : i32
    %mul3A_0 = arith.muli %arg1, %mul3A : i32
    %add3A = arith.addi %mul3A_0, %arg0 : i32
    %mul3A_1 = arith.constant 1664 : i32
    %mul3A_2 = arith.muli %add3A, %mul3A_1 : i32
    %multiple_of3A = tpu.assume_multiple %mul3A_2, 128 : i32
    %mul3A_3 = arith.constant 632 : i32
    %mul3A_4 = arith.muli %arg1, %mul3A_3 : i32
    %multiple_of3A_5 = tpu.assume_multiple %mul3A_4, 8 : i32
    "tpu.region"() ({
      %run_scoped3A_88 = tpu.sem_alloc : memref<!tpu.dma_semaphore, #tpu.memory_space<semaphore_mem>>
      %dma_start3A = arith.constant 0 : i32
      %dma_start3A_89 = arith.constant 0 : i32
      %dma_start3A_90 = tpu.memref_slice %arg4[%add3A, %dma_start3A, %dma_start3A_89] : memref<32x13x128xi32, #tpu.memory_space<hbm>> -> memref<1x13x128xi32, #tpu.memory_space<hbm>>
      %dma_start3A_91 = tpu.memref_squeeze %dma_start3A_90 : memref<1x13x128xi32, #tpu.memory_space<hbm>> -> memref<13x128xi32, #tpu.memory_space<hbm>>
      %dma_start3A_92 = arith.constant 0 : i32
      %dma_start3A_93 = arith.constant 0 : i32
      %dma_start3A_94 = tpu.memref_slice %arg4[%add3A, %dma_start3A_92, %dma_start3A_93] : memref<32x13x128xi32, #tpu.memory_space<hbm>> -> memref<1x13x128xi32, #tpu.memory_space<hbm>>
      %dma_start3A_95 = tpu.memref_squeeze %dma_start3A_94 : memref<1x13x128xi32, #tpu.memory_space<hbm>> -> memref<13x128xi32, #tpu.memory_space<hbm>>
      tpu.enqueue_dma source(%dma_start3A_95 : memref<13x128xi32, #tpu.memory_space<hbm>>) target(%arg8 : memref<13x128xi32, #tpu.memory_space<vmem>>) target_semaphore(%run_scoped3A_88 : memref<!tpu.dma_semaphore, #tpu.memory_space<semaphore_mem>>)
      %dma_wait3A = arith.constant 0 : i32
      %dma_wait3A_96 = arith.constant 0 : i32
      %dma_wait3A_97 = tpu.memref_slice %arg4[%add3A, %dma_wait3A, %dma_wait3A_96] : memref<32x13x128xi32, #tpu.memory_space<hbm>> -> memref<1x13x128xi32, #tpu.memory_space<hbm>>
      %dma_wait3A_98 = tpu.memref_squeeze %dma_wait3A_97 : memref<1x13x128xi32, #tpu.memory_space<hbm>> -> memref<13x128xi32, #tpu.memory_space<hbm>>
      %dma_wait3A_99 = arith.constant 0 : i32
      %dma_wait3A_100 = arith.constant 0 : i32
      %dma_wait3A_101 = tpu.memref_slice %arg4[%add3A, %dma_wait3A_99, %dma_wait3A_100] : memref<32x13x128xi32, #tpu.memory_space<hbm>> -> memref<1x13x128xi32, #tpu.memory_space<hbm>>
      %dma_wait3A_102 = tpu.memref_squeeze %dma_wait3A_101 : memref<1x13x128xi32, #tpu.memory_space<hbm>> -> memref<13x128xi32, #tpu.memory_space<hbm>>
      tpu.wait_dma2 semaphore(%run_scoped3A_88 : memref<!tpu.dma_semaphore, #tpu.memory_space<semaphore_mem>>) src(%dma_wait3A_102 : memref<13x128xi32, #tpu.memory_space<hbm>>) dst(%arg8 : memref<13x128xi32, #tpu.memory_space<vmem>>)
      tpu.yield
    }) : () -> ()
    "tpu.region"() ({
      %run_scoped3A_88 = tpu.sem_alloc : memref<!tpu.dma_semaphore, #tpu.memory_space<semaphore_mem>>
      %dma_start3A = arith.constant 0 : i32
      %dma_start3A_89 = tpu.memref_slice %arg10[%multiple_of3A_5, %dma_start3A] : memref<10112x128xf32, #tpu.memory_space<vmem_shared>> -> memref<632x128xf32, #tpu.memory_space<vmem_shared>>
      %dma_start3A_90 = arith.constant 0 : i32
      %dma_start3A_91 = tpu.memref_slice %arg5[%multiple_of3A_5, %dma_start3A_90] : memref<10112x128xf32, #tpu.memory_space<hbm>> -> memref<632x128xf32, #tpu.memory_space<hbm>>
      tpu.enqueue_dma source(%dma_start3A_91 : memref<632x128xf32, #tpu.memory_space<hbm>>) target(%dma_start3A_89 : memref<632x128xf32, #tpu.memory_space<vmem_shared>>) target_semaphore(%run_scoped3A_88 : memref<!tpu.dma_semaphore, #tpu.memory_space<semaphore_mem>>)
      %dma_wait3A = arith.constant 0 : i32
      %dma_wait3A_92 = tpu.memref_slice %arg10[%multiple_of3A_5, %dma_wait3A] : memref<10112x128xf32, #tpu.memory_space<vmem_shared>> -> memref<632x128xf32, #tpu.memory_space<vmem_shared>>
      %dma_wait3A_93 = arith.constant 0 : i32
      %dma_wait3A_94 = tpu.memref_slice %arg5[%multiple_of3A_5, %dma_wait3A_93] : memref<10112x128xf32, #tpu.memory_space<hbm>> -> memref<632x128xf32, #tpu.memory_space<hbm>>
      tpu.wait_dma2 semaphore(%run_scoped3A_88 : memref<!tpu.dma_semaphore, #tpu.memory_space<semaphore_mem>>) src(%dma_wait3A_94 : memref<632x128xf32, #tpu.memory_space<hbm>>) dst(%dma_wait3A_92 : memref<632x128xf32, #tpu.memory_space<vmem_shared>>)
      tpu.yield
    }) : () -> ()
    "tpu.region"() ({
      %run_scoped3A_88 = tpu.sem_alloc : memref<!tpu.dma_semaphore, #tpu.memory_space<semaphore_mem>>
      %dma_start3A = arith.constant 0 : i32
      %dma_start3A_89 = tpu.memref_slice %arg12[%multiple_of3A_5, %dma_start3A] : memref<10112x32xf32, #tpu.memory_space<vmem_shared>> -> memref<632x32xf32, #tpu.memory_space<vmem_shared>>
      %dma_start3A_90 = arith.constant 0 : i32
      %dma_start3A_91 = tpu.memref_slice %arg5[%multiple_of3A_5, %dma_start3A_90] : memref<10112x128xf32, #tpu.memory_space<hbm>> -> memref<632x32xf32, #tpu.memory_space<hbm>>
      tpu.enqueue_dma source(%dma_start3A_91 : memref<632x32xf32, #tpu.memory_space<hbm>>) target(%dma_start3A_89 : memref<632x32xf32, #tpu.memory_space<vmem_shared>>) target_semaphore(%run_scoped3A_88 : memref<!tpu.dma_semaphore, #tpu.memory_space<semaphore_mem>>)
      %dma_wait3A = arith.constant 0 : i32
      %dma_wait3A_92 = tpu.memref_slice %arg12[%multiple_of3A_5, %dma_wait3A] : memref<10112x32xf32, #tpu.memory_space<vmem_shared>> -> memref<632x32xf32, #tpu.memory_space<vmem_shared>>
      %dma_wait3A_93 = arith.constant 0 : i32
      %dma_wait3A_94 = tpu.memref_slice %arg5[%multiple_of3A_5, %dma_wait3A_93] : memref<10112x128xf32, #tpu.memory_space<hbm>> -> memref<632x32xf32, #tpu.memory_space<hbm>>
      tpu.wait_dma2 semaphore(%run_scoped3A_88 : memref<!tpu.dma_semaphore, #tpu.memory_space<semaphore_mem>>) src(%dma_wait3A_94 : memref<632x32xf32, #tpu.memory_space<hbm>>) dst(%dma_wait3A_92 : memref<632x32xf32, #tpu.memory_space<vmem_shared>>)
      tpu.yield
    }) : () -> ()
    %barrier3A = arith.constant 0 : index
    tpu.barrier barrier_id(%barrier3A)
    %add3A_6 = arith.constant 0 : i32
    %add3A_7 = arith.addi %multiple_of3A, %add3A_6 : i32
    "tpu.region"() ({
      %run_scoped3A_88 = tpu.sem_alloc : memref<!tpu.dma_semaphore, #tpu.memory_space<semaphore_mem>>
      %dma_start3A = arith.constant 0 : i32
      %dma_start3A_89 = tpu.memref_slice %arg2[%add3A_7, %dma_start3A] : memref<53248x128xf32, #tpu.memory_space<hbm>> -> memref<128x128xf32, #tpu.memory_space<hbm>>
      %dma_start3A_90 = arith.constant 0 : i32
      %dma_start3A_91 = tpu.memref_slice %arg2[%add3A_7, %dma_start3A_90] : memref<53248x128xf32, #tpu.memory_space<hbm>> -> memref<128x128xf32, #tpu.memory_space<hbm>>
      tpu.enqueue_dma source(%dma_start3A_91 : memref<128x128xf32, #tpu.memory_space<hbm>>) target(%arg9 : memref<128x128xf32, #tpu.memory_space<vmem>>) target_semaphore(%run_scoped3A_88 : memref<!tpu.dma_semaphore, #tpu.memory_space<semaphore_mem>>)
      %dma_wait3A = arith.constant 0 : i32
      %dma_wait3A_92 = tpu.memref_slice %arg2[%add3A_7, %dma_wait3A] : memref<53248x128xf32, #tpu.memory_space<hbm>> -> memref<128x128xf32, #tpu.memory_space<hbm>>
      %dma_wait3A_93 = arith.constant 0 : i32
      %dma_wait3A_94 = tpu.memref_slice %arg2[%add3A_7, %dma_wait3A_93] : memref<53248x128xf32, #tpu.memory_space<hbm>> -> memref<128x128xf32, #tpu.memory_space<hbm>>
      tpu.wait_dma2 semaphore(%run_scoped3A_88 : memref<!tpu.dma_semaphore, #tpu.memory_space<semaphore_mem>>) src(%dma_wait3A_94 : memref<128x128xf32, #tpu.memory_space<hbm>>) dst(%arg9 : memref<128x128xf32, #tpu.memory_space<vmem>>)
      tpu.yield
    }) : () -> ()
    %run_scoped3A = arith.constant 0 : i32
    "tpu.region"() ({
      %run_scoped3A_88 = tpu.sem_alloc : memref<!tpu.dma_semaphore, #tpu.memory_space<semaphore_mem>>
      %dma_start3A = arith.constant 0 : i32
      %dma_start3A_89 = tpu.memref_slice %arg8[%run_scoped3A, %dma_start3A] : memref<13x128xi32, #tpu.memory_space<vmem>> -> memref<1x128xi32, #tpu.memory_space<vmem>>
      %dma_start3A_90 = tpu.memref_squeeze %dma_start3A_89 : memref<1x128xi32, #tpu.memory_space<vmem>> -> memref<128xi32, #tpu.memory_space<vmem>>
      %dma_start3A_91 = arith.constant 0 : i32
      %dma_start3A_92 = arith.constant 0 : i32
      %dma_start3A_93 = tpu.memref_slice %arg10[%dma_start3A_91, %dma_start3A_92] : memref<10112x128xf32, #tpu.memory_space<vmem_shared>> -> memref<10112x128xf32, #tpu.memory_space<vmem_shared>>
      tpu.enqueue_indirect_dma source(%arg9 : memref<128x128xf32, #tpu.memory_space<vmem>>) target(%dma_start3A_93 : memref<10112x128xf32, #tpu.memory_space<vmem_shared>>) offsets(%dma_start3A_90 : memref<128xi32, #tpu.memory_space<vmem>>) semaphore(%run_scoped3A_88 : memref<!tpu.dma_semaphore, #tpu.memory_space<semaphore_mem>>) {add = true}
      %dma_wait3A = arith.constant 0 : i32
      %dma_wait3A_94 = tpu.memref_slice %arg8[%run_scoped3A, %dma_wait3A] : memref<13x128xi32, #tpu.memory_space<vmem>> -> memref<1x128xi32, #tpu.memory_space<vmem>>
      %dma_wait3A_95 = tpu.memref_squeeze %dma_wait3A_94 : memref<1x128xi32, #tpu.memory_space<vmem>> -> memref<128xi32, #tpu.memory_space<vmem>>
      %dma_wait3A_96 = arith.constant 0 : i32
      %dma_wait3A_97 = arith.constant 0 : i32
      %dma_wait3A_98 = tpu.memref_slice %arg10[%dma_wait3A_96, %dma_wait3A_97] : memref<10112x128xf32, #tpu.memory_space<vmem_shared>> -> memref<10112x128xf32, #tpu.memory_space<vmem_shared>>
      tpu.wait_indirect_dma semaphore(%run_scoped3A_88 : memref<!tpu.dma_semaphore, #tpu.memory_space<semaphore_mem>>) src(%arg9 : memref<128x128xf32, #tpu.memory_space<vmem>>) dst(%dma_wait3A_98 : memref<10112x128xf32, #tpu.memory_space<vmem_shared>>)
      tpu.yield
    }) : () -> ()
    %add3A_8 = arith.constant 0 : i32
    %add3A_9 = arith.addi %multiple_of3A, %add3A_8 : i32
    "tpu.region"() ({
      %run_scoped3A_88 = tpu.sem_alloc : memref<!tpu.dma_semaphore, #tpu.memory_space<semaphore_mem>>
      %dma_start3A = arith.constant 0 : i32
      %dma_start3A_89 = tpu.memref_slice %arg3[%add3A_9, %dma_start3A] : memref<53248x128xf32, #tpu.memory_space<hbm>> -> memref<128x32xf32, #tpu.memory_space<hbm>>
      %dma_start3A_90 = arith.constant 0 : i32
      %dma_start3A_91 = tpu.memref_slice %arg3[%add3A_9, %dma_start3A_90] : memref<53248x128xf32, #tpu.memory_space<hbm>> -> memref<128x32xf32, #tpu.memory_space<hbm>>
      tpu.enqueue_dma source(%dma_start3A_91 : memref<128x32xf32, #tpu.memory_space<hbm>>) target(%arg11 : memref<128x32xf32, #tpu.memory_space<vmem>>) target_semaphore(%run_scoped3A_88 : memref<!tpu.dma_semaphore, #tpu.memory_space<semaphore_mem>>)
      %dma_wait3A = arith.constant 0 : i32
      %dma_wait3A_92 = tpu.memref_slice %arg3[%add3A_9, %dma_wait3A] : memref<53248x128xf32, #tpu.memory_space<hbm>> -> memref<128x32xf32, #tpu.memory_space<hbm>>
      %dma_wait3A_93 = arith.constant 0 : i32
      %dma_wait3A_94 = tpu.memref_slice %arg3[%add3A_9, %dma_wait3A_93] : memref<53248x128xf32, #tpu.memory_space<hbm>> -> memref<128x32xf32, #tpu.memory_space<hbm>>
      tpu.wait_dma2 semaphore(%run_scoped3A_88 : memref<!tpu.dma_semaphore, #tpu.memory_space<semaphore_mem>>) src(%dma_wait3A_94 : memref<128x32xf32, #tpu.memory_space<hbm>>) dst(%arg11 : memref<128x32xf32, #tpu.memory_space<vmem>>)
      tpu.yield
    }) : () -> ()
    %run_scoped3A_10 = arith.constant 0 : i32
    "tpu.region"() ({
      %run_scoped3A_88 = tpu.sem_alloc : memref<!tpu.dma_semaphore, #tpu.memory_space<semaphore_mem>>
      %dma_start3A = arith.constant 0 : i32
      %dma_start3A_89 = tpu.memref_slice %arg8[%run_scoped3A_10, %dma_start3A] : memref<13x128xi32, #tpu.memory_space<vmem>> -> memref<1x128xi32, #tpu.memory_space<vmem>>
      %dma_start3A_90 = tpu.memref_squeeze %dma_start3A_89 : memref<1x128xi32, #tpu.memory_space<vmem>> -> memref<128xi32, #tpu.memory_space<vmem>>
      %dma_start3A_91 = arith.constant 0 : i32
      %dma_start3A_92 = arith.constant 0 : i32
      %dma_start3A_93 = tpu.memref_slice %arg12[%dma_start3A_91, %dma_start3A_92] : memref<10112x32xf32, #tpu.memory_space<vmem_shared>> -> memref<10112x32xf32, #tpu.memory_space<vmem_shared>>
      tpu.enqueue_indirect_dma source(%arg11 : memref<128x32xf32, #tpu.memory_space<vmem>>) target(%dma_start3A_93 : memref<10112x32xf32, #tpu.memory_space<vmem_shared>>) offsets(%dma_start3A_90 : memref<128xi32, #tpu.memory_space<vmem>>) semaphore(%run_scoped3A_88 : memref<!tpu.dma_semaphore, #tpu.memory_space<semaphore_mem>>) {add = true}
      %dma_wait3A = arith.constant 0 : i32
      %dma_wait3A_94 = tpu.memref_slice %arg8[%run_scoped3A_10, %dma_wait3A] : memref<13x128xi32, #tpu.memory_space<vmem>> -> memref<1x128xi32, #tpu.memory_space<vmem>>
      %dma_wait3A_95 = tpu.memref_squeeze %dma_wait3A_94 : memref<1x128xi32, #tpu.memory_space<vmem>> -> memref<128xi32, #tpu.memory_space<vmem>>
      %dma_wait3A_96 = arith.constant 0 : i32
      %dma_wait3A_97 = arith.constant 0 : i32
      %dma_wait3A_98 = tpu.memref_slice %arg12[%dma_wait3A_96, %dma_wait3A_97] : memref<10112x32xf32, #tpu.memory_space<vmem_shared>> -> memref<10112x32xf32, #tpu.memory_space<vmem_shared>>
      tpu.wait_indirect_dma semaphore(%run_scoped3A_88 : memref<!tpu.dma_semaphore, #tpu.memory_space<semaphore_mem>>) src(%arg11 : memref<128x32xf32, #tpu.memory_space<vmem>>) dst(%dma_wait3A_98 : memref<10112x32xf32, #tpu.memory_space<vmem_shared>>)
      tpu.yield
    }) : () -> ()
    %add3A_11 = arith.constant 128 : i32
    %add3A_12 = arith.addi %multiple_of3A, %add3A_11 : i32
    "tpu.region"() ({
      %run_scoped3A_88 = tpu.sem_alloc : memref<!tpu.dma_semaphore, #tpu.memory_space<semaphore_mem>>
      %dma_start3A = arith.constant 0 : i32
      %dma_start3A_89 = tpu.memref_slice %arg2[%add3A_12, %dma_start3A] : memref<53248x128xf32, #tpu.memory_space<hbm>> -> memref<128x128xf32, #tpu.memory_space<hbm>>
      %dma_start3A_90 = arith.constant 0 : i32
      %dma_start3A_91 = tpu.memref_slice %arg2[%add3A_12, %dma_start3A_90] : memref<53248x128xf32, #tpu.memory_space<hbm>> -> memref<128x128xf32, #tpu.memory_space<hbm>>
      tpu.enqueue_dma source(%dma_start3A_91 : memref<128x128xf32, #tpu.memory_space<hbm>>) target(%arg9 : memref<128x128xf32, #tpu.memory_space<vmem>>) target_semaphore(%run_scoped3A_88 : memref<!tpu.dma_semaphore, #tpu.memory_space<semaphore_mem>>)
      %dma_wait3A = arith.constant 0 : i32
      %dma_wait3A_92 = tpu.memref_slice %arg2[%add3A_12, %dma_wait3A] : memref<53248x128xf32, #tpu.memory_space<hbm>> -> memref<128x128xf32, #tpu.memory_space<hbm>>
      %dma_wait3A_93 = arith.constant 0 : i32
      %dma_wait3A_94 = tpu.memref_slice %arg2[%add3A_12, %dma_wait3A_93] : memref<53248x128xf32, #tpu.memory_space<hbm>> -> memref<128x128xf32, #tpu.memory_space<hbm>>
      tpu.wait_dma2 semaphore(%run_scoped3A_88 : memref<!tpu.dma_semaphore, #tpu.memory_space<semaphore_mem>>) src(%dma_wait3A_94 : memref<128x128xf32, #tpu.memory_space<hbm>>) dst(%arg9 : memref<128x128xf32, #tpu.memory_space<vmem>>)
      tpu.yield
    }) : () -> ()
    %run_scoped3A_13 = arith.constant 1 : i32
    "tpu.region"() ({
      %run_scoped3A_88 = tpu.sem_alloc : memref<!tpu.dma_semaphore, #tpu.memory_space<semaphore_mem>>
      %dma_start3A = arith.constant 0 : i32
      %dma_start3A_89 = tpu.memref_slice %arg8[%run_scoped3A_13, %dma_start3A] : memref<13x128xi32, #tpu.memory_space<vmem>> -> memref<1x128xi32, #tpu.memory_space<vmem>>
      %dma_start3A_90 = tpu.memref_squeeze %dma_start3A_89 : memref<1x128xi32, #tpu.memory_space<vmem>> -> memref<128xi32, #tpu.memory_space<vmem>>
      %dma_start3A_91 = arith.constant 0 : i32
      %dma_start3A_92 = arith.constant 0 : i32
      %dma_start3A_93 = tpu.memref_slice %arg10[%dma_start3A_91, %dma_start3A_92] : memref<10112x128xf32, #tpu.memory_space<vmem_shared>> -> memref<10112x128xf32, #tpu.memory_space<vmem_shared>>
      tpu.enqueue_indirect_dma source(%arg9 : memref<128x128xf32, #tpu.memory_space<vmem>>) target(%dma_start3A_93 : memref<10112x128xf32, #tpu.memory_space<vmem_shared>>) offsets(%dma_start3A_90 : memref<128xi32, #tpu.memory_space<vmem>>) semaphore(%run_scoped3A_88 : memref<!tpu.dma_semaphore, #tpu.memory_space<semaphore_mem>>) {add = true}
      %dma_wait3A = arith.constant 0 : i32
      %dma_wait3A_94 = tpu.memref_slice %arg8[%run_scoped3A_13, %dma_wait3A] : memref<13x128xi32, #tpu.memory_space<vmem>> -> memref<1x128xi32, #tpu.memory_space<vmem>>
      %dma_wait3A_95 = tpu.memref_squeeze %dma_wait3A_94 : memref<1x128xi32, #tpu.memory_space<vmem>> -> memref<128xi32, #tpu.memory_space<vmem>>
      %dma_wait3A_96 = arith.constant 0 : i32
      %dma_wait3A_97 = arith.constant 0 : i32
      %dma_wait3A_98 = tpu.memref_slice %arg10[%dma_wait3A_96, %dma_wait3A_97] : memref<10112x128xf32, #tpu.memory_space<vmem_shared>> -> memref<10112x128xf32, #tpu.memory_space<vmem_shared>>
      tpu.wait_indirect_dma semaphore(%run_scoped3A_88 : memref<!tpu.dma_semaphore, #tpu.memory_space<semaphore_mem>>) src(%arg9 : memref<128x128xf32, #tpu.memory_space<vmem>>) dst(%dma_wait3A_98 : memref<10112x128xf32, #tpu.memory_space<vmem_shared>>)
      tpu.yield
    }) : () -> ()
    %add3A_14 = arith.constant 128 : i32
    %add3A_15 = arith.addi %multiple_of3A, %add3A_14 : i32
    "tpu.region"() ({
      %run_scoped3A_88 = tpu.sem_alloc : memref<!tpu.dma_semaphore, #tpu.memory_space<semaphore_mem>>
      %dma_start3A = arith.constant 0 : i32
      %dma_start3A_89 = tpu.memref_slice %arg3[%add3A_15, %dma_start3A] : memref<53248x128xf32, #tpu.memory_space<hbm>> -> memref<128x32xf32, #tpu.memory_space<hbm>>
      %dma_start3A_90 = arith.constant 0 : i32
      %dma_start3A_91 = tpu.memref_slice %arg3[%add3A_15, %dma_start3A_90] : memref<53248x128xf32, #tpu.memory_space<hbm>> -> memref<128x32xf32, #tpu.memory_space<hbm>>
      tpu.enqueue_dma source(%dma_start3A_91 : memref<128x32xf32, #tpu.memory_space<hbm>>) target(%arg11 : memref<128x32xf32, #tpu.memory_space<vmem>>) target_semaphore(%run_scoped3A_88 : memref<!tpu.dma_semaphore, #tpu.memory_space<semaphore_mem>>)
      %dma_wait3A = arith.constant 0 : i32
      %dma_wait3A_92 = tpu.memref_slice %arg3[%add3A_15, %dma_wait3A] : memref<53248x128xf32, #tpu.memory_space<hbm>> -> memref<128x32xf32, #tpu.memory_space<hbm>>
      %dma_wait3A_93 = arith.constant 0 : i32
      %dma_wait3A_94 = tpu.memref_slice %arg3[%add3A_15, %dma_wait3A_93] : memref<53248x128xf32, #tpu.memory_space<hbm>> -> memref<128x32xf32, #tpu.memory_space<hbm>>
      tpu.wait_dma2 semaphore(%run_scoped3A_88 : memref<!tpu.dma_semaphore, #tpu.memory_space<semaphore_mem>>) src(%dma_wait3A_94 : memref<128x32xf32, #tpu.memory_space<hbm>>) dst(%arg11 : memref<128x32xf32, #tpu.memory_space<vmem>>)
      tpu.yield
    }) : () -> ()
    %run_scoped3A_16 = arith.constant 1 : i32
    "tpu.region"() ({
      %run_scoped3A_88 = tpu.sem_alloc : memref<!tpu.dma_semaphore, #tpu.memory_space<semaphore_mem>>
      %dma_start3A = arith.constant 0 : i32
      %dma_start3A_89 = tpu.memref_slice %arg8[%run_scoped3A_16, %dma_start3A] : memref<13x128xi32, #tpu.memory_space<vmem>> -> memref<1x128xi32, #tpu.memory_space<vmem>>
      %dma_start3A_90 = tpu.memref_squeeze %dma_start3A_89 : memref<1x128xi32, #tpu.memory_space<vmem>> -> memref<128xi32, #tpu.memory_space<vmem>>
      %dma_start3A_91 = arith.constant 0 : i32
      %dma_start3A_92 = arith.constant 0 : i32
      %dma_start3A_93 = tpu.memref_slice %arg12[%dma_start3A_91, %dma_start3A_92] : memref<10112x32xf32, #tpu.memory_space<vmem_shared>> -> memref<10112x32xf32, #tpu.memory_space<vmem_shared>>
      tpu.enqueue_indirect_dma source(%arg11 : memref<128x32xf32, #tpu.memory_space<vmem>>) target(%dma_start3A_93 : memref<10112x32xf32, #tpu.memory_space<vmem_shared>>) offsets(%dma_start3A_90 : memref<128xi32, #tpu.memory_space<vmem>>) semaphore(%run_scoped3A_88 : memref<!tpu.dma_semaphore, #tpu.memory_space<semaphore_mem>>) {add = true}
      %dma_wait3A = arith.constant 0 : i32
      %dma_wait3A_94 = tpu.memref_slice %arg8[%run_scoped3A_16, %dma_wait3A] : memref<13x128xi32, #tpu.memory_space<vmem>> -> memref<1x128xi32, #tpu.memory_space<vmem>>
      %dma_wait3A_95 = tpu.memref_squeeze %dma_wait3A_94 : memref<1x128xi32, #tpu.memory_space<vmem>> -> memref<128xi32, #tpu.memory_space<vmem>>
      %dma_wait3A_96 = arith.constant 0 : i32
      %dma_wait3A_97 = arith.constant 0 : i32
      %dma_wait3A_98 = tpu.memref_slice %arg12[%dma_wait3A_96, %dma_wait3A_97] : memref<10112x32xf32, #tpu.memory_space<vmem_shared>> -> memref<10112x32xf32, #tpu.memory_space<vmem_shared>>
      tpu.wait_indirect_dma semaphore(%run_scoped3A_88 : memref<!tpu.dma_semaphore, #tpu.memory_space<semaphore_mem>>) src(%arg11 : memref<128x32xf32, #tpu.memory_space<vmem>>) dst(%dma_wait3A_98 : memref<10112x32xf32, #tpu.memory_space<vmem_shared>>)
      tpu.yield
    }) : () -> ()
    %add3A_17 = arith.constant 256 : i32
    %add3A_18 = arith.addi %multiple_of3A, %add3A_17 : i32
    "tpu.region"() ({
      %run_scoped3A_88 = tpu.sem_alloc : memref<!tpu.dma_semaphore, #tpu.memory_space<semaphore_mem>>
      %dma_start3A = arith.constant 0 : i32
      %dma_start3A_89 = tpu.memref_slice %arg2[%add3A_18, %dma_start3A] : memref<53248x128xf32, #tpu.memory_space<hbm>> -> memref<128x128xf32, #tpu.memory_space<hbm>>
      %dma_start3A_90 = arith.constant 0 : i32
      %dma_start3A_91 = tpu.memref_slice %arg2[%add3A_18, %dma_start3A_90] : memref<53248x128xf32, #tpu.memory_space<hbm>> -> memref<128x128xf32, #tpu.memory_space<hbm>>
      tpu.enqueue_dma source(%dma_start3A_91 : memref<128x128xf32, #tpu.memory_space<hbm>>) target(%arg9 : memref<128x128xf32, #tpu.memory_space<vmem>>) target_semaphore(%run_scoped3A_88 : memref<!tpu.dma_semaphore, #tpu.memory_space<semaphore_mem>>)
      %dma_wait3A = arith.constant 0 : i32
      %dma_wait3A_92 = tpu.memref_slice %arg2[%add3A_18, %dma_wait3A] : memref<53248x128xf32, #tpu.memory_space<hbm>> -> memref<128x128xf32, #tpu.memory_space<hbm>>
      %dma_wait3A_93 = arith.constant 0 : i32
      %dma_wait3A_94 = tpu.memref_slice %arg2[%add3A_18, %dma_wait3A_93] : memref<53248x128xf32, #tpu.memory_space<hbm>> -> memref<128x128xf32, #tpu.memory_space<hbm>>
      tpu.wait_dma2 semaphore(%run_scoped3A_88 : memref<!tpu.dma_semaphore, #tpu.memory_space<semaphore_mem>>) src(%dma_wait3A_94 : memref<128x128xf32, #tpu.memory_space<hbm>>) dst(%arg9 : memref<128x128xf32, #tpu.memory_space<vmem>>)
      tpu.yield
    }) : () -> ()
    %run_scoped3A_19 = arith.constant 2 : i32
    "tpu.region"() ({
      %run_scoped3A_88 = tpu.sem_alloc : memref<!tpu.dma_semaphore, #tpu.memory_space<semaphore_mem>>
      %dma_start3A = arith.constant 0 : i32
      %dma_start3A_89 = tpu.memref_slice %arg8[%run_scoped3A_19, %dma_start3A] : memref<13x128xi32, #tpu.memory_space<vmem>> -> memref<1x128xi32, #tpu.memory_space<vmem>>
      %dma_start3A_90 = tpu.memref_squeeze %dma_start3A_89 : memref<1x128xi32, #tpu.memory_space<vmem>> -> memref<128xi32, #tpu.memory_space<vmem>>
      %dma_start3A_91 = arith.constant 0 : i32
      %dma_start3A_92 = arith.constant 0 : i32
      %dma_start3A_93 = tpu.memref_slice %arg10[%dma_start3A_91, %dma_start3A_92] : memref<10112x128xf32, #tpu.memory_space<vmem_shared>> -> memref<10112x128xf32, #tpu.memory_space<vmem_shared>>
      tpu.enqueue_indirect_dma source(%arg9 : memref<128x128xf32, #tpu.memory_space<vmem>>) target(%dma_start3A_93 : memref<10112x128xf32, #tpu.memory_space<vmem_shared>>) offsets(%dma_start3A_90 : memref<128xi32, #tpu.memory_space<vmem>>) semaphore(%run_scoped3A_88 : memref<!tpu.dma_semaphore, #tpu.memory_space<semaphore_mem>>) {add = true}
      %dma_wait3A = arith.constant 0 : i32
      %dma_wait3A_94 = tpu.memref_slice %arg8[%run_scoped3A_19, %dma_wait3A] : memref<13x128xi32, #tpu.memory_space<vmem>> -> memref<1x128xi32, #tpu.memory_space<vmem>>
      %dma_wait3A_95 = tpu.memref_squeeze %dma_wait3A_94 : memref<1x128xi32, #tpu.memory_space<vmem>> -> memref<128xi32, #tpu.memory_space<vmem>>
      %dma_wait3A_96 = arith.constant 0 : i32
      %dma_wait3A_97 = arith.constant 0 : i32
      %dma_wait3A_98 = tpu.memref_slice %arg10[%dma_wait3A_96, %dma_wait3A_97] : memref<10112x128xf32, #tpu.memory_space<vmem_shared>> -> memref<10112x128xf32, #tpu.memory_space<vmem_shared>>
      tpu.wait_indirect_dma semaphore(%run_scoped3A_88 : memref<!tpu.dma_semaphore, #tpu.memory_space<semaphore_mem>>) src(%arg9 : memref<128x128xf32, #tpu.memory_space<vmem>>) dst(%dma_wait3A_98 : memref<10112x128xf32, #tpu.memory_space<vmem_shared>>)
      tpu.yield
    }) : () -> ()
    %add3A_20 = arith.constant 256 : i32
    %add3A_21 = arith.addi %multiple_of3A, %add3A_20 : i32
    "tpu.region"() ({
      %run_scoped3A_88 = tpu.sem_alloc : memref<!tpu.dma_semaphore, #tpu.memory_space<semaphore_mem>>
      %dma_start3A = arith.constant 0 : i32
      %dma_start3A_89 = tpu.memref_slice %arg3[%add3A_21, %dma_start3A] : memref<53248x128xf32, #tpu.memory_space<hbm>> -> memref<128x32xf32, #tpu.memory_space<hbm>>
      %dma_start3A_90 = arith.constant 0 : i32
      %dma_start3A_91 = tpu.memref_slice %arg3[%add3A_21, %dma_start3A_90] : memref<53248x128xf32, #tpu.memory_space<hbm>> -> memref<128x32xf32, #tpu.memory_space<hbm>>
      tpu.enqueue_dma source(%dma_start3A_91 : memref<128x32xf32, #tpu.memory_space<hbm>>) target(%arg11 : memref<128x32xf32, #tpu.memory_space<vmem>>) target_semaphore(%run_scoped3A_88 : memref<!tpu.dma_semaphore, #tpu.memory_space<semaphore_mem>>)
      %dma_wait3A = arith.constant 0 : i32
      %dma_wait3A_92 = tpu.memref_slice %arg3[%add3A_21, %dma_wait3A] : memref<53248x128xf32, #tpu.memory_space<hbm>> -> memref<128x32xf32, #tpu.memory_space<hbm>>
      %dma_wait3A_93 = arith.constant 0 : i32
      %dma_wait3A_94 = tpu.memref_slice %arg3[%add3A_21, %dma_wait3A_93] : memref<53248x128xf32, #tpu.memory_space<hbm>> -> memref<128x32xf32, #tpu.memory_space<hbm>>
      tpu.wait_dma2 semaphore(%run_scoped3A_88 : memref<!tpu.dma_semaphore, #tpu.memory_space<semaphore_mem>>) src(%dma_wait3A_94 : memref<128x32xf32, #tpu.memory_space<hbm>>) dst(%arg11 : memref<128x32xf32, #tpu.memory_space<vmem>>)
      tpu.yield
    }) : () -> ()
    %run_scoped3A_22 = arith.constant 2 : i32
    "tpu.region"() ({
      %run_scoped3A_88 = tpu.sem_alloc : memref<!tpu.dma_semaphore, #tpu.memory_space<semaphore_mem>>
      %dma_start3A = arith.constant 0 : i32
      %dma_start3A_89 = tpu.memref_slice %arg8[%run_scoped3A_22, %dma_start3A] : memref<13x128xi32, #tpu.memory_space<vmem>> -> memref<1x128xi32, #tpu.memory_space<vmem>>
      %dma_start3A_90 = tpu.memref_squeeze %dma_start3A_89 : memref<1x128xi32, #tpu.memory_space<vmem>> -> memref<128xi32, #tpu.memory_space<vmem>>
      %dma_start3A_91 = arith.constant 0 : i32
      %dma_start3A_92 = arith.constant 0 : i32
      %dma_start3A_93 = tpu.memref_slice %arg12[%dma_start3A_91, %dma_start3A_92] : memref<10112x32xf32, #tpu.memory_space<vmem_shared>> -> memref<10112x32xf32, #tpu.memory_space<vmem_shared>>
      tpu.enqueue_indirect_dma source(%arg11 : memref<128x32xf32, #tpu.memory_space<vmem>>) target(%dma_start3A_93 : memref<10112x32xf32, #tpu.memory_space<vmem_shared>>) offsets(%dma_start3A_90 : memref<128xi32, #tpu.memory_space<vmem>>) semaphore(%run_scoped3A_88 : memref<!tpu.dma_semaphore, #tpu.memory_space<semaphore_mem>>) {add = true}
      %dma_wait3A = arith.constant 0 : i32
      %dma_wait3A_94 = tpu.memref_slice %arg8[%run_scoped3A_22, %dma_wait3A] : memref<13x128xi32, #tpu.memory_space<vmem>> -> memref<1x128xi32, #tpu.memory_space<vmem>>
      %dma_wait3A_95 = tpu.memref_squeeze %dma_wait3A_94 : memref<1x128xi32, #tpu.memory_space<vmem>> -> memref<128xi32, #tpu.memory_space<vmem>>
      %dma_wait3A_96 = arith.constant 0 : i32
      %dma_wait3A_97 = arith.constant 0 : i32
      %dma_wait3A_98 = tpu.memref_slice %arg12[%dma_wait3A_96, %dma_wait3A_97] : memref<10112x32xf32, #tpu.memory_space<vmem_shared>> -> memref<10112x32xf32, #tpu.memory_space<vmem_shared>>
      tpu.wait_indirect_dma semaphore(%run_scoped3A_88 : memref<!tpu.dma_semaphore, #tpu.memory_space<semaphore_mem>>) src(%arg11 : memref<128x32xf32, #tpu.memory_space<vmem>>) dst(%dma_wait3A_98 : memref<10112x32xf32, #tpu.memory_space<vmem_shared>>)
      tpu.yield
    }) : () -> ()
    %add3A_23 = arith.constant 384 : i32
    %add3A_24 = arith.addi %multiple_of3A, %add3A_23 : i32
    "tpu.region"() ({
      %run_scoped3A_88 = tpu.sem_alloc : memref<!tpu.dma_semaphore, #tpu.memory_space<semaphore_mem>>
      %dma_start3A = arith.constant 0 : i32
      %dma_start3A_89 = tpu.memref_slice %arg2[%add3A_24, %dma_start3A] : memref<53248x128xf32, #tpu.memory_space<hbm>> -> memref<128x128xf32, #tpu.memory_space<hbm>>
      %dma_start3A_90 = arith.constant 0 : i32
      %dma_start3A_91 = tpu.memref_slice %arg2[%add3A_24, %dma_start3A_90] : memref<53248x128xf32, #tpu.memory_space<hbm>> -> memref<128x128xf32, #tpu.memory_space<hbm>>
      tpu.enqueue_dma source(%dma_start3A_91 : memref<128x128xf32, #tpu.memory_space<hbm>>) target(%arg9 : memref<128x128xf32, #tpu.memory_space<vmem>>) target_semaphore(%run_scoped3A_88 : memref<!tpu.dma_semaphore, #tpu.memory_space<semaphore_mem>>)
      %dma_wait3A = arith.constant 0 : i32
      %dma_wait3A_92 = tpu.memref_slice %arg2[%add3A_24, %dma_wait3A] : memref<53248x128xf32, #tpu.memory_space<hbm>> -> memref<128x128xf32, #tpu.memory_space<hbm>>
      %dma_wait3A_93 = arith.constant 0 : i32
      %dma_wait3A_94 = tpu.memref_slice %arg2[%add3A_24, %dma_wait3A_93] : memref<53248x128xf32, #tpu.memory_space<hbm>> -> memref<128x128xf32, #tpu.memory_space<hbm>>
      tpu.wait_dma2 semaphore(%run_scoped3A_88 : memref<!tpu.dma_semaphore, #tpu.memory_space<semaphore_mem>>) src(%dma_wait3A_94 : memref<128x128xf32, #tpu.memory_space<hbm>>) dst(%arg9 : memref<128x128xf32, #tpu.memory_space<vmem>>)
      tpu.yield
    }) : () -> ()
    %run_scoped3A_25 = arith.constant 3 : i32
    "tpu.region"() ({
      %run_scoped3A_88 = tpu.sem_alloc : memref<!tpu.dma_semaphore, #tpu.memory_space<semaphore_mem>>
      %dma_start3A = arith.constant 0 : i32
      %dma_start3A_89 = tpu.memref_slice %arg8[%run_scoped3A_25, %dma_start3A] : memref<13x128xi32, #tpu.memory_space<vmem>> -> memref<1x128xi32, #tpu.memory_space<vmem>>
      %dma_start3A_90 = tpu.memref_squeeze %dma_start3A_89 : memref<1x128xi32, #tpu.memory_space<vmem>> -> memref<128xi32, #tpu.memory_space<vmem>>
      %dma_start3A_91 = arith.constant 0 : i32
      %dma_start3A_92 = arith.constant 0 : i32
      %dma_start3A_93 = tpu.memref_slice %arg10[%dma_start3A_91, %dma_start3A_92] : memref<10112x128xf32, #tpu.memory_space<vmem_shared>> -> memref<10112x128xf32, #tpu.memory_space<vmem_shared>>
      tpu.enqueue_indirect_dma source(%arg9 : memref<128x128xf32, #tpu.memory_space<vmem>>) target(%dma_start3A_93 : memref<10112x128xf32, #tpu.memory_space<vmem_shared>>) offsets(%dma_start3A_90 : memref<128xi32, #tpu.memory_space<vmem>>) semaphore(%run_scoped3A_88 : memref<!tpu.dma_semaphore, #tpu.memory_space<semaphore_mem>>) {add = true}
      %dma_wait3A = arith.constant 0 : i32
      %dma_wait3A_94 = tpu.memref_slice %arg8[%run_scoped3A_25, %dma_wait3A] : memref<13x128xi32, #tpu.memory_space<vmem>> -> memref<1x128xi32, #tpu.memory_space<vmem>>
      %dma_wait3A_95 = tpu.memref_squeeze %dma_wait3A_94 : memref<1x128xi32, #tpu.memory_space<vmem>> -> memref<128xi32, #tpu.memory_space<vmem>>
      %dma_wait3A_96 = arith.constant 0 : i32
      %dma_wait3A_97 = arith.constant 0 : i32
      %dma_wait3A_98 = tpu.memref_slice %arg10[%dma_wait3A_96, %dma_wait3A_97] : memref<10112x128xf32, #tpu.memory_space<vmem_shared>> -> memref<10112x128xf32, #tpu.memory_space<vmem_shared>>
      tpu.wait_indirect_dma semaphore(%run_scoped3A_88 : memref<!tpu.dma_semaphore, #tpu.memory_space<semaphore_mem>>) src(%arg9 : memref<128x128xf32, #tpu.memory_space<vmem>>) dst(%dma_wait3A_98 : memref<10112x128xf32, #tpu.memory_space<vmem_shared>>)
      tpu.yield
    }) : () -> ()
    %add3A_26 = arith.constant 384 : i32
    %add3A_27 = arith.addi %multiple_of3A, %add3A_26 : i32
    "tpu.region"() ({
      %run_scoped3A_88 = tpu.sem_alloc : memref<!tpu.dma_semaphore, #tpu.memory_space<semaphore_mem>>
      %dma_start3A = arith.constant 0 : i32
      %dma_start3A_89 = tpu.memref_slice %arg3[%add3A_27, %dma_start3A] : memref<53248x128xf32, #tpu.memory_space<hbm>> -> memref<128x32xf32, #tpu.memory_space<hbm>>
      %dma_start3A_90 = arith.constant 0 : i32
      %dma_start3A_91 = tpu.memref_slice %arg3[%add3A_27, %dma_start3A_90] : memref<53248x128xf32, #tpu.memory_space<hbm>> -> memref<128x32xf32, #tpu.memory_space<hbm>>
      tpu.enqueue_dma source(%dma_start3A_91 : memref<128x32xf32, #tpu.memory_space<hbm>>) target(%arg11 : memref<128x32xf32, #tpu.memory_space<vmem>>) target_semaphore(%run_scoped3A_88 : memref<!tpu.dma_semaphore, #tpu.memory_space<semaphore_mem>>)
      %dma_wait3A = arith.constant 0 : i32
      %dma_wait3A_92 = tpu.memref_slice %arg3[%add3A_27, %dma_wait3A] : memref<53248x128xf32, #tpu.memory_space<hbm>> -> memref<128x32xf32, #tpu.memory_space<hbm>>
      %dma_wait3A_93 = arith.constant 0 : i32
      %dma_wait3A_94 = tpu.memref_slice %arg3[%add3A_27, %dma_wait3A_93] : memref<53248x128xf32, #tpu.memory_space<hbm>> -> memref<128x32xf32, #tpu.memory_space<hbm>>
      tpu.wait_dma2 semaphore(%run_scoped3A_88 : memref<!tpu.dma_semaphore, #tpu.memory_space<semaphore_mem>>) src(%dma_wait3A_94 : memref<128x32xf32, #tpu.memory_space<hbm>>) dst(%arg11 : memref<128x32xf32, #tpu.memory_space<vmem>>)
      tpu.yield
    }) : () -> ()
    %run_scoped3A_28 = arith.constant 3 : i32
    "tpu.region"() ({
      %run_scoped3A_88 = tpu.sem_alloc : memref<!tpu.dma_semaphore, #tpu.memory_space<semaphore_mem>>
      %dma_start3A = arith.constant 0 : i32
      %dma_start3A_89 = tpu.memref_slice %arg8[%run_scoped3A_28, %dma_start3A] : memref<13x128xi32, #tpu.memory_space<vmem>> -> memref<1x128xi32, #tpu.memory_space<vmem>>
      %dma_start3A_90 = tpu.memref_squeeze %dma_start3A_89 : memref<1x128xi32, #tpu.memory_space<vmem>> -> memref<128xi32, #tpu.memory_space<vmem>>
      %dma_start3A_91 = arith.constant 0 : i32
      %dma_start3A_92 = arith.constant 0 : i32
      %dma_start3A_93 = tpu.memref_slice %arg12[%dma_start3A_91, %dma_start3A_92] : memref<10112x32xf32, #tpu.memory_space<vmem_shared>> -> memref<10112x32xf32, #tpu.memory_space<vmem_shared>>
      tpu.enqueue_indirect_dma source(%arg11 : memref<128x32xf32, #tpu.memory_space<vmem>>) target(%dma_start3A_93 : memref<10112x32xf32, #tpu.memory_space<vmem_shared>>) offsets(%dma_start3A_90 : memref<128xi32, #tpu.memory_space<vmem>>) semaphore(%run_scoped3A_88 : memref<!tpu.dma_semaphore, #tpu.memory_space<semaphore_mem>>) {add = true}
      %dma_wait3A = arith.constant 0 : i32
      %dma_wait3A_94 = tpu.memref_slice %arg8[%run_scoped3A_28, %dma_wait3A] : memref<13x128xi32, #tpu.memory_space<vmem>> -> memref<1x128xi32, #tpu.memory_space<vmem>>
      %dma_wait3A_95 = tpu.memref_squeeze %dma_wait3A_94 : memref<1x128xi32, #tpu.memory_space<vmem>> -> memref<128xi32, #tpu.memory_space<vmem>>
      %dma_wait3A_96 = arith.constant 0 : i32
      %dma_wait3A_97 = arith.constant 0 : i32
      %dma_wait3A_98 = tpu.memref_slice %arg12[%dma_wait3A_96, %dma_wait3A_97] : memref<10112x32xf32, #tpu.memory_space<vmem_shared>> -> memref<10112x32xf32, #tpu.memory_space<vmem_shared>>
      tpu.wait_indirect_dma semaphore(%run_scoped3A_88 : memref<!tpu.dma_semaphore, #tpu.memory_space<semaphore_mem>>) src(%arg11 : memref<128x32xf32, #tpu.memory_space<vmem>>) dst(%dma_wait3A_98 : memref<10112x32xf32, #tpu.memory_space<vmem_shared>>)
      tpu.yield
    }) : () -> ()
    %add3A_29 = arith.constant 512 : i32
    %add3A_30 = arith.addi %multiple_of3A, %add3A_29 : i32
    "tpu.region"() ({
      %run_scoped3A_88 = tpu.sem_alloc : memref<!tpu.dma_semaphore, #tpu.memory_space<semaphore_mem>>
      %dma_start3A = arith.constant 0 : i32
      %dma_start3A_89 = tpu.memref_slice %arg2[%add3A_30, %dma_start3A] : memref<53248x128xf32, #tpu.memory_space<hbm>> -> memref<128x128xf32, #tpu.memory_space<hbm>>
      %dma_start3A_90 = arith.constant 0 : i32
      %dma_start3A_91 = tpu.memref_slice %arg2[%add3A_30, %dma_start3A_90] : memref<53248x128xf32, #tpu.memory_space<hbm>> -> memref<128x128xf32, #tpu.memory_space<hbm>>
      tpu.enqueue_dma source(%dma_start3A_91 : memref<128x128xf32, #tpu.memory_space<hbm>>) target(%arg9 : memref<128x128xf32, #tpu.memory_space<vmem>>) target_semaphore(%run_scoped3A_88 : memref<!tpu.dma_semaphore, #tpu.memory_space<semaphore_mem>>)
      %dma_wait3A = arith.constant 0 : i32
      %dma_wait3A_92 = tpu.memref_slice %arg2[%add3A_30, %dma_wait3A] : memref<53248x128xf32, #tpu.memory_space<hbm>> -> memref<128x128xf32, #tpu.memory_space<hbm>>
      %dma_wait3A_93 = arith.constant 0 : i32
      %dma_wait3A_94 = tpu.memref_slice %arg2[%add3A_30, %dma_wait3A_93] : memref<53248x128xf32, #tpu.memory_space<hbm>> -> memref<128x128xf32, #tpu.memory_space<hbm>>
      tpu.wait_dma2 semaphore(%run_scoped3A_88 : memref<!tpu.dma_semaphore, #tpu.memory_space<semaphore_mem>>) src(%dma_wait3A_94 : memref<128x128xf32, #tpu.memory_space<hbm>>) dst(%arg9 : memref<128x128xf32, #tpu.memory_space<vmem>>)
      tpu.yield
    }) : () -> ()
    %run_scoped3A_31 = arith.constant 4 : i32
    "tpu.region"() ({
      %run_scoped3A_88 = tpu.sem_alloc : memref<!tpu.dma_semaphore, #tpu.memory_space<semaphore_mem>>
      %dma_start3A = arith.constant 0 : i32
      %dma_start3A_89 = tpu.memref_slice %arg8[%run_scoped3A_31, %dma_start3A] : memref<13x128xi32, #tpu.memory_space<vmem>> -> memref<1x128xi32, #tpu.memory_space<vmem>>
      %dma_start3A_90 = tpu.memref_squeeze %dma_start3A_89 : memref<1x128xi32, #tpu.memory_space<vmem>> -> memref<128xi32, #tpu.memory_space<vmem>>
      %dma_start3A_91 = arith.constant 0 : i32
      %dma_start3A_92 = arith.constant 0 : i32
      %dma_start3A_93 = tpu.memref_slice %arg10[%dma_start3A_91, %dma_start3A_92] : memref<10112x128xf32, #tpu.memory_space<vmem_shared>> -> memref<10112x128xf32, #tpu.memory_space<vmem_shared>>
      tpu.enqueue_indirect_dma source(%arg9 : memref<128x128xf32, #tpu.memory_space<vmem>>) target(%dma_start3A_93 : memref<10112x128xf32, #tpu.memory_space<vmem_shared>>) offsets(%dma_start3A_90 : memref<128xi32, #tpu.memory_space<vmem>>) semaphore(%run_scoped3A_88 : memref<!tpu.dma_semaphore, #tpu.memory_space<semaphore_mem>>) {add = true}
      %dma_wait3A = arith.constant 0 : i32
      %dma_wait3A_94 = tpu.memref_slice %arg8[%run_scoped3A_31, %dma_wait3A] : memref<13x128xi32, #tpu.memory_space<vmem>> -> memref<1x128xi32, #tpu.memory_space<vmem>>
      %dma_wait3A_95 = tpu.memref_squeeze %dma_wait3A_94 : memref<1x128xi32, #tpu.memory_space<vmem>> -> memref<128xi32, #tpu.memory_space<vmem>>
      %dma_wait3A_96 = arith.constant 0 : i32
      %dma_wait3A_97 = arith.constant 0 : i32
      %dma_wait3A_98 = tpu.memref_slice %arg10[%dma_wait3A_96, %dma_wait3A_97] : memref<10112x128xf32, #tpu.memory_space<vmem_shared>> -> memref<10112x128xf32, #tpu.memory_space<vmem_shared>>
      tpu.wait_indirect_dma semaphore(%run_scoped3A_88 : memref<!tpu.dma_semaphore, #tpu.memory_space<semaphore_mem>>) src(%arg9 : memref<128x128xf32, #tpu.memory_space<vmem>>) dst(%dma_wait3A_98 : memref<10112x128xf32, #tpu.memory_space<vmem_shared>>)
      tpu.yield
    }) : () -> ()
    %add3A_32 = arith.constant 512 : i32
    %add3A_33 = arith.addi %multiple_of3A, %add3A_32 : i32
    "tpu.region"() ({
      %run_scoped3A_88 = tpu.sem_alloc : memref<!tpu.dma_semaphore, #tpu.memory_space<semaphore_mem>>
      %dma_start3A = arith.constant 0 : i32
      %dma_start3A_89 = tpu.memref_slice %arg3[%add3A_33, %dma_start3A] : memref<53248x128xf32, #tpu.memory_space<hbm>> -> memref<128x32xf32, #tpu.memory_space<hbm>>
      %dma_start3A_90 = arith.constant 0 : i32
      %dma_start3A_91 = tpu.memref_slice %arg3[%add3A_33, %dma_start3A_90] : memref<53248x128xf32, #tpu.memory_space<hbm>> -> memref<128x32xf32, #tpu.memory_space<hbm>>
      tpu.enqueue_dma source(%dma_start3A_91 : memref<128x32xf32, #tpu.memory_space<hbm>>) target(%arg11 : memref<128x32xf32, #tpu.memory_space<vmem>>) target_semaphore(%run_scoped3A_88 : memref<!tpu.dma_semaphore, #tpu.memory_space<semaphore_mem>>)
      %dma_wait3A = arith.constant 0 : i32
      %dma_wait3A_92 = tpu.memref_slice %arg3[%add3A_33, %dma_wait3A] : memref<53248x128xf32, #tpu.memory_space<hbm>> -> memref<128x32xf32, #tpu.memory_space<hbm>>
      %dma_wait3A_93 = arith.constant 0 : i32
      %dma_wait3A_94 = tpu.memref_slice %arg3[%add3A_33, %dma_wait3A_93] : memref<53248x128xf32, #tpu.memory_space<hbm>> -> memref<128x32xf32, #tpu.memory_space<hbm>>
      tpu.wait_dma2 semaphore(%run_scoped3A_88 : memref<!tpu.dma_semaphore, #tpu.memory_space<semaphore_mem>>) src(%dma_wait3A_94 : memref<128x32xf32, #tpu.memory_space<hbm>>) dst(%arg11 : memref<128x32xf32, #tpu.memory_space<vmem>>)
      tpu.yield
    }) : () -> ()
    %run_scoped3A_34 = arith.constant 4 : i32
    "tpu.region"() ({
      %run_scoped3A_88 = tpu.sem_alloc : memref<!tpu.dma_semaphore, #tpu.memory_space<semaphore_mem>>
      %dma_start3A = arith.constant 0 : i32
      %dma_start3A_89 = tpu.memref_slice %arg8[%run_scoped3A_34, %dma_start3A] : memref<13x128xi32, #tpu.memory_space<vmem>> -> memref<1x128xi32, #tpu.memory_space<vmem>>
      %dma_start3A_90 = tpu.memref_squeeze %dma_start3A_89 : memref<1x128xi32, #tpu.memory_space<vmem>> -> memref<128xi32, #tpu.memory_space<vmem>>
      %dma_start3A_91 = arith.constant 0 : i32
      %dma_start3A_92 = arith.constant 0 : i32
      %dma_start3A_93 = tpu.memref_slice %arg12[%dma_start3A_91, %dma_start3A_92] : memref<10112x32xf32, #tpu.memory_space<vmem_shared>> -> memref<10112x32xf32, #tpu.memory_space<vmem_shared>>
      tpu.enqueue_indirect_dma source(%arg11 : memref<128x32xf32, #tpu.memory_space<vmem>>) target(%dma_start3A_93 : memref<10112x32xf32, #tpu.memory_space<vmem_shared>>) offsets(%dma_start3A_90 : memref<128xi32, #tpu.memory_space<vmem>>) semaphore(%run_scoped3A_88 : memref<!tpu.dma_semaphore, #tpu.memory_space<semaphore_mem>>) {add = true}
      %dma_wait3A = arith.constant 0 : i32
      %dma_wait3A_94 = tpu.memref_slice %arg8[%run_scoped3A_34, %dma_wait3A] : memref<13x128xi32, #tpu.memory_space<vmem>> -> memref<1x128xi32, #tpu.memory_space<vmem>>
      %dma_wait3A_95 = tpu.memref_squeeze %dma_wait3A_94 : memref<1x128xi32, #tpu.memory_space<vmem>> -> memref<128xi32, #tpu.memory_space<vmem>>
      %dma_wait3A_96 = arith.constant 0 : i32
      %dma_wait3A_97 = arith.constant 0 : i32
      %dma_wait3A_98 = tpu.memref_slice %arg12[%dma_wait3A_96, %dma_wait3A_97] : memref<10112x32xf32, #tpu.memory_space<vmem_shared>> -> memref<10112x32xf32, #tpu.memory_space<vmem_shared>>
      tpu.wait_indirect_dma semaphore(%run_scoped3A_88 : memref<!tpu.dma_semaphore, #tpu.memory_space<semaphore_mem>>) src(%arg11 : memref<128x32xf32, #tpu.memory_space<vmem>>) dst(%dma_wait3A_98 : memref<10112x32xf32, #tpu.memory_space<vmem_shared>>)
      tpu.yield
    }) : () -> ()
    %add3A_35 = arith.constant 640 : i32
    %add3A_36 = arith.addi %multiple_of3A, %add3A_35 : i32
    "tpu.region"() ({
      %run_scoped3A_88 = tpu.sem_alloc : memref<!tpu.dma_semaphore, #tpu.memory_space<semaphore_mem>>
      %dma_start3A = arith.constant 0 : i32
      %dma_start3A_89 = tpu.memref_slice %arg2[%add3A_36, %dma_start3A] : memref<53248x128xf32, #tpu.memory_space<hbm>> -> memref<128x128xf32, #tpu.memory_space<hbm>>
      %dma_start3A_90 = arith.constant 0 : i32
      %dma_start3A_91 = tpu.memref_slice %arg2[%add3A_36, %dma_start3A_90] : memref<53248x128xf32, #tpu.memory_space<hbm>> -> memref<128x128xf32, #tpu.memory_space<hbm>>
      tpu.enqueue_dma source(%dma_start3A_91 : memref<128x128xf32, #tpu.memory_space<hbm>>) target(%arg9 : memref<128x128xf32, #tpu.memory_space<vmem>>) target_semaphore(%run_scoped3A_88 : memref<!tpu.dma_semaphore, #tpu.memory_space<semaphore_mem>>)
      %dma_wait3A = arith.constant 0 : i32
      %dma_wait3A_92 = tpu.memref_slice %arg2[%add3A_36, %dma_wait3A] : memref<53248x128xf32, #tpu.memory_space<hbm>> -> memref<128x128xf32, #tpu.memory_space<hbm>>
      %dma_wait3A_93 = arith.constant 0 : i32
      %dma_wait3A_94 = tpu.memref_slice %arg2[%add3A_36, %dma_wait3A_93] : memref<53248x128xf32, #tpu.memory_space<hbm>> -> memref<128x128xf32, #tpu.memory_space<hbm>>
      tpu.wait_dma2 semaphore(%run_scoped3A_88 : memref<!tpu.dma_semaphore, #tpu.memory_space<semaphore_mem>>) src(%dma_wait3A_94 : memref<128x128xf32, #tpu.memory_space<hbm>>) dst(%arg9 : memref<128x128xf32, #tpu.memory_space<vmem>>)
      tpu.yield
    }) : () -> ()
    %run_scoped3A_37 = arith.constant 5 : i32
    "tpu.region"() ({
      %run_scoped3A_88 = tpu.sem_alloc : memref<!tpu.dma_semaphore, #tpu.memory_space<semaphore_mem>>
      %dma_start3A = arith.constant 0 : i32
      %dma_start3A_89 = tpu.memref_slice %arg8[%run_scoped3A_37, %dma_start3A] : memref<13x128xi32, #tpu.memory_space<vmem>> -> memref<1x128xi32, #tpu.memory_space<vmem>>
      %dma_start3A_90 = tpu.memref_squeeze %dma_start3A_89 : memref<1x128xi32, #tpu.memory_space<vmem>> -> memref<128xi32, #tpu.memory_space<vmem>>
      %dma_start3A_91 = arith.constant 0 : i32
      %dma_start3A_92 = arith.constant 0 : i32
      %dma_start3A_93 = tpu.memref_slice %arg10[%dma_start3A_91, %dma_start3A_92] : memref<10112x128xf32, #tpu.memory_space<vmem_shared>> -> memref<10112x128xf32, #tpu.memory_space<vmem_shared>>
      tpu.enqueue_indirect_dma source(%arg9 : memref<128x128xf32, #tpu.memory_space<vmem>>) target(%dma_start3A_93 : memref<10112x128xf32, #tpu.memory_space<vmem_shared>>) offsets(%dma_start3A_90 : memref<128xi32, #tpu.memory_space<vmem>>) semaphore(%run_scoped3A_88 : memref<!tpu.dma_semaphore, #tpu.memory_space<semaphore_mem>>) {add = true}
      %dma_wait3A = arith.constant 0 : i32
      %dma_wait3A_94 = tpu.memref_slice %arg8[%run_scoped3A_37, %dma_wait3A] : memref<13x128xi32, #tpu.memory_space<vmem>> -> memref<1x128xi32, #tpu.memory_space<vmem>>
      %dma_wait3A_95 = tpu.memref_squeeze %dma_wait3A_94 : memref<1x128xi32, #tpu.memory_space<vmem>> -> memref<128xi32, #tpu.memory_space<vmem>>
      %dma_wait3A_96 = arith.constant 0 : i32
      %dma_wait3A_97 = arith.constant 0 : i32
      %dma_wait3A_98 = tpu.memref_slice %arg10[%dma_wait3A_96, %dma_wait3A_97] : memref<10112x128xf32, #tpu.memory_space<vmem_shared>> -> memref<10112x128xf32, #tpu.memory_space<vmem_shared>>
      tpu.wait_indirect_dma semaphore(%run_scoped3A_88 : memref<!tpu.dma_semaphore, #tpu.memory_space<semaphore_mem>>) src(%arg9 : memref<128x128xf32, #tpu.memory_space<vmem>>) dst(%dma_wait3A_98 : memref<10112x128xf32, #tpu.memory_space<vmem_shared>>)
      tpu.yield
    }) : () -> ()
    %add3A_38 = arith.constant 640 : i32
    %add3A_39 = arith.addi %multiple_of3A, %add3A_38 : i32
    "tpu.region"() ({
      %run_scoped3A_88 = tpu.sem_alloc : memref<!tpu.dma_semaphore, #tpu.memory_space<semaphore_mem>>
      %dma_start3A = arith.constant 0 : i32
      %dma_start3A_89 = tpu.memref_slice %arg3[%add3A_39, %dma_start3A] : memref<53248x128xf32, #tpu.memory_space<hbm>> -> memref<128x32xf32, #tpu.memory_space<hbm>>
      %dma_start3A_90 = arith.constant 0 : i32
      %dma_start3A_91 = tpu.memref_slice %arg3[%add3A_39, %dma_start3A_90] : memref<53248x128xf32, #tpu.memory_space<hbm>> -> memref<128x32xf32, #tpu.memory_space<hbm>>
      tpu.enqueue_dma source(%dma_start3A_91 : memref<128x32xf32, #tpu.memory_space<hbm>>) target(%arg11 : memref<128x32xf32, #tpu.memory_space<vmem>>) target_semaphore(%run_scoped3A_88 : memref<!tpu.dma_semaphore, #tpu.memory_space<semaphore_mem>>)
      %dma_wait3A = arith.constant 0 : i32
      %dma_wait3A_92 = tpu.memref_slice %arg3[%add3A_39, %dma_wait3A] : memref<53248x128xf32, #tpu.memory_space<hbm>> -> memref<128x32xf32, #tpu.memory_space<hbm>>
      %dma_wait3A_93 = arith.constant 0 : i32
      %dma_wait3A_94 = tpu.memref_slice %arg3[%add3A_39, %dma_wait3A_93] : memref<53248x128xf32, #tpu.memory_space<hbm>> -> memref<128x32xf32, #tpu.memory_space<hbm>>
      tpu.wait_dma2 semaphore(%run_scoped3A_88 : memref<!tpu.dma_semaphore, #tpu.memory_space<semaphore_mem>>) src(%dma_wait3A_94 : memref<128x32xf32, #tpu.memory_space<hbm>>) dst(%arg11 : memref<128x32xf32, #tpu.memory_space<vmem>>)
      tpu.yield
    }) : () -> ()
    %run_scoped3A_40 = arith.constant 5 : i32
    "tpu.region"() ({
      %run_scoped3A_88 = tpu.sem_alloc : memref<!tpu.dma_semaphore, #tpu.memory_space<semaphore_mem>>
      %dma_start3A = arith.constant 0 : i32
      %dma_start3A_89 = tpu.memref_slice %arg8[%run_scoped3A_40, %dma_start3A] : memref<13x128xi32, #tpu.memory_space<vmem>> -> memref<1x128xi32, #tpu.memory_space<vmem>>
      %dma_start3A_90 = tpu.memref_squeeze %dma_start3A_89 : memref<1x128xi32, #tpu.memory_space<vmem>> -> memref<128xi32, #tpu.memory_space<vmem>>
      %dma_start3A_91 = arith.constant 0 : i32
      %dma_start3A_92 = arith.constant 0 : i32
      %dma_start3A_93 = tpu.memref_slice %arg12[%dma_start3A_91, %dma_start3A_92] : memref<10112x32xf32, #tpu.memory_space<vmem_shared>> -> memref<10112x32xf32, #tpu.memory_space<vmem_shared>>
      tpu.enqueue_indirect_dma source(%arg11 : memref<128x32xf32, #tpu.memory_space<vmem>>) target(%dma_start3A_93 : memref<10112x32xf32, #tpu.memory_space<vmem_shared>>) offsets(%dma_start3A_90 : memref<128xi32, #tpu.memory_space<vmem>>) semaphore(%run_scoped3A_88 : memref<!tpu.dma_semaphore, #tpu.memory_space<semaphore_mem>>) {add = true}
      %dma_wait3A = arith.constant 0 : i32
      %dma_wait3A_94 = tpu.memref_slice %arg8[%run_scoped3A_40, %dma_wait3A] : memref<13x128xi32, #tpu.memory_space<vmem>> -> memref<1x128xi32, #tpu.memory_space<vmem>>
      %dma_wait3A_95 = tpu.memref_squeeze %dma_wait3A_94 : memref<1x128xi32, #tpu.memory_space<vmem>> -> memref<128xi32, #tpu.memory_space<vmem>>
      %dma_wait3A_96 = arith.constant 0 : i32
      %dma_wait3A_97 = arith.constant 0 : i32
      %dma_wait3A_98 = tpu.memref_slice %arg12[%dma_wait3A_96, %dma_wait3A_97] : memref<10112x32xf32, #tpu.memory_space<vmem_shared>> -> memref<10112x32xf32, #tpu.memory_space<vmem_shared>>
      tpu.wait_indirect_dma semaphore(%run_scoped3A_88 : memref<!tpu.dma_semaphore, #tpu.memory_space<semaphore_mem>>) src(%arg11 : memref<128x32xf32, #tpu.memory_space<vmem>>) dst(%dma_wait3A_98 : memref<10112x32xf32, #tpu.memory_space<vmem_shared>>)
      tpu.yield
    }) : () -> ()
    %add3A_41 = arith.constant 768 : i32
    %add3A_42 = arith.addi %multiple_of3A, %add3A_41 : i32
    "tpu.region"() ({
      %run_scoped3A_88 = tpu.sem_alloc : memref<!tpu.dma_semaphore, #tpu.memory_space<semaphore_mem>>
      %dma_start3A = arith.constant 0 : i32
      %dma_start3A_89 = tpu.memref_slice %arg2[%add3A_42, %dma_start3A] : memref<53248x128xf32, #tpu.memory_space<hbm>> -> memref<128x128xf32, #tpu.memory_space<hbm>>
      %dma_start3A_90 = arith.constant 0 : i32
      %dma_start3A_91 = tpu.memref_slice %arg2[%add3A_42, %dma_start3A_90] : memref<53248x128xf32, #tpu.memory_space<hbm>> -> memref<128x128xf32, #tpu.memory_space<hbm>>
      tpu.enqueue_dma source(%dma_start3A_91 : memref<128x128xf32, #tpu.memory_space<hbm>>) target(%arg9 : memref<128x128xf32, #tpu.memory_space<vmem>>) target_semaphore(%run_scoped3A_88 : memref<!tpu.dma_semaphore, #tpu.memory_space<semaphore_mem>>)
      %dma_wait3A = arith.constant 0 : i32
      %dma_wait3A_92 = tpu.memref_slice %arg2[%add3A_42, %dma_wait3A] : memref<53248x128xf32, #tpu.memory_space<hbm>> -> memref<128x128xf32, #tpu.memory_space<hbm>>
      %dma_wait3A_93 = arith.constant 0 : i32
      %dma_wait3A_94 = tpu.memref_slice %arg2[%add3A_42, %dma_wait3A_93] : memref<53248x128xf32, #tpu.memory_space<hbm>> -> memref<128x128xf32, #tpu.memory_space<hbm>>
      tpu.wait_dma2 semaphore(%run_scoped3A_88 : memref<!tpu.dma_semaphore, #tpu.memory_space<semaphore_mem>>) src(%dma_wait3A_94 : memref<128x128xf32, #tpu.memory_space<hbm>>) dst(%arg9 : memref<128x128xf32, #tpu.memory_space<vmem>>)
      tpu.yield
    }) : () -> ()
    %run_scoped3A_43 = arith.constant 6 : i32
    "tpu.region"() ({
      %run_scoped3A_88 = tpu.sem_alloc : memref<!tpu.dma_semaphore, #tpu.memory_space<semaphore_mem>>
      %dma_start3A = arith.constant 0 : i32
      %dma_start3A_89 = tpu.memref_slice %arg8[%run_scoped3A_43, %dma_start3A] : memref<13x128xi32, #tpu.memory_space<vmem>> -> memref<1x128xi32, #tpu.memory_space<vmem>>
      %dma_start3A_90 = tpu.memref_squeeze %dma_start3A_89 : memref<1x128xi32, #tpu.memory_space<vmem>> -> memref<128xi32, #tpu.memory_space<vmem>>
      %dma_start3A_91 = arith.constant 0 : i32
      %dma_start3A_92 = arith.constant 0 : i32
      %dma_start3A_93 = tpu.memref_slice %arg10[%dma_start3A_91, %dma_start3A_92] : memref<10112x128xf32, #tpu.memory_space<vmem_shared>> -> memref<10112x128xf32, #tpu.memory_space<vmem_shared>>
      tpu.enqueue_indirect_dma source(%arg9 : memref<128x128xf32, #tpu.memory_space<vmem>>) target(%dma_start3A_93 : memref<10112x128xf32, #tpu.memory_space<vmem_shared>>) offsets(%dma_start3A_90 : memref<128xi32, #tpu.memory_space<vmem>>) semaphore(%run_scoped3A_88 : memref<!tpu.dma_semaphore, #tpu.memory_space<semaphore_mem>>) {add = true}
      %dma_wait3A = arith.constant 0 : i32
      %dma_wait3A_94 = tpu.memref_slice %arg8[%run_scoped3A_43, %dma_wait3A] : memref<13x128xi32, #tpu.memory_space<vmem>> -> memref<1x128xi32, #tpu.memory_space<vmem>>
      %dma_wait3A_95 = tpu.memref_squeeze %dma_wait3A_94 : memref<1x128xi32, #tpu.memory_space<vmem>> -> memref<128xi32, #tpu.memory_space<vmem>>
      %dma_wait3A_96 = arith.constant 0 : i32
      %dma_wait3A_97 = arith.constant 0 : i32
      %dma_wait3A_98 = tpu.memref_slice %arg10[%dma_wait3A_96, %dma_wait3A_97] : memref<10112x128xf32, #tpu.memory_space<vmem_shared>> -> memref<10112x128xf32, #tpu.memory_space<vmem_shared>>
      tpu.wait_indirect_dma semaphore(%run_scoped3A_88 : memref<!tpu.dma_semaphore, #tpu.memory_space<semaphore_mem>>) src(%arg9 : memref<128x128xf32, #tpu.memory_space<vmem>>) dst(%dma_wait3A_98 : memref<10112x128xf32, #tpu.memory_space<vmem_shared>>)
      tpu.yield
    }) : () -> ()
    %add3A_44 = arith.constant 768 : i32
    %add3A_45 = arith.addi %multiple_of3A, %add3A_44 : i32
    "tpu.region"() ({
      %run_scoped3A_88 = tpu.sem_alloc : memref<!tpu.dma_semaphore, #tpu.memory_space<semaphore_mem>>
      %dma_start3A = arith.constant 0 : i32
      %dma_start3A_89 = tpu.memref_slice %arg3[%add3A_45, %dma_start3A] : memref<53248x128xf32, #tpu.memory_space<hbm>> -> memref<128x32xf32, #tpu.memory_space<hbm>>
      %dma_start3A_90 = arith.constant 0 : i32
      %dma_start3A_91 = tpu.memref_slice %arg3[%add3A_45, %dma_start3A_90] : memref<53248x128xf32, #tpu.memory_space<hbm>> -> memref<128x32xf32, #tpu.memory_space<hbm>>
      tpu.enqueue_dma source(%dma_start3A_91 : memref<128x32xf32, #tpu.memory_space<hbm>>) target(%arg11 : memref<128x32xf32, #tpu.memory_space<vmem>>) target_semaphore(%run_scoped3A_88 : memref<!tpu.dma_semaphore, #tpu.memory_space<semaphore_mem>>)
      %dma_wait3A = arith.constant 0 : i32
      %dma_wait3A_92 = tpu.memref_slice %arg3[%add3A_45, %dma_wait3A] : memref<53248x128xf32, #tpu.memory_space<hbm>> -> memref<128x32xf32, #tpu.memory_space<hbm>>
      %dma_wait3A_93 = arith.constant 0 : i32
      %dma_wait3A_94 = tpu.memref_slice %arg3[%add3A_45, %dma_wait3A_93] : memref<53248x128xf32, #tpu.memory_space<hbm>> -> memref<128x32xf32, #tpu.memory_space<hbm>>
      tpu.wait_dma2 semaphore(%run_scoped3A_88 : memref<!tpu.dma_semaphore, #tpu.memory_space<semaphore_mem>>) src(%dma_wait3A_94 : memref<128x32xf32, #tpu.memory_space<hbm>>) dst(%arg11 : memref<128x32xf32, #tpu.memory_space<vmem>>)
      tpu.yield
    }) : () -> ()
    %run_scoped3A_46 = arith.constant 6 : i32
    "tpu.region"() ({
      %run_scoped3A_88 = tpu.sem_alloc : memref<!tpu.dma_semaphore, #tpu.memory_space<semaphore_mem>>
      %dma_start3A = arith.constant 0 : i32
      %dma_start3A_89 = tpu.memref_slice %arg8[%run_scoped3A_46, %dma_start3A] : memref<13x128xi32, #tpu.memory_space<vmem>> -> memref<1x128xi32, #tpu.memory_space<vmem>>
      %dma_start3A_90 = tpu.memref_squeeze %dma_start3A_89 : memref<1x128xi32, #tpu.memory_space<vmem>> -> memref<128xi32, #tpu.memory_space<vmem>>
      %dma_start3A_91 = arith.constant 0 : i32
      %dma_start3A_92 = arith.constant 0 : i32
      %dma_start3A_93 = tpu.memref_slice %arg12[%dma_start3A_91, %dma_start3A_92] : memref<10112x32xf32, #tpu.memory_space<vmem_shared>> -> memref<10112x32xf32, #tpu.memory_space<vmem_shared>>
      tpu.enqueue_indirect_dma source(%arg11 : memref<128x32xf32, #tpu.memory_space<vmem>>) target(%dma_start3A_93 : memref<10112x32xf32, #tpu.memory_space<vmem_shared>>) offsets(%dma_start3A_90 : memref<128xi32, #tpu.memory_space<vmem>>) semaphore(%run_scoped3A_88 : memref<!tpu.dma_semaphore, #tpu.memory_space<semaphore_mem>>) {add = true}
      %dma_wait3A = arith.constant 0 : i32
      %dma_wait3A_94 = tpu.memref_slice %arg8[%run_scoped3A_46, %dma_wait3A] : memref<13x128xi32, #tpu.memory_space<vmem>> -> memref<1x128xi32, #tpu.memory_space<vmem>>
      %dma_wait3A_95 = tpu.memref_squeeze %dma_wait3A_94 : memref<1x128xi32, #tpu.memory_space<vmem>> -> memref<128xi32, #tpu.memory_space<vmem>>
      %dma_wait3A_96 = arith.constant 0 : i32
      %dma_wait3A_97 = arith.constant 0 : i32
      %dma_wait3A_98 = tpu.memref_slice %arg12[%dma_wait3A_96, %dma_wait3A_97] : memref<10112x32xf32, #tpu.memory_space<vmem_shared>> -> memref<10112x32xf32, #tpu.memory_space<vmem_shared>>
      tpu.wait_indirect_dma semaphore(%run_scoped3A_88 : memref<!tpu.dma_semaphore, #tpu.memory_space<semaphore_mem>>) src(%arg11 : memref<128x32xf32, #tpu.memory_space<vmem>>) dst(%dma_wait3A_98 : memref<10112x32xf32, #tpu.memory_space<vmem_shared>>)
      tpu.yield
    }) : () -> ()
    %add3A_47 = arith.constant 896 : i32
    %add3A_48 = arith.addi %multiple_of3A, %add3A_47 : i32
    "tpu.region"() ({
      %run_scoped3A_88 = tpu.sem_alloc : memref<!tpu.dma_semaphore, #tpu.memory_space<semaphore_mem>>
      %dma_start3A = arith.constant 0 : i32
      %dma_start3A_89 = tpu.memref_slice %arg2[%add3A_48, %dma_start3A] : memref<53248x128xf32, #tpu.memory_space<hbm>> -> memref<128x128xf32, #tpu.memory_space<hbm>>
      %dma_start3A_90 = arith.constant 0 : i32
      %dma_start3A_91 = tpu.memref_slice %arg2[%add3A_48, %dma_start3A_90] : memref<53248x128xf32, #tpu.memory_space<hbm>> -> memref<128x128xf32, #tpu.memory_space<hbm>>
      tpu.enqueue_dma source(%dma_start3A_91 : memref<128x128xf32, #tpu.memory_space<hbm>>) target(%arg9 : memref<128x128xf32, #tpu.memory_space<vmem>>) target_semaphore(%run_scoped3A_88 : memref<!tpu.dma_semaphore, #tpu.memory_space<semaphore_mem>>)
      %dma_wait3A = arith.constant 0 : i32
      %dma_wait3A_92 = tpu.memref_slice %arg2[%add3A_48, %dma_wait3A] : memref<53248x128xf32, #tpu.memory_space<hbm>> -> memref<128x128xf32, #tpu.memory_space<hbm>>
      %dma_wait3A_93 = arith.constant 0 : i32
      %dma_wait3A_94 = tpu.memref_slice %arg2[%add3A_48, %dma_wait3A_93] : memref<53248x128xf32, #tpu.memory_space<hbm>> -> memref<128x128xf32, #tpu.memory_space<hbm>>
      tpu.wait_dma2 semaphore(%run_scoped3A_88 : memref<!tpu.dma_semaphore, #tpu.memory_space<semaphore_mem>>) src(%dma_wait3A_94 : memref<128x128xf32, #tpu.memory_space<hbm>>) dst(%arg9 : memref<128x128xf32, #tpu.memory_space<vmem>>)
      tpu.yield
    }) : () -> ()
    %run_scoped3A_49 = arith.constant 7 : i32
    "tpu.region"() ({
      %run_scoped3A_88 = tpu.sem_alloc : memref<!tpu.dma_semaphore, #tpu.memory_space<semaphore_mem>>
      %dma_start3A = arith.constant 0 : i32
      %dma_start3A_89 = tpu.memref_slice %arg8[%run_scoped3A_49, %dma_start3A] : memref<13x128xi32, #tpu.memory_space<vmem>> -> memref<1x128xi32, #tpu.memory_space<vmem>>
      %dma_start3A_90 = tpu.memref_squeeze %dma_start3A_89 : memref<1x128xi32, #tpu.memory_space<vmem>> -> memref<128xi32, #tpu.memory_space<vmem>>
      %dma_start3A_91 = arith.constant 0 : i32
      %dma_start3A_92 = arith.constant 0 : i32
      %dma_start3A_93 = tpu.memref_slice %arg10[%dma_start3A_91, %dma_start3A_92] : memref<10112x128xf32, #tpu.memory_space<vmem_shared>> -> memref<10112x128xf32, #tpu.memory_space<vmem_shared>>
      tpu.enqueue_indirect_dma source(%arg9 : memref<128x128xf32, #tpu.memory_space<vmem>>) target(%dma_start3A_93 : memref<10112x128xf32, #tpu.memory_space<vmem_shared>>) offsets(%dma_start3A_90 : memref<128xi32, #tpu.memory_space<vmem>>) semaphore(%run_scoped3A_88 : memref<!tpu.dma_semaphore, #tpu.memory_space<semaphore_mem>>) {add = true}
      %dma_wait3A = arith.constant 0 : i32
      %dma_wait3A_94 = tpu.memref_slice %arg8[%run_scoped3A_49, %dma_wait3A] : memref<13x128xi32, #tpu.memory_space<vmem>> -> memref<1x128xi32, #tpu.memory_space<vmem>>
      %dma_wait3A_95 = tpu.memref_squeeze %dma_wait3A_94 : memref<1x128xi32, #tpu.memory_space<vmem>> -> memref<128xi32, #tpu.memory_space<vmem>>
      %dma_wait3A_96 = arith.constant 0 : i32
      %dma_wait3A_97 = arith.constant 0 : i32
      %dma_wait3A_98 = tpu.memref_slice %arg10[%dma_wait3A_96, %dma_wait3A_97] : memref<10112x128xf32, #tpu.memory_space<vmem_shared>> -> memref<10112x128xf32, #tpu.memory_space<vmem_shared>>
      tpu.wait_indirect_dma semaphore(%run_scoped3A_88 : memref<!tpu.dma_semaphore, #tpu.memory_space<semaphore_mem>>) src(%arg9 : memref<128x128xf32, #tpu.memory_space<vmem>>) dst(%dma_wait3A_98 : memref<10112x128xf32, #tpu.memory_space<vmem_shared>>)
      tpu.yield
    }) : () -> ()
    %add3A_50 = arith.constant 896 : i32
    %add3A_51 = arith.addi %multiple_of3A, %add3A_50 : i32
    "tpu.region"() ({
      %run_scoped3A_88 = tpu.sem_alloc : memref<!tpu.dma_semaphore, #tpu.memory_space<semaphore_mem>>
      %dma_start3A = arith.constant 0 : i32
      %dma_start3A_89 = tpu.memref_slice %arg3[%add3A_51, %dma_start3A] : memref<53248x128xf32, #tpu.memory_space<hbm>> -> memref<128x32xf32, #tpu.memory_space<hbm>>
      %dma_start3A_90 = arith.constant 0 : i32
      %dma_start3A_91 = tpu.memref_slice %arg3[%add3A_51, %dma_start3A_90] : memref<53248x128xf32, #tpu.memory_space<hbm>> -> memref<128x32xf32, #tpu.memory_space<hbm>>
      tpu.enqueue_dma source(%dma_start3A_91 : memref<128x32xf32, #tpu.memory_space<hbm>>) target(%arg11 : memref<128x32xf32, #tpu.memory_space<vmem>>) target_semaphore(%run_scoped3A_88 : memref<!tpu.dma_semaphore, #tpu.memory_space<semaphore_mem>>)
      %dma_wait3A = arith.constant 0 : i32
      %dma_wait3A_92 = tpu.memref_slice %arg3[%add3A_51, %dma_wait3A] : memref<53248x128xf32, #tpu.memory_space<hbm>> -> memref<128x32xf32, #tpu.memory_space<hbm>>
      %dma_wait3A_93 = arith.constant 0 : i32
      %dma_wait3A_94 = tpu.memref_slice %arg3[%add3A_51, %dma_wait3A_93] : memref<53248x128xf32, #tpu.memory_space<hbm>> -> memref<128x32xf32, #tpu.memory_space<hbm>>
      tpu.wait_dma2 semaphore(%run_scoped3A_88 : memref<!tpu.dma_semaphore, #tpu.memory_space<semaphore_mem>>) src(%dma_wait3A_94 : memref<128x32xf32, #tpu.memory_space<hbm>>) dst(%arg11 : memref<128x32xf32, #tpu.memory_space<vmem>>)
      tpu.yield
    }) : () -> ()
    %run_scoped3A_52 = arith.constant 7 : i32
    "tpu.region"() ({
      %run_scoped3A_88 = tpu.sem_alloc : memref<!tpu.dma_semaphore, #tpu.memory_space<semaphore_mem>>
      %dma_start3A = arith.constant 0 : i32
      %dma_start3A_89 = tpu.memref_slice %arg8[%run_scoped3A_52, %dma_start3A] : memref<13x128xi32, #tpu.memory_space<vmem>> -> memref<1x128xi32, #tpu.memory_space<vmem>>
      %dma_start3A_90 = tpu.memref_squeeze %dma_start3A_89 : memref<1x128xi32, #tpu.memory_space<vmem>> -> memref<128xi32, #tpu.memory_space<vmem>>
      %dma_start3A_91 = arith.constant 0 : i32
      %dma_start3A_92 = arith.constant 0 : i32
      %dma_start3A_93 = tpu.memref_slice %arg12[%dma_start3A_91, %dma_start3A_92] : memref<10112x32xf32, #tpu.memory_space<vmem_shared>> -> memref<10112x32xf32, #tpu.memory_space<vmem_shared>>
      tpu.enqueue_indirect_dma source(%arg11 : memref<128x32xf32, #tpu.memory_space<vmem>>) target(%dma_start3A_93 : memref<10112x32xf32, #tpu.memory_space<vmem_shared>>) offsets(%dma_start3A_90 : memref<128xi32, #tpu.memory_space<vmem>>) semaphore(%run_scoped3A_88 : memref<!tpu.dma_semaphore, #tpu.memory_space<semaphore_mem>>) {add = true}
      %dma_wait3A = arith.constant 0 : i32
      %dma_wait3A_94 = tpu.memref_slice %arg8[%run_scoped3A_52, %dma_wait3A] : memref<13x128xi32, #tpu.memory_space<vmem>> -> memref<1x128xi32, #tpu.memory_space<vmem>>
      %dma_wait3A_95 = tpu.memref_squeeze %dma_wait3A_94 : memref<1x128xi32, #tpu.memory_space<vmem>> -> memref<128xi32, #tpu.memory_space<vmem>>
      %dma_wait3A_96 = arith.constant 0 : i32
      %dma_wait3A_97 = arith.constant 0 : i32
      %dma_wait3A_98 = tpu.memref_slice %arg12[%dma_wait3A_96, %dma_wait3A_97] : memref<10112x32xf32, #tpu.memory_space<vmem_shared>> -> memref<10112x32xf32, #tpu.memory_space<vmem_shared>>
      tpu.wait_indirect_dma semaphore(%run_scoped3A_88 : memref<!tpu.dma_semaphore, #tpu.memory_space<semaphore_mem>>) src(%arg11 : memref<128x32xf32, #tpu.memory_space<vmem>>) dst(%dma_wait3A_98 : memref<10112x32xf32, #tpu.memory_space<vmem_shared>>)
      tpu.yield
    }) : () -> ()
    %add3A_53 = arith.constant 1024 : i32
    %add3A_54 = arith.addi %multiple_of3A, %add3A_53 : i32
    "tpu.region"() ({
      %run_scoped3A_88 = tpu.sem_alloc : memref<!tpu.dma_semaphore, #tpu.memory_space<semaphore_mem>>
      %dma_start3A = arith.constant 0 : i32
      %dma_start3A_89 = tpu.memref_slice %arg2[%add3A_54, %dma_start3A] : memref<53248x128xf32, #tpu.memory_space<hbm>> -> memref<128x128xf32, #tpu.memory_space<hbm>>
      %dma_start3A_90 = arith.constant 0 : i32
      %dma_start3A_91 = tpu.memref_slice %arg2[%add3A_54, %dma_start3A_90] : memref<53248x128xf32, #tpu.memory_space<hbm>> -> memref<128x128xf32, #tpu.memory_space<hbm>>
      tpu.enqueue_dma source(%dma_start3A_91 : memref<128x128xf32, #tpu.memory_space<hbm>>) target(%arg9 : memref<128x128xf32, #tpu.memory_space<vmem>>) target_semaphore(%run_scoped3A_88 : memref<!tpu.dma_semaphore, #tpu.memory_space<semaphore_mem>>)
      %dma_wait3A = arith.constant 0 : i32
      %dma_wait3A_92 = tpu.memref_slice %arg2[%add3A_54, %dma_wait3A] : memref<53248x128xf32, #tpu.memory_space<hbm>> -> memref<128x128xf32, #tpu.memory_space<hbm>>
      %dma_wait3A_93 = arith.constant 0 : i32
      %dma_wait3A_94 = tpu.memref_slice %arg2[%add3A_54, %dma_wait3A_93] : memref<53248x128xf32, #tpu.memory_space<hbm>> -> memref<128x128xf32, #tpu.memory_space<hbm>>
      tpu.wait_dma2 semaphore(%run_scoped3A_88 : memref<!tpu.dma_semaphore, #tpu.memory_space<semaphore_mem>>) src(%dma_wait3A_94 : memref<128x128xf32, #tpu.memory_space<hbm>>) dst(%arg9 : memref<128x128xf32, #tpu.memory_space<vmem>>)
      tpu.yield
    }) : () -> ()
    %run_scoped3A_55 = arith.constant 8 : i32
    "tpu.region"() ({
      %run_scoped3A_88 = tpu.sem_alloc : memref<!tpu.dma_semaphore, #tpu.memory_space<semaphore_mem>>
      %dma_start3A = arith.constant 0 : i32
      %dma_start3A_89 = tpu.memref_slice %arg8[%run_scoped3A_55, %dma_start3A] : memref<13x128xi32, #tpu.memory_space<vmem>> -> memref<1x128xi32, #tpu.memory_space<vmem>>
      %dma_start3A_90 = tpu.memref_squeeze %dma_start3A_89 : memref<1x128xi32, #tpu.memory_space<vmem>> -> memref<128xi32, #tpu.memory_space<vmem>>
      %dma_start3A_91 = arith.constant 0 : i32
      %dma_start3A_92 = arith.constant 0 : i32
      %dma_start3A_93 = tpu.memref_slice %arg10[%dma_start3A_91, %dma_start3A_92] : memref<10112x128xf32, #tpu.memory_space<vmem_shared>> -> memref<10112x128xf32, #tpu.memory_space<vmem_shared>>
      tpu.enqueue_indirect_dma source(%arg9 : memref<128x128xf32, #tpu.memory_space<vmem>>) target(%dma_start3A_93 : memref<10112x128xf32, #tpu.memory_space<vmem_shared>>) offsets(%dma_start3A_90 : memref<128xi32, #tpu.memory_space<vmem>>) semaphore(%run_scoped3A_88 : memref<!tpu.dma_semaphore, #tpu.memory_space<semaphore_mem>>) {add = true}
      %dma_wait3A = arith.constant 0 : i32
      %dma_wait3A_94 = tpu.memref_slice %arg8[%run_scoped3A_55, %dma_wait3A] : memref<13x128xi32, #tpu.memory_space<vmem>> -> memref<1x128xi32, #tpu.memory_space<vmem>>
      %dma_wait3A_95 = tpu.memref_squeeze %dma_wait3A_94 : memref<1x128xi32, #tpu.memory_space<vmem>> -> memref<128xi32, #tpu.memory_space<vmem>>
      %dma_wait3A_96 = arith.constant 0 : i32
      %dma_wait3A_97 = arith.constant 0 : i32
      %dma_wait3A_98 = tpu.memref_slice %arg10[%dma_wait3A_96, %dma_wait3A_97] : memref<10112x128xf32, #tpu.memory_space<vmem_shared>> -> memref<10112x128xf32, #tpu.memory_space<vmem_shared>>
      tpu.wait_indirect_dma semaphore(%run_scoped3A_88 : memref<!tpu.dma_semaphore, #tpu.memory_space<semaphore_mem>>) src(%arg9 : memref<128x128xf32, #tpu.memory_space<vmem>>) dst(%dma_wait3A_98 : memref<10112x128xf32, #tpu.memory_space<vmem_shared>>)
      tpu.yield
    }) : () -> ()
    %add3A_56 = arith.constant 1024 : i32
    %add3A_57 = arith.addi %multiple_of3A, %add3A_56 : i32
    "tpu.region"() ({
      %run_scoped3A_88 = tpu.sem_alloc : memref<!tpu.dma_semaphore, #tpu.memory_space<semaphore_mem>>
      %dma_start3A = arith.constant 0 : i32
      %dma_start3A_89 = tpu.memref_slice %arg3[%add3A_57, %dma_start3A] : memref<53248x128xf32, #tpu.memory_space<hbm>> -> memref<128x32xf32, #tpu.memory_space<hbm>>
      %dma_start3A_90 = arith.constant 0 : i32
      %dma_start3A_91 = tpu.memref_slice %arg3[%add3A_57, %dma_start3A_90] : memref<53248x128xf32, #tpu.memory_space<hbm>> -> memref<128x32xf32, #tpu.memory_space<hbm>>
      tpu.enqueue_dma source(%dma_start3A_91 : memref<128x32xf32, #tpu.memory_space<hbm>>) target(%arg11 : memref<128x32xf32, #tpu.memory_space<vmem>>) target_semaphore(%run_scoped3A_88 : memref<!tpu.dma_semaphore, #tpu.memory_space<semaphore_mem>>)
      %dma_wait3A = arith.constant 0 : i32
      %dma_wait3A_92 = tpu.memref_slice %arg3[%add3A_57, %dma_wait3A] : memref<53248x128xf32, #tpu.memory_space<hbm>> -> memref<128x32xf32, #tpu.memory_space<hbm>>
      %dma_wait3A_93 = arith.constant 0 : i32
      %dma_wait3A_94 = tpu.memref_slice %arg3[%add3A_57, %dma_wait3A_93] : memref<53248x128xf32, #tpu.memory_space<hbm>> -> memref<128x32xf32, #tpu.memory_space<hbm>>
      tpu.wait_dma2 semaphore(%run_scoped3A_88 : memref<!tpu.dma_semaphore, #tpu.memory_space<semaphore_mem>>) src(%dma_wait3A_94 : memref<128x32xf32, #tpu.memory_space<hbm>>) dst(%arg11 : memref<128x32xf32, #tpu.memory_space<vmem>>)
      tpu.yield
    }) : () -> ()
    %run_scoped3A_58 = arith.constant 8 : i32
    "tpu.region"() ({
      %run_scoped3A_88 = tpu.sem_alloc : memref<!tpu.dma_semaphore, #tpu.memory_space<semaphore_mem>>
      %dma_start3A = arith.constant 0 : i32
      %dma_start3A_89 = tpu.memref_slice %arg8[%run_scoped3A_58, %dma_start3A] : memref<13x128xi32, #tpu.memory_space<vmem>> -> memref<1x128xi32, #tpu.memory_space<vmem>>
      %dma_start3A_90 = tpu.memref_squeeze %dma_start3A_89 : memref<1x128xi32, #tpu.memory_space<vmem>> -> memref<128xi32, #tpu.memory_space<vmem>>
      %dma_start3A_91 = arith.constant 0 : i32
      %dma_start3A_92 = arith.constant 0 : i32
      %dma_start3A_93 = tpu.memref_slice %arg12[%dma_start3A_91, %dma_start3A_92] : memref<10112x32xf32, #tpu.memory_space<vmem_shared>> -> memref<10112x32xf32, #tpu.memory_space<vmem_shared>>
      tpu.enqueue_indirect_dma source(%arg11 : memref<128x32xf32, #tpu.memory_space<vmem>>) target(%dma_start3A_93 : memref<10112x32xf32, #tpu.memory_space<vmem_shared>>) offsets(%dma_start3A_90 : memref<128xi32, #tpu.memory_space<vmem>>) semaphore(%run_scoped3A_88 : memref<!tpu.dma_semaphore, #tpu.memory_space<semaphore_mem>>) {add = true}
      %dma_wait3A = arith.constant 0 : i32
      %dma_wait3A_94 = tpu.memref_slice %arg8[%run_scoped3A_58, %dma_wait3A] : memref<13x128xi32, #tpu.memory_space<vmem>> -> memref<1x128xi32, #tpu.memory_space<vmem>>
      %dma_wait3A_95 = tpu.memref_squeeze %dma_wait3A_94 : memref<1x128xi32, #tpu.memory_space<vmem>> -> memref<128xi32, #tpu.memory_space<vmem>>
      %dma_wait3A_96 = arith.constant 0 : i32
      %dma_wait3A_97 = arith.constant 0 : i32
      %dma_wait3A_98 = tpu.memref_slice %arg12[%dma_wait3A_96, %dma_wait3A_97] : memref<10112x32xf32, #tpu.memory_space<vmem_shared>> -> memref<10112x32xf32, #tpu.memory_space<vmem_shared>>
      tpu.wait_indirect_dma semaphore(%run_scoped3A_88 : memref<!tpu.dma_semaphore, #tpu.memory_space<semaphore_mem>>) src(%arg11 : memref<128x32xf32, #tpu.memory_space<vmem>>) dst(%dma_wait3A_98 : memref<10112x32xf32, #tpu.memory_space<vmem_shared>>)
      tpu.yield
    }) : () -> ()
    %add3A_59 = arith.constant 1152 : i32
    %add3A_60 = arith.addi %multiple_of3A, %add3A_59 : i32
    "tpu.region"() ({
      %run_scoped3A_88 = tpu.sem_alloc : memref<!tpu.dma_semaphore, #tpu.memory_space<semaphore_mem>>
      %dma_start3A = arith.constant 0 : i32
      %dma_start3A_89 = tpu.memref_slice %arg2[%add3A_60, %dma_start3A] : memref<53248x128xf32, #tpu.memory_space<hbm>> -> memref<128x128xf32, #tpu.memory_space<hbm>>
      %dma_start3A_90 = arith.constant 0 : i32
      %dma_start3A_91 = tpu.memref_slice %arg2[%add3A_60, %dma_start3A_90] : memref<53248x128xf32, #tpu.memory_space<hbm>> -> memref<128x128xf32, #tpu.memory_space<hbm>>
      tpu.enqueue_dma source(%dma_start3A_91 : memref<128x128xf32, #tpu.memory_space<hbm>>) target(%arg9 : memref<128x128xf32, #tpu.memory_space<vmem>>) target_semaphore(%run_scoped3A_88 : memref<!tpu.dma_semaphore, #tpu.memory_space<semaphore_mem>>)
      %dma_wait3A = arith.constant 0 : i32
      %dma_wait3A_92 = tpu.memref_slice %arg2[%add3A_60, %dma_wait3A] : memref<53248x128xf32, #tpu.memory_space<hbm>> -> memref<128x128xf32, #tpu.memory_space<hbm>>
      %dma_wait3A_93 = arith.constant 0 : i32
      %dma_wait3A_94 = tpu.memref_slice %arg2[%add3A_60, %dma_wait3A_93] : memref<53248x128xf32, #tpu.memory_space<hbm>> -> memref<128x128xf32, #tpu.memory_space<hbm>>
      tpu.wait_dma2 semaphore(%run_scoped3A_88 : memref<!tpu.dma_semaphore, #tpu.memory_space<semaphore_mem>>) src(%dma_wait3A_94 : memref<128x128xf32, #tpu.memory_space<hbm>>) dst(%arg9 : memref<128x128xf32, #tpu.memory_space<vmem>>)
      tpu.yield
    }) : () -> ()
    %run_scoped3A_61 = arith.constant 9 : i32
    "tpu.region"() ({
      %run_scoped3A_88 = tpu.sem_alloc : memref<!tpu.dma_semaphore, #tpu.memory_space<semaphore_mem>>
      %dma_start3A = arith.constant 0 : i32
      %dma_start3A_89 = tpu.memref_slice %arg8[%run_scoped3A_61, %dma_start3A] : memref<13x128xi32, #tpu.memory_space<vmem>> -> memref<1x128xi32, #tpu.memory_space<vmem>>
      %dma_start3A_90 = tpu.memref_squeeze %dma_start3A_89 : memref<1x128xi32, #tpu.memory_space<vmem>> -> memref<128xi32, #tpu.memory_space<vmem>>
      %dma_start3A_91 = arith.constant 0 : i32
      %dma_start3A_92 = arith.constant 0 : i32
      %dma_start3A_93 = tpu.memref_slice %arg10[%dma_start3A_91, %dma_start3A_92] : memref<10112x128xf32, #tpu.memory_space<vmem_shared>> -> memref<10112x128xf32, #tpu.memory_space<vmem_shared>>
      tpu.enqueue_indirect_dma source(%arg9 : memref<128x128xf32, #tpu.memory_space<vmem>>) target(%dma_start3A_93 : memref<10112x128xf32, #tpu.memory_space<vmem_shared>>) offsets(%dma_start3A_90 : memref<128xi32, #tpu.memory_space<vmem>>) semaphore(%run_scoped3A_88 : memref<!tpu.dma_semaphore, #tpu.memory_space<semaphore_mem>>) {add = true}
      %dma_wait3A = arith.constant 0 : i32
      %dma_wait3A_94 = tpu.memref_slice %arg8[%run_scoped3A_61, %dma_wait3A] : memref<13x128xi32, #tpu.memory_space<vmem>> -> memref<1x128xi32, #tpu.memory_space<vmem>>
      %dma_wait3A_95 = tpu.memref_squeeze %dma_wait3A_94 : memref<1x128xi32, #tpu.memory_space<vmem>> -> memref<128xi32, #tpu.memory_space<vmem>>
      %dma_wait3A_96 = arith.constant 0 : i32
      %dma_wait3A_97 = arith.constant 0 : i32
      %dma_wait3A_98 = tpu.memref_slice %arg10[%dma_wait3A_96, %dma_wait3A_97] : memref<10112x128xf32, #tpu.memory_space<vmem_shared>> -> memref<10112x128xf32, #tpu.memory_space<vmem_shared>>
      tpu.wait_indirect_dma semaphore(%run_scoped3A_88 : memref<!tpu.dma_semaphore, #tpu.memory_space<semaphore_mem>>) src(%arg9 : memref<128x128xf32, #tpu.memory_space<vmem>>) dst(%dma_wait3A_98 : memref<10112x128xf32, #tpu.memory_space<vmem_shared>>)
      tpu.yield
    }) : () -> ()
    %add3A_62 = arith.constant 1152 : i32
    %add3A_63 = arith.addi %multiple_of3A, %add3A_62 : i32
    "tpu.region"() ({
      %run_scoped3A_88 = tpu.sem_alloc : memref<!tpu.dma_semaphore, #tpu.memory_space<semaphore_mem>>
      %dma_start3A = arith.constant 0 : i32
      %dma_start3A_89 = tpu.memref_slice %arg3[%add3A_63, %dma_start3A] : memref<53248x128xf32, #tpu.memory_space<hbm>> -> memref<128x32xf32, #tpu.memory_space<hbm>>
      %dma_start3A_90 = arith.constant 0 : i32
      %dma_start3A_91 = tpu.memref_slice %arg3[%add3A_63, %dma_start3A_90] : memref<53248x128xf32, #tpu.memory_space<hbm>> -> memref<128x32xf32, #tpu.memory_space<hbm>>
      tpu.enqueue_dma source(%dma_start3A_91 : memref<128x32xf32, #tpu.memory_space<hbm>>) target(%arg11 : memref<128x32xf32, #tpu.memory_space<vmem>>) target_semaphore(%run_scoped3A_88 : memref<!tpu.dma_semaphore, #tpu.memory_space<semaphore_mem>>)
      %dma_wait3A = arith.constant 0 : i32
      %dma_wait3A_92 = tpu.memref_slice %arg3[%add3A_63, %dma_wait3A] : memref<53248x128xf32, #tpu.memory_space<hbm>> -> memref<128x32xf32, #tpu.memory_space<hbm>>
      %dma_wait3A_93 = arith.constant 0 : i32
      %dma_wait3A_94 = tpu.memref_slice %arg3[%add3A_63, %dma_wait3A_93] : memref<53248x128xf32, #tpu.memory_space<hbm>> -> memref<128x32xf32, #tpu.memory_space<hbm>>
      tpu.wait_dma2 semaphore(%run_scoped3A_88 : memref<!tpu.dma_semaphore, #tpu.memory_space<semaphore_mem>>) src(%dma_wait3A_94 : memref<128x32xf32, #tpu.memory_space<hbm>>) dst(%arg11 : memref<128x32xf32, #tpu.memory_space<vmem>>)
      tpu.yield
    }) : () -> ()
    %run_scoped3A_64 = arith.constant 9 : i32
    "tpu.region"() ({
      %run_scoped3A_88 = tpu.sem_alloc : memref<!tpu.dma_semaphore, #tpu.memory_space<semaphore_mem>>
      %dma_start3A = arith.constant 0 : i32
      %dma_start3A_89 = tpu.memref_slice %arg8[%run_scoped3A_64, %dma_start3A] : memref<13x128xi32, #tpu.memory_space<vmem>> -> memref<1x128xi32, #tpu.memory_space<vmem>>
      %dma_start3A_90 = tpu.memref_squeeze %dma_start3A_89 : memref<1x128xi32, #tpu.memory_space<vmem>> -> memref<128xi32, #tpu.memory_space<vmem>>
      %dma_start3A_91 = arith.constant 0 : i32
      %dma_start3A_92 = arith.constant 0 : i32
      %dma_start3A_93 = tpu.memref_slice %arg12[%dma_start3A_91, %dma_start3A_92] : memref<10112x32xf32, #tpu.memory_space<vmem_shared>> -> memref<10112x32xf32, #tpu.memory_space<vmem_shared>>
      tpu.enqueue_indirect_dma source(%arg11 : memref<128x32xf32, #tpu.memory_space<vmem>>) target(%dma_start3A_93 : memref<10112x32xf32, #tpu.memory_space<vmem_shared>>) offsets(%dma_start3A_90 : memref<128xi32, #tpu.memory_space<vmem>>) semaphore(%run_scoped3A_88 : memref<!tpu.dma_semaphore, #tpu.memory_space<semaphore_mem>>) {add = true}
      %dma_wait3A = arith.constant 0 : i32
      %dma_wait3A_94 = tpu.memref_slice %arg8[%run_scoped3A_64, %dma_wait3A] : memref<13x128xi32, #tpu.memory_space<vmem>> -> memref<1x128xi32, #tpu.memory_space<vmem>>
      %dma_wait3A_95 = tpu.memref_squeeze %dma_wait3A_94 : memref<1x128xi32, #tpu.memory_space<vmem>> -> memref<128xi32, #tpu.memory_space<vmem>>
      %dma_wait3A_96 = arith.constant 0 : i32
      %dma_wait3A_97 = arith.constant 0 : i32
      %dma_wait3A_98 = tpu.memref_slice %arg12[%dma_wait3A_96, %dma_wait3A_97] : memref<10112x32xf32, #tpu.memory_space<vmem_shared>> -> memref<10112x32xf32, #tpu.memory_space<vmem_shared>>
      tpu.wait_indirect_dma semaphore(%run_scoped3A_88 : memref<!tpu.dma_semaphore, #tpu.memory_space<semaphore_mem>>) src(%arg11 : memref<128x32xf32, #tpu.memory_space<vmem>>) dst(%dma_wait3A_98 : memref<10112x32xf32, #tpu.memory_space<vmem_shared>>)
      tpu.yield
    }) : () -> ()
    %add3A_65 = arith.constant 1280 : i32
    %add3A_66 = arith.addi %multiple_of3A, %add3A_65 : i32
    "tpu.region"() ({
      %run_scoped3A_88 = tpu.sem_alloc : memref<!tpu.dma_semaphore, #tpu.memory_space<semaphore_mem>>
      %dma_start3A = arith.constant 0 : i32
      %dma_start3A_89 = tpu.memref_slice %arg2[%add3A_66, %dma_start3A] : memref<53248x128xf32, #tpu.memory_space<hbm>> -> memref<128x128xf32, #tpu.memory_space<hbm>>
      %dma_start3A_90 = arith.constant 0 : i32
      %dma_start3A_91 = tpu.memref_slice %arg2[%add3A_66, %dma_start3A_90] : memref<53248x128xf32, #tpu.memory_space<hbm>> -> memref<128x128xf32, #tpu.memory_space<hbm>>
      tpu.enqueue_dma source(%dma_start3A_91 : memref<128x128xf32, #tpu.memory_space<hbm>>) target(%arg9 : memref<128x128xf32, #tpu.memory_space<vmem>>) target_semaphore(%run_scoped3A_88 : memref<!tpu.dma_semaphore, #tpu.memory_space<semaphore_mem>>)
      %dma_wait3A = arith.constant 0 : i32
      %dma_wait3A_92 = tpu.memref_slice %arg2[%add3A_66, %dma_wait3A] : memref<53248x128xf32, #tpu.memory_space<hbm>> -> memref<128x128xf32, #tpu.memory_space<hbm>>
      %dma_wait3A_93 = arith.constant 0 : i32
      %dma_wait3A_94 = tpu.memref_slice %arg2[%add3A_66, %dma_wait3A_93] : memref<53248x128xf32, #tpu.memory_space<hbm>> -> memref<128x128xf32, #tpu.memory_space<hbm>>
      tpu.wait_dma2 semaphore(%run_scoped3A_88 : memref<!tpu.dma_semaphore, #tpu.memory_space<semaphore_mem>>) src(%dma_wait3A_94 : memref<128x128xf32, #tpu.memory_space<hbm>>) dst(%arg9 : memref<128x128xf32, #tpu.memory_space<vmem>>)
      tpu.yield
    }) : () -> ()
    %run_scoped3A_67 = arith.constant 10 : i32
    "tpu.region"() ({
      %run_scoped3A_88 = tpu.sem_alloc : memref<!tpu.dma_semaphore, #tpu.memory_space<semaphore_mem>>
      %dma_start3A = arith.constant 0 : i32
      %dma_start3A_89 = tpu.memref_slice %arg8[%run_scoped3A_67, %dma_start3A] : memref<13x128xi32, #tpu.memory_space<vmem>> -> memref<1x128xi32, #tpu.memory_space<vmem>>
      %dma_start3A_90 = tpu.memref_squeeze %dma_start3A_89 : memref<1x128xi32, #tpu.memory_space<vmem>> -> memref<128xi32, #tpu.memory_space<vmem>>
      %dma_start3A_91 = arith.constant 0 : i32
      %dma_start3A_92 = arith.constant 0 : i32
      %dma_start3A_93 = tpu.memref_slice %arg10[%dma_start3A_91, %dma_start3A_92] : memref<10112x128xf32, #tpu.memory_space<vmem_shared>> -> memref<10112x128xf32, #tpu.memory_space<vmem_shared>>
      tpu.enqueue_indirect_dma source(%arg9 : memref<128x128xf32, #tpu.memory_space<vmem>>) target(%dma_start3A_93 : memref<10112x128xf32, #tpu.memory_space<vmem_shared>>) offsets(%dma_start3A_90 : memref<128xi32, #tpu.memory_space<vmem>>) semaphore(%run_scoped3A_88 : memref<!tpu.dma_semaphore, #tpu.memory_space<semaphore_mem>>) {add = true}
      %dma_wait3A = arith.constant 0 : i32
      %dma_wait3A_94 = tpu.memref_slice %arg8[%run_scoped3A_67, %dma_wait3A] : memref<13x128xi32, #tpu.memory_space<vmem>> -> memref<1x128xi32, #tpu.memory_space<vmem>>
      %dma_wait3A_95 = tpu.memref_squeeze %dma_wait3A_94 : memref<1x128xi32, #tpu.memory_space<vmem>> -> memref<128xi32, #tpu.memory_space<vmem>>
      %dma_wait3A_96 = arith.constant 0 : i32
      %dma_wait3A_97 = arith.constant 0 : i32
      %dma_wait3A_98 = tpu.memref_slice %arg10[%dma_wait3A_96, %dma_wait3A_97] : memref<10112x128xf32, #tpu.memory_space<vmem_shared>> -> memref<10112x128xf32, #tpu.memory_space<vmem_shared>>
      tpu.wait_indirect_dma semaphore(%run_scoped3A_88 : memref<!tpu.dma_semaphore, #tpu.memory_space<semaphore_mem>>) src(%arg9 : memref<128x128xf32, #tpu.memory_space<vmem>>) dst(%dma_wait3A_98 : memref<10112x128xf32, #tpu.memory_space<vmem_shared>>)
      tpu.yield
    }) : () -> ()
    %add3A_68 = arith.constant 1280 : i32
    %add3A_69 = arith.addi %multiple_of3A, %add3A_68 : i32
    "tpu.region"() ({
      %run_scoped3A_88 = tpu.sem_alloc : memref<!tpu.dma_semaphore, #tpu.memory_space<semaphore_mem>>
      %dma_start3A = arith.constant 0 : i32
      %dma_start3A_89 = tpu.memref_slice %arg3[%add3A_69, %dma_start3A] : memref<53248x128xf32, #tpu.memory_space<hbm>> -> memref<128x32xf32, #tpu.memory_space<hbm>>
      %dma_start3A_90 = arith.constant 0 : i32
      %dma_start3A_91 = tpu.memref_slice %arg3[%add3A_69, %dma_start3A_90] : memref<53248x128xf32, #tpu.memory_space<hbm>> -> memref<128x32xf32, #tpu.memory_space<hbm>>
      tpu.enqueue_dma source(%dma_start3A_91 : memref<128x32xf32, #tpu.memory_space<hbm>>) target(%arg11 : memref<128x32xf32, #tpu.memory_space<vmem>>) target_semaphore(%run_scoped3A_88 : memref<!tpu.dma_semaphore, #tpu.memory_space<semaphore_mem>>)
      %dma_wait3A = arith.constant 0 : i32
      %dma_wait3A_92 = tpu.memref_slice %arg3[%add3A_69, %dma_wait3A] : memref<53248x128xf32, #tpu.memory_space<hbm>> -> memref<128x32xf32, #tpu.memory_space<hbm>>
      %dma_wait3A_93 = arith.constant 0 : i32
      %dma_wait3A_94 = tpu.memref_slice %arg3[%add3A_69, %dma_wait3A_93] : memref<53248x128xf32, #tpu.memory_space<hbm>> -> memref<128x32xf32, #tpu.memory_space<hbm>>
      tpu.wait_dma2 semaphore(%run_scoped3A_88 : memref<!tpu.dma_semaphore, #tpu.memory_space<semaphore_mem>>) src(%dma_wait3A_94 : memref<128x32xf32, #tpu.memory_space<hbm>>) dst(%arg11 : memref<128x32xf32, #tpu.memory_space<vmem>>)
      tpu.yield
    }) : () -> ()
    %run_scoped3A_70 = arith.constant 10 : i32
    "tpu.region"() ({
      %run_scoped3A_88 = tpu.sem_alloc : memref<!tpu.dma_semaphore, #tpu.memory_space<semaphore_mem>>
      %dma_start3A = arith.constant 0 : i32
      %dma_start3A_89 = tpu.memref_slice %arg8[%run_scoped3A_70, %dma_start3A] : memref<13x128xi32, #tpu.memory_space<vmem>> -> memref<1x128xi32, #tpu.memory_space<vmem>>
      %dma_start3A_90 = tpu.memref_squeeze %dma_start3A_89 : memref<1x128xi32, #tpu.memory_space<vmem>> -> memref<128xi32, #tpu.memory_space<vmem>>
      %dma_start3A_91 = arith.constant 0 : i32
      %dma_start3A_92 = arith.constant 0 : i32
      %dma_start3A_93 = tpu.memref_slice %arg12[%dma_start3A_91, %dma_start3A_92] : memref<10112x32xf32, #tpu.memory_space<vmem_shared>> -> memref<10112x32xf32, #tpu.memory_space<vmem_shared>>
      tpu.enqueue_indirect_dma source(%arg11 : memref<128x32xf32, #tpu.memory_space<vmem>>) target(%dma_start3A_93 : memref<10112x32xf32, #tpu.memory_space<vmem_shared>>) offsets(%dma_start3A_90 : memref<128xi32, #tpu.memory_space<vmem>>) semaphore(%run_scoped3A_88 : memref<!tpu.dma_semaphore, #tpu.memory_space<semaphore_mem>>) {add = true}
      %dma_wait3A = arith.constant 0 : i32
      %dma_wait3A_94 = tpu.memref_slice %arg8[%run_scoped3A_70, %dma_wait3A] : memref<13x128xi32, #tpu.memory_space<vmem>> -> memref<1x128xi32, #tpu.memory_space<vmem>>
      %dma_wait3A_95 = tpu.memref_squeeze %dma_wait3A_94 : memref<1x128xi32, #tpu.memory_space<vmem>> -> memref<128xi32, #tpu.memory_space<vmem>>
      %dma_wait3A_96 = arith.constant 0 : i32
      %dma_wait3A_97 = arith.constant 0 : i32
      %dma_wait3A_98 = tpu.memref_slice %arg12[%dma_wait3A_96, %dma_wait3A_97] : memref<10112x32xf32, #tpu.memory_space<vmem_shared>> -> memref<10112x32xf32, #tpu.memory_space<vmem_shared>>
      tpu.wait_indirect_dma semaphore(%run_scoped3A_88 : memref<!tpu.dma_semaphore, #tpu.memory_space<semaphore_mem>>) src(%arg11 : memref<128x32xf32, #tpu.memory_space<vmem>>) dst(%dma_wait3A_98 : memref<10112x32xf32, #tpu.memory_space<vmem_shared>>)
      tpu.yield
    }) : () -> ()
    %add3A_71 = arith.constant 1408 : i32
    %add3A_72 = arith.addi %multiple_of3A, %add3A_71 : i32
    "tpu.region"() ({
      %run_scoped3A_88 = tpu.sem_alloc : memref<!tpu.dma_semaphore, #tpu.memory_space<semaphore_mem>>
      %dma_start3A = arith.constant 0 : i32
      %dma_start3A_89 = tpu.memref_slice %arg2[%add3A_72, %dma_start3A] : memref<53248x128xf32, #tpu.memory_space<hbm>> -> memref<128x128xf32, #tpu.memory_space<hbm>>
      %dma_start3A_90 = arith.constant 0 : i32
      %dma_start3A_91 = tpu.memref_slice %arg2[%add3A_72, %dma_start3A_90] : memref<53248x128xf32, #tpu.memory_space<hbm>> -> memref<128x128xf32, #tpu.memory_space<hbm>>
      tpu.enqueue_dma source(%dma_start3A_91 : memref<128x128xf32, #tpu.memory_space<hbm>>) target(%arg9 : memref<128x128xf32, #tpu.memory_space<vmem>>) target_semaphore(%run_scoped3A_88 : memref<!tpu.dma_semaphore, #tpu.memory_space<semaphore_mem>>)
      %dma_wait3A = arith.constant 0 : i32
      %dma_wait3A_92 = tpu.memref_slice %arg2[%add3A_72, %dma_wait3A] : memref<53248x128xf32, #tpu.memory_space<hbm>> -> memref<128x128xf32, #tpu.memory_space<hbm>>
      %dma_wait3A_93 = arith.constant 0 : i32
      %dma_wait3A_94 = tpu.memref_slice %arg2[%add3A_72, %dma_wait3A_93] : memref<53248x128xf32, #tpu.memory_space<hbm>> -> memref<128x128xf32, #tpu.memory_space<hbm>>
      tpu.wait_dma2 semaphore(%run_scoped3A_88 : memref<!tpu.dma_semaphore, #tpu.memory_space<semaphore_mem>>) src(%dma_wait3A_94 : memref<128x128xf32, #tpu.memory_space<hbm>>) dst(%arg9 : memref<128x128xf32, #tpu.memory_space<vmem>>)
      tpu.yield
    }) : () -> ()
    %run_scoped3A_73 = arith.constant 11 : i32
    "tpu.region"() ({
      %run_scoped3A_88 = tpu.sem_alloc : memref<!tpu.dma_semaphore, #tpu.memory_space<semaphore_mem>>
      %dma_start3A = arith.constant 0 : i32
      %dma_start3A_89 = tpu.memref_slice %arg8[%run_scoped3A_73, %dma_start3A] : memref<13x128xi32, #tpu.memory_space<vmem>> -> memref<1x128xi32, #tpu.memory_space<vmem>>
      %dma_start3A_90 = tpu.memref_squeeze %dma_start3A_89 : memref<1x128xi32, #tpu.memory_space<vmem>> -> memref<128xi32, #tpu.memory_space<vmem>>
      %dma_start3A_91 = arith.constant 0 : i32
      %dma_start3A_92 = arith.constant 0 : i32
      %dma_start3A_93 = tpu.memref_slice %arg10[%dma_start3A_91, %dma_start3A_92] : memref<10112x128xf32, #tpu.memory_space<vmem_shared>> -> memref<10112x128xf32, #tpu.memory_space<vmem_shared>>
      tpu.enqueue_indirect_dma source(%arg9 : memref<128x128xf32, #tpu.memory_space<vmem>>) target(%dma_start3A_93 : memref<10112x128xf32, #tpu.memory_space<vmem_shared>>) offsets(%dma_start3A_90 : memref<128xi32, #tpu.memory_space<vmem>>) semaphore(%run_scoped3A_88 : memref<!tpu.dma_semaphore, #tpu.memory_space<semaphore_mem>>) {add = true}
      %dma_wait3A = arith.constant 0 : i32
      %dma_wait3A_94 = tpu.memref_slice %arg8[%run_scoped3A_73, %dma_wait3A] : memref<13x128xi32, #tpu.memory_space<vmem>> -> memref<1x128xi32, #tpu.memory_space<vmem>>
      %dma_wait3A_95 = tpu.memref_squeeze %dma_wait3A_94 : memref<1x128xi32, #tpu.memory_space<vmem>> -> memref<128xi32, #tpu.memory_space<vmem>>
      %dma_wait3A_96 = arith.constant 0 : i32
      %dma_wait3A_97 = arith.constant 0 : i32
      %dma_wait3A_98 = tpu.memref_slice %arg10[%dma_wait3A_96, %dma_wait3A_97] : memref<10112x128xf32, #tpu.memory_space<vmem_shared>> -> memref<10112x128xf32, #tpu.memory_space<vmem_shared>>
      tpu.wait_indirect_dma semaphore(%run_scoped3A_88 : memref<!tpu.dma_semaphore, #tpu.memory_space<semaphore_mem>>) src(%arg9 : memref<128x128xf32, #tpu.memory_space<vmem>>) dst(%dma_wait3A_98 : memref<10112x128xf32, #tpu.memory_space<vmem_shared>>)
      tpu.yield
    }) : () -> ()
    %add3A_74 = arith.constant 1408 : i32
    %add3A_75 = arith.addi %multiple_of3A, %add3A_74 : i32
    "tpu.region"() ({
      %run_scoped3A_88 = tpu.sem_alloc : memref<!tpu.dma_semaphore, #tpu.memory_space<semaphore_mem>>
      %dma_start3A = arith.constant 0 : i32
      %dma_start3A_89 = tpu.memref_slice %arg3[%add3A_75, %dma_start3A] : memref<53248x128xf32, #tpu.memory_space<hbm>> -> memref<128x32xf32, #tpu.memory_space<hbm>>
      %dma_start3A_90 = arith.constant 0 : i32
      %dma_start3A_91 = tpu.memref_slice %arg3[%add3A_75, %dma_start3A_90] : memref<53248x128xf32, #tpu.memory_space<hbm>> -> memref<128x32xf32, #tpu.memory_space<hbm>>
      tpu.enqueue_dma source(%dma_start3A_91 : memref<128x32xf32, #tpu.memory_space<hbm>>) target(%arg11 : memref<128x32xf32, #tpu.memory_space<vmem>>) target_semaphore(%run_scoped3A_88 : memref<!tpu.dma_semaphore, #tpu.memory_space<semaphore_mem>>)
      %dma_wait3A = arith.constant 0 : i32
      %dma_wait3A_92 = tpu.memref_slice %arg3[%add3A_75, %dma_wait3A] : memref<53248x128xf32, #tpu.memory_space<hbm>> -> memref<128x32xf32, #tpu.memory_space<hbm>>
      %dma_wait3A_93 = arith.constant 0 : i32
      %dma_wait3A_94 = tpu.memref_slice %arg3[%add3A_75, %dma_wait3A_93] : memref<53248x128xf32, #tpu.memory_space<hbm>> -> memref<128x32xf32, #tpu.memory_space<hbm>>
      tpu.wait_dma2 semaphore(%run_scoped3A_88 : memref<!tpu.dma_semaphore, #tpu.memory_space<semaphore_mem>>) src(%dma_wait3A_94 : memref<128x32xf32, #tpu.memory_space<hbm>>) dst(%arg11 : memref<128x32xf32, #tpu.memory_space<vmem>>)
      tpu.yield
    }) : () -> ()
    %run_scoped3A_76 = arith.constant 11 : i32
    "tpu.region"() ({
      %run_scoped3A_88 = tpu.sem_alloc : memref<!tpu.dma_semaphore, #tpu.memory_space<semaphore_mem>>
      %dma_start3A = arith.constant 0 : i32
      %dma_start3A_89 = tpu.memref_slice %arg8[%run_scoped3A_76, %dma_start3A] : memref<13x128xi32, #tpu.memory_space<vmem>> -> memref<1x128xi32, #tpu.memory_space<vmem>>
      %dma_start3A_90 = tpu.memref_squeeze %dma_start3A_89 : memref<1x128xi32, #tpu.memory_space<vmem>> -> memref<128xi32, #tpu.memory_space<vmem>>
      %dma_start3A_91 = arith.constant 0 : i32
      %dma_start3A_92 = arith.constant 0 : i32
      %dma_start3A_93 = tpu.memref_slice %arg12[%dma_start3A_91, %dma_start3A_92] : memref<10112x32xf32, #tpu.memory_space<vmem_shared>> -> memref<10112x32xf32, #tpu.memory_space<vmem_shared>>
      tpu.enqueue_indirect_dma source(%arg11 : memref<128x32xf32, #tpu.memory_space<vmem>>) target(%dma_start3A_93 : memref<10112x32xf32, #tpu.memory_space<vmem_shared>>) offsets(%dma_start3A_90 : memref<128xi32, #tpu.memory_space<vmem>>) semaphore(%run_scoped3A_88 : memref<!tpu.dma_semaphore, #tpu.memory_space<semaphore_mem>>) {add = true}
      %dma_wait3A = arith.constant 0 : i32
      %dma_wait3A_94 = tpu.memref_slice %arg8[%run_scoped3A_76, %dma_wait3A] : memref<13x128xi32, #tpu.memory_space<vmem>> -> memref<1x128xi32, #tpu.memory_space<vmem>>
      %dma_wait3A_95 = tpu.memref_squeeze %dma_wait3A_94 : memref<1x128xi32, #tpu.memory_space<vmem>> -> memref<128xi32, #tpu.memory_space<vmem>>
      %dma_wait3A_96 = arith.constant 0 : i32
      %dma_wait3A_97 = arith.constant 0 : i32
      %dma_wait3A_98 = tpu.memref_slice %arg12[%dma_wait3A_96, %dma_wait3A_97] : memref<10112x32xf32, #tpu.memory_space<vmem_shared>> -> memref<10112x32xf32, #tpu.memory_space<vmem_shared>>
      tpu.wait_indirect_dma semaphore(%run_scoped3A_88 : memref<!tpu.dma_semaphore, #tpu.memory_space<semaphore_mem>>) src(%arg11 : memref<128x32xf32, #tpu.memory_space<vmem>>) dst(%dma_wait3A_98 : memref<10112x32xf32, #tpu.memory_space<vmem_shared>>)
      tpu.yield
    }) : () -> ()
    %add3A_77 = arith.constant 1536 : i32
    %add3A_78 = arith.addi %multiple_of3A, %add3A_77 : i32
    "tpu.region"() ({
      %run_scoped3A_88 = tpu.sem_alloc : memref<!tpu.dma_semaphore, #tpu.memory_space<semaphore_mem>>
      %dma_start3A = arith.constant 0 : i32
      %dma_start3A_89 = tpu.memref_slice %arg2[%add3A_78, %dma_start3A] : memref<53248x128xf32, #tpu.memory_space<hbm>> -> memref<128x128xf32, #tpu.memory_space<hbm>>
      %dma_start3A_90 = arith.constant 0 : i32
      %dma_start3A_91 = tpu.memref_slice %arg2[%add3A_78, %dma_start3A_90] : memref<53248x128xf32, #tpu.memory_space<hbm>> -> memref<128x128xf32, #tpu.memory_space<hbm>>
      tpu.enqueue_dma source(%dma_start3A_91 : memref<128x128xf32, #tpu.memory_space<hbm>>) target(%arg9 : memref<128x128xf32, #tpu.memory_space<vmem>>) target_semaphore(%run_scoped3A_88 : memref<!tpu.dma_semaphore, #tpu.memory_space<semaphore_mem>>)
      %dma_wait3A = arith.constant 0 : i32
      %dma_wait3A_92 = tpu.memref_slice %arg2[%add3A_78, %dma_wait3A] : memref<53248x128xf32, #tpu.memory_space<hbm>> -> memref<128x128xf32, #tpu.memory_space<hbm>>
      %dma_wait3A_93 = arith.constant 0 : i32
      %dma_wait3A_94 = tpu.memref_slice %arg2[%add3A_78, %dma_wait3A_93] : memref<53248x128xf32, #tpu.memory_space<hbm>> -> memref<128x128xf32, #tpu.memory_space<hbm>>
      tpu.wait_dma2 semaphore(%run_scoped3A_88 : memref<!tpu.dma_semaphore, #tpu.memory_space<semaphore_mem>>) src(%dma_wait3A_94 : memref<128x128xf32, #tpu.memory_space<hbm>>) dst(%arg9 : memref<128x128xf32, #tpu.memory_space<vmem>>)
      tpu.yield
    }) : () -> ()
    %run_scoped3A_79 = arith.constant 12 : i32
    "tpu.region"() ({
      %run_scoped3A_88 = tpu.sem_alloc : memref<!tpu.dma_semaphore, #tpu.memory_space<semaphore_mem>>
      %dma_start3A = arith.constant 0 : i32
      %dma_start3A_89 = tpu.memref_slice %arg8[%run_scoped3A_79, %dma_start3A] : memref<13x128xi32, #tpu.memory_space<vmem>> -> memref<1x128xi32, #tpu.memory_space<vmem>>
      %dma_start3A_90 = tpu.memref_squeeze %dma_start3A_89 : memref<1x128xi32, #tpu.memory_space<vmem>> -> memref<128xi32, #tpu.memory_space<vmem>>
      %dma_start3A_91 = arith.constant 0 : i32
      %dma_start3A_92 = arith.constant 0 : i32
      %dma_start3A_93 = tpu.memref_slice %arg10[%dma_start3A_91, %dma_start3A_92] : memref<10112x128xf32, #tpu.memory_space<vmem_shared>> -> memref<10112x128xf32, #tpu.memory_space<vmem_shared>>
      tpu.enqueue_indirect_dma source(%arg9 : memref<128x128xf32, #tpu.memory_space<vmem>>) target(%dma_start3A_93 : memref<10112x128xf32, #tpu.memory_space<vmem_shared>>) offsets(%dma_start3A_90 : memref<128xi32, #tpu.memory_space<vmem>>) semaphore(%run_scoped3A_88 : memref<!tpu.dma_semaphore, #tpu.memory_space<semaphore_mem>>) {add = true}
      %dma_wait3A = arith.constant 0 : i32
      %dma_wait3A_94 = tpu.memref_slice %arg8[%run_scoped3A_79, %dma_wait3A] : memref<13x128xi32, #tpu.memory_space<vmem>> -> memref<1x128xi32, #tpu.memory_space<vmem>>
      %dma_wait3A_95 = tpu.memref_squeeze %dma_wait3A_94 : memref<1x128xi32, #tpu.memory_space<vmem>> -> memref<128xi32, #tpu.memory_space<vmem>>
      %dma_wait3A_96 = arith.constant 0 : i32
      %dma_wait3A_97 = arith.constant 0 : i32
      %dma_wait3A_98 = tpu.memref_slice %arg10[%dma_wait3A_96, %dma_wait3A_97] : memref<10112x128xf32, #tpu.memory_space<vmem_shared>> -> memref<10112x128xf32, #tpu.memory_space<vmem_shared>>
      tpu.wait_indirect_dma semaphore(%run_scoped3A_88 : memref<!tpu.dma_semaphore, #tpu.memory_space<semaphore_mem>>) src(%arg9 : memref<128x128xf32, #tpu.memory_space<vmem>>) dst(%dma_wait3A_98 : memref<10112x128xf32, #tpu.memory_space<vmem_shared>>)
      tpu.yield
    }) : () -> ()
    %add3A_80 = arith.constant 1536 : i32
    %add3A_81 = arith.addi %multiple_of3A, %add3A_80 : i32
    "tpu.region"() ({
      %run_scoped3A_88 = tpu.sem_alloc : memref<!tpu.dma_semaphore, #tpu.memory_space<semaphore_mem>>
      %dma_start3A = arith.constant 0 : i32
      %dma_start3A_89 = tpu.memref_slice %arg3[%add3A_81, %dma_start3A] : memref<53248x128xf32, #tpu.memory_space<hbm>> -> memref<128x32xf32, #tpu.memory_space<hbm>>
      %dma_start3A_90 = arith.constant 0 : i32
      %dma_start3A_91 = tpu.memref_slice %arg3[%add3A_81, %dma_start3A_90] : memref<53248x128xf32, #tpu.memory_space<hbm>> -> memref<128x32xf32, #tpu.memory_space<hbm>>
      tpu.enqueue_dma source(%dma_start3A_91 : memref<128x32xf32, #tpu.memory_space<hbm>>) target(%arg11 : memref<128x32xf32, #tpu.memory_space<vmem>>) target_semaphore(%run_scoped3A_88 : memref<!tpu.dma_semaphore, #tpu.memory_space<semaphore_mem>>)
      %dma_wait3A = arith.constant 0 : i32
      %dma_wait3A_92 = tpu.memref_slice %arg3[%add3A_81, %dma_wait3A] : memref<53248x128xf32, #tpu.memory_space<hbm>> -> memref<128x32xf32, #tpu.memory_space<hbm>>
      %dma_wait3A_93 = arith.constant 0 : i32
      %dma_wait3A_94 = tpu.memref_slice %arg3[%add3A_81, %dma_wait3A_93] : memref<53248x128xf32, #tpu.memory_space<hbm>> -> memref<128x32xf32, #tpu.memory_space<hbm>>
      tpu.wait_dma2 semaphore(%run_scoped3A_88 : memref<!tpu.dma_semaphore, #tpu.memory_space<semaphore_mem>>) src(%dma_wait3A_94 : memref<128x32xf32, #tpu.memory_space<hbm>>) dst(%arg11 : memref<128x32xf32, #tpu.memory_space<vmem>>)
      tpu.yield
    }) : () -> ()
    %run_scoped3A_82 = arith.constant 12 : i32
    "tpu.region"() ({
      %run_scoped3A_88 = tpu.sem_alloc : memref<!tpu.dma_semaphore, #tpu.memory_space<semaphore_mem>>
      %dma_start3A = arith.constant 0 : i32
      %dma_start3A_89 = tpu.memref_slice %arg8[%run_scoped3A_82, %dma_start3A] : memref<13x128xi32, #tpu.memory_space<vmem>> -> memref<1x128xi32, #tpu.memory_space<vmem>>
      %dma_start3A_90 = tpu.memref_squeeze %dma_start3A_89 : memref<1x128xi32, #tpu.memory_space<vmem>> -> memref<128xi32, #tpu.memory_space<vmem>>
      %dma_start3A_91 = arith.constant 0 : i32
      %dma_start3A_92 = arith.constant 0 : i32
      %dma_start3A_93 = tpu.memref_slice %arg12[%dma_start3A_91, %dma_start3A_92] : memref<10112x32xf32, #tpu.memory_space<vmem_shared>> -> memref<10112x32xf32, #tpu.memory_space<vmem_shared>>
      tpu.enqueue_indirect_dma source(%arg11 : memref<128x32xf32, #tpu.memory_space<vmem>>) target(%dma_start3A_93 : memref<10112x32xf32, #tpu.memory_space<vmem_shared>>) offsets(%dma_start3A_90 : memref<128xi32, #tpu.memory_space<vmem>>) semaphore(%run_scoped3A_88 : memref<!tpu.dma_semaphore, #tpu.memory_space<semaphore_mem>>) {add = true}
      %dma_wait3A = arith.constant 0 : i32
      %dma_wait3A_94 = tpu.memref_slice %arg8[%run_scoped3A_82, %dma_wait3A] : memref<13x128xi32, #tpu.memory_space<vmem>> -> memref<1x128xi32, #tpu.memory_space<vmem>>
      %dma_wait3A_95 = tpu.memref_squeeze %dma_wait3A_94 : memref<1x128xi32, #tpu.memory_space<vmem>> -> memref<128xi32, #tpu.memory_space<vmem>>
      %dma_wait3A_96 = arith.constant 0 : i32
      %dma_wait3A_97 = arith.constant 0 : i32
      %dma_wait3A_98 = tpu.memref_slice %arg12[%dma_wait3A_96, %dma_wait3A_97] : memref<10112x32xf32, #tpu.memory_space<vmem_shared>> -> memref<10112x32xf32, #tpu.memory_space<vmem_shared>>
      tpu.wait_indirect_dma semaphore(%run_scoped3A_88 : memref<!tpu.dma_semaphore, #tpu.memory_space<semaphore_mem>>) src(%arg11 : memref<128x32xf32, #tpu.memory_space<vmem>>) dst(%dma_wait3A_98 : memref<10112x32xf32, #tpu.memory_space<vmem_shared>>)
      tpu.yield
    }) : () -> ()
    %barrier3A_83 = arith.constant 0 : index
    tpu.barrier barrier_id(%barrier3A_83)
    %mul3A_84 = arith.constant 10112 : i32
    %mul3A_85 = arith.muli %arg0, %mul3A_84 : i32
    %add3A_86 = arith.addi %mul3A_85, %multiple_of3A_5 : i32
    %multiple_of3A_87 = tpu.assume_multiple %add3A_86, 8 : i32
    "tpu.region"() ({
      %run_scoped3A_88 = tpu.sem_alloc : memref<!tpu.dma_semaphore, #tpu.memory_space<semaphore_mem>>
      %dma_start3A = arith.constant 0 : i32
      %dma_start3A_89 = tpu.memref_slice %arg6[%multiple_of3A_87, %dma_start3A] : memref<20224x128xf32, #tpu.memory_space<hbm>> -> memref<632x128xf32, #tpu.memory_space<hbm>>
      %dma_start3A_90 = arith.constant 0 : i32
      %dma_start3A_91 = tpu.memref_slice %arg10[%multiple_of3A_5, %dma_start3A_90] : memref<10112x128xf32, #tpu.memory_space<vmem_shared>> -> memref<632x128xf32, #tpu.memory_space<vmem_shared>>
      tpu.enqueue_dma source(%dma_start3A_91 : memref<632x128xf32, #tpu.memory_space<vmem_shared>>) target(%dma_start3A_89 : memref<632x128xf32, #tpu.memory_space<hbm>>) target_semaphore(%run_scoped3A_88 : memref<!tpu.dma_semaphore, #tpu.memory_space<semaphore_mem>>)
      %dma_wait3A = arith.constant 0 : i32
      %dma_wait3A_92 = tpu.memref_slice %arg6[%multiple_of3A_87, %dma_wait3A] : memref<20224x128xf32, #tpu.memory_space<hbm>> -> memref<632x128xf32, #tpu.memory_space<hbm>>
      %dma_wait3A_93 = arith.constant 0 : i32
      %dma_wait3A_94 = tpu.memref_slice %arg10[%multiple_of3A_5, %dma_wait3A_93] : memref<10112x128xf32, #tpu.memory_space<vmem_shared>> -> memref<632x128xf32, #tpu.memory_space<vmem_shared>>
      tpu.wait_dma2 semaphore(%run_scoped3A_88 : memref<!tpu.dma_semaphore, #tpu.memory_space<semaphore_mem>>) src(%dma_wait3A_94 : memref<632x128xf32, #tpu.memory_space<vmem_shared>>) dst(%dma_wait3A_92 : memref<632x128xf32, #tpu.memory_space<hbm>>)
      tpu.yield
    }) : () -> ()
    "tpu.region"() ({
      %run_scoped3A_88 = tpu.sem_alloc : memref<!tpu.dma_semaphore, #tpu.memory_space<semaphore_mem>>
      %dma_start3A = arith.constant 0 : i32
      %dma_start3A_89 = tpu.memref_slice %arg7[%multiple_of3A_87, %dma_start3A] : memref<20224x128xf32, #tpu.memory_space<hbm>> -> memref<632x32xf32, #tpu.memory_space<hbm>>
      %dma_start3A_90 = arith.constant 0 : i32
      %dma_start3A_91 = tpu.memref_slice %arg12[%multiple_of3A_5, %dma_start3A_90] : memref<10112x32xf32, #tpu.memory_space<vmem_shared>> -> memref<632x32xf32, #tpu.memory_space<vmem_shared>>
      tpu.enqueue_dma source(%dma_start3A_91 : memref<632x32xf32, #tpu.memory_space<vmem_shared>>) target(%dma_start3A_89 : memref<632x32xf32, #tpu.memory_space<hbm>>) target_semaphore(%run_scoped3A_88 : memref<!tpu.dma_semaphore, #tpu.memory_space<semaphore_mem>>)
      %dma_wait3A = arith.constant 0 : i32
      %dma_wait3A_92 = tpu.memref_slice %arg7[%multiple_of3A_87, %dma_wait3A] : memref<20224x128xf32, #tpu.memory_space<hbm>> -> memref<632x32xf32, #tpu.memory_space<hbm>>
      %dma_wait3A_93 = arith.constant 0 : i32
      %dma_wait3A_94 = tpu.memref_slice %arg12[%multiple_of3A_5, %dma_wait3A_93] : memref<10112x32xf32, #tpu.memory_space<vmem_shared>> -> memref<632x32xf32, #tpu.memory_space<vmem_shared>>
      tpu.wait_dma2 semaphore(%run_scoped3A_88 : memref<!tpu.dma_semaphore, #tpu.memory_space<semaphore_mem>>) src(%dma_wait3A_94 : memref<632x32xf32, #tpu.memory_space<vmem_shared>>) dst(%dma_wait3A_92 : memref<632x32xf32, #tpu.memory_space<hbm>>)
      tpu.yield
    }) : () -> ()
    return
  }
}

module attributes {stable_mosaic.version = 14 : i64} {
  func.func @body(%arg0: i32, %arg1: memref<1024x128xf32, #tpu.memory_space<vmem>>, %arg2: memref<1x1x1024xf32, #tpu.memory_space<vmem>>, %arg3: memref<40x128xf32, #tpu.memory_space<vmem>>, %arg4: memref<40x128xf32, #tpu.memory_space<vmem>>, %arg5: memref<1024x128xf32, #tpu.memory_space<vmem>>) attributes {dimension_semantics = [#tpu.dimension_semantics<arbitrary>], iteration_bounds = array<i64: 52>, scalar_prefetch = 0 : i64, scratch_operands = 0 : i64, tpu.core_type = #tpu.core_type<tc>, window_params = [{transform_indices = @transform_0, window_bounds = array<i64: 1024, 128>}, {transform_indices = @transform_1, window_bounds = array<i64: 1, 1, 1024>}, {pipeline_mode = #tpu.pipeline_mode<synchronous>, transform_indices = @transform_2, window_bounds = array<i64: 40, 128>}, {pipeline_mode = #tpu.pipeline_mode<synchronous>, transform_indices = @transform_3, window_bounds = array<i64: 40, 128>}, {transform_indices = @transform_4, window_bounds = array<i64: 1024, 128>}]} {
    %get3A = arith.constant 0 : index
    %get3A_0 = arith.constant 0 : index
    %get3A_1 = arith.constant 0 : index
    %get3A_2 = vector.load %arg2[%get3A, %get3A_0, %get3A_1] : memref<1x1x1024xf32, #tpu.memory_space<vmem>>, vector<1x1x1024xf32>
    %reshape3A = vector.shape_cast %get3A_2 : vector<1x1x1024xf32> to vector<1024x1xf32>
    %convert_element_type3A = arith.truncf %reshape3A : vector<1024x1xf32> to vector<1024x1xbf16>
    %get3A_3 = arith.constant 0 : index
    %get3A_4 = arith.constant 0 : index
    %get3A_5 = vector.load %arg1[%get3A_3, %get3A_4] : memref<1024x128xf32, #tpu.memory_space<vmem>>, vector<1024x128xf32>
    %convert_element_type3A_6 = arith.truncf %get3A_5 : vector<1024x128xf32> to vector<1024x128xbf16>
    %get3A_7 = arith.constant 0 : index
    %get3A_8 = arith.constant 0 : index
    %get3A_9 = vector.load %arg3[%get3A_7, %get3A_8] : memref<40x128xf32, #tpu.memory_space<vmem>>, vector<40x128xf32>
    %convert_element_type3A_10 = arith.truncf %get3A_9 : vector<40x128xf32> to vector<40x128xbf16>
    %get3A_11 = arith.constant 0 : index
    %get3A_12 = arith.constant 0 : index
    %get3A_13 = vector.load %arg4[%get3A_11, %get3A_12] : memref<40x128xf32, #tpu.memory_space<vmem>>, vector<40x128xf32>
    %convert_element_type3A_14 = arith.truncf %get3A_13 : vector<40x128xf32> to vector<40x128xbf16>
    %broadcast_in_dim3A = arith.constant 0.000000e+00 : bf16
    %broadcast_in_dim3A_15 = vector.broadcast %broadcast_in_dim3A : bf16 to vector<1024x128xbf16>
    %slice3A = vector.extract_strided_slice %convert_element_type3A_10 {offsets = [0, 0], sizes = [1, 128], strides = [1, 1]} : vector<40x128xbf16> to vector<1x128xbf16>
    %mul3A = vector.broadcast %convert_element_type3A : vector<1024x1xbf16> to vector<1024x128xbf16>
    %mul3A_16 = vector.broadcast %slice3A : vector<1x128xbf16> to vector<1024x128xbf16>
    %mul3A_17 = arith.mulf %mul3A, %mul3A_16 : vector<1024x128xbf16>
    %slice3A_18 = vector.extract_strided_slice %convert_element_type3A_14 {offsets = [0, 0], sizes = [1, 128], strides = [1, 1]} : vector<40x128xbf16> to vector<1x128xbf16>
    %add3A = vector.broadcast %slice3A_18 : vector<1x128xbf16> to vector<1024x128xbf16>
    %add3A_19 = arith.addf %mul3A_17, %add3A : vector<1024x128xbf16>
    %max3A = arith.constant 0.000000e+00 : bf16
    %max3A_20 = vector.broadcast %max3A : bf16 to vector<1024x128xbf16>
    %max3A_21 = arith.maximumf %add3A_19, %max3A_20 : vector<1024x128xbf16>
    %slice3A_22 = vector.extract_strided_slice %convert_element_type3A_6 {offsets = [0, 0], sizes = [1024, 1], strides = [1, 1]} : vector<1024x128xbf16> to vector<1024x1xbf16>
    %mul3A_23 = vector.broadcast %slice3A_22 : vector<1024x1xbf16> to vector<1024x128xbf16>
    %mul3A_24 = arith.mulf %mul3A_23, %max3A_21 : vector<1024x128xbf16>
    %add3A_25 = arith.addf %broadcast_in_dim3A_15, %mul3A_24 : vector<1024x128xbf16>
    %slice3A_26 = vector.extract_strided_slice %convert_element_type3A_10 {offsets = [1, 0], sizes = [1, 128], strides = [1, 1]} : vector<40x128xbf16> to vector<1x128xbf16>
    %mul3A_27 = vector.broadcast %convert_element_type3A : vector<1024x1xbf16> to vector<1024x128xbf16>
    %mul3A_28 = vector.broadcast %slice3A_26 : vector<1x128xbf16> to vector<1024x128xbf16>
    %mul3A_29 = arith.mulf %mul3A_27, %mul3A_28 : vector<1024x128xbf16>
    %slice3A_30 = vector.extract_strided_slice %convert_element_type3A_14 {offsets = [1, 0], sizes = [1, 128], strides = [1, 1]} : vector<40x128xbf16> to vector<1x128xbf16>
    %add3A_31 = vector.broadcast %slice3A_30 : vector<1x128xbf16> to vector<1024x128xbf16>
    %add3A_32 = arith.addf %mul3A_29, %add3A_31 : vector<1024x128xbf16>
    %max3A_33 = arith.constant 0.000000e+00 : bf16
    %max3A_34 = vector.broadcast %max3A_33 : bf16 to vector<1024x128xbf16>
    %max3A_35 = arith.maximumf %add3A_32, %max3A_34 : vector<1024x128xbf16>
    %slice3A_36 = vector.extract_strided_slice %convert_element_type3A_6 {offsets = [0, 1], sizes = [1024, 1], strides = [1, 1]} : vector<1024x128xbf16> to vector<1024x1xbf16>
    %mul3A_37 = vector.broadcast %slice3A_36 : vector<1024x1xbf16> to vector<1024x128xbf16>
    %mul3A_38 = arith.mulf %mul3A_37, %max3A_35 : vector<1024x128xbf16>
    %add3A_39 = arith.addf %add3A_25, %mul3A_38 : vector<1024x128xbf16>
    %slice3A_40 = vector.extract_strided_slice %convert_element_type3A_10 {offsets = [2, 0], sizes = [1, 128], strides = [1, 1]} : vector<40x128xbf16> to vector<1x128xbf16>
    %mul3A_41 = vector.broadcast %convert_element_type3A : vector<1024x1xbf16> to vector<1024x128xbf16>
    %mul3A_42 = vector.broadcast %slice3A_40 : vector<1x128xbf16> to vector<1024x128xbf16>
    %mul3A_43 = arith.mulf %mul3A_41, %mul3A_42 : vector<1024x128xbf16>
    %slice3A_44 = vector.extract_strided_slice %convert_element_type3A_14 {offsets = [2, 0], sizes = [1, 128], strides = [1, 1]} : vector<40x128xbf16> to vector<1x128xbf16>
    %add3A_45 = vector.broadcast %slice3A_44 : vector<1x128xbf16> to vector<1024x128xbf16>
    %add3A_46 = arith.addf %mul3A_43, %add3A_45 : vector<1024x128xbf16>
    %max3A_47 = arith.constant 0.000000e+00 : bf16
    %max3A_48 = vector.broadcast %max3A_47 : bf16 to vector<1024x128xbf16>
    %max3A_49 = arith.maximumf %add3A_46, %max3A_48 : vector<1024x128xbf16>
    %slice3A_50 = vector.extract_strided_slice %convert_element_type3A_6 {offsets = [0, 2], sizes = [1024, 1], strides = [1, 1]} : vector<1024x128xbf16> to vector<1024x1xbf16>
    %mul3A_51 = vector.broadcast %slice3A_50 : vector<1024x1xbf16> to vector<1024x128xbf16>
    %mul3A_52 = arith.mulf %mul3A_51, %max3A_49 : vector<1024x128xbf16>
    %add3A_53 = arith.addf %add3A_39, %mul3A_52 : vector<1024x128xbf16>
    %slice3A_54 = vector.extract_strided_slice %convert_element_type3A_10 {offsets = [3, 0], sizes = [1, 128], strides = [1, 1]} : vector<40x128xbf16> to vector<1x128xbf16>
    %mul3A_55 = vector.broadcast %convert_element_type3A : vector<1024x1xbf16> to vector<1024x128xbf16>
    %mul3A_56 = vector.broadcast %slice3A_54 : vector<1x128xbf16> to vector<1024x128xbf16>
    %mul3A_57 = arith.mulf %mul3A_55, %mul3A_56 : vector<1024x128xbf16>
    %slice3A_58 = vector.extract_strided_slice %convert_element_type3A_14 {offsets = [3, 0], sizes = [1, 128], strides = [1, 1]} : vector<40x128xbf16> to vector<1x128xbf16>
    %add3A_59 = vector.broadcast %slice3A_58 : vector<1x128xbf16> to vector<1024x128xbf16>
    %add3A_60 = arith.addf %mul3A_57, %add3A_59 : vector<1024x128xbf16>
    %max3A_61 = arith.constant 0.000000e+00 : bf16
    %max3A_62 = vector.broadcast %max3A_61 : bf16 to vector<1024x128xbf16>
    %max3A_63 = arith.maximumf %add3A_60, %max3A_62 : vector<1024x128xbf16>
    %slice3A_64 = vector.extract_strided_slice %convert_element_type3A_6 {offsets = [0, 3], sizes = [1024, 1], strides = [1, 1]} : vector<1024x128xbf16> to vector<1024x1xbf16>
    %mul3A_65 = vector.broadcast %slice3A_64 : vector<1024x1xbf16> to vector<1024x128xbf16>
    %mul3A_66 = arith.mulf %mul3A_65, %max3A_63 : vector<1024x128xbf16>
    %add3A_67 = arith.addf %add3A_53, %mul3A_66 : vector<1024x128xbf16>
    %slice3A_68 = vector.extract_strided_slice %convert_element_type3A_10 {offsets = [4, 0], sizes = [1, 128], strides = [1, 1]} : vector<40x128xbf16> to vector<1x128xbf16>
    %mul3A_69 = vector.broadcast %convert_element_type3A : vector<1024x1xbf16> to vector<1024x128xbf16>
    %mul3A_70 = vector.broadcast %slice3A_68 : vector<1x128xbf16> to vector<1024x128xbf16>
    %mul3A_71 = arith.mulf %mul3A_69, %mul3A_70 : vector<1024x128xbf16>
    %slice3A_72 = vector.extract_strided_slice %convert_element_type3A_14 {offsets = [4, 0], sizes = [1, 128], strides = [1, 1]} : vector<40x128xbf16> to vector<1x128xbf16>
    %add3A_73 = vector.broadcast %slice3A_72 : vector<1x128xbf16> to vector<1024x128xbf16>
    %add3A_74 = arith.addf %mul3A_71, %add3A_73 : vector<1024x128xbf16>
    %max3A_75 = arith.constant 0.000000e+00 : bf16
    %max3A_76 = vector.broadcast %max3A_75 : bf16 to vector<1024x128xbf16>
    %max3A_77 = arith.maximumf %add3A_74, %max3A_76 : vector<1024x128xbf16>
    %slice3A_78 = vector.extract_strided_slice %convert_element_type3A_6 {offsets = [0, 4], sizes = [1024, 1], strides = [1, 1]} : vector<1024x128xbf16> to vector<1024x1xbf16>
    %mul3A_79 = vector.broadcast %slice3A_78 : vector<1024x1xbf16> to vector<1024x128xbf16>
    %mul3A_80 = arith.mulf %mul3A_79, %max3A_77 : vector<1024x128xbf16>
    %add3A_81 = arith.addf %add3A_67, %mul3A_80 : vector<1024x128xbf16>
    %slice3A_82 = vector.extract_strided_slice %convert_element_type3A_10 {offsets = [5, 0], sizes = [1, 128], strides = [1, 1]} : vector<40x128xbf16> to vector<1x128xbf16>
    %mul3A_83 = vector.broadcast %convert_element_type3A : vector<1024x1xbf16> to vector<1024x128xbf16>
    %mul3A_84 = vector.broadcast %slice3A_82 : vector<1x128xbf16> to vector<1024x128xbf16>
    %mul3A_85 = arith.mulf %mul3A_83, %mul3A_84 : vector<1024x128xbf16>
    %slice3A_86 = vector.extract_strided_slice %convert_element_type3A_14 {offsets = [5, 0], sizes = [1, 128], strides = [1, 1]} : vector<40x128xbf16> to vector<1x128xbf16>
    %add3A_87 = vector.broadcast %slice3A_86 : vector<1x128xbf16> to vector<1024x128xbf16>
    %add3A_88 = arith.addf %mul3A_85, %add3A_87 : vector<1024x128xbf16>
    %max3A_89 = arith.constant 0.000000e+00 : bf16
    %max3A_90 = vector.broadcast %max3A_89 : bf16 to vector<1024x128xbf16>
    %max3A_91 = arith.maximumf %add3A_88, %max3A_90 : vector<1024x128xbf16>
    %slice3A_92 = vector.extract_strided_slice %convert_element_type3A_6 {offsets = [0, 5], sizes = [1024, 1], strides = [1, 1]} : vector<1024x128xbf16> to vector<1024x1xbf16>
    %mul3A_93 = vector.broadcast %slice3A_92 : vector<1024x1xbf16> to vector<1024x128xbf16>
    %mul3A_94 = arith.mulf %mul3A_93, %max3A_91 : vector<1024x128xbf16>
    %add3A_95 = arith.addf %add3A_81, %mul3A_94 : vector<1024x128xbf16>
    %slice3A_96 = vector.extract_strided_slice %convert_element_type3A_10 {offsets = [6, 0], sizes = [1, 128], strides = [1, 1]} : vector<40x128xbf16> to vector<1x128xbf16>
    %mul3A_97 = vector.broadcast %convert_element_type3A : vector<1024x1xbf16> to vector<1024x128xbf16>
    %mul3A_98 = vector.broadcast %slice3A_96 : vector<1x128xbf16> to vector<1024x128xbf16>
    %mul3A_99 = arith.mulf %mul3A_97, %mul3A_98 : vector<1024x128xbf16>
    %slice3A_100 = vector.extract_strided_slice %convert_element_type3A_14 {offsets = [6, 0], sizes = [1, 128], strides = [1, 1]} : vector<40x128xbf16> to vector<1x128xbf16>
    %add3A_101 = vector.broadcast %slice3A_100 : vector<1x128xbf16> to vector<1024x128xbf16>
    %add3A_102 = arith.addf %mul3A_99, %add3A_101 : vector<1024x128xbf16>
    %max3A_103 = arith.constant 0.000000e+00 : bf16
    %max3A_104 = vector.broadcast %max3A_103 : bf16 to vector<1024x128xbf16>
    %max3A_105 = arith.maximumf %add3A_102, %max3A_104 : vector<1024x128xbf16>
    %slice3A_106 = vector.extract_strided_slice %convert_element_type3A_6 {offsets = [0, 6], sizes = [1024, 1], strides = [1, 1]} : vector<1024x128xbf16> to vector<1024x1xbf16>
    %mul3A_107 = vector.broadcast %slice3A_106 : vector<1024x1xbf16> to vector<1024x128xbf16>
    %mul3A_108 = arith.mulf %mul3A_107, %max3A_105 : vector<1024x128xbf16>
    %add3A_109 = arith.addf %add3A_95, %mul3A_108 : vector<1024x128xbf16>
    %slice3A_110 = vector.extract_strided_slice %convert_element_type3A_10 {offsets = [7, 0], sizes = [1, 128], strides = [1, 1]} : vector<40x128xbf16> to vector<1x128xbf16>
    %mul3A_111 = vector.broadcast %convert_element_type3A : vector<1024x1xbf16> to vector<1024x128xbf16>
    %mul3A_112 = vector.broadcast %slice3A_110 : vector<1x128xbf16> to vector<1024x128xbf16>
    %mul3A_113 = arith.mulf %mul3A_111, %mul3A_112 : vector<1024x128xbf16>
    %slice3A_114 = vector.extract_strided_slice %convert_element_type3A_14 {offsets = [7, 0], sizes = [1, 128], strides = [1, 1]} : vector<40x128xbf16> to vector<1x128xbf16>
    %add3A_115 = vector.broadcast %slice3A_114 : vector<1x128xbf16> to vector<1024x128xbf16>
    %add3A_116 = arith.addf %mul3A_113, %add3A_115 : vector<1024x128xbf16>
    %max3A_117 = arith.constant 0.000000e+00 : bf16
    %max3A_118 = vector.broadcast %max3A_117 : bf16 to vector<1024x128xbf16>
    %max3A_119 = arith.maximumf %add3A_116, %max3A_118 : vector<1024x128xbf16>
    %slice3A_120 = vector.extract_strided_slice %convert_element_type3A_6 {offsets = [0, 7], sizes = [1024, 1], strides = [1, 1]} : vector<1024x128xbf16> to vector<1024x1xbf16>
    %mul3A_121 = vector.broadcast %slice3A_120 : vector<1024x1xbf16> to vector<1024x128xbf16>
    %mul3A_122 = arith.mulf %mul3A_121, %max3A_119 : vector<1024x128xbf16>
    %add3A_123 = arith.addf %add3A_109, %mul3A_122 : vector<1024x128xbf16>
    %slice3A_124 = vector.extract_strided_slice %convert_element_type3A_10 {offsets = [8, 0], sizes = [1, 128], strides = [1, 1]} : vector<40x128xbf16> to vector<1x128xbf16>
    %mul3A_125 = vector.broadcast %convert_element_type3A : vector<1024x1xbf16> to vector<1024x128xbf16>
    %mul3A_126 = vector.broadcast %slice3A_124 : vector<1x128xbf16> to vector<1024x128xbf16>
    %mul3A_127 = arith.mulf %mul3A_125, %mul3A_126 : vector<1024x128xbf16>
    %slice3A_128 = vector.extract_strided_slice %convert_element_type3A_14 {offsets = [8, 0], sizes = [1, 128], strides = [1, 1]} : vector<40x128xbf16> to vector<1x128xbf16>
    %add3A_129 = vector.broadcast %slice3A_128 : vector<1x128xbf16> to vector<1024x128xbf16>
    %add3A_130 = arith.addf %mul3A_127, %add3A_129 : vector<1024x128xbf16>
    %max3A_131 = arith.constant 0.000000e+00 : bf16
    %max3A_132 = vector.broadcast %max3A_131 : bf16 to vector<1024x128xbf16>
    %max3A_133 = arith.maximumf %add3A_130, %max3A_132 : vector<1024x128xbf16>
    %slice3A_134 = vector.extract_strided_slice %convert_element_type3A_6 {offsets = [0, 8], sizes = [1024, 1], strides = [1, 1]} : vector<1024x128xbf16> to vector<1024x1xbf16>
    %mul3A_135 = vector.broadcast %slice3A_134 : vector<1024x1xbf16> to vector<1024x128xbf16>
    %mul3A_136 = arith.mulf %mul3A_135, %max3A_133 : vector<1024x128xbf16>
    %add3A_137 = arith.addf %add3A_123, %mul3A_136 : vector<1024x128xbf16>
    %slice3A_138 = vector.extract_strided_slice %convert_element_type3A_10 {offsets = [9, 0], sizes = [1, 128], strides = [1, 1]} : vector<40x128xbf16> to vector<1x128xbf16>
    %mul3A_139 = vector.broadcast %convert_element_type3A : vector<1024x1xbf16> to vector<1024x128xbf16>
    %mul3A_140 = vector.broadcast %slice3A_138 : vector<1x128xbf16> to vector<1024x128xbf16>
    %mul3A_141 = arith.mulf %mul3A_139, %mul3A_140 : vector<1024x128xbf16>
    %slice3A_142 = vector.extract_strided_slice %convert_element_type3A_14 {offsets = [9, 0], sizes = [1, 128], strides = [1, 1]} : vector<40x128xbf16> to vector<1x128xbf16>
    %add3A_143 = vector.broadcast %slice3A_142 : vector<1x128xbf16> to vector<1024x128xbf16>
    %add3A_144 = arith.addf %mul3A_141, %add3A_143 : vector<1024x128xbf16>
    %max3A_145 = arith.constant 0.000000e+00 : bf16
    %max3A_146 = vector.broadcast %max3A_145 : bf16 to vector<1024x128xbf16>
    %max3A_147 = arith.maximumf %add3A_144, %max3A_146 : vector<1024x128xbf16>
    %slice3A_148 = vector.extract_strided_slice %convert_element_type3A_6 {offsets = [0, 9], sizes = [1024, 1], strides = [1, 1]} : vector<1024x128xbf16> to vector<1024x1xbf16>
    %mul3A_149 = vector.broadcast %slice3A_148 : vector<1024x1xbf16> to vector<1024x128xbf16>
    %mul3A_150 = arith.mulf %mul3A_149, %max3A_147 : vector<1024x128xbf16>
    %add3A_151 = arith.addf %add3A_137, %mul3A_150 : vector<1024x128xbf16>
    %slice3A_152 = vector.extract_strided_slice %convert_element_type3A_10 {offsets = [10, 0], sizes = [1, 128], strides = [1, 1]} : vector<40x128xbf16> to vector<1x128xbf16>
    %mul3A_153 = vector.broadcast %convert_element_type3A : vector<1024x1xbf16> to vector<1024x128xbf16>
    %mul3A_154 = vector.broadcast %slice3A_152 : vector<1x128xbf16> to vector<1024x128xbf16>
    %mul3A_155 = arith.mulf %mul3A_153, %mul3A_154 : vector<1024x128xbf16>
    %slice3A_156 = vector.extract_strided_slice %convert_element_type3A_14 {offsets = [10, 0], sizes = [1, 128], strides = [1, 1]} : vector<40x128xbf16> to vector<1x128xbf16>
    %add3A_157 = vector.broadcast %slice3A_156 : vector<1x128xbf16> to vector<1024x128xbf16>
    %add3A_158 = arith.addf %mul3A_155, %add3A_157 : vector<1024x128xbf16>
    %max3A_159 = arith.constant 0.000000e+00 : bf16
    %max3A_160 = vector.broadcast %max3A_159 : bf16 to vector<1024x128xbf16>
    %max3A_161 = arith.maximumf %add3A_158, %max3A_160 : vector<1024x128xbf16>
    %slice3A_162 = vector.extract_strided_slice %convert_element_type3A_6 {offsets = [0, 10], sizes = [1024, 1], strides = [1, 1]} : vector<1024x128xbf16> to vector<1024x1xbf16>
    %mul3A_163 = vector.broadcast %slice3A_162 : vector<1024x1xbf16> to vector<1024x128xbf16>
    %mul3A_164 = arith.mulf %mul3A_163, %max3A_161 : vector<1024x128xbf16>
    %add3A_165 = arith.addf %add3A_151, %mul3A_164 : vector<1024x128xbf16>
    %slice3A_166 = vector.extract_strided_slice %convert_element_type3A_10 {offsets = [11, 0], sizes = [1, 128], strides = [1, 1]} : vector<40x128xbf16> to vector<1x128xbf16>
    %mul3A_167 = vector.broadcast %convert_element_type3A : vector<1024x1xbf16> to vector<1024x128xbf16>
    %mul3A_168 = vector.broadcast %slice3A_166 : vector<1x128xbf16> to vector<1024x128xbf16>
    %mul3A_169 = arith.mulf %mul3A_167, %mul3A_168 : vector<1024x128xbf16>
    %slice3A_170 = vector.extract_strided_slice %convert_element_type3A_14 {offsets = [11, 0], sizes = [1, 128], strides = [1, 1]} : vector<40x128xbf16> to vector<1x128xbf16>
    %add3A_171 = vector.broadcast %slice3A_170 : vector<1x128xbf16> to vector<1024x128xbf16>
    %add3A_172 = arith.addf %mul3A_169, %add3A_171 : vector<1024x128xbf16>
    %max3A_173 = arith.constant 0.000000e+00 : bf16
    %max3A_174 = vector.broadcast %max3A_173 : bf16 to vector<1024x128xbf16>
    %max3A_175 = arith.maximumf %add3A_172, %max3A_174 : vector<1024x128xbf16>
    %slice3A_176 = vector.extract_strided_slice %convert_element_type3A_6 {offsets = [0, 11], sizes = [1024, 1], strides = [1, 1]} : vector<1024x128xbf16> to vector<1024x1xbf16>
    %mul3A_177 = vector.broadcast %slice3A_176 : vector<1024x1xbf16> to vector<1024x128xbf16>
    %mul3A_178 = arith.mulf %mul3A_177, %max3A_175 : vector<1024x128xbf16>
    %add3A_179 = arith.addf %add3A_165, %mul3A_178 : vector<1024x128xbf16>
    %slice3A_180 = vector.extract_strided_slice %convert_element_type3A_10 {offsets = [12, 0], sizes = [1, 128], strides = [1, 1]} : vector<40x128xbf16> to vector<1x128xbf16>
    %mul3A_181 = vector.broadcast %convert_element_type3A : vector<1024x1xbf16> to vector<1024x128xbf16>
    %mul3A_182 = vector.broadcast %slice3A_180 : vector<1x128xbf16> to vector<1024x128xbf16>
    %mul3A_183 = arith.mulf %mul3A_181, %mul3A_182 : vector<1024x128xbf16>
    %slice3A_184 = vector.extract_strided_slice %convert_element_type3A_14 {offsets = [12, 0], sizes = [1, 128], strides = [1, 1]} : vector<40x128xbf16> to vector<1x128xbf16>
    %add3A_185 = vector.broadcast %slice3A_184 : vector<1x128xbf16> to vector<1024x128xbf16>
    %add3A_186 = arith.addf %mul3A_183, %add3A_185 : vector<1024x128xbf16>
    %max3A_187 = arith.constant 0.000000e+00 : bf16
    %max3A_188 = vector.broadcast %max3A_187 : bf16 to vector<1024x128xbf16>
    %max3A_189 = arith.maximumf %add3A_186, %max3A_188 : vector<1024x128xbf16>
    %slice3A_190 = vector.extract_strided_slice %convert_element_type3A_6 {offsets = [0, 12], sizes = [1024, 1], strides = [1, 1]} : vector<1024x128xbf16> to vector<1024x1xbf16>
    %mul3A_191 = vector.broadcast %slice3A_190 : vector<1024x1xbf16> to vector<1024x128xbf16>
    %mul3A_192 = arith.mulf %mul3A_191, %max3A_189 : vector<1024x128xbf16>
    %add3A_193 = arith.addf %add3A_179, %mul3A_192 : vector<1024x128xbf16>
    %slice3A_194 = vector.extract_strided_slice %convert_element_type3A_10 {offsets = [13, 0], sizes = [1, 128], strides = [1, 1]} : vector<40x128xbf16> to vector<1x128xbf16>
    %mul3A_195 = vector.broadcast %convert_element_type3A : vector<1024x1xbf16> to vector<1024x128xbf16>
    %mul3A_196 = vector.broadcast %slice3A_194 : vector<1x128xbf16> to vector<1024x128xbf16>
    %mul3A_197 = arith.mulf %mul3A_195, %mul3A_196 : vector<1024x128xbf16>
    %slice3A_198 = vector.extract_strided_slice %convert_element_type3A_14 {offsets = [13, 0], sizes = [1, 128], strides = [1, 1]} : vector<40x128xbf16> to vector<1x128xbf16>
    %add3A_199 = vector.broadcast %slice3A_198 : vector<1x128xbf16> to vector<1024x128xbf16>
    %add3A_200 = arith.addf %mul3A_197, %add3A_199 : vector<1024x128xbf16>
    %max3A_201 = arith.constant 0.000000e+00 : bf16
    %max3A_202 = vector.broadcast %max3A_201 : bf16 to vector<1024x128xbf16>
    %max3A_203 = arith.maximumf %add3A_200, %max3A_202 : vector<1024x128xbf16>
    %slice3A_204 = vector.extract_strided_slice %convert_element_type3A_6 {offsets = [0, 13], sizes = [1024, 1], strides = [1, 1]} : vector<1024x128xbf16> to vector<1024x1xbf16>
    %mul3A_205 = vector.broadcast %slice3A_204 : vector<1024x1xbf16> to vector<1024x128xbf16>
    %mul3A_206 = arith.mulf %mul3A_205, %max3A_203 : vector<1024x128xbf16>
    %add3A_207 = arith.addf %add3A_193, %mul3A_206 : vector<1024x128xbf16>
    %slice3A_208 = vector.extract_strided_slice %convert_element_type3A_10 {offsets = [14, 0], sizes = [1, 128], strides = [1, 1]} : vector<40x128xbf16> to vector<1x128xbf16>
    %mul3A_209 = vector.broadcast %convert_element_type3A : vector<1024x1xbf16> to vector<1024x128xbf16>
    %mul3A_210 = vector.broadcast %slice3A_208 : vector<1x128xbf16> to vector<1024x128xbf16>
    %mul3A_211 = arith.mulf %mul3A_209, %mul3A_210 : vector<1024x128xbf16>
    %slice3A_212 = vector.extract_strided_slice %convert_element_type3A_14 {offsets = [14, 0], sizes = [1, 128], strides = [1, 1]} : vector<40x128xbf16> to vector<1x128xbf16>
    %add3A_213 = vector.broadcast %slice3A_212 : vector<1x128xbf16> to vector<1024x128xbf16>
    %add3A_214 = arith.addf %mul3A_211, %add3A_213 : vector<1024x128xbf16>
    %max3A_215 = arith.constant 0.000000e+00 : bf16
    %max3A_216 = vector.broadcast %max3A_215 : bf16 to vector<1024x128xbf16>
    %max3A_217 = arith.maximumf %add3A_214, %max3A_216 : vector<1024x128xbf16>
    %slice3A_218 = vector.extract_strided_slice %convert_element_type3A_6 {offsets = [0, 14], sizes = [1024, 1], strides = [1, 1]} : vector<1024x128xbf16> to vector<1024x1xbf16>
    %mul3A_219 = vector.broadcast %slice3A_218 : vector<1024x1xbf16> to vector<1024x128xbf16>
    %mul3A_220 = arith.mulf %mul3A_219, %max3A_217 : vector<1024x128xbf16>
    %add3A_221 = arith.addf %add3A_207, %mul3A_220 : vector<1024x128xbf16>
    %slice3A_222 = vector.extract_strided_slice %convert_element_type3A_10 {offsets = [15, 0], sizes = [1, 128], strides = [1, 1]} : vector<40x128xbf16> to vector<1x128xbf16>
    %mul3A_223 = vector.broadcast %convert_element_type3A : vector<1024x1xbf16> to vector<1024x128xbf16>
    %mul3A_224 = vector.broadcast %slice3A_222 : vector<1x128xbf16> to vector<1024x128xbf16>
    %mul3A_225 = arith.mulf %mul3A_223, %mul3A_224 : vector<1024x128xbf16>
    %slice3A_226 = vector.extract_strided_slice %convert_element_type3A_14 {offsets = [15, 0], sizes = [1, 128], strides = [1, 1]} : vector<40x128xbf16> to vector<1x128xbf16>
    %add3A_227 = vector.broadcast %slice3A_226 : vector<1x128xbf16> to vector<1024x128xbf16>
    %add3A_228 = arith.addf %mul3A_225, %add3A_227 : vector<1024x128xbf16>
    %max3A_229 = arith.constant 0.000000e+00 : bf16
    %max3A_230 = vector.broadcast %max3A_229 : bf16 to vector<1024x128xbf16>
    %max3A_231 = arith.maximumf %add3A_228, %max3A_230 : vector<1024x128xbf16>
    %slice3A_232 = vector.extract_strided_slice %convert_element_type3A_6 {offsets = [0, 15], sizes = [1024, 1], strides = [1, 1]} : vector<1024x128xbf16> to vector<1024x1xbf16>
    %mul3A_233 = vector.broadcast %slice3A_232 : vector<1024x1xbf16> to vector<1024x128xbf16>
    %mul3A_234 = arith.mulf %mul3A_233, %max3A_231 : vector<1024x128xbf16>
    %add3A_235 = arith.addf %add3A_221, %mul3A_234 : vector<1024x128xbf16>
    %slice3A_236 = vector.extract_strided_slice %convert_element_type3A_10 {offsets = [16, 0], sizes = [1, 128], strides = [1, 1]} : vector<40x128xbf16> to vector<1x128xbf16>
    %mul3A_237 = vector.broadcast %convert_element_type3A : vector<1024x1xbf16> to vector<1024x128xbf16>
    %mul3A_238 = vector.broadcast %slice3A_236 : vector<1x128xbf16> to vector<1024x128xbf16>
    %mul3A_239 = arith.mulf %mul3A_237, %mul3A_238 : vector<1024x128xbf16>
    %slice3A_240 = vector.extract_strided_slice %convert_element_type3A_14 {offsets = [16, 0], sizes = [1, 128], strides = [1, 1]} : vector<40x128xbf16> to vector<1x128xbf16>
    %add3A_241 = vector.broadcast %slice3A_240 : vector<1x128xbf16> to vector<1024x128xbf16>
    %add3A_242 = arith.addf %mul3A_239, %add3A_241 : vector<1024x128xbf16>
    %max3A_243 = arith.constant 0.000000e+00 : bf16
    %max3A_244 = vector.broadcast %max3A_243 : bf16 to vector<1024x128xbf16>
    %max3A_245 = arith.maximumf %add3A_242, %max3A_244 : vector<1024x128xbf16>
    %slice3A_246 = vector.extract_strided_slice %convert_element_type3A_6 {offsets = [0, 16], sizes = [1024, 1], strides = [1, 1]} : vector<1024x128xbf16> to vector<1024x1xbf16>
    %mul3A_247 = vector.broadcast %slice3A_246 : vector<1024x1xbf16> to vector<1024x128xbf16>
    %mul3A_248 = arith.mulf %mul3A_247, %max3A_245 : vector<1024x128xbf16>
    %add3A_249 = arith.addf %add3A_235, %mul3A_248 : vector<1024x128xbf16>
    %slice3A_250 = vector.extract_strided_slice %convert_element_type3A_10 {offsets = [17, 0], sizes = [1, 128], strides = [1, 1]} : vector<40x128xbf16> to vector<1x128xbf16>
    %mul3A_251 = vector.broadcast %convert_element_type3A : vector<1024x1xbf16> to vector<1024x128xbf16>
    %mul3A_252 = vector.broadcast %slice3A_250 : vector<1x128xbf16> to vector<1024x128xbf16>
    %mul3A_253 = arith.mulf %mul3A_251, %mul3A_252 : vector<1024x128xbf16>
    %slice3A_254 = vector.extract_strided_slice %convert_element_type3A_14 {offsets = [17, 0], sizes = [1, 128], strides = [1, 1]} : vector<40x128xbf16> to vector<1x128xbf16>
    %add3A_255 = vector.broadcast %slice3A_254 : vector<1x128xbf16> to vector<1024x128xbf16>
    %add3A_256 = arith.addf %mul3A_253, %add3A_255 : vector<1024x128xbf16>
    %max3A_257 = arith.constant 0.000000e+00 : bf16
    %max3A_258 = vector.broadcast %max3A_257 : bf16 to vector<1024x128xbf16>
    %max3A_259 = arith.maximumf %add3A_256, %max3A_258 : vector<1024x128xbf16>
    %slice3A_260 = vector.extract_strided_slice %convert_element_type3A_6 {offsets = [0, 17], sizes = [1024, 1], strides = [1, 1]} : vector<1024x128xbf16> to vector<1024x1xbf16>
    %mul3A_261 = vector.broadcast %slice3A_260 : vector<1024x1xbf16> to vector<1024x128xbf16>
    %mul3A_262 = arith.mulf %mul3A_261, %max3A_259 : vector<1024x128xbf16>
    %add3A_263 = arith.addf %add3A_249, %mul3A_262 : vector<1024x128xbf16>
    %slice3A_264 = vector.extract_strided_slice %convert_element_type3A_10 {offsets = [18, 0], sizes = [1, 128], strides = [1, 1]} : vector<40x128xbf16> to vector<1x128xbf16>
    %mul3A_265 = vector.broadcast %convert_element_type3A : vector<1024x1xbf16> to vector<1024x128xbf16>
    %mul3A_266 = vector.broadcast %slice3A_264 : vector<1x128xbf16> to vector<1024x128xbf16>
    %mul3A_267 = arith.mulf %mul3A_265, %mul3A_266 : vector<1024x128xbf16>
    %slice3A_268 = vector.extract_strided_slice %convert_element_type3A_14 {offsets = [18, 0], sizes = [1, 128], strides = [1, 1]} : vector<40x128xbf16> to vector<1x128xbf16>
    %add3A_269 = vector.broadcast %slice3A_268 : vector<1x128xbf16> to vector<1024x128xbf16>
    %add3A_270 = arith.addf %mul3A_267, %add3A_269 : vector<1024x128xbf16>
    %max3A_271 = arith.constant 0.000000e+00 : bf16
    %max3A_272 = vector.broadcast %max3A_271 : bf16 to vector<1024x128xbf16>
    %max3A_273 = arith.maximumf %add3A_270, %max3A_272 : vector<1024x128xbf16>
    %slice3A_274 = vector.extract_strided_slice %convert_element_type3A_6 {offsets = [0, 18], sizes = [1024, 1], strides = [1, 1]} : vector<1024x128xbf16> to vector<1024x1xbf16>
    %mul3A_275 = vector.broadcast %slice3A_274 : vector<1024x1xbf16> to vector<1024x128xbf16>
    %mul3A_276 = arith.mulf %mul3A_275, %max3A_273 : vector<1024x128xbf16>
    %add3A_277 = arith.addf %add3A_263, %mul3A_276 : vector<1024x128xbf16>
    %slice3A_278 = vector.extract_strided_slice %convert_element_type3A_10 {offsets = [19, 0], sizes = [1, 128], strides = [1, 1]} : vector<40x128xbf16> to vector<1x128xbf16>
    %mul3A_279 = vector.broadcast %convert_element_type3A : vector<1024x1xbf16> to vector<1024x128xbf16>
    %mul3A_280 = vector.broadcast %slice3A_278 : vector<1x128xbf16> to vector<1024x128xbf16>
    %mul3A_281 = arith.mulf %mul3A_279, %mul3A_280 : vector<1024x128xbf16>
    %slice3A_282 = vector.extract_strided_slice %convert_element_type3A_14 {offsets = [19, 0], sizes = [1, 128], strides = [1, 1]} : vector<40x128xbf16> to vector<1x128xbf16>
    %add3A_283 = vector.broadcast %slice3A_282 : vector<1x128xbf16> to vector<1024x128xbf16>
    %add3A_284 = arith.addf %mul3A_281, %add3A_283 : vector<1024x128xbf16>
    %max3A_285 = arith.constant 0.000000e+00 : bf16
    %max3A_286 = vector.broadcast %max3A_285 : bf16 to vector<1024x128xbf16>
    %max3A_287 = arith.maximumf %add3A_284, %max3A_286 : vector<1024x128xbf16>
    %slice3A_288 = vector.extract_strided_slice %convert_element_type3A_6 {offsets = [0, 19], sizes = [1024, 1], strides = [1, 1]} : vector<1024x128xbf16> to vector<1024x1xbf16>
    %mul3A_289 = vector.broadcast %slice3A_288 : vector<1024x1xbf16> to vector<1024x128xbf16>
    %mul3A_290 = arith.mulf %mul3A_289, %max3A_287 : vector<1024x128xbf16>
    %add3A_291 = arith.addf %add3A_277, %mul3A_290 : vector<1024x128xbf16>
    %slice3A_292 = vector.extract_strided_slice %convert_element_type3A_10 {offsets = [20, 0], sizes = [1, 128], strides = [1, 1]} : vector<40x128xbf16> to vector<1x128xbf16>
    %mul3A_293 = vector.broadcast %convert_element_type3A : vector<1024x1xbf16> to vector<1024x128xbf16>
    %mul3A_294 = vector.broadcast %slice3A_292 : vector<1x128xbf16> to vector<1024x128xbf16>
    %mul3A_295 = arith.mulf %mul3A_293, %mul3A_294 : vector<1024x128xbf16>
    %slice3A_296 = vector.extract_strided_slice %convert_element_type3A_14 {offsets = [20, 0], sizes = [1, 128], strides = [1, 1]} : vector<40x128xbf16> to vector<1x128xbf16>
    %add3A_297 = vector.broadcast %slice3A_296 : vector<1x128xbf16> to vector<1024x128xbf16>
    %add3A_298 = arith.addf %mul3A_295, %add3A_297 : vector<1024x128xbf16>
    %max3A_299 = arith.constant 0.000000e+00 : bf16
    %max3A_300 = vector.broadcast %max3A_299 : bf16 to vector<1024x128xbf16>
    %max3A_301 = arith.maximumf %add3A_298, %max3A_300 : vector<1024x128xbf16>
    %slice3A_302 = vector.extract_strided_slice %convert_element_type3A_6 {offsets = [0, 20], sizes = [1024, 1], strides = [1, 1]} : vector<1024x128xbf16> to vector<1024x1xbf16>
    %mul3A_303 = vector.broadcast %slice3A_302 : vector<1024x1xbf16> to vector<1024x128xbf16>
    %mul3A_304 = arith.mulf %mul3A_303, %max3A_301 : vector<1024x128xbf16>
    %add3A_305 = arith.addf %add3A_291, %mul3A_304 : vector<1024x128xbf16>
    %slice3A_306 = vector.extract_strided_slice %convert_element_type3A_10 {offsets = [21, 0], sizes = [1, 128], strides = [1, 1]} : vector<40x128xbf16> to vector<1x128xbf16>
    %mul3A_307 = vector.broadcast %convert_element_type3A : vector<1024x1xbf16> to vector<1024x128xbf16>
    %mul3A_308 = vector.broadcast %slice3A_306 : vector<1x128xbf16> to vector<1024x128xbf16>
    %mul3A_309 = arith.mulf %mul3A_307, %mul3A_308 : vector<1024x128xbf16>
    %slice3A_310 = vector.extract_strided_slice %convert_element_type3A_14 {offsets = [21, 0], sizes = [1, 128], strides = [1, 1]} : vector<40x128xbf16> to vector<1x128xbf16>
    %add3A_311 = vector.broadcast %slice3A_310 : vector<1x128xbf16> to vector<1024x128xbf16>
    %add3A_312 = arith.addf %mul3A_309, %add3A_311 : vector<1024x128xbf16>
    %max3A_313 = arith.constant 0.000000e+00 : bf16
    %max3A_314 = vector.broadcast %max3A_313 : bf16 to vector<1024x128xbf16>
    %max3A_315 = arith.maximumf %add3A_312, %max3A_314 : vector<1024x128xbf16>
    %slice3A_316 = vector.extract_strided_slice %convert_element_type3A_6 {offsets = [0, 21], sizes = [1024, 1], strides = [1, 1]} : vector<1024x128xbf16> to vector<1024x1xbf16>
    %mul3A_317 = vector.broadcast %slice3A_316 : vector<1024x1xbf16> to vector<1024x128xbf16>
    %mul3A_318 = arith.mulf %mul3A_317, %max3A_315 : vector<1024x128xbf16>
    %add3A_319 = arith.addf %add3A_305, %mul3A_318 : vector<1024x128xbf16>
    %slice3A_320 = vector.extract_strided_slice %convert_element_type3A_10 {offsets = [22, 0], sizes = [1, 128], strides = [1, 1]} : vector<40x128xbf16> to vector<1x128xbf16>
    %mul3A_321 = vector.broadcast %convert_element_type3A : vector<1024x1xbf16> to vector<1024x128xbf16>
    %mul3A_322 = vector.broadcast %slice3A_320 : vector<1x128xbf16> to vector<1024x128xbf16>
    %mul3A_323 = arith.mulf %mul3A_321, %mul3A_322 : vector<1024x128xbf16>
    %slice3A_324 = vector.extract_strided_slice %convert_element_type3A_14 {offsets = [22, 0], sizes = [1, 128], strides = [1, 1]} : vector<40x128xbf16> to vector<1x128xbf16>
    %add3A_325 = vector.broadcast %slice3A_324 : vector<1x128xbf16> to vector<1024x128xbf16>
    %add3A_326 = arith.addf %mul3A_323, %add3A_325 : vector<1024x128xbf16>
    %max3A_327 = arith.constant 0.000000e+00 : bf16
    %max3A_328 = vector.broadcast %max3A_327 : bf16 to vector<1024x128xbf16>
    %max3A_329 = arith.maximumf %add3A_326, %max3A_328 : vector<1024x128xbf16>
    %slice3A_330 = vector.extract_strided_slice %convert_element_type3A_6 {offsets = [0, 22], sizes = [1024, 1], strides = [1, 1]} : vector<1024x128xbf16> to vector<1024x1xbf16>
    %mul3A_331 = vector.broadcast %slice3A_330 : vector<1024x1xbf16> to vector<1024x128xbf16>
    %mul3A_332 = arith.mulf %mul3A_331, %max3A_329 : vector<1024x128xbf16>
    %add3A_333 = arith.addf %add3A_319, %mul3A_332 : vector<1024x128xbf16>
    %slice3A_334 = vector.extract_strided_slice %convert_element_type3A_10 {offsets = [23, 0], sizes = [1, 128], strides = [1, 1]} : vector<40x128xbf16> to vector<1x128xbf16>
    %mul3A_335 = vector.broadcast %convert_element_type3A : vector<1024x1xbf16> to vector<1024x128xbf16>
    %mul3A_336 = vector.broadcast %slice3A_334 : vector<1x128xbf16> to vector<1024x128xbf16>
    %mul3A_337 = arith.mulf %mul3A_335, %mul3A_336 : vector<1024x128xbf16>
    %slice3A_338 = vector.extract_strided_slice %convert_element_type3A_14 {offsets = [23, 0], sizes = [1, 128], strides = [1, 1]} : vector<40x128xbf16> to vector<1x128xbf16>
    %add3A_339 = vector.broadcast %slice3A_338 : vector<1x128xbf16> to vector<1024x128xbf16>
    %add3A_340 = arith.addf %mul3A_337, %add3A_339 : vector<1024x128xbf16>
    %max3A_341 = arith.constant 0.000000e+00 : bf16
    %max3A_342 = vector.broadcast %max3A_341 : bf16 to vector<1024x128xbf16>
    %max3A_343 = arith.maximumf %add3A_340, %max3A_342 : vector<1024x128xbf16>
    %slice3A_344 = vector.extract_strided_slice %convert_element_type3A_6 {offsets = [0, 23], sizes = [1024, 1], strides = [1, 1]} : vector<1024x128xbf16> to vector<1024x1xbf16>
    %mul3A_345 = vector.broadcast %slice3A_344 : vector<1024x1xbf16> to vector<1024x128xbf16>
    %mul3A_346 = arith.mulf %mul3A_345, %max3A_343 : vector<1024x128xbf16>
    %add3A_347 = arith.addf %add3A_333, %mul3A_346 : vector<1024x128xbf16>
    %slice3A_348 = vector.extract_strided_slice %convert_element_type3A_10 {offsets = [24, 0], sizes = [1, 128], strides = [1, 1]} : vector<40x128xbf16> to vector<1x128xbf16>
    %mul3A_349 = vector.broadcast %convert_element_type3A : vector<1024x1xbf16> to vector<1024x128xbf16>
    %mul3A_350 = vector.broadcast %slice3A_348 : vector<1x128xbf16> to vector<1024x128xbf16>
    %mul3A_351 = arith.mulf %mul3A_349, %mul3A_350 : vector<1024x128xbf16>
    %slice3A_352 = vector.extract_strided_slice %convert_element_type3A_14 {offsets = [24, 0], sizes = [1, 128], strides = [1, 1]} : vector<40x128xbf16> to vector<1x128xbf16>
    %add3A_353 = vector.broadcast %slice3A_352 : vector<1x128xbf16> to vector<1024x128xbf16>
    %add3A_354 = arith.addf %mul3A_351, %add3A_353 : vector<1024x128xbf16>
    %max3A_355 = arith.constant 0.000000e+00 : bf16
    %max3A_356 = vector.broadcast %max3A_355 : bf16 to vector<1024x128xbf16>
    %max3A_357 = arith.maximumf %add3A_354, %max3A_356 : vector<1024x128xbf16>
    %slice3A_358 = vector.extract_strided_slice %convert_element_type3A_6 {offsets = [0, 24], sizes = [1024, 1], strides = [1, 1]} : vector<1024x128xbf16> to vector<1024x1xbf16>
    %mul3A_359 = vector.broadcast %slice3A_358 : vector<1024x1xbf16> to vector<1024x128xbf16>
    %mul3A_360 = arith.mulf %mul3A_359, %max3A_357 : vector<1024x128xbf16>
    %add3A_361 = arith.addf %add3A_347, %mul3A_360 : vector<1024x128xbf16>
    %slice3A_362 = vector.extract_strided_slice %convert_element_type3A_10 {offsets = [25, 0], sizes = [1, 128], strides = [1, 1]} : vector<40x128xbf16> to vector<1x128xbf16>
    %mul3A_363 = vector.broadcast %convert_element_type3A : vector<1024x1xbf16> to vector<1024x128xbf16>
    %mul3A_364 = vector.broadcast %slice3A_362 : vector<1x128xbf16> to vector<1024x128xbf16>
    %mul3A_365 = arith.mulf %mul3A_363, %mul3A_364 : vector<1024x128xbf16>
    %slice3A_366 = vector.extract_strided_slice %convert_element_type3A_14 {offsets = [25, 0], sizes = [1, 128], strides = [1, 1]} : vector<40x128xbf16> to vector<1x128xbf16>
    %add3A_367 = vector.broadcast %slice3A_366 : vector<1x128xbf16> to vector<1024x128xbf16>
    %add3A_368 = arith.addf %mul3A_365, %add3A_367 : vector<1024x128xbf16>
    %max3A_369 = arith.constant 0.000000e+00 : bf16
    %max3A_370 = vector.broadcast %max3A_369 : bf16 to vector<1024x128xbf16>
    %max3A_371 = arith.maximumf %add3A_368, %max3A_370 : vector<1024x128xbf16>
    %slice3A_372 = vector.extract_strided_slice %convert_element_type3A_6 {offsets = [0, 25], sizes = [1024, 1], strides = [1, 1]} : vector<1024x128xbf16> to vector<1024x1xbf16>
    %mul3A_373 = vector.broadcast %slice3A_372 : vector<1024x1xbf16> to vector<1024x128xbf16>
    %mul3A_374 = arith.mulf %mul3A_373, %max3A_371 : vector<1024x128xbf16>
    %add3A_375 = arith.addf %add3A_361, %mul3A_374 : vector<1024x128xbf16>
    %slice3A_376 = vector.extract_strided_slice %convert_element_type3A_10 {offsets = [26, 0], sizes = [1, 128], strides = [1, 1]} : vector<40x128xbf16> to vector<1x128xbf16>
    %mul3A_377 = vector.broadcast %convert_element_type3A : vector<1024x1xbf16> to vector<1024x128xbf16>
    %mul3A_378 = vector.broadcast %slice3A_376 : vector<1x128xbf16> to vector<1024x128xbf16>
    %mul3A_379 = arith.mulf %mul3A_377, %mul3A_378 : vector<1024x128xbf16>
    %slice3A_380 = vector.extract_strided_slice %convert_element_type3A_14 {offsets = [26, 0], sizes = [1, 128], strides = [1, 1]} : vector<40x128xbf16> to vector<1x128xbf16>
    %add3A_381 = vector.broadcast %slice3A_380 : vector<1x128xbf16> to vector<1024x128xbf16>
    %add3A_382 = arith.addf %mul3A_379, %add3A_381 : vector<1024x128xbf16>
    %max3A_383 = arith.constant 0.000000e+00 : bf16
    %max3A_384 = vector.broadcast %max3A_383 : bf16 to vector<1024x128xbf16>
    %max3A_385 = arith.maximumf %add3A_382, %max3A_384 : vector<1024x128xbf16>
    %slice3A_386 = vector.extract_strided_slice %convert_element_type3A_6 {offsets = [0, 26], sizes = [1024, 1], strides = [1, 1]} : vector<1024x128xbf16> to vector<1024x1xbf16>
    %mul3A_387 = vector.broadcast %slice3A_386 : vector<1024x1xbf16> to vector<1024x128xbf16>
    %mul3A_388 = arith.mulf %mul3A_387, %max3A_385 : vector<1024x128xbf16>
    %add3A_389 = arith.addf %add3A_375, %mul3A_388 : vector<1024x128xbf16>
    %slice3A_390 = vector.extract_strided_slice %convert_element_type3A_10 {offsets = [27, 0], sizes = [1, 128], strides = [1, 1]} : vector<40x128xbf16> to vector<1x128xbf16>
    %mul3A_391 = vector.broadcast %convert_element_type3A : vector<1024x1xbf16> to vector<1024x128xbf16>
    %mul3A_392 = vector.broadcast %slice3A_390 : vector<1x128xbf16> to vector<1024x128xbf16>
    %mul3A_393 = arith.mulf %mul3A_391, %mul3A_392 : vector<1024x128xbf16>
    %slice3A_394 = vector.extract_strided_slice %convert_element_type3A_14 {offsets = [27, 0], sizes = [1, 128], strides = [1, 1]} : vector<40x128xbf16> to vector<1x128xbf16>
    %add3A_395 = vector.broadcast %slice3A_394 : vector<1x128xbf16> to vector<1024x128xbf16>
    %add3A_396 = arith.addf %mul3A_393, %add3A_395 : vector<1024x128xbf16>
    %max3A_397 = arith.constant 0.000000e+00 : bf16
    %max3A_398 = vector.broadcast %max3A_397 : bf16 to vector<1024x128xbf16>
    %max3A_399 = arith.maximumf %add3A_396, %max3A_398 : vector<1024x128xbf16>
    %slice3A_400 = vector.extract_strided_slice %convert_element_type3A_6 {offsets = [0, 27], sizes = [1024, 1], strides = [1, 1]} : vector<1024x128xbf16> to vector<1024x1xbf16>
    %mul3A_401 = vector.broadcast %slice3A_400 : vector<1024x1xbf16> to vector<1024x128xbf16>
    %mul3A_402 = arith.mulf %mul3A_401, %max3A_399 : vector<1024x128xbf16>
    %add3A_403 = arith.addf %add3A_389, %mul3A_402 : vector<1024x128xbf16>
    %slice3A_404 = vector.extract_strided_slice %convert_element_type3A_10 {offsets = [28, 0], sizes = [1, 128], strides = [1, 1]} : vector<40x128xbf16> to vector<1x128xbf16>
    %mul3A_405 = vector.broadcast %convert_element_type3A : vector<1024x1xbf16> to vector<1024x128xbf16>
    %mul3A_406 = vector.broadcast %slice3A_404 : vector<1x128xbf16> to vector<1024x128xbf16>
    %mul3A_407 = arith.mulf %mul3A_405, %mul3A_406 : vector<1024x128xbf16>
    %slice3A_408 = vector.extract_strided_slice %convert_element_type3A_14 {offsets = [28, 0], sizes = [1, 128], strides = [1, 1]} : vector<40x128xbf16> to vector<1x128xbf16>
    %add3A_409 = vector.broadcast %slice3A_408 : vector<1x128xbf16> to vector<1024x128xbf16>
    %add3A_410 = arith.addf %mul3A_407, %add3A_409 : vector<1024x128xbf16>
    %max3A_411 = arith.constant 0.000000e+00 : bf16
    %max3A_412 = vector.broadcast %max3A_411 : bf16 to vector<1024x128xbf16>
    %max3A_413 = arith.maximumf %add3A_410, %max3A_412 : vector<1024x128xbf16>
    %slice3A_414 = vector.extract_strided_slice %convert_element_type3A_6 {offsets = [0, 28], sizes = [1024, 1], strides = [1, 1]} : vector<1024x128xbf16> to vector<1024x1xbf16>
    %mul3A_415 = vector.broadcast %slice3A_414 : vector<1024x1xbf16> to vector<1024x128xbf16>
    %mul3A_416 = arith.mulf %mul3A_415, %max3A_413 : vector<1024x128xbf16>
    %add3A_417 = arith.addf %add3A_403, %mul3A_416 : vector<1024x128xbf16>
    %slice3A_418 = vector.extract_strided_slice %convert_element_type3A_10 {offsets = [29, 0], sizes = [1, 128], strides = [1, 1]} : vector<40x128xbf16> to vector<1x128xbf16>
    %mul3A_419 = vector.broadcast %convert_element_type3A : vector<1024x1xbf16> to vector<1024x128xbf16>
    %mul3A_420 = vector.broadcast %slice3A_418 : vector<1x128xbf16> to vector<1024x128xbf16>
    %mul3A_421 = arith.mulf %mul3A_419, %mul3A_420 : vector<1024x128xbf16>
    %slice3A_422 = vector.extract_strided_slice %convert_element_type3A_14 {offsets = [29, 0], sizes = [1, 128], strides = [1, 1]} : vector<40x128xbf16> to vector<1x128xbf16>
    %add3A_423 = vector.broadcast %slice3A_422 : vector<1x128xbf16> to vector<1024x128xbf16>
    %add3A_424 = arith.addf %mul3A_421, %add3A_423 : vector<1024x128xbf16>
    %max3A_425 = arith.constant 0.000000e+00 : bf16
    %max3A_426 = vector.broadcast %max3A_425 : bf16 to vector<1024x128xbf16>
    %max3A_427 = arith.maximumf %add3A_424, %max3A_426 : vector<1024x128xbf16>
    %slice3A_428 = vector.extract_strided_slice %convert_element_type3A_6 {offsets = [0, 29], sizes = [1024, 1], strides = [1, 1]} : vector<1024x128xbf16> to vector<1024x1xbf16>
    %mul3A_429 = vector.broadcast %slice3A_428 : vector<1024x1xbf16> to vector<1024x128xbf16>
    %mul3A_430 = arith.mulf %mul3A_429, %max3A_427 : vector<1024x128xbf16>
    %add3A_431 = arith.addf %add3A_417, %mul3A_430 : vector<1024x128xbf16>
    %slice3A_432 = vector.extract_strided_slice %convert_element_type3A_10 {offsets = [30, 0], sizes = [1, 128], strides = [1, 1]} : vector<40x128xbf16> to vector<1x128xbf16>
    %mul3A_433 = vector.broadcast %convert_element_type3A : vector<1024x1xbf16> to vector<1024x128xbf16>
    %mul3A_434 = vector.broadcast %slice3A_432 : vector<1x128xbf16> to vector<1024x128xbf16>
    %mul3A_435 = arith.mulf %mul3A_433, %mul3A_434 : vector<1024x128xbf16>
    %slice3A_436 = vector.extract_strided_slice %convert_element_type3A_14 {offsets = [30, 0], sizes = [1, 128], strides = [1, 1]} : vector<40x128xbf16> to vector<1x128xbf16>
    %add3A_437 = vector.broadcast %slice3A_436 : vector<1x128xbf16> to vector<1024x128xbf16>
    %add3A_438 = arith.addf %mul3A_435, %add3A_437 : vector<1024x128xbf16>
    %max3A_439 = arith.constant 0.000000e+00 : bf16
    %max3A_440 = vector.broadcast %max3A_439 : bf16 to vector<1024x128xbf16>
    %max3A_441 = arith.maximumf %add3A_438, %max3A_440 : vector<1024x128xbf16>
    %slice3A_442 = vector.extract_strided_slice %convert_element_type3A_6 {offsets = [0, 30], sizes = [1024, 1], strides = [1, 1]} : vector<1024x128xbf16> to vector<1024x1xbf16>
    %mul3A_443 = vector.broadcast %slice3A_442 : vector<1024x1xbf16> to vector<1024x128xbf16>
    %mul3A_444 = arith.mulf %mul3A_443, %max3A_441 : vector<1024x128xbf16>
    %add3A_445 = arith.addf %add3A_431, %mul3A_444 : vector<1024x128xbf16>
    %slice3A_446 = vector.extract_strided_slice %convert_element_type3A_10 {offsets = [31, 0], sizes = [1, 128], strides = [1, 1]} : vector<40x128xbf16> to vector<1x128xbf16>
    %mul3A_447 = vector.broadcast %convert_element_type3A : vector<1024x1xbf16> to vector<1024x128xbf16>
    %mul3A_448 = vector.broadcast %slice3A_446 : vector<1x128xbf16> to vector<1024x128xbf16>
    %mul3A_449 = arith.mulf %mul3A_447, %mul3A_448 : vector<1024x128xbf16>
    %slice3A_450 = vector.extract_strided_slice %convert_element_type3A_14 {offsets = [31, 0], sizes = [1, 128], strides = [1, 1]} : vector<40x128xbf16> to vector<1x128xbf16>
    %add3A_451 = vector.broadcast %slice3A_450 : vector<1x128xbf16> to vector<1024x128xbf16>
    %add3A_452 = arith.addf %mul3A_449, %add3A_451 : vector<1024x128xbf16>
    %max3A_453 = arith.constant 0.000000e+00 : bf16
    %max3A_454 = vector.broadcast %max3A_453 : bf16 to vector<1024x128xbf16>
    %max3A_455 = arith.maximumf %add3A_452, %max3A_454 : vector<1024x128xbf16>
    %slice3A_456 = vector.extract_strided_slice %convert_element_type3A_6 {offsets = [0, 31], sizes = [1024, 1], strides = [1, 1]} : vector<1024x128xbf16> to vector<1024x1xbf16>
    %mul3A_457 = vector.broadcast %slice3A_456 : vector<1024x1xbf16> to vector<1024x128xbf16>
    %mul3A_458 = arith.mulf %mul3A_457, %max3A_455 : vector<1024x128xbf16>
    %add3A_459 = arith.addf %add3A_445, %mul3A_458 : vector<1024x128xbf16>
    %slice3A_460 = vector.extract_strided_slice %convert_element_type3A_10 {offsets = [32, 0], sizes = [1, 128], strides = [1, 1]} : vector<40x128xbf16> to vector<1x128xbf16>
    %mul3A_461 = vector.broadcast %convert_element_type3A : vector<1024x1xbf16> to vector<1024x128xbf16>
    %mul3A_462 = vector.broadcast %slice3A_460 : vector<1x128xbf16> to vector<1024x128xbf16>
    %mul3A_463 = arith.mulf %mul3A_461, %mul3A_462 : vector<1024x128xbf16>
    %slice3A_464 = vector.extract_strided_slice %convert_element_type3A_14 {offsets = [32, 0], sizes = [1, 128], strides = [1, 1]} : vector<40x128xbf16> to vector<1x128xbf16>
    %add3A_465 = vector.broadcast %slice3A_464 : vector<1x128xbf16> to vector<1024x128xbf16>
    %add3A_466 = arith.addf %mul3A_463, %add3A_465 : vector<1024x128xbf16>
    %max3A_467 = arith.constant 0.000000e+00 : bf16
    %max3A_468 = vector.broadcast %max3A_467 : bf16 to vector<1024x128xbf16>
    %max3A_469 = arith.maximumf %add3A_466, %max3A_468 : vector<1024x128xbf16>
    %slice3A_470 = vector.extract_strided_slice %convert_element_type3A_6 {offsets = [0, 32], sizes = [1024, 1], strides = [1, 1]} : vector<1024x128xbf16> to vector<1024x1xbf16>
    %mul3A_471 = vector.broadcast %slice3A_470 : vector<1024x1xbf16> to vector<1024x128xbf16>
    %mul3A_472 = arith.mulf %mul3A_471, %max3A_469 : vector<1024x128xbf16>
    %add3A_473 = arith.addf %add3A_459, %mul3A_472 : vector<1024x128xbf16>
    %slice3A_474 = vector.extract_strided_slice %convert_element_type3A_10 {offsets = [33, 0], sizes = [1, 128], strides = [1, 1]} : vector<40x128xbf16> to vector<1x128xbf16>
    %mul3A_475 = vector.broadcast %convert_element_type3A : vector<1024x1xbf16> to vector<1024x128xbf16>
    %mul3A_476 = vector.broadcast %slice3A_474 : vector<1x128xbf16> to vector<1024x128xbf16>
    %mul3A_477 = arith.mulf %mul3A_475, %mul3A_476 : vector<1024x128xbf16>
    %slice3A_478 = vector.extract_strided_slice %convert_element_type3A_14 {offsets = [33, 0], sizes = [1, 128], strides = [1, 1]} : vector<40x128xbf16> to vector<1x128xbf16>
    %add3A_479 = vector.broadcast %slice3A_478 : vector<1x128xbf16> to vector<1024x128xbf16>
    %add3A_480 = arith.addf %mul3A_477, %add3A_479 : vector<1024x128xbf16>
    %max3A_481 = arith.constant 0.000000e+00 : bf16
    %max3A_482 = vector.broadcast %max3A_481 : bf16 to vector<1024x128xbf16>
    %max3A_483 = arith.maximumf %add3A_480, %max3A_482 : vector<1024x128xbf16>
    %slice3A_484 = vector.extract_strided_slice %convert_element_type3A_6 {offsets = [0, 33], sizes = [1024, 1], strides = [1, 1]} : vector<1024x128xbf16> to vector<1024x1xbf16>
    %mul3A_485 = vector.broadcast %slice3A_484 : vector<1024x1xbf16> to vector<1024x128xbf16>
    %mul3A_486 = arith.mulf %mul3A_485, %max3A_483 : vector<1024x128xbf16>
    %add3A_487 = arith.addf %add3A_473, %mul3A_486 : vector<1024x128xbf16>
    %slice3A_488 = vector.extract_strided_slice %convert_element_type3A_10 {offsets = [34, 0], sizes = [1, 128], strides = [1, 1]} : vector<40x128xbf16> to vector<1x128xbf16>
    %mul3A_489 = vector.broadcast %convert_element_type3A : vector<1024x1xbf16> to vector<1024x128xbf16>
    %mul3A_490 = vector.broadcast %slice3A_488 : vector<1x128xbf16> to vector<1024x128xbf16>
    %mul3A_491 = arith.mulf %mul3A_489, %mul3A_490 : vector<1024x128xbf16>
    %slice3A_492 = vector.extract_strided_slice %convert_element_type3A_14 {offsets = [34, 0], sizes = [1, 128], strides = [1, 1]} : vector<40x128xbf16> to vector<1x128xbf16>
    %add3A_493 = vector.broadcast %slice3A_492 : vector<1x128xbf16> to vector<1024x128xbf16>
    %add3A_494 = arith.addf %mul3A_491, %add3A_493 : vector<1024x128xbf16>
    %max3A_495 = arith.constant 0.000000e+00 : bf16
    %max3A_496 = vector.broadcast %max3A_495 : bf16 to vector<1024x128xbf16>
    %max3A_497 = arith.maximumf %add3A_494, %max3A_496 : vector<1024x128xbf16>
    %slice3A_498 = vector.extract_strided_slice %convert_element_type3A_6 {offsets = [0, 34], sizes = [1024, 1], strides = [1, 1]} : vector<1024x128xbf16> to vector<1024x1xbf16>
    %mul3A_499 = vector.broadcast %slice3A_498 : vector<1024x1xbf16> to vector<1024x128xbf16>
    %mul3A_500 = arith.mulf %mul3A_499, %max3A_497 : vector<1024x128xbf16>
    %add3A_501 = arith.addf %add3A_487, %mul3A_500 : vector<1024x128xbf16>
    %convert_element_type3A_502 = arith.extf %add3A_501 : vector<1024x128xbf16> to vector<1024x128xf32>
    %iota3A = tpu.iota {dimensions = array<i32: 1>} : vector<1x128xi32>
    %eq3A = arith.constant 35 : i32
    %eq3A_503 = vector.broadcast %eq3A : i32 to vector<1x128xi32>
    %eq3A_504 = arith.cmpi eq, %iota3A, %eq3A_503 : vector<1x128xi32>
    %jit3A = arith.constant 1.000000e+00 : f32
    %jit3A_505 = arith.constant 0.000000e+00 : f32
    %broadcast_in_dim3A_506 = vector.broadcast %jit3A : f32 to vector<1x128xf32>
    %broadcast_in_dim3A_507 = vector.broadcast %jit3A_505 : f32 to vector<1x128xf32>
    %select_n3A = arith.select %eq3A_504, %broadcast_in_dim3A_506, %broadcast_in_dim3A_507 : vector<1x128xi1>, vector<1x128xf32>
    %add3A_508 = vector.broadcast %select_n3A : vector<1x128xf32> to vector<1024x128xf32>
    %add3A_509 = arith.addf %convert_element_type3A_502, %add3A_508 : vector<1024x128xf32>
    %swap3A = arith.constant 0 : index
    %swap3A_510 = arith.constant 0 : index
    %swap3A_511 = vector.load %arg5[%swap3A, %swap3A_510] : memref<1024x128xf32, #tpu.memory_space<vmem>>, vector<1024x128xf32>
    tpu.vector_store %arg5[%swap3A, %swap3A_510], %add3A_509 {strides = array<i32>} : memref<1024x128xf32, #tpu.memory_space<vmem>>, vector<1024x128xf32>,
    return
  }
  func.func @transform_0(%arg0: i32) -> (i32, i32) {
    %c0_i32 = arith.constant 0 : i32
    %c0_i32_0 = arith.constant 0 : i32
    return %arg0, %c0_i32 : i32, i32
  }
  func.func @transform_1(%arg0: i32) -> (i32, i32, i32) {
    %c0_i32 = arith.constant 0 : i32
    %c0_i32_0 = arith.constant 0 : i32
    %c0_i32_1 = arith.constant 0 : i32
    return %arg0, %c0_i32, %c0_i32_0 : i32, i32, i32
  }
  func.func @transform_2(%arg0: i32) -> (i32, i32) {
    %c0_i32 = arith.constant 0 : i32
    %c0_i32_0 = arith.constant 0 : i32
    %c0_i32_1 = arith.constant 0 : i32
    return %c0_i32, %c0_i32_0 : i32, i32
  }
  func.func @transform_3(%arg0: i32) -> (i32, i32) {
    %c0_i32 = arith.constant 0 : i32
    %c0_i32_0 = arith.constant 0 : i32
    %c0_i32_1 = arith.constant 0 : i32
    return %c0_i32, %c0_i32_0 : i32, i32
  }
  func.func @transform_4(%arg0: i32) -> (i32, i32) {
    %c0_i32 = arith.constant 0 : i32
    %c0_i32_0 = arith.constant 0 : i32
    return %arg0, %c0_i32 : i32, i32
  }
}

module attributes {stable_mosaic.version = 14 : i64} {
  func.func @body(%arg0: memref<20224x128xf32, #tpu.memory_space<vmem>>, %arg1: memref<10000x48xf32, #tpu.memory_space<vmem>>, %arg2: memref<48x48xf32, #tpu.memory_space<vmem>>, %arg3: memref<1x48xf32, #tpu.memory_space<vmem>>, %arg4: memref<1x48xf32, #tpu.memory_space<vmem>>, %arg5: memref<1x48xf32, #tpu.memory_space<vmem>>, %arg6: memref<10000x48xf32, #tpu.memory_space<vmem>>) attributes {dimension_semantics = [], scalar_prefetch = 0 : i64, scratch_operands = 0 : i64, tpu.core_type = #tpu.core_type<tc>} {
    %get3A = arith.constant 0 : index
    %get3A_0 = arith.constant 0 : index
    %get3A_1 = vector.load %arg0[%get3A, %get3A_0] : memref<20224x128xf32, #tpu.memory_space<vmem>>, vector<20224x128xf32>
    %slice3A = vector.extract_strided_slice %get3A_1 {offsets = [0, 0], sizes = [10000, 128], strides = [1, 1]} : vector<20224x128xf32> to vector<10000x128xf32>
    %slice3A_2 = vector.extract_strided_slice %get3A_1 {offsets = [10112, 0], sizes = [10000, 128], strides = [1, 1]} : vector<20224x128xf32> to vector<10000x128xf32>
    %add3A = arith.addf %slice3A, %slice3A_2 : vector<10000x128xf32>
    %slice3A_3 = vector.extract_strided_slice %add3A {offsets = [0, 35], sizes = [10000, 1], strides = [1, 1]} : vector<10000x128xf32> to vector<10000x1xf32>
    %max3A = arith.constant 1.000000e+00 : f32
    %max3A_4 = vector.broadcast %max3A : f32 to vector<10000x1xf32>
    %max3A_5 = arith.maximumf %slice3A_3, %max3A_4 : vector<10000x1xf32>
    %slice3A_6 = vector.extract_strided_slice %add3A {offsets = [0, 0], sizes = [10000, 48], strides = [1, 1]} : vector<10000x128xf32> to vector<10000x48xf32>
    %div3A = vector.broadcast %max3A_5 : vector<10000x1xf32> to vector<10000x48xf32>
    %div3A_7 = arith.divf %slice3A_6, %div3A : vector<10000x48xf32>
    %get3A_8 = arith.constant 0 : index
    %get3A_9 = arith.constant 0 : index
    %get3A_10 = vector.load %arg1[%get3A_8, %get3A_9] : memref<10000x48xf32, #tpu.memory_space<vmem>>, vector<10000x48xf32>
    %get3A_11 = arith.constant 0 : index
    %get3A_12 = arith.constant 0 : index
    %get3A_13 = vector.load %arg2[%get3A_11, %get3A_12] : memref<48x48xf32, #tpu.memory_space<vmem>>, vector<48x48xf32>
    %dot_general3A = arith.constant dense<0.000000e+00> : vector<10000x48xf32>
    %dot_general3A_14 = tpu.matmul %get3A_10, %get3A_13, %dot_general3A {dimension_numbers = #tpu.dot_dimension_numbers<[1], [0], [0], [1], [0, 0, 1, 1], [], []>, transpose_lhs_hint = false} : vector<10000x48xf32>, vector<48x48xf32>, vector<10000x48xf32> -> vector<10000x48xf32>
    %add3A_15 = arith.addf %div3A_7, %dot_general3A_14 : vector<10000x48xf32>
    %get3A_16 = arith.constant 0 : index
    %get3A_17 = arith.constant 0 : index
    %get3A_18 = vector.load %arg3[%get3A_16, %get3A_17] : memref<1x48xf32, #tpu.memory_space<vmem>>, vector<1x48xf32>
    %add3A_19 = vector.broadcast %get3A_18 : vector<1x48xf32> to vector<10000x48xf32>
    %add3A_20 = arith.addf %add3A_15, %add3A_19 : vector<10000x48xf32>
    %reduce_sum3A = arith.constant dense<0.000000e+00> : vector<48xf32>
    %reduce_sum3A_21 = vector.multi_reduction <add>, %add3A_20, %reduce_sum3A [0] : vector<10000x48xf32> to vector<48xf32>
    %broadcast_in_dim3A = vector.shape_cast %reduce_sum3A_21 : vector<48xf32> to vector<1x48xf32>
    %div3A_22 = arith.constant 1.000000e+04 : f32
    %div3A_23 = vector.broadcast %div3A_22 : f32 to vector<1x48xf32>
    %div3A_24 = arith.divf %broadcast_in_dim3A, %div3A_23 : vector<1x48xf32>
    %sub3A = vector.broadcast %div3A_24 : vector<1x48xf32> to vector<10000x48xf32>
    %sub3A_25 = arith.subf %add3A_20, %sub3A : vector<10000x48xf32>
    %integer_pow3A = arith.mulf %sub3A_25, %sub3A_25 : vector<10000x48xf32>
    %reduce_sum3A_26 = arith.constant dense<0.000000e+00> : vector<48xf32>
    %reduce_sum3A_27 = vector.multi_reduction <add>, %integer_pow3A, %reduce_sum3A_26 [0] : vector<10000x48xf32> to vector<48xf32>
    %broadcast_in_dim3A_28 = vector.shape_cast %reduce_sum3A_27 : vector<48xf32> to vector<1x48xf32>
    %div3A_29 = arith.constant 1.000000e+04 : f32
    %div3A_30 = vector.broadcast %div3A_29 : f32 to vector<1x48xf32>
    %div3A_31 = arith.divf %broadcast_in_dim3A_28, %div3A_30 : vector<1x48xf32>
    %sub3A_32 = vector.broadcast %div3A_24 : vector<1x48xf32> to vector<10000x48xf32>
    %sub3A_33 = arith.subf %add3A_20, %sub3A_32 : vector<10000x48xf32>
    %add3A_34 = arith.constant 1.000000e-03 : f32
    %add3A_35 = vector.broadcast %add3A_34 : f32 to vector<1x48xf32>
    %add3A_36 = arith.addf %div3A_31, %add3A_35 : vector<1x48xf32>
    %rsqrt3A = math.rsqrt %add3A_36 : vector<1x48xf32>
    %mul3A = vector.broadcast %rsqrt3A : vector<1x48xf32> to vector<10000x48xf32>
    %mul3A_37 = arith.mulf %sub3A_33, %mul3A : vector<10000x48xf32>
    %get3A_38 = arith.constant 0 : index
    %get3A_39 = arith.constant 0 : index
    %get3A_40 = vector.load %arg4[%get3A_38, %get3A_39] : memref<1x48xf32, #tpu.memory_space<vmem>>, vector<1x48xf32>
    %mul3A_41 = vector.broadcast %get3A_40 : vector<1x48xf32> to vector<10000x48xf32>
    %mul3A_42 = arith.mulf %mul3A_37, %mul3A_41 : vector<10000x48xf32>
    %get3A_43 = arith.constant 0 : index
    %get3A_44 = arith.constant 0 : index
    %get3A_45 = vector.load %arg5[%get3A_43, %get3A_44] : memref<1x48xf32, #tpu.memory_space<vmem>>, vector<1x48xf32>
    %add3A_46 = vector.broadcast %get3A_45 : vector<1x48xf32> to vector<10000x48xf32>
    %add3A_47 = arith.addf %mul3A_42, %add3A_46 : vector<10000x48xf32>
    %logistic3A = arith.negf %add3A_47 : vector<10000x48xf32>
    %logistic3A_48 = math.exp %logistic3A : vector<10000x48xf32>
    %logistic3A_49 = arith.constant 1.000000e+00 : f32
    %logistic3A_50 = vector.broadcast %logistic3A_49 : f32 to vector<10000x48xf32>
    %logistic3A_51 = arith.addf %logistic3A_50, %logistic3A_48 : vector<10000x48xf32>
    %logistic3A_52 = arith.divf %logistic3A_50, %logistic3A_51 : vector<10000x48xf32>
    %iota3A = tpu.iota {dimensions = array<i32: 1>} : vector<1x48xi32>
    %eq3A = arith.constant 35 : i32
    %eq3A_53 = vector.broadcast %eq3A : i32 to vector<1x48xi32>
    %eq3A_54 = arith.cmpi eq, %iota3A, %eq3A_53 : vector<1x48xi32>
    %broadcast_in_dim3A_55 = vector.shape_cast %eq3A_54 : vector<1x48xi1> to vector<1x48xi1>
    %broadcast_in_dim3A_56 = vector.broadcast %broadcast_in_dim3A_55 : vector<1x48xi1> to vector<10000x48xi1>
    %broadcast_in_dim3A_57 = vector.shape_cast %max3A_5 : vector<10000x1xf32> to vector<10000x1xf32>
    %broadcast_in_dim3A_58 = vector.broadcast %broadcast_in_dim3A_57 : vector<10000x1xf32> to vector<10000x48xf32>
    %select_n3A = arith.select %broadcast_in_dim3A_56, %broadcast_in_dim3A_58, %logistic3A_52 : vector<10000x48xi1>, vector<10000x48xf32>
    %swap3A = arith.constant 0 : index
    %swap3A_59 = arith.constant 0 : index
    %swap3A_60 = vector.load %arg6[%swap3A, %swap3A_59] : memref<10000x48xf32, #tpu.memory_space<vmem>>, vector<10000x48xf32>
    tpu.vector_store %arg6[%swap3A, %swap3A_59], %select_n3A {strides = array<i32>} : memref<10000x48xf32, #tpu.memory_space<vmem>>, vector<10000x48xf32>,
    return
  }
}

module attributes {stable_mosaic.version = 14 : i64} {
  func.func @body(%arg0: i32, %arg1: memref<1024x128xf32, #tpu.memory_space<vmem>>, %arg2: memref<1x1x1024xf32, #tpu.memory_space<vmem>>, %arg3: memref<40x256xf32, #tpu.memory_space<vmem>>, %arg4: memref<40x256xf32, #tpu.memory_space<vmem>>, %arg5: memref<1024x128xf32, #tpu.memory_space<vmem>>, %arg6: memref<1024x128xf32, #tpu.memory_space<vmem>>) attributes {dimension_semantics = [#tpu.dimension_semantics<arbitrary>], iteration_bounds = array<i64: 52>, scalar_prefetch = 0 : i64, scratch_operands = 0 : i64, tpu.core_type = #tpu.core_type<tc>, window_params = [{transform_indices = @transform_0, window_bounds = array<i64: 1024, 128>}, {transform_indices = @transform_1, window_bounds = array<i64: 1, 1, 1024>}, {pipeline_mode = #tpu.pipeline_mode<synchronous>, transform_indices = @transform_2, window_bounds = array<i64: 40, 256>}, {pipeline_mode = #tpu.pipeline_mode<synchronous>, transform_indices = @transform_3, window_bounds = array<i64: 40, 256>}, {transform_indices = @transform_4, window_bounds = array<i64: 1024, 128>}, {transform_indices = @transform_5, window_bounds = array<i64: 1024, 128>}]} {
    %get3A = arith.constant 0 : index
    %get3A_0 = arith.constant 0 : index
    %get3A_1 = arith.constant 0 : index
    %get3A_2 = vector.load %arg2[%get3A, %get3A_0, %get3A_1] : memref<1x1x1024xf32, #tpu.memory_space<vmem>>, vector<1x1x1024xf32>
    %reshape3A = vector.shape_cast %get3A_2 : vector<1x1x1024xf32> to vector<1024x1xf32>
    %convert_element_type3A = arith.truncf %reshape3A : vector<1024x1xf32> to vector<1024x1xbf16>
    %get3A_3 = arith.constant 0 : index
    %get3A_4 = arith.constant 0 : index
    %get3A_5 = vector.load %arg1[%get3A_3, %get3A_4] : memref<1024x128xf32, #tpu.memory_space<vmem>>, vector<1024x128xf32>
    %convert_element_type3A_6 = arith.truncf %get3A_5 : vector<1024x128xf32> to vector<1024x128xbf16>
    %get3A_7 = arith.constant 0 : index
    %get3A_8 = arith.constant 0 : index
    %get3A_9 = vector.load %arg3[%get3A_7, %get3A_8] : memref<40x256xf32, #tpu.memory_space<vmem>>, vector<40x256xf32>
    %convert_element_type3A_10 = arith.truncf %get3A_9 : vector<40x256xf32> to vector<40x256xbf16>
    %get3A_11 = arith.constant 0 : index
    %get3A_12 = arith.constant 0 : index
    %get3A_13 = vector.load %arg4[%get3A_11, %get3A_12] : memref<40x256xf32, #tpu.memory_space<vmem>>, vector<40x256xf32>
    %convert_element_type3A_14 = arith.truncf %get3A_13 : vector<40x256xf32> to vector<40x256xbf16>
    %broadcast_in_dim3A = arith.constant 0.000000e+00 : bf16
    %broadcast_in_dim3A_15 = vector.broadcast %broadcast_in_dim3A : bf16 to vector<1024x256xbf16>
    %slice3A = vector.extract_strided_slice %convert_element_type3A_10 {offsets = [0, 0], sizes = [1, 256], strides = [1, 1]} : vector<40x256xbf16> to vector<1x256xbf16>
    %mul3A = vector.broadcast %convert_element_type3A : vector<1024x1xbf16> to vector<1024x256xbf16>
    %mul3A_16 = vector.broadcast %slice3A : vector<1x256xbf16> to vector<1024x256xbf16>
    %mul3A_17 = arith.mulf %mul3A, %mul3A_16 : vector<1024x256xbf16>
    %slice3A_18 = vector.extract_strided_slice %convert_element_type3A_14 {offsets = [0, 0], sizes = [1, 256], strides = [1, 1]} : vector<40x256xbf16> to vector<1x256xbf16>
    %add3A = vector.broadcast %slice3A_18 : vector<1x256xbf16> to vector<1024x256xbf16>
    %add3A_19 = arith.addf %mul3A_17, %add3A : vector<1024x256xbf16>
    %max3A = arith.constant 0.000000e+00 : bf16
    %max3A_20 = vector.broadcast %max3A : bf16 to vector<1024x256xbf16>
    %max3A_21 = arith.maximumf %add3A_19, %max3A_20 : vector<1024x256xbf16>
    %slice3A_22 = vector.extract_strided_slice %convert_element_type3A_6 {offsets = [0, 0], sizes = [1024, 1], strides = [1, 1]} : vector<1024x128xbf16> to vector<1024x1xbf16>
    %mul3A_23 = vector.broadcast %slice3A_22 : vector<1024x1xbf16> to vector<1024x256xbf16>
    %mul3A_24 = arith.mulf %mul3A_23, %max3A_21 : vector<1024x256xbf16>
    %add3A_25 = arith.addf %broadcast_in_dim3A_15, %mul3A_24 : vector<1024x256xbf16>
    %slice3A_26 = vector.extract_strided_slice %convert_element_type3A_10 {offsets = [1, 0], sizes = [1, 256], strides = [1, 1]} : vector<40x256xbf16> to vector<1x256xbf16>
    %mul3A_27 = vector.broadcast %convert_element_type3A : vector<1024x1xbf16> to vector<1024x256xbf16>
    %mul3A_28 = vector.broadcast %slice3A_26 : vector<1x256xbf16> to vector<1024x256xbf16>
    %mul3A_29 = arith.mulf %mul3A_27, %mul3A_28 : vector<1024x256xbf16>
    %slice3A_30 = vector.extract_strided_slice %convert_element_type3A_14 {offsets = [1, 0], sizes = [1, 256], strides = [1, 1]} : vector<40x256xbf16> to vector<1x256xbf16>
    %add3A_31 = vector.broadcast %slice3A_30 : vector<1x256xbf16> to vector<1024x256xbf16>
    %add3A_32 = arith.addf %mul3A_29, %add3A_31 : vector<1024x256xbf16>
    %max3A_33 = arith.constant 0.000000e+00 : bf16
    %max3A_34 = vector.broadcast %max3A_33 : bf16 to vector<1024x256xbf16>
    %max3A_35 = arith.maximumf %add3A_32, %max3A_34 : vector<1024x256xbf16>
    %slice3A_36 = vector.extract_strided_slice %convert_element_type3A_6 {offsets = [0, 1], sizes = [1024, 1], strides = [1, 1]} : vector<1024x128xbf16> to vector<1024x1xbf16>
    %mul3A_37 = vector.broadcast %slice3A_36 : vector<1024x1xbf16> to vector<1024x256xbf16>
    %mul3A_38 = arith.mulf %mul3A_37, %max3A_35 : vector<1024x256xbf16>
    %add3A_39 = arith.addf %add3A_25, %mul3A_38 : vector<1024x256xbf16>
    %slice3A_40 = vector.extract_strided_slice %convert_element_type3A_10 {offsets = [2, 0], sizes = [1, 256], strides = [1, 1]} : vector<40x256xbf16> to vector<1x256xbf16>
    %mul3A_41 = vector.broadcast %convert_element_type3A : vector<1024x1xbf16> to vector<1024x256xbf16>
    %mul3A_42 = vector.broadcast %slice3A_40 : vector<1x256xbf16> to vector<1024x256xbf16>
    %mul3A_43 = arith.mulf %mul3A_41, %mul3A_42 : vector<1024x256xbf16>
    %slice3A_44 = vector.extract_strided_slice %convert_element_type3A_14 {offsets = [2, 0], sizes = [1, 256], strides = [1, 1]} : vector<40x256xbf16> to vector<1x256xbf16>
    %add3A_45 = vector.broadcast %slice3A_44 : vector<1x256xbf16> to vector<1024x256xbf16>
    %add3A_46 = arith.addf %mul3A_43, %add3A_45 : vector<1024x256xbf16>
    %max3A_47 = arith.constant 0.000000e+00 : bf16
    %max3A_48 = vector.broadcast %max3A_47 : bf16 to vector<1024x256xbf16>
    %max3A_49 = arith.maximumf %add3A_46, %max3A_48 : vector<1024x256xbf16>
    %slice3A_50 = vector.extract_strided_slice %convert_element_type3A_6 {offsets = [0, 2], sizes = [1024, 1], strides = [1, 1]} : vector<1024x128xbf16> to vector<1024x1xbf16>
    %mul3A_51 = vector.broadcast %slice3A_50 : vector<1024x1xbf16> to vector<1024x256xbf16>
    %mul3A_52 = arith.mulf %mul3A_51, %max3A_49 : vector<1024x256xbf16>
    %add3A_53 = arith.addf %add3A_39, %mul3A_52 : vector<1024x256xbf16>
    %slice3A_54 = vector.extract_strided_slice %convert_element_type3A_10 {offsets = [3, 0], sizes = [1, 256], strides = [1, 1]} : vector<40x256xbf16> to vector<1x256xbf16>
    %mul3A_55 = vector.broadcast %convert_element_type3A : vector<1024x1xbf16> to vector<1024x256xbf16>
    %mul3A_56 = vector.broadcast %slice3A_54 : vector<1x256xbf16> to vector<1024x256xbf16>
    %mul3A_57 = arith.mulf %mul3A_55, %mul3A_56 : vector<1024x256xbf16>
    %slice3A_58 = vector.extract_strided_slice %convert_element_type3A_14 {offsets = [3, 0], sizes = [1, 256], strides = [1, 1]} : vector<40x256xbf16> to vector<1x256xbf16>
    %add3A_59 = vector.broadcast %slice3A_58 : vector<1x256xbf16> to vector<1024x256xbf16>
    %add3A_60 = arith.addf %mul3A_57, %add3A_59 : vector<1024x256xbf16>
    %max3A_61 = arith.constant 0.000000e+00 : bf16
    %max3A_62 = vector.broadcast %max3A_61 : bf16 to vector<1024x256xbf16>
    %max3A_63 = arith.maximumf %add3A_60, %max3A_62 : vector<1024x256xbf16>
    %slice3A_64 = vector.extract_strided_slice %convert_element_type3A_6 {offsets = [0, 3], sizes = [1024, 1], strides = [1, 1]} : vector<1024x128xbf16> to vector<1024x1xbf16>
    %mul3A_65 = vector.broadcast %slice3A_64 : vector<1024x1xbf16> to vector<1024x256xbf16>
    %mul3A_66 = arith.mulf %mul3A_65, %max3A_63 : vector<1024x256xbf16>
    %add3A_67 = arith.addf %add3A_53, %mul3A_66 : vector<1024x256xbf16>
    %slice3A_68 = vector.extract_strided_slice %convert_element_type3A_10 {offsets = [4, 0], sizes = [1, 256], strides = [1, 1]} : vector<40x256xbf16> to vector<1x256xbf16>
    %mul3A_69 = vector.broadcast %convert_element_type3A : vector<1024x1xbf16> to vector<1024x256xbf16>
    %mul3A_70 = vector.broadcast %slice3A_68 : vector<1x256xbf16> to vector<1024x256xbf16>
    %mul3A_71 = arith.mulf %mul3A_69, %mul3A_70 : vector<1024x256xbf16>
    %slice3A_72 = vector.extract_strided_slice %convert_element_type3A_14 {offsets = [4, 0], sizes = [1, 256], strides = [1, 1]} : vector<40x256xbf16> to vector<1x256xbf16>
    %add3A_73 = vector.broadcast %slice3A_72 : vector<1x256xbf16> to vector<1024x256xbf16>
    %add3A_74 = arith.addf %mul3A_71, %add3A_73 : vector<1024x256xbf16>
    %max3A_75 = arith.constant 0.000000e+00 : bf16
    %max3A_76 = vector.broadcast %max3A_75 : bf16 to vector<1024x256xbf16>
    %max3A_77 = arith.maximumf %add3A_74, %max3A_76 : vector<1024x256xbf16>
    %slice3A_78 = vector.extract_strided_slice %convert_element_type3A_6 {offsets = [0, 4], sizes = [1024, 1], strides = [1, 1]} : vector<1024x128xbf16> to vector<1024x1xbf16>
    %mul3A_79 = vector.broadcast %slice3A_78 : vector<1024x1xbf16> to vector<1024x256xbf16>
    %mul3A_80 = arith.mulf %mul3A_79, %max3A_77 : vector<1024x256xbf16>
    %add3A_81 = arith.addf %add3A_67, %mul3A_80 : vector<1024x256xbf16>
    %slice3A_82 = vector.extract_strided_slice %convert_element_type3A_10 {offsets = [5, 0], sizes = [1, 256], strides = [1, 1]} : vector<40x256xbf16> to vector<1x256xbf16>
    %mul3A_83 = vector.broadcast %convert_element_type3A : vector<1024x1xbf16> to vector<1024x256xbf16>
    %mul3A_84 = vector.broadcast %slice3A_82 : vector<1x256xbf16> to vector<1024x256xbf16>
    %mul3A_85 = arith.mulf %mul3A_83, %mul3A_84 : vector<1024x256xbf16>
    %slice3A_86 = vector.extract_strided_slice %convert_element_type3A_14 {offsets = [5, 0], sizes = [1, 256], strides = [1, 1]} : vector<40x256xbf16> to vector<1x256xbf16>
    %add3A_87 = vector.broadcast %slice3A_86 : vector<1x256xbf16> to vector<1024x256xbf16>
    %add3A_88 = arith.addf %mul3A_85, %add3A_87 : vector<1024x256xbf16>
    %max3A_89 = arith.constant 0.000000e+00 : bf16
    %max3A_90 = vector.broadcast %max3A_89 : bf16 to vector<1024x256xbf16>
    %max3A_91 = arith.maximumf %add3A_88, %max3A_90 : vector<1024x256xbf16>
    %slice3A_92 = vector.extract_strided_slice %convert_element_type3A_6 {offsets = [0, 5], sizes = [1024, 1], strides = [1, 1]} : vector<1024x128xbf16> to vector<1024x1xbf16>
    %mul3A_93 = vector.broadcast %slice3A_92 : vector<1024x1xbf16> to vector<1024x256xbf16>
    %mul3A_94 = arith.mulf %mul3A_93, %max3A_91 : vector<1024x256xbf16>
    %add3A_95 = arith.addf %add3A_81, %mul3A_94 : vector<1024x256xbf16>
    %slice3A_96 = vector.extract_strided_slice %convert_element_type3A_10 {offsets = [6, 0], sizes = [1, 256], strides = [1, 1]} : vector<40x256xbf16> to vector<1x256xbf16>
    %mul3A_97 = vector.broadcast %convert_element_type3A : vector<1024x1xbf16> to vector<1024x256xbf16>
    %mul3A_98 = vector.broadcast %slice3A_96 : vector<1x256xbf16> to vector<1024x256xbf16>
    %mul3A_99 = arith.mulf %mul3A_97, %mul3A_98 : vector<1024x256xbf16>
    %slice3A_100 = vector.extract_strided_slice %convert_element_type3A_14 {offsets = [6, 0], sizes = [1, 256], strides = [1, 1]} : vector<40x256xbf16> to vector<1x256xbf16>
    %add3A_101 = vector.broadcast %slice3A_100 : vector<1x256xbf16> to vector<1024x256xbf16>
    %add3A_102 = arith.addf %mul3A_99, %add3A_101 : vector<1024x256xbf16>
    %max3A_103 = arith.constant 0.000000e+00 : bf16
    %max3A_104 = vector.broadcast %max3A_103 : bf16 to vector<1024x256xbf16>
    %max3A_105 = arith.maximumf %add3A_102, %max3A_104 : vector<1024x256xbf16>
    %slice3A_106 = vector.extract_strided_slice %convert_element_type3A_6 {offsets = [0, 6], sizes = [1024, 1], strides = [1, 1]} : vector<1024x128xbf16> to vector<1024x1xbf16>
    %mul3A_107 = vector.broadcast %slice3A_106 : vector<1024x1xbf16> to vector<1024x256xbf16>
    %mul3A_108 = arith.mulf %mul3A_107, %max3A_105 : vector<1024x256xbf16>
    %add3A_109 = arith.addf %add3A_95, %mul3A_108 : vector<1024x256xbf16>
    %slice3A_110 = vector.extract_strided_slice %convert_element_type3A_10 {offsets = [7, 0], sizes = [1, 256], strides = [1, 1]} : vector<40x256xbf16> to vector<1x256xbf16>
    %mul3A_111 = vector.broadcast %convert_element_type3A : vector<1024x1xbf16> to vector<1024x256xbf16>
    %mul3A_112 = vector.broadcast %slice3A_110 : vector<1x256xbf16> to vector<1024x256xbf16>
    %mul3A_113 = arith.mulf %mul3A_111, %mul3A_112 : vector<1024x256xbf16>
    %slice3A_114 = vector.extract_strided_slice %convert_element_type3A_14 {offsets = [7, 0], sizes = [1, 256], strides = [1, 1]} : vector<40x256xbf16> to vector<1x256xbf16>
    %add3A_115 = vector.broadcast %slice3A_114 : vector<1x256xbf16> to vector<1024x256xbf16>
    %add3A_116 = arith.addf %mul3A_113, %add3A_115 : vector<1024x256xbf16>
    %max3A_117 = arith.constant 0.000000e+00 : bf16
    %max3A_118 = vector.broadcast %max3A_117 : bf16 to vector<1024x256xbf16>
    %max3A_119 = arith.maximumf %add3A_116, %max3A_118 : vector<1024x256xbf16>
    %slice3A_120 = vector.extract_strided_slice %convert_element_type3A_6 {offsets = [0, 7], sizes = [1024, 1], strides = [1, 1]} : vector<1024x128xbf16> to vector<1024x1xbf16>
    %mul3A_121 = vector.broadcast %slice3A_120 : vector<1024x1xbf16> to vector<1024x256xbf16>
    %mul3A_122 = arith.mulf %mul3A_121, %max3A_119 : vector<1024x256xbf16>
    %add3A_123 = arith.addf %add3A_109, %mul3A_122 : vector<1024x256xbf16>
    %slice3A_124 = vector.extract_strided_slice %convert_element_type3A_10 {offsets = [8, 0], sizes = [1, 256], strides = [1, 1]} : vector<40x256xbf16> to vector<1x256xbf16>
    %mul3A_125 = vector.broadcast %convert_element_type3A : vector<1024x1xbf16> to vector<1024x256xbf16>
    %mul3A_126 = vector.broadcast %slice3A_124 : vector<1x256xbf16> to vector<1024x256xbf16>
    %mul3A_127 = arith.mulf %mul3A_125, %mul3A_126 : vector<1024x256xbf16>
    %slice3A_128 = vector.extract_strided_slice %convert_element_type3A_14 {offsets = [8, 0], sizes = [1, 256], strides = [1, 1]} : vector<40x256xbf16> to vector<1x256xbf16>
    %add3A_129 = vector.broadcast %slice3A_128 : vector<1x256xbf16> to vector<1024x256xbf16>
    %add3A_130 = arith.addf %mul3A_127, %add3A_129 : vector<1024x256xbf16>
    %max3A_131 = arith.constant 0.000000e+00 : bf16
    %max3A_132 = vector.broadcast %max3A_131 : bf16 to vector<1024x256xbf16>
    %max3A_133 = arith.maximumf %add3A_130, %max3A_132 : vector<1024x256xbf16>
    %slice3A_134 = vector.extract_strided_slice %convert_element_type3A_6 {offsets = [0, 8], sizes = [1024, 1], strides = [1, 1]} : vector<1024x128xbf16> to vector<1024x1xbf16>
    %mul3A_135 = vector.broadcast %slice3A_134 : vector<1024x1xbf16> to vector<1024x256xbf16>
    %mul3A_136 = arith.mulf %mul3A_135, %max3A_133 : vector<1024x256xbf16>
    %add3A_137 = arith.addf %add3A_123, %mul3A_136 : vector<1024x256xbf16>
    %slice3A_138 = vector.extract_strided_slice %convert_element_type3A_10 {offsets = [9, 0], sizes = [1, 256], strides = [1, 1]} : vector<40x256xbf16> to vector<1x256xbf16>
    %mul3A_139 = vector.broadcast %convert_element_type3A : vector<1024x1xbf16> to vector<1024x256xbf16>
    %mul3A_140 = vector.broadcast %slice3A_138 : vector<1x256xbf16> to vector<1024x256xbf16>
    %mul3A_141 = arith.mulf %mul3A_139, %mul3A_140 : vector<1024x256xbf16>
    %slice3A_142 = vector.extract_strided_slice %convert_element_type3A_14 {offsets = [9, 0], sizes = [1, 256], strides = [1, 1]} : vector<40x256xbf16> to vector<1x256xbf16>
    %add3A_143 = vector.broadcast %slice3A_142 : vector<1x256xbf16> to vector<1024x256xbf16>
    %add3A_144 = arith.addf %mul3A_141, %add3A_143 : vector<1024x256xbf16>
    %max3A_145 = arith.constant 0.000000e+00 : bf16
    %max3A_146 = vector.broadcast %max3A_145 : bf16 to vector<1024x256xbf16>
    %max3A_147 = arith.maximumf %add3A_144, %max3A_146 : vector<1024x256xbf16>
    %slice3A_148 = vector.extract_strided_slice %convert_element_type3A_6 {offsets = [0, 9], sizes = [1024, 1], strides = [1, 1]} : vector<1024x128xbf16> to vector<1024x1xbf16>
    %mul3A_149 = vector.broadcast %slice3A_148 : vector<1024x1xbf16> to vector<1024x256xbf16>
    %mul3A_150 = arith.mulf %mul3A_149, %max3A_147 : vector<1024x256xbf16>
    %add3A_151 = arith.addf %add3A_137, %mul3A_150 : vector<1024x256xbf16>
    %slice3A_152 = vector.extract_strided_slice %convert_element_type3A_10 {offsets = [10, 0], sizes = [1, 256], strides = [1, 1]} : vector<40x256xbf16> to vector<1x256xbf16>
    %mul3A_153 = vector.broadcast %convert_element_type3A : vector<1024x1xbf16> to vector<1024x256xbf16>
    %mul3A_154 = vector.broadcast %slice3A_152 : vector<1x256xbf16> to vector<1024x256xbf16>
    %mul3A_155 = arith.mulf %mul3A_153, %mul3A_154 : vector<1024x256xbf16>
    %slice3A_156 = vector.extract_strided_slice %convert_element_type3A_14 {offsets = [10, 0], sizes = [1, 256], strides = [1, 1]} : vector<40x256xbf16> to vector<1x256xbf16>
    %add3A_157 = vector.broadcast %slice3A_156 : vector<1x256xbf16> to vector<1024x256xbf16>
    %add3A_158 = arith.addf %mul3A_155, %add3A_157 : vector<1024x256xbf16>
    %max3A_159 = arith.constant 0.000000e+00 : bf16
    %max3A_160 = vector.broadcast %max3A_159 : bf16 to vector<1024x256xbf16>
    %max3A_161 = arith.maximumf %add3A_158, %max3A_160 : vector<1024x256xbf16>
    %slice3A_162 = vector.extract_strided_slice %convert_element_type3A_6 {offsets = [0, 10], sizes = [1024, 1], strides = [1, 1]} : vector<1024x128xbf16> to vector<1024x1xbf16>
    %mul3A_163 = vector.broadcast %slice3A_162 : vector<1024x1xbf16> to vector<1024x256xbf16>
    %mul3A_164 = arith.mulf %mul3A_163, %max3A_161 : vector<1024x256xbf16>
    %add3A_165 = arith.addf %add3A_151, %mul3A_164 : vector<1024x256xbf16>
    %slice3A_166 = vector.extract_strided_slice %convert_element_type3A_10 {offsets = [11, 0], sizes = [1, 256], strides = [1, 1]} : vector<40x256xbf16> to vector<1x256xbf16>
    %mul3A_167 = vector.broadcast %convert_element_type3A : vector<1024x1xbf16> to vector<1024x256xbf16>
    %mul3A_168 = vector.broadcast %slice3A_166 : vector<1x256xbf16> to vector<1024x256xbf16>
    %mul3A_169 = arith.mulf %mul3A_167, %mul3A_168 : vector<1024x256xbf16>
    %slice3A_170 = vector.extract_strided_slice %convert_element_type3A_14 {offsets = [11, 0], sizes = [1, 256], strides = [1, 1]} : vector<40x256xbf16> to vector<1x256xbf16>
    %add3A_171 = vector.broadcast %slice3A_170 : vector<1x256xbf16> to vector<1024x256xbf16>
    %add3A_172 = arith.addf %mul3A_169, %add3A_171 : vector<1024x256xbf16>
    %max3A_173 = arith.constant 0.000000e+00 : bf16
    %max3A_174 = vector.broadcast %max3A_173 : bf16 to vector<1024x256xbf16>
    %max3A_175 = arith.maximumf %add3A_172, %max3A_174 : vector<1024x256xbf16>
    %slice3A_176 = vector.extract_strided_slice %convert_element_type3A_6 {offsets = [0, 11], sizes = [1024, 1], strides = [1, 1]} : vector<1024x128xbf16> to vector<1024x1xbf16>
    %mul3A_177 = vector.broadcast %slice3A_176 : vector<1024x1xbf16> to vector<1024x256xbf16>
    %mul3A_178 = arith.mulf %mul3A_177, %max3A_175 : vector<1024x256xbf16>
    %add3A_179 = arith.addf %add3A_165, %mul3A_178 : vector<1024x256xbf16>
    %slice3A_180 = vector.extract_strided_slice %convert_element_type3A_10 {offsets = [12, 0], sizes = [1, 256], strides = [1, 1]} : vector<40x256xbf16> to vector<1x256xbf16>
    %mul3A_181 = vector.broadcast %convert_element_type3A : vector<1024x1xbf16> to vector<1024x256xbf16>
    %mul3A_182 = vector.broadcast %slice3A_180 : vector<1x256xbf16> to vector<1024x256xbf16>
    %mul3A_183 = arith.mulf %mul3A_181, %mul3A_182 : vector<1024x256xbf16>
    %slice3A_184 = vector.extract_strided_slice %convert_element_type3A_14 {offsets = [12, 0], sizes = [1, 256], strides = [1, 1]} : vector<40x256xbf16> to vector<1x256xbf16>
    %add3A_185 = vector.broadcast %slice3A_184 : vector<1x256xbf16> to vector<1024x256xbf16>
    %add3A_186 = arith.addf %mul3A_183, %add3A_185 : vector<1024x256xbf16>
    %max3A_187 = arith.constant 0.000000e+00 : bf16
    %max3A_188 = vector.broadcast %max3A_187 : bf16 to vector<1024x256xbf16>
    %max3A_189 = arith.maximumf %add3A_186, %max3A_188 : vector<1024x256xbf16>
    %slice3A_190 = vector.extract_strided_slice %convert_element_type3A_6 {offsets = [0, 12], sizes = [1024, 1], strides = [1, 1]} : vector<1024x128xbf16> to vector<1024x1xbf16>
    %mul3A_191 = vector.broadcast %slice3A_190 : vector<1024x1xbf16> to vector<1024x256xbf16>
    %mul3A_192 = arith.mulf %mul3A_191, %max3A_189 : vector<1024x256xbf16>
    %add3A_193 = arith.addf %add3A_179, %mul3A_192 : vector<1024x256xbf16>
    %slice3A_194 = vector.extract_strided_slice %convert_element_type3A_10 {offsets = [13, 0], sizes = [1, 256], strides = [1, 1]} : vector<40x256xbf16> to vector<1x256xbf16>
    %mul3A_195 = vector.broadcast %convert_element_type3A : vector<1024x1xbf16> to vector<1024x256xbf16>
    %mul3A_196 = vector.broadcast %slice3A_194 : vector<1x256xbf16> to vector<1024x256xbf16>
    %mul3A_197 = arith.mulf %mul3A_195, %mul3A_196 : vector<1024x256xbf16>
    %slice3A_198 = vector.extract_strided_slice %convert_element_type3A_14 {offsets = [13, 0], sizes = [1, 256], strides = [1, 1]} : vector<40x256xbf16> to vector<1x256xbf16>
    %add3A_199 = vector.broadcast %slice3A_198 : vector<1x256xbf16> to vector<1024x256xbf16>
    %add3A_200 = arith.addf %mul3A_197, %add3A_199 : vector<1024x256xbf16>
    %max3A_201 = arith.constant 0.000000e+00 : bf16
    %max3A_202 = vector.broadcast %max3A_201 : bf16 to vector<1024x256xbf16>
    %max3A_203 = arith.maximumf %add3A_200, %max3A_202 : vector<1024x256xbf16>
    %slice3A_204 = vector.extract_strided_slice %convert_element_type3A_6 {offsets = [0, 13], sizes = [1024, 1], strides = [1, 1]} : vector<1024x128xbf16> to vector<1024x1xbf16>
    %mul3A_205 = vector.broadcast %slice3A_204 : vector<1024x1xbf16> to vector<1024x256xbf16>
    %mul3A_206 = arith.mulf %mul3A_205, %max3A_203 : vector<1024x256xbf16>
    %add3A_207 = arith.addf %add3A_193, %mul3A_206 : vector<1024x256xbf16>
    %slice3A_208 = vector.extract_strided_slice %convert_element_type3A_10 {offsets = [14, 0], sizes = [1, 256], strides = [1, 1]} : vector<40x256xbf16> to vector<1x256xbf16>
    %mul3A_209 = vector.broadcast %convert_element_type3A : vector<1024x1xbf16> to vector<1024x256xbf16>
    %mul3A_210 = vector.broadcast %slice3A_208 : vector<1x256xbf16> to vector<1024x256xbf16>
    %mul3A_211 = arith.mulf %mul3A_209, %mul3A_210 : vector<1024x256xbf16>
    %slice3A_212 = vector.extract_strided_slice %convert_element_type3A_14 {offsets = [14, 0], sizes = [1, 256], strides = [1, 1]} : vector<40x256xbf16> to vector<1x256xbf16>
    %add3A_213 = vector.broadcast %slice3A_212 : vector<1x256xbf16> to vector<1024x256xbf16>
    %add3A_214 = arith.addf %mul3A_211, %add3A_213 : vector<1024x256xbf16>
    %max3A_215 = arith.constant 0.000000e+00 : bf16
    %max3A_216 = vector.broadcast %max3A_215 : bf16 to vector<1024x256xbf16>
    %max3A_217 = arith.maximumf %add3A_214, %max3A_216 : vector<1024x256xbf16>
    %slice3A_218 = vector.extract_strided_slice %convert_element_type3A_6 {offsets = [0, 14], sizes = [1024, 1], strides = [1, 1]} : vector<1024x128xbf16> to vector<1024x1xbf16>
    %mul3A_219 = vector.broadcast %slice3A_218 : vector<1024x1xbf16> to vector<1024x256xbf16>
    %mul3A_220 = arith.mulf %mul3A_219, %max3A_217 : vector<1024x256xbf16>
    %add3A_221 = arith.addf %add3A_207, %mul3A_220 : vector<1024x256xbf16>
    %slice3A_222 = vector.extract_strided_slice %convert_element_type3A_10 {offsets = [15, 0], sizes = [1, 256], strides = [1, 1]} : vector<40x256xbf16> to vector<1x256xbf16>
    %mul3A_223 = vector.broadcast %convert_element_type3A : vector<1024x1xbf16> to vector<1024x256xbf16>
    %mul3A_224 = vector.broadcast %slice3A_222 : vector<1x256xbf16> to vector<1024x256xbf16>
    %mul3A_225 = arith.mulf %mul3A_223, %mul3A_224 : vector<1024x256xbf16>
    %slice3A_226 = vector.extract_strided_slice %convert_element_type3A_14 {offsets = [15, 0], sizes = [1, 256], strides = [1, 1]} : vector<40x256xbf16> to vector<1x256xbf16>
    %add3A_227 = vector.broadcast %slice3A_226 : vector<1x256xbf16> to vector<1024x256xbf16>
    %add3A_228 = arith.addf %mul3A_225, %add3A_227 : vector<1024x256xbf16>
    %max3A_229 = arith.constant 0.000000e+00 : bf16
    %max3A_230 = vector.broadcast %max3A_229 : bf16 to vector<1024x256xbf16>
    %max3A_231 = arith.maximumf %add3A_228, %max3A_230 : vector<1024x256xbf16>
    %slice3A_232 = vector.extract_strided_slice %convert_element_type3A_6 {offsets = [0, 15], sizes = [1024, 1], strides = [1, 1]} : vector<1024x128xbf16> to vector<1024x1xbf16>
    %mul3A_233 = vector.broadcast %slice3A_232 : vector<1024x1xbf16> to vector<1024x256xbf16>
    %mul3A_234 = arith.mulf %mul3A_233, %max3A_231 : vector<1024x256xbf16>
    %add3A_235 = arith.addf %add3A_221, %mul3A_234 : vector<1024x256xbf16>
    %slice3A_236 = vector.extract_strided_slice %convert_element_type3A_10 {offsets = [16, 0], sizes = [1, 256], strides = [1, 1]} : vector<40x256xbf16> to vector<1x256xbf16>
    %mul3A_237 = vector.broadcast %convert_element_type3A : vector<1024x1xbf16> to vector<1024x256xbf16>
    %mul3A_238 = vector.broadcast %slice3A_236 : vector<1x256xbf16> to vector<1024x256xbf16>
    %mul3A_239 = arith.mulf %mul3A_237, %mul3A_238 : vector<1024x256xbf16>
    %slice3A_240 = vector.extract_strided_slice %convert_element_type3A_14 {offsets = [16, 0], sizes = [1, 256], strides = [1, 1]} : vector<40x256xbf16> to vector<1x256xbf16>
    %add3A_241 = vector.broadcast %slice3A_240 : vector<1x256xbf16> to vector<1024x256xbf16>
    %add3A_242 = arith.addf %mul3A_239, %add3A_241 : vector<1024x256xbf16>
    %max3A_243 = arith.constant 0.000000e+00 : bf16
    %max3A_244 = vector.broadcast %max3A_243 : bf16 to vector<1024x256xbf16>
    %max3A_245 = arith.maximumf %add3A_242, %max3A_244 : vector<1024x256xbf16>
    %slice3A_246 = vector.extract_strided_slice %convert_element_type3A_6 {offsets = [0, 16], sizes = [1024, 1], strides = [1, 1]} : vector<1024x128xbf16> to vector<1024x1xbf16>
    %mul3A_247 = vector.broadcast %slice3A_246 : vector<1024x1xbf16> to vector<1024x256xbf16>
    %mul3A_248 = arith.mulf %mul3A_247, %max3A_245 : vector<1024x256xbf16>
    %add3A_249 = arith.addf %add3A_235, %mul3A_248 : vector<1024x256xbf16>
    %slice3A_250 = vector.extract_strided_slice %convert_element_type3A_10 {offsets = [17, 0], sizes = [1, 256], strides = [1, 1]} : vector<40x256xbf16> to vector<1x256xbf16>
    %mul3A_251 = vector.broadcast %convert_element_type3A : vector<1024x1xbf16> to vector<1024x256xbf16>
    %mul3A_252 = vector.broadcast %slice3A_250 : vector<1x256xbf16> to vector<1024x256xbf16>
    %mul3A_253 = arith.mulf %mul3A_251, %mul3A_252 : vector<1024x256xbf16>
    %slice3A_254 = vector.extract_strided_slice %convert_element_type3A_14 {offsets = [17, 0], sizes = [1, 256], strides = [1, 1]} : vector<40x256xbf16> to vector<1x256xbf16>
    %add3A_255 = vector.broadcast %slice3A_254 : vector<1x256xbf16> to vector<1024x256xbf16>
    %add3A_256 = arith.addf %mul3A_253, %add3A_255 : vector<1024x256xbf16>
    %max3A_257 = arith.constant 0.000000e+00 : bf16
    %max3A_258 = vector.broadcast %max3A_257 : bf16 to vector<1024x256xbf16>
    %max3A_259 = arith.maximumf %add3A_256, %max3A_258 : vector<1024x256xbf16>
    %slice3A_260 = vector.extract_strided_slice %convert_element_type3A_6 {offsets = [0, 17], sizes = [1024, 1], strides = [1, 1]} : vector<1024x128xbf16> to vector<1024x1xbf16>
    %mul3A_261 = vector.broadcast %slice3A_260 : vector<1024x1xbf16> to vector<1024x256xbf16>
    %mul3A_262 = arith.mulf %mul3A_261, %max3A_259 : vector<1024x256xbf16>
    %add3A_263 = arith.addf %add3A_249, %mul3A_262 : vector<1024x256xbf16>
    %slice3A_264 = vector.extract_strided_slice %convert_element_type3A_10 {offsets = [18, 0], sizes = [1, 256], strides = [1, 1]} : vector<40x256xbf16> to vector<1x256xbf16>
    %mul3A_265 = vector.broadcast %convert_element_type3A : vector<1024x1xbf16> to vector<1024x256xbf16>
    %mul3A_266 = vector.broadcast %slice3A_264 : vector<1x256xbf16> to vector<1024x256xbf16>
    %mul3A_267 = arith.mulf %mul3A_265, %mul3A_266 : vector<1024x256xbf16>
    %slice3A_268 = vector.extract_strided_slice %convert_element_type3A_14 {offsets = [18, 0], sizes = [1, 256], strides = [1, 1]} : vector<40x256xbf16> to vector<1x256xbf16>
    %add3A_269 = vector.broadcast %slice3A_268 : vector<1x256xbf16> to vector<1024x256xbf16>
    %add3A_270 = arith.addf %mul3A_267, %add3A_269 : vector<1024x256xbf16>
    %max3A_271 = arith.constant 0.000000e+00 : bf16
    %max3A_272 = vector.broadcast %max3A_271 : bf16 to vector<1024x256xbf16>
    %max3A_273 = arith.maximumf %add3A_270, %max3A_272 : vector<1024x256xbf16>
    %slice3A_274 = vector.extract_strided_slice %convert_element_type3A_6 {offsets = [0, 18], sizes = [1024, 1], strides = [1, 1]} : vector<1024x128xbf16> to vector<1024x1xbf16>
    %mul3A_275 = vector.broadcast %slice3A_274 : vector<1024x1xbf16> to vector<1024x256xbf16>
    %mul3A_276 = arith.mulf %mul3A_275, %max3A_273 : vector<1024x256xbf16>
    %add3A_277 = arith.addf %add3A_263, %mul3A_276 : vector<1024x256xbf16>
    %slice3A_278 = vector.extract_strided_slice %convert_element_type3A_10 {offsets = [19, 0], sizes = [1, 256], strides = [1, 1]} : vector<40x256xbf16> to vector<1x256xbf16>
    %mul3A_279 = vector.broadcast %convert_element_type3A : vector<1024x1xbf16> to vector<1024x256xbf16>
    %mul3A_280 = vector.broadcast %slice3A_278 : vector<1x256xbf16> to vector<1024x256xbf16>
    %mul3A_281 = arith.mulf %mul3A_279, %mul3A_280 : vector<1024x256xbf16>
    %slice3A_282 = vector.extract_strided_slice %convert_element_type3A_14 {offsets = [19, 0], sizes = [1, 256], strides = [1, 1]} : vector<40x256xbf16> to vector<1x256xbf16>
    %add3A_283 = vector.broadcast %slice3A_282 : vector<1x256xbf16> to vector<1024x256xbf16>
    %add3A_284 = arith.addf %mul3A_281, %add3A_283 : vector<1024x256xbf16>
    %max3A_285 = arith.constant 0.000000e+00 : bf16
    %max3A_286 = vector.broadcast %max3A_285 : bf16 to vector<1024x256xbf16>
    %max3A_287 = arith.maximumf %add3A_284, %max3A_286 : vector<1024x256xbf16>
    %slice3A_288 = vector.extract_strided_slice %convert_element_type3A_6 {offsets = [0, 19], sizes = [1024, 1], strides = [1, 1]} : vector<1024x128xbf16> to vector<1024x1xbf16>
    %mul3A_289 = vector.broadcast %slice3A_288 : vector<1024x1xbf16> to vector<1024x256xbf16>
    %mul3A_290 = arith.mulf %mul3A_289, %max3A_287 : vector<1024x256xbf16>
    %add3A_291 = arith.addf %add3A_277, %mul3A_290 : vector<1024x256xbf16>
    %slice3A_292 = vector.extract_strided_slice %convert_element_type3A_10 {offsets = [20, 0], sizes = [1, 256], strides = [1, 1]} : vector<40x256xbf16> to vector<1x256xbf16>
    %mul3A_293 = vector.broadcast %convert_element_type3A : vector<1024x1xbf16> to vector<1024x256xbf16>
    %mul3A_294 = vector.broadcast %slice3A_292 : vector<1x256xbf16> to vector<1024x256xbf16>
    %mul3A_295 = arith.mulf %mul3A_293, %mul3A_294 : vector<1024x256xbf16>
    %slice3A_296 = vector.extract_strided_slice %convert_element_type3A_14 {offsets = [20, 0], sizes = [1, 256], strides = [1, 1]} : vector<40x256xbf16> to vector<1x256xbf16>
    %add3A_297 = vector.broadcast %slice3A_296 : vector<1x256xbf16> to vector<1024x256xbf16>
    %add3A_298 = arith.addf %mul3A_295, %add3A_297 : vector<1024x256xbf16>
    %max3A_299 = arith.constant 0.000000e+00 : bf16
    %max3A_300 = vector.broadcast %max3A_299 : bf16 to vector<1024x256xbf16>
    %max3A_301 = arith.maximumf %add3A_298, %max3A_300 : vector<1024x256xbf16>
    %slice3A_302 = vector.extract_strided_slice %convert_element_type3A_6 {offsets = [0, 20], sizes = [1024, 1], strides = [1, 1]} : vector<1024x128xbf16> to vector<1024x1xbf16>
    %mul3A_303 = vector.broadcast %slice3A_302 : vector<1024x1xbf16> to vector<1024x256xbf16>
    %mul3A_304 = arith.mulf %mul3A_303, %max3A_301 : vector<1024x256xbf16>
    %add3A_305 = arith.addf %add3A_291, %mul3A_304 : vector<1024x256xbf16>
    %slice3A_306 = vector.extract_strided_slice %convert_element_type3A_10 {offsets = [21, 0], sizes = [1, 256], strides = [1, 1]} : vector<40x256xbf16> to vector<1x256xbf16>
    %mul3A_307 = vector.broadcast %convert_element_type3A : vector<1024x1xbf16> to vector<1024x256xbf16>
    %mul3A_308 = vector.broadcast %slice3A_306 : vector<1x256xbf16> to vector<1024x256xbf16>
    %mul3A_309 = arith.mulf %mul3A_307, %mul3A_308 : vector<1024x256xbf16>
    %slice3A_310 = vector.extract_strided_slice %convert_element_type3A_14 {offsets = [21, 0], sizes = [1, 256], strides = [1, 1]} : vector<40x256xbf16> to vector<1x256xbf16>
    %add3A_311 = vector.broadcast %slice3A_310 : vector<1x256xbf16> to vector<1024x256xbf16>
    %add3A_312 = arith.addf %mul3A_309, %add3A_311 : vector<1024x256xbf16>
    %max3A_313 = arith.constant 0.000000e+00 : bf16
    %max3A_314 = vector.broadcast %max3A_313 : bf16 to vector<1024x256xbf16>
    %max3A_315 = arith.maximumf %add3A_312, %max3A_314 : vector<1024x256xbf16>
    %slice3A_316 = vector.extract_strided_slice %convert_element_type3A_6 {offsets = [0, 21], sizes = [1024, 1], strides = [1, 1]} : vector<1024x128xbf16> to vector<1024x1xbf16>
    %mul3A_317 = vector.broadcast %slice3A_316 : vector<1024x1xbf16> to vector<1024x256xbf16>
    %mul3A_318 = arith.mulf %mul3A_317, %max3A_315 : vector<1024x256xbf16>
    %add3A_319 = arith.addf %add3A_305, %mul3A_318 : vector<1024x256xbf16>
    %slice3A_320 = vector.extract_strided_slice %convert_element_type3A_10 {offsets = [22, 0], sizes = [1, 256], strides = [1, 1]} : vector<40x256xbf16> to vector<1x256xbf16>
    %mul3A_321 = vector.broadcast %convert_element_type3A : vector<1024x1xbf16> to vector<1024x256xbf16>
    %mul3A_322 = vector.broadcast %slice3A_320 : vector<1x256xbf16> to vector<1024x256xbf16>
    %mul3A_323 = arith.mulf %mul3A_321, %mul3A_322 : vector<1024x256xbf16>
    %slice3A_324 = vector.extract_strided_slice %convert_element_type3A_14 {offsets = [22, 0], sizes = [1, 256], strides = [1, 1]} : vector<40x256xbf16> to vector<1x256xbf16>
    %add3A_325 = vector.broadcast %slice3A_324 : vector<1x256xbf16> to vector<1024x256xbf16>
    %add3A_326 = arith.addf %mul3A_323, %add3A_325 : vector<1024x256xbf16>
    %max3A_327 = arith.constant 0.000000e+00 : bf16
    %max3A_328 = vector.broadcast %max3A_327 : bf16 to vector<1024x256xbf16>
    %max3A_329 = arith.maximumf %add3A_326, %max3A_328 : vector<1024x256xbf16>
    %slice3A_330 = vector.extract_strided_slice %convert_element_type3A_6 {offsets = [0, 22], sizes = [1024, 1], strides = [1, 1]} : vector<1024x128xbf16> to vector<1024x1xbf16>
    %mul3A_331 = vector.broadcast %slice3A_330 : vector<1024x1xbf16> to vector<1024x256xbf16>
    %mul3A_332 = arith.mulf %mul3A_331, %max3A_329 : vector<1024x256xbf16>
    %add3A_333 = arith.addf %add3A_319, %mul3A_332 : vector<1024x256xbf16>
    %slice3A_334 = vector.extract_strided_slice %convert_element_type3A_10 {offsets = [23, 0], sizes = [1, 256], strides = [1, 1]} : vector<40x256xbf16> to vector<1x256xbf16>
    %mul3A_335 = vector.broadcast %convert_element_type3A : vector<1024x1xbf16> to vector<1024x256xbf16>
    %mul3A_336 = vector.broadcast %slice3A_334 : vector<1x256xbf16> to vector<1024x256xbf16>
    %mul3A_337 = arith.mulf %mul3A_335, %mul3A_336 : vector<1024x256xbf16>
    %slice3A_338 = vector.extract_strided_slice %convert_element_type3A_14 {offsets = [23, 0], sizes = [1, 256], strides = [1, 1]} : vector<40x256xbf16> to vector<1x256xbf16>
    %add3A_339 = vector.broadcast %slice3A_338 : vector<1x256xbf16> to vector<1024x256xbf16>
    %add3A_340 = arith.addf %mul3A_337, %add3A_339 : vector<1024x256xbf16>
    %max3A_341 = arith.constant 0.000000e+00 : bf16
    %max3A_342 = vector.broadcast %max3A_341 : bf16 to vector<1024x256xbf16>
    %max3A_343 = arith.maximumf %add3A_340, %max3A_342 : vector<1024x256xbf16>
    %slice3A_344 = vector.extract_strided_slice %convert_element_type3A_6 {offsets = [0, 23], sizes = [1024, 1], strides = [1, 1]} : vector<1024x128xbf16> to vector<1024x1xbf16>
    %mul3A_345 = vector.broadcast %slice3A_344 : vector<1024x1xbf16> to vector<1024x256xbf16>
    %mul3A_346 = arith.mulf %mul3A_345, %max3A_343 : vector<1024x256xbf16>
    %add3A_347 = arith.addf %add3A_333, %mul3A_346 : vector<1024x256xbf16>
    %slice3A_348 = vector.extract_strided_slice %convert_element_type3A_10 {offsets = [24, 0], sizes = [1, 256], strides = [1, 1]} : vector<40x256xbf16> to vector<1x256xbf16>
    %mul3A_349 = vector.broadcast %convert_element_type3A : vector<1024x1xbf16> to vector<1024x256xbf16>
    %mul3A_350 = vector.broadcast %slice3A_348 : vector<1x256xbf16> to vector<1024x256xbf16>
    %mul3A_351 = arith.mulf %mul3A_349, %mul3A_350 : vector<1024x256xbf16>
    %slice3A_352 = vector.extract_strided_slice %convert_element_type3A_14 {offsets = [24, 0], sizes = [1, 256], strides = [1, 1]} : vector<40x256xbf16> to vector<1x256xbf16>
    %add3A_353 = vector.broadcast %slice3A_352 : vector<1x256xbf16> to vector<1024x256xbf16>
    %add3A_354 = arith.addf %mul3A_351, %add3A_353 : vector<1024x256xbf16>
    %max3A_355 = arith.constant 0.000000e+00 : bf16
    %max3A_356 = vector.broadcast %max3A_355 : bf16 to vector<1024x256xbf16>
    %max3A_357 = arith.maximumf %add3A_354, %max3A_356 : vector<1024x256xbf16>
    %slice3A_358 = vector.extract_strided_slice %convert_element_type3A_6 {offsets = [0, 24], sizes = [1024, 1], strides = [1, 1]} : vector<1024x128xbf16> to vector<1024x1xbf16>
    %mul3A_359 = vector.broadcast %slice3A_358 : vector<1024x1xbf16> to vector<1024x256xbf16>
    %mul3A_360 = arith.mulf %mul3A_359, %max3A_357 : vector<1024x256xbf16>
    %add3A_361 = arith.addf %add3A_347, %mul3A_360 : vector<1024x256xbf16>
    %slice3A_362 = vector.extract_strided_slice %convert_element_type3A_10 {offsets = [25, 0], sizes = [1, 256], strides = [1, 1]} : vector<40x256xbf16> to vector<1x256xbf16>
    %mul3A_363 = vector.broadcast %convert_element_type3A : vector<1024x1xbf16> to vector<1024x256xbf16>
    %mul3A_364 = vector.broadcast %slice3A_362 : vector<1x256xbf16> to vector<1024x256xbf16>
    %mul3A_365 = arith.mulf %mul3A_363, %mul3A_364 : vector<1024x256xbf16>
    %slice3A_366 = vector.extract_strided_slice %convert_element_type3A_14 {offsets = [25, 0], sizes = [1, 256], strides = [1, 1]} : vector<40x256xbf16> to vector<1x256xbf16>
    %add3A_367 = vector.broadcast %slice3A_366 : vector<1x256xbf16> to vector<1024x256xbf16>
    %add3A_368 = arith.addf %mul3A_365, %add3A_367 : vector<1024x256xbf16>
    %max3A_369 = arith.constant 0.000000e+00 : bf16
    %max3A_370 = vector.broadcast %max3A_369 : bf16 to vector<1024x256xbf16>
    %max3A_371 = arith.maximumf %add3A_368, %max3A_370 : vector<1024x256xbf16>
    %slice3A_372 = vector.extract_strided_slice %convert_element_type3A_6 {offsets = [0, 25], sizes = [1024, 1], strides = [1, 1]} : vector<1024x128xbf16> to vector<1024x1xbf16>
    %mul3A_373 = vector.broadcast %slice3A_372 : vector<1024x1xbf16> to vector<1024x256xbf16>
    %mul3A_374 = arith.mulf %mul3A_373, %max3A_371 : vector<1024x256xbf16>
    %add3A_375 = arith.addf %add3A_361, %mul3A_374 : vector<1024x256xbf16>
    %slice3A_376 = vector.extract_strided_slice %convert_element_type3A_10 {offsets = [26, 0], sizes = [1, 256], strides = [1, 1]} : vector<40x256xbf16> to vector<1x256xbf16>
    %mul3A_377 = vector.broadcast %convert_element_type3A : vector<1024x1xbf16> to vector<1024x256xbf16>
    %mul3A_378 = vector.broadcast %slice3A_376 : vector<1x256xbf16> to vector<1024x256xbf16>
    %mul3A_379 = arith.mulf %mul3A_377, %mul3A_378 : vector<1024x256xbf16>
    %slice3A_380 = vector.extract_strided_slice %convert_element_type3A_14 {offsets = [26, 0], sizes = [1, 256], strides = [1, 1]} : vector<40x256xbf16> to vector<1x256xbf16>
    %add3A_381 = vector.broadcast %slice3A_380 : vector<1x256xbf16> to vector<1024x256xbf16>
    %add3A_382 = arith.addf %mul3A_379, %add3A_381 : vector<1024x256xbf16>
    %max3A_383 = arith.constant 0.000000e+00 : bf16
    %max3A_384 = vector.broadcast %max3A_383 : bf16 to vector<1024x256xbf16>
    %max3A_385 = arith.maximumf %add3A_382, %max3A_384 : vector<1024x256xbf16>
    %slice3A_386 = vector.extract_strided_slice %convert_element_type3A_6 {offsets = [0, 26], sizes = [1024, 1], strides = [1, 1]} : vector<1024x128xbf16> to vector<1024x1xbf16>
    %mul3A_387 = vector.broadcast %slice3A_386 : vector<1024x1xbf16> to vector<1024x256xbf16>
    %mul3A_388 = arith.mulf %mul3A_387, %max3A_385 : vector<1024x256xbf16>
    %add3A_389 = arith.addf %add3A_375, %mul3A_388 : vector<1024x256xbf16>
    %slice3A_390 = vector.extract_strided_slice %convert_element_type3A_10 {offsets = [27, 0], sizes = [1, 256], strides = [1, 1]} : vector<40x256xbf16> to vector<1x256xbf16>
    %mul3A_391 = vector.broadcast %convert_element_type3A : vector<1024x1xbf16> to vector<1024x256xbf16>
    %mul3A_392 = vector.broadcast %slice3A_390 : vector<1x256xbf16> to vector<1024x256xbf16>
    %mul3A_393 = arith.mulf %mul3A_391, %mul3A_392 : vector<1024x256xbf16>
    %slice3A_394 = vector.extract_strided_slice %convert_element_type3A_14 {offsets = [27, 0], sizes = [1, 256], strides = [1, 1]} : vector<40x256xbf16> to vector<1x256xbf16>
    %add3A_395 = vector.broadcast %slice3A_394 : vector<1x256xbf16> to vector<1024x256xbf16>
    %add3A_396 = arith.addf %mul3A_393, %add3A_395 : vector<1024x256xbf16>
    %max3A_397 = arith.constant 0.000000e+00 : bf16
    %max3A_398 = vector.broadcast %max3A_397 : bf16 to vector<1024x256xbf16>
    %max3A_399 = arith.maximumf %add3A_396, %max3A_398 : vector<1024x256xbf16>
    %slice3A_400 = vector.extract_strided_slice %convert_element_type3A_6 {offsets = [0, 27], sizes = [1024, 1], strides = [1, 1]} : vector<1024x128xbf16> to vector<1024x1xbf16>
    %mul3A_401 = vector.broadcast %slice3A_400 : vector<1024x1xbf16> to vector<1024x256xbf16>
    %mul3A_402 = arith.mulf %mul3A_401, %max3A_399 : vector<1024x256xbf16>
    %add3A_403 = arith.addf %add3A_389, %mul3A_402 : vector<1024x256xbf16>
    %slice3A_404 = vector.extract_strided_slice %convert_element_type3A_10 {offsets = [28, 0], sizes = [1, 256], strides = [1, 1]} : vector<40x256xbf16> to vector<1x256xbf16>
    %mul3A_405 = vector.broadcast %convert_element_type3A : vector<1024x1xbf16> to vector<1024x256xbf16>
    %mul3A_406 = vector.broadcast %slice3A_404 : vector<1x256xbf16> to vector<1024x256xbf16>
    %mul3A_407 = arith.mulf %mul3A_405, %mul3A_406 : vector<1024x256xbf16>
    %slice3A_408 = vector.extract_strided_slice %convert_element_type3A_14 {offsets = [28, 0], sizes = [1, 256], strides = [1, 1]} : vector<40x256xbf16> to vector<1x256xbf16>
    %add3A_409 = vector.broadcast %slice3A_408 : vector<1x256xbf16> to vector<1024x256xbf16>
    %add3A_410 = arith.addf %mul3A_407, %add3A_409 : vector<1024x256xbf16>
    %max3A_411 = arith.constant 0.000000e+00 : bf16
    %max3A_412 = vector.broadcast %max3A_411 : bf16 to vector<1024x256xbf16>
    %max3A_413 = arith.maximumf %add3A_410, %max3A_412 : vector<1024x256xbf16>
    %slice3A_414 = vector.extract_strided_slice %convert_element_type3A_6 {offsets = [0, 28], sizes = [1024, 1], strides = [1, 1]} : vector<1024x128xbf16> to vector<1024x1xbf16>
    %mul3A_415 = vector.broadcast %slice3A_414 : vector<1024x1xbf16> to vector<1024x256xbf16>
    %mul3A_416 = arith.mulf %mul3A_415, %max3A_413 : vector<1024x256xbf16>
    %add3A_417 = arith.addf %add3A_403, %mul3A_416 : vector<1024x256xbf16>
    %slice3A_418 = vector.extract_strided_slice %convert_element_type3A_10 {offsets = [29, 0], sizes = [1, 256], strides = [1, 1]} : vector<40x256xbf16> to vector<1x256xbf16>
    %mul3A_419 = vector.broadcast %convert_element_type3A : vector<1024x1xbf16> to vector<1024x256xbf16>
    %mul3A_420 = vector.broadcast %slice3A_418 : vector<1x256xbf16> to vector<1024x256xbf16>
    %mul3A_421 = arith.mulf %mul3A_419, %mul3A_420 : vector<1024x256xbf16>
    %slice3A_422 = vector.extract_strided_slice %convert_element_type3A_14 {offsets = [29, 0], sizes = [1, 256], strides = [1, 1]} : vector<40x256xbf16> to vector<1x256xbf16>
    %add3A_423 = vector.broadcast %slice3A_422 : vector<1x256xbf16> to vector<1024x256xbf16>
    %add3A_424 = arith.addf %mul3A_421, %add3A_423 : vector<1024x256xbf16>
    %max3A_425 = arith.constant 0.000000e+00 : bf16
    %max3A_426 = vector.broadcast %max3A_425 : bf16 to vector<1024x256xbf16>
    %max3A_427 = arith.maximumf %add3A_424, %max3A_426 : vector<1024x256xbf16>
    %slice3A_428 = vector.extract_strided_slice %convert_element_type3A_6 {offsets = [0, 29], sizes = [1024, 1], strides = [1, 1]} : vector<1024x128xbf16> to vector<1024x1xbf16>
    %mul3A_429 = vector.broadcast %slice3A_428 : vector<1024x1xbf16> to vector<1024x256xbf16>
    %mul3A_430 = arith.mulf %mul3A_429, %max3A_427 : vector<1024x256xbf16>
    %add3A_431 = arith.addf %add3A_417, %mul3A_430 : vector<1024x256xbf16>
    %slice3A_432 = vector.extract_strided_slice %convert_element_type3A_10 {offsets = [30, 0], sizes = [1, 256], strides = [1, 1]} : vector<40x256xbf16> to vector<1x256xbf16>
    %mul3A_433 = vector.broadcast %convert_element_type3A : vector<1024x1xbf16> to vector<1024x256xbf16>
    %mul3A_434 = vector.broadcast %slice3A_432 : vector<1x256xbf16> to vector<1024x256xbf16>
    %mul3A_435 = arith.mulf %mul3A_433, %mul3A_434 : vector<1024x256xbf16>
    %slice3A_436 = vector.extract_strided_slice %convert_element_type3A_14 {offsets = [30, 0], sizes = [1, 256], strides = [1, 1]} : vector<40x256xbf16> to vector<1x256xbf16>
    %add3A_437 = vector.broadcast %slice3A_436 : vector<1x256xbf16> to vector<1024x256xbf16>
    %add3A_438 = arith.addf %mul3A_435, %add3A_437 : vector<1024x256xbf16>
    %max3A_439 = arith.constant 0.000000e+00 : bf16
    %max3A_440 = vector.broadcast %max3A_439 : bf16 to vector<1024x256xbf16>
    %max3A_441 = arith.maximumf %add3A_438, %max3A_440 : vector<1024x256xbf16>
    %slice3A_442 = vector.extract_strided_slice %convert_element_type3A_6 {offsets = [0, 30], sizes = [1024, 1], strides = [1, 1]} : vector<1024x128xbf16> to vector<1024x1xbf16>
    %mul3A_443 = vector.broadcast %slice3A_442 : vector<1024x1xbf16> to vector<1024x256xbf16>
    %mul3A_444 = arith.mulf %mul3A_443, %max3A_441 : vector<1024x256xbf16>
    %add3A_445 = arith.addf %add3A_431, %mul3A_444 : vector<1024x256xbf16>
    %slice3A_446 = vector.extract_strided_slice %convert_element_type3A_10 {offsets = [31, 0], sizes = [1, 256], strides = [1, 1]} : vector<40x256xbf16> to vector<1x256xbf16>
    %mul3A_447 = vector.broadcast %convert_element_type3A : vector<1024x1xbf16> to vector<1024x256xbf16>
    %mul3A_448 = vector.broadcast %slice3A_446 : vector<1x256xbf16> to vector<1024x256xbf16>
    %mul3A_449 = arith.mulf %mul3A_447, %mul3A_448 : vector<1024x256xbf16>
    %slice3A_450 = vector.extract_strided_slice %convert_element_type3A_14 {offsets = [31, 0], sizes = [1, 256], strides = [1, 1]} : vector<40x256xbf16> to vector<1x256xbf16>
    %add3A_451 = vector.broadcast %slice3A_450 : vector<1x256xbf16> to vector<1024x256xbf16>
    %add3A_452 = arith.addf %mul3A_449, %add3A_451 : vector<1024x256xbf16>
    %max3A_453 = arith.constant 0.000000e+00 : bf16
    %max3A_454 = vector.broadcast %max3A_453 : bf16 to vector<1024x256xbf16>
    %max3A_455 = arith.maximumf %add3A_452, %max3A_454 : vector<1024x256xbf16>
    %slice3A_456 = vector.extract_strided_slice %convert_element_type3A_6 {offsets = [0, 31], sizes = [1024, 1], strides = [1, 1]} : vector<1024x128xbf16> to vector<1024x1xbf16>
    %mul3A_457 = vector.broadcast %slice3A_456 : vector<1024x1xbf16> to vector<1024x256xbf16>
    %mul3A_458 = arith.mulf %mul3A_457, %max3A_455 : vector<1024x256xbf16>
    %add3A_459 = arith.addf %add3A_445, %mul3A_458 : vector<1024x256xbf16>
    %slice3A_460 = vector.extract_strided_slice %convert_element_type3A_10 {offsets = [32, 0], sizes = [1, 256], strides = [1, 1]} : vector<40x256xbf16> to vector<1x256xbf16>
    %mul3A_461 = vector.broadcast %convert_element_type3A : vector<1024x1xbf16> to vector<1024x256xbf16>
    %mul3A_462 = vector.broadcast %slice3A_460 : vector<1x256xbf16> to vector<1024x256xbf16>
    %mul3A_463 = arith.mulf %mul3A_461, %mul3A_462 : vector<1024x256xbf16>
    %slice3A_464 = vector.extract_strided_slice %convert_element_type3A_14 {offsets = [32, 0], sizes = [1, 256], strides = [1, 1]} : vector<40x256xbf16> to vector<1x256xbf16>
    %add3A_465 = vector.broadcast %slice3A_464 : vector<1x256xbf16> to vector<1024x256xbf16>
    %add3A_466 = arith.addf %mul3A_463, %add3A_465 : vector<1024x256xbf16>
    %max3A_467 = arith.constant 0.000000e+00 : bf16
    %max3A_468 = vector.broadcast %max3A_467 : bf16 to vector<1024x256xbf16>
    %max3A_469 = arith.maximumf %add3A_466, %max3A_468 : vector<1024x256xbf16>
    %slice3A_470 = vector.extract_strided_slice %convert_element_type3A_6 {offsets = [0, 32], sizes = [1024, 1], strides = [1, 1]} : vector<1024x128xbf16> to vector<1024x1xbf16>
    %mul3A_471 = vector.broadcast %slice3A_470 : vector<1024x1xbf16> to vector<1024x256xbf16>
    %mul3A_472 = arith.mulf %mul3A_471, %max3A_469 : vector<1024x256xbf16>
    %add3A_473 = arith.addf %add3A_459, %mul3A_472 : vector<1024x256xbf16>
    %slice3A_474 = vector.extract_strided_slice %convert_element_type3A_10 {offsets = [33, 0], sizes = [1, 256], strides = [1, 1]} : vector<40x256xbf16> to vector<1x256xbf16>
    %mul3A_475 = vector.broadcast %convert_element_type3A : vector<1024x1xbf16> to vector<1024x256xbf16>
    %mul3A_476 = vector.broadcast %slice3A_474 : vector<1x256xbf16> to vector<1024x256xbf16>
    %mul3A_477 = arith.mulf %mul3A_475, %mul3A_476 : vector<1024x256xbf16>
    %slice3A_478 = vector.extract_strided_slice %convert_element_type3A_14 {offsets = [33, 0], sizes = [1, 256], strides = [1, 1]} : vector<40x256xbf16> to vector<1x256xbf16>
    %add3A_479 = vector.broadcast %slice3A_478 : vector<1x256xbf16> to vector<1024x256xbf16>
    %add3A_480 = arith.addf %mul3A_477, %add3A_479 : vector<1024x256xbf16>
    %max3A_481 = arith.constant 0.000000e+00 : bf16
    %max3A_482 = vector.broadcast %max3A_481 : bf16 to vector<1024x256xbf16>
    %max3A_483 = arith.maximumf %add3A_480, %max3A_482 : vector<1024x256xbf16>
    %slice3A_484 = vector.extract_strided_slice %convert_element_type3A_6 {offsets = [0, 33], sizes = [1024, 1], strides = [1, 1]} : vector<1024x128xbf16> to vector<1024x1xbf16>
    %mul3A_485 = vector.broadcast %slice3A_484 : vector<1024x1xbf16> to vector<1024x256xbf16>
    %mul3A_486 = arith.mulf %mul3A_485, %max3A_483 : vector<1024x256xbf16>
    %add3A_487 = arith.addf %add3A_473, %mul3A_486 : vector<1024x256xbf16>
    %slice3A_488 = vector.extract_strided_slice %convert_element_type3A_10 {offsets = [34, 0], sizes = [1, 256], strides = [1, 1]} : vector<40x256xbf16> to vector<1x256xbf16>
    %mul3A_489 = vector.broadcast %convert_element_type3A : vector<1024x1xbf16> to vector<1024x256xbf16>
    %mul3A_490 = vector.broadcast %slice3A_488 : vector<1x256xbf16> to vector<1024x256xbf16>
    %mul3A_491 = arith.mulf %mul3A_489, %mul3A_490 : vector<1024x256xbf16>
    %slice3A_492 = vector.extract_strided_slice %convert_element_type3A_14 {offsets = [34, 0], sizes = [1, 256], strides = [1, 1]} : vector<40x256xbf16> to vector<1x256xbf16>
    %add3A_493 = vector.broadcast %slice3A_492 : vector<1x256xbf16> to vector<1024x256xbf16>
    %add3A_494 = arith.addf %mul3A_491, %add3A_493 : vector<1024x256xbf16>
    %max3A_495 = arith.constant 0.000000e+00 : bf16
    %max3A_496 = vector.broadcast %max3A_495 : bf16 to vector<1024x256xbf16>
    %max3A_497 = arith.maximumf %add3A_494, %max3A_496 : vector<1024x256xbf16>
    %slice3A_498 = vector.extract_strided_slice %convert_element_type3A_6 {offsets = [0, 34], sizes = [1024, 1], strides = [1, 1]} : vector<1024x128xbf16> to vector<1024x1xbf16>
    %mul3A_499 = vector.broadcast %slice3A_498 : vector<1024x1xbf16> to vector<1024x256xbf16>
    %mul3A_500 = arith.mulf %mul3A_499, %max3A_497 : vector<1024x256xbf16>
    %add3A_501 = arith.addf %add3A_487, %mul3A_500 : vector<1024x256xbf16>
    %convert_element_type3A_502 = arith.extf %add3A_501 : vector<1024x256xbf16> to vector<1024x256xf32>
    %slice3A_503 = vector.extract_strided_slice %convert_element_type3A_502 {offsets = [0, 0], sizes = [1024, 128], strides = [1, 1]} : vector<1024x256xf32> to vector<1024x128xf32>
    %swap3A = arith.constant 0 : index
    %swap3A_504 = arith.constant 0 : index
    %swap3A_505 = vector.load %arg5[%swap3A, %swap3A_504] : memref<1024x128xf32, #tpu.memory_space<vmem>>, vector<1024x128xf32>
    tpu.vector_store %arg5[%swap3A, %swap3A_504], %slice3A_503 {strides = array<i32>} : memref<1024x128xf32, #tpu.memory_space<vmem>>, vector<1024x128xf32>,
    %slice3A_506 = vector.extract_strided_slice %convert_element_type3A_502 {offsets = [0, 128], sizes = [1024, 128], strides = [1, 1]} : vector<1024x256xf32> to vector<1024x128xf32>
    %swap3A_507 = arith.constant 0 : index
    %swap3A_508 = arith.constant 0 : index
    %swap3A_509 = vector.load %arg6[%swap3A_507, %swap3A_508] : memref<1024x128xf32, #tpu.memory_space<vmem>>, vector<1024x128xf32>
    tpu.vector_store %arg6[%swap3A_507, %swap3A_508], %slice3A_506 {strides = array<i32>} : memref<1024x128xf32, #tpu.memory_space<vmem>>, vector<1024x128xf32>,
    return
  }
  func.func @transform_0(%arg0: i32) -> (i32, i32) {
    %c0_i32 = arith.constant 0 : i32
    %c0_i32_0 = arith.constant 0 : i32
    return %arg0, %c0_i32 : i32, i32
  }
  func.func @transform_1(%arg0: i32) -> (i32, i32, i32) {
    %c0_i32 = arith.constant 0 : i32
    %c0_i32_0 = arith.constant 0 : i32
    %c0_i32_1 = arith.constant 0 : i32
    return %arg0, %c0_i32, %c0_i32_0 : i32, i32, i32
  }
  func.func @transform_2(%arg0: i32) -> (i32, i32) {
    %c0_i32 = arith.constant 0 : i32
    %c0_i32_0 = arith.constant 0 : i32
    %c0_i32_1 = arith.constant 0 : i32
    return %c0_i32, %c0_i32_0 : i32, i32
  }
  func.func @transform_3(%arg0: i32) -> (i32, i32) {
    %c0_i32 = arith.constant 0 : i32
    %c0_i32_0 = arith.constant 0 : i32
    %c0_i32_1 = arith.constant 0 : i32
    return %c0_i32, %c0_i32_0 : i32, i32
  }
  func.func @transform_4(%arg0: i32) -> (i32, i32) {
    %c0_i32 = arith.constant 0 : i32
    %c0_i32_0 = arith.constant 0 : i32
    return %arg0, %c0_i32 : i32, i32
  }
  func.func @transform_5(%arg0: i32) -> (i32, i32) {
    %c0_i32 = arith.constant 0 : i32
    %c0_i32_0 = arith.constant 0 : i32
    return %arg0, %c0_i32 : i32, i32
  }
}

module attributes {stable_mosaic.version = 14 : i64} {
  func.func @body(%arg0: memref<20224x128xf32, #tpu.memory_space<vmem>>, %arg1: memref<20224x128xf32, #tpu.memory_space<vmem>>, %arg2: memref<10000x48xf32, #tpu.memory_space<vmem>>, %arg3: memref<48x160xf32, #tpu.memory_space<vmem>>, %arg4: memref<1x160xf32, #tpu.memory_space<vmem>>, %arg5: memref<1x160xf32, #tpu.memory_space<vmem>>, %arg6: memref<1x160xf32, #tpu.memory_space<vmem>>, %arg7: memref<160x160xf32, #tpu.memory_space<vmem>>) attributes {dimension_semantics = [], scalar_prefetch = 0 : i64, scratch_operands = 0 : i64, tpu.core_type = #tpu.core_type<tc>} {
    %get3A = arith.constant 0 : index
    %get3A_0 = arith.constant 0 : index
    %get3A_1 = vector.load %arg0[%get3A, %get3A_0] : memref<20224x128xf32, #tpu.memory_space<vmem>>, vector<20224x128xf32>
    %get3A_2 = arith.constant 0 : index
    %get3A_3 = arith.constant 0 : index
    %get3A_4 = vector.load %arg1[%get3A_2, %get3A_3] : memref<20224x128xf32, #tpu.memory_space<vmem>>, vector<20224x128xf32>
    %get3A_5 = arith.constant 0 : index
    %get3A_6 = arith.constant 35 : index
    %get3A_7 = vector.load %arg2[%get3A_5, %get3A_6] : memref<10000x48xf32, #tpu.memory_space<vmem>>, vector<10000x1xf32>
    %slice3A = vector.extract_strided_slice %get3A_1 {offsets = [0, 0], sizes = [10000, 128], strides = [1, 1]} : vector<20224x128xf32> to vector<10000x128xf32>
    %slice3A_8 = vector.extract_strided_slice %get3A_1 {offsets = [10112, 0], sizes = [10000, 128], strides = [1, 1]} : vector<20224x128xf32> to vector<10000x128xf32>
    %add3A = arith.addf %slice3A, %slice3A_8 : vector<10000x128xf32>
    %slice3A_9 = vector.extract_strided_slice %get3A_4 {offsets = [0, 0], sizes = [10000, 32], strides = [1, 1]} : vector<20224x128xf32> to vector<10000x32xf32>
    %slice3A_10 = vector.extract_strided_slice %get3A_4 {offsets = [10112, 0], sizes = [10000, 32], strides = [1, 1]} : vector<20224x128xf32> to vector<10000x32xf32>
    %add3A_11 = arith.addf %slice3A_9, %slice3A_10 : vector<10000x32xf32>
    %concatenate3A = tpu.concatenate %add3A, %add3A_11 in 1 : vector<10000x128xf32>, vector<10000x32xf32> -> vector<10000x160xf32>
    %div3A = vector.broadcast %get3A_7 : vector<10000x1xf32> to vector<10000x160xf32>
    %div3A_12 = arith.divf %concatenate3A, %div3A : vector<10000x160xf32>
    %get3A_13 = arith.constant 0 : index
    %get3A_14 = arith.constant 0 : index
    %get3A_15 = vector.load %arg2[%get3A_13, %get3A_14] : memref<10000x48xf32, #tpu.memory_space<vmem>>, vector<10000x48xf32>
    %get3A_16 = arith.constant 0 : index
    %get3A_17 = arith.constant 0 : index
    %get3A_18 = vector.load %arg3[%get3A_16, %get3A_17] : memref<48x160xf32, #tpu.memory_space<vmem>>, vector<48x160xf32>
    %dot_general3A = arith.constant dense<0.000000e+00> : vector<10000x160xf32>
    %dot_general3A_19 = tpu.matmul %get3A_15, %get3A_18, %dot_general3A {dimension_numbers = #tpu.dot_dimension_numbers<[1], [0], [0], [1], [0, 0, 1, 1], [], []>, transpose_lhs_hint = false} : vector<10000x48xf32>, vector<48x160xf32>, vector<10000x160xf32> -> vector<10000x160xf32>
    %add3A_20 = arith.addf %div3A_12, %dot_general3A_19 : vector<10000x160xf32>
    %get3A_21 = arith.constant 0 : index
    %get3A_22 = arith.constant 0 : index
    %get3A_23 = vector.load %arg4[%get3A_21, %get3A_22] : memref<1x160xf32, #tpu.memory_space<vmem>>, vector<1x160xf32>
    %add3A_24 = vector.broadcast %get3A_23 : vector<1x160xf32> to vector<10000x160xf32>
    %add3A_25 = arith.addf %add3A_20, %add3A_24 : vector<10000x160xf32>
    %reduce_sum3A = arith.constant dense<0.000000e+00> : vector<160xf32>
    %reduce_sum3A_26 = vector.multi_reduction <add>, %add3A_25, %reduce_sum3A [0] : vector<10000x160xf32> to vector<160xf32>
    %broadcast_in_dim3A = vector.shape_cast %reduce_sum3A_26 : vector<160xf32> to vector<1x160xf32>
    %div3A_27 = arith.constant 1.000000e+04 : f32
    %div3A_28 = vector.broadcast %div3A_27 : f32 to vector<1x160xf32>
    %div3A_29 = arith.divf %broadcast_in_dim3A, %div3A_28 : vector<1x160xf32>
    %sub3A = vector.broadcast %div3A_29 : vector<1x160xf32> to vector<10000x160xf32>
    %sub3A_30 = arith.subf %add3A_25, %sub3A : vector<10000x160xf32>
    %integer_pow3A = arith.mulf %sub3A_30, %sub3A_30 : vector<10000x160xf32>
    %reduce_sum3A_31 = arith.constant dense<0.000000e+00> : vector<160xf32>
    %reduce_sum3A_32 = vector.multi_reduction <add>, %integer_pow3A, %reduce_sum3A_31 [0] : vector<10000x160xf32> to vector<160xf32>
    %broadcast_in_dim3A_33 = vector.shape_cast %reduce_sum3A_32 : vector<160xf32> to vector<1x160xf32>
    %div3A_34 = arith.constant 1.000000e+04 : f32
    %div3A_35 = vector.broadcast %div3A_34 : f32 to vector<1x160xf32>
    %div3A_36 = arith.divf %broadcast_in_dim3A_33, %div3A_35 : vector<1x160xf32>
    %sub3A_37 = vector.broadcast %div3A_29 : vector<1x160xf32> to vector<10000x160xf32>
    %sub3A_38 = arith.subf %add3A_25, %sub3A_37 : vector<10000x160xf32>
    %add3A_39 = arith.constant 1.000000e-03 : f32
    %add3A_40 = vector.broadcast %add3A_39 : f32 to vector<1x160xf32>
    %add3A_41 = arith.addf %div3A_36, %add3A_40 : vector<1x160xf32>
    %rsqrt3A = math.rsqrt %add3A_41 : vector<1x160xf32>
    %mul3A = vector.broadcast %rsqrt3A : vector<1x160xf32> to vector<10000x160xf32>
    %mul3A_42 = arith.mulf %sub3A_38, %mul3A : vector<10000x160xf32>
    %get3A_43 = arith.constant 0 : index
    %get3A_44 = arith.constant 0 : index
    %get3A_45 = vector.load %arg5[%get3A_43, %get3A_44] : memref<1x160xf32, #tpu.memory_space<vmem>>, vector<1x160xf32>
    %mul3A_46 = vector.broadcast %get3A_45 : vector<1x160xf32> to vector<10000x160xf32>
    %mul3A_47 = arith.mulf %mul3A_42, %mul3A_46 : vector<10000x160xf32>
    %get3A_48 = arith.constant 0 : index
    %get3A_49 = arith.constant 0 : index
    %get3A_50 = vector.load %arg6[%get3A_48, %get3A_49] : memref<1x160xf32, #tpu.memory_space<vmem>>, vector<1x160xf32>
    %add3A_51 = vector.broadcast %get3A_50 : vector<1x160xf32> to vector<10000x160xf32>
    %add3A_52 = arith.addf %mul3A_47, %add3A_51 : vector<10000x160xf32>
    %logistic3A = arith.negf %add3A_52 : vector<10000x160xf32>
    %logistic3A_53 = math.exp %logistic3A : vector<10000x160xf32>
    %logistic3A_54 = arith.constant 1.000000e+00 : f32
    %logistic3A_55 = vector.broadcast %logistic3A_54 : f32 to vector<10000x160xf32>
    %logistic3A_56 = arith.addf %logistic3A_55, %logistic3A_53 : vector<10000x160xf32>
    %logistic3A_57 = arith.divf %logistic3A_55, %logistic3A_56 : vector<10000x160xf32>
    %dot_general3A_58 = arith.constant dense<0.000000e+00> : vector<160x160xf32>
    %dot_general3A_59 = tpu.matmul %logistic3A_57, %logistic3A_57, %dot_general3A_58 {dimension_numbers = #tpu.dot_dimension_numbers<[0], [0], [1], [1], [0, 1, 1, 1], [], []>, transpose_lhs_hint = false} : vector<10000x160xf32>, vector<10000x160xf32>, vector<160x160xf32> -> vector<160x160xf32>
    %swap3A = arith.constant 0 : index
    %swap3A_60 = arith.constant 0 : index
    %swap3A_61 = vector.load %arg7[%swap3A, %swap3A_60] : memref<160x160xf32, #tpu.memory_space<vmem>>, vector<160x160xf32>
    tpu.vector_store %arg7[%swap3A, %swap3A_60], %dot_general3A_59 {strides = array<i32>} : memref<160x160xf32, #tpu.memory_space<vmem>>, vector<160x160xf32>,
    return
  }
}

</mosaic_0001>

<sc_bundles>
// kernel: kernel.10.cloned.1.call-start
scs
__scs_entry_jumppad:
0x0: {  	(pc) =	sbr.rel $0x88, $3  }
0x1: {  	(tag) =	ssettag $0x0;
	lr =	simm.s32 $0x1  }
0x2: {  	[smem:$0x3F92] =	sst lr;
	_ =	strace $0xD0000000  }
0x3: {  	_ = 	snop  }
0x4: {  	_ = 	snop  }
0x5: {  	_ = 	snop  }
0x6: {  	_ = 	snop  }
0x7: {  	_ = 	snop  }
__scs_overlays_trampoline_lowered:
0x8: {  	[smem:$0x3FA1] =	sst s0  }
0x9: {  	[smem:$0x3FA2] =	sst s1  }
0xa: {  	[smem:$0x3FA3] =	sst s2  }
0xb: {  	[smem:$0x3FA4] =	sst s3  }
0xc: {  	[smem:$0x3FA5] =	sst s4  }
0xd: {  	[smem:$0x3FA6] =	sst s5  }
0xe: {  	[smem:$0x3FA7] =	sst s6  }
0xf: {  	[smem:$0x3FA8] =	sst s7  }
0x10: {  	[smem:$0x3FA9] =	sst s8  }
0x11: {  	[smem:$0x3FAA] =	sst s9;
	s0 =	simm.s32 @!p0 $0x0  }
0x12: {  	s1 =	sld [smem:$0x3F90];
	s0 =	simm.s32 @p0 $0x1  }
0x13: {  	[smem:$0x3FAB] =	sst s0;
	s0 =	simm.s32 @!p1 $0x0  }
0x14: {  	s2 =	sld [smem:$0x3F8F];
	s0 =	simm.s32 @p1 $0x1  }
0x15: {  	[smem:$0x3FAC] =	sst s0;
	s0 =	simm.s32 @!p2 $0x0  }
0x16: {  	s3 =	sld [smem:$0x3FDB];
	s0 =	simm.s32 @p2 $0x1  }
0x17: {  	s4 =	simm.s32 $0x1BF5;
	[smem:$0x3FAE] =	sst s0  }
0x18: {  	s0 =	sld [smem:$0x3F91];
	_ =	swait.ge [sflag:s4], $0x0  }
0x19: {  	s7 =	sld [smem:$0x3F92]  }
0x1a: {  	s8 =	sadd.s32 $0xFFFFE003, lr  }
0x1b: {  	s9 =	sadd.s32 $0xFFFFFEF7, lr;
	s5 =	simm.s32 $0xFFFFFFFF;
	p2 =	slt.u32 s8, $0xFFFFF086  }
0x1c: {  	p1 =	slt.u32 s9, $0xF7A;
	s5 =	simm.s32 @!p2 $0x0  }
0x1d: {  	s5 =	simm.s32 @p1 $0x1;
	p0 =	seq.s32 s7, s2  }
0x1e: {  	s7 =	smul.u32 @!p0 $0xF7A, s2;
	p2 =	seq.s32 @!p0 s5, $0x0  }
0x1f: {  	s9 =	smul.u32 $0xF7A, s1;
	s8 =	simm.s32 @!p0 $0x1BF5;
	p2 =	por !p2, p0  }
0x20: {  	[sflag:s8] =	ssyncset.s32 @!p0 $0xFFFFF086;
	s6 =	sadd.s32 @!p0 s3, s7;
	s7 =	simm.s32 @!p0 $0x108  }
0x21: {  	s3 =	sadd.s32 s3, s9;
	s6 =	sadd.s32 @!p0 $0x88, s6;
	s7 =	simm.s32 @p2 $0x1082  }
0x22: {  	[simem:s7], [sflag:s8] =	dma.local @!p0 [hbm:s6], $0xF7A  }
0x23: {  	s9 =	sor.u32 $0xD0000000, s2;
	s6 =	simm.s32 $0x108;
	_ =	swait.ge @!p0 [sflag:s8], $0x0  }
0x24: {  	s3 =	sadd.s32 $0x88, s3;
	s6 =	simm.s32 @!p1 $0x1082;
	[sflag:s4] =	ssyncset.s32 $0xFFFFF086  }
0x25: {  	[simem:s6], [sflag:s4] =	dma.local [hbm:s3], $0xF7A  }
0x26: {  	[smem:$0x3F92] =	sst s1;
	(tag) =	ssettag s2;
	_ =	strace s9  }
0x27: {  	s1 =	sld [smem:$0x3FA2]  }
0x28: {  	s2 =	sld [smem:$0x3FA3]  }
0x29: {  	s4 =	sld [smem:$0x3FA5]  }
0x2a: {  	p0 =	seq.s32 s5, $0x0;
	s5 =	sld [smem:$0x3FA6]  }
0x2b: {  	s6 =	sld [smem:$0x3FA7]  }
0x2c: {  	s7 =	sld [smem:$0x3FA8]  }
0x2d: {  	s3 =	simm.s32 $0x108;
	s8 =	sld [smem:$0x3FA9]  }
0x2e: {  	s3 =	simm.s32 @!p0 $0x1082;
	s9 =	sld [smem:$0x3FAA]  }
0x2f: {  	lr =	sadd.s32 s0, s3;
	s0 =	sld [smem:$0x3FA1]  }
0x30: {  	s3 =	sld [smem:$0x3FA4]  }
0x31: {  	[smem:$0x3FAD] =	sst s10  }
0x32: {  	s10 =	sld [smem:$0x3FAB];
	_ =	sdelay $0x3  }
0x33: {  	p0 =	seq.s32 s10, $0x1;
	s10 =	sld [smem:$0x3FAD];
	_ =	sdelay $0x3  }
0x34: {  	[smem:$0x3FAD] =	sst s10  }
0x35: {  	s10 =	sld [smem:$0x3FAC];
	_ =	sdelay $0x3  }
0x36: {  	p1 =	seq.s32 s10, $0x1;
	s10 =	sld [smem:$0x3FAD];
	_ =	sdelay $0x3  }
0x37: {  	[smem:$0x3FAD] =	sst s10  }
0x38: {  	s10 =	sld [smem:$0x3FAE]  }
0x39: {  	_ = 	snop;
	(pc) =	sbr.ind lr, $3  }
0x3a: {  	_ = 	snop  }
0x3b: {  	_ = 	snop  }
0x3c: {  	p2 =	seq.s32 s10, $0x1;
	s10 =	sld [smem:$0x3FAD]  }
0x3d: {  	_ =	shalt  }
0x3e: {  	_ =	shalt  }
0x3f: {  	_ =	shalt  }
0x40: {  	_ =	shalt  }
0x41: {  	_ =	shalt  }
0x42: {  	_ =	shalt  }
0x43: {  	_ =	shalt  }
0x44: {  	_ =	shalt  }
0x45: {  	_ =	shalt  }
0x46: {  	_ =	shalt  }
0x47: {  	_ =	shalt  }
0x48: {  	_ =	shalt  }
0x49: {  	_ =	shalt  }
0x4a: {  	_ =	shalt  }
0x4b: {  	_ =	shalt  }
0x4c: {  	_ =	shalt  }
0x4d: {  	_ =	shalt  }
0x4e: {  	_ =	shalt  }
0x4f: {  	_ =	shalt  }
0x50: {  	_ =	shalt  }
0x51: {  	_ =	shalt  }
0x52: {  	_ =	shalt  }
0x53: {  	_ =	shalt  }
0x54: {  	_ =	shalt  }
0x55: {  	_ =	shalt  }
0x56: {  	_ =	shalt  }
0x57: {  	_ =	shalt  }
0x58: {  	_ =	shalt  }
0x59: {  	_ =	shalt  }
0x5a: {  	_ =	shalt  }
0x5b: {  	_ =	shalt  }
0x5c: {  	_ =	shalt  }
0x5d: {  	_ =	shalt  }
0x5e: {  	_ =	shalt  }
0x5f: {  	_ =	shalt  }
0x60: {  	_ =	shalt  }
0x61: {  	_ =	shalt  }
0x62: {  	_ =	shalt  }
0x63: {  	_ =	shalt  }
0x64: {  	_ =	shalt  }
0x65: {  	_ =	shalt  }
0x66: {  	_ =	shalt  }
0x67: {  	_ =	shalt  }
0x68: {  	_ =	shalt  }
0x69: {  	_ =	shalt  }
0x6a: {  	_ =	shalt  }
0x6b: {  	_ =	shalt  }
0x6c: {  	_ =	shalt  }
0x6d: {  	_ =	shalt  }
0x6e: {  	_ =	shalt  }
0x6f: {  	_ =	shalt  }
0x70: {  	_ =	shalt  }
0x71: {  	_ =	shalt  }
0x72: {  	_ =	shalt  }
0x73: {  	_ =	shalt  }
0x74: {  	_ =	shalt  }
0x75: {  	_ =	shalt  }
0x76: {  	_ =	shalt  }
0x77: {  	_ =	shalt  }
0x78: {  	_ =	shalt  }
0x79: {  	_ =	shalt  }
0x7a: {  	_ =	shalt  }
0x7b: {  	_ =	shalt  }
0x7c: {  	_ =	shalt  }
0x7d: {  	_ =	shalt  }
0x7e: {  	_ =	shalt  }
0x7f: {  	_ =	shalt  }
0x80: {  	_ =	shalt  }
0x81: {  	_ =	shalt  }
0x82: {  	_ =	shalt  }
0x83: {  	_ =	shalt  }
0x84: {  	_ =	shalt  }
0x85: {  	_ =	shalt  }
0x86: {  	_ =	shalt  }
0x87: {  	_ =	shalt  }
.Lfunc_end0:
.L_simem_size_0:
called_computation_lowered:
.L_overlay_start_0:
0x88: {  	s2 =	sld [smem:$0x3FD9]  }
0x89: {  	s3 =	sld [smem:$0x3FFE];
	_ =	sdelay $0x1  }
0x8a: {  	s1 =	srdreg.scid  }
0x8b: {  	s0 =	sand.u32 $0x1, s1  }
0x8c: {  	s16 =	sshll.u32 s0, $0xA;
	s2 =	sadd.s32 s3, s2  }
0x8d: {  	s2 =	sadd.s32 s2, s16  }
0x8e: {  	[smem:$0x3FB9] =	sst s2  }
0x8f: {  	_ = 	snop  }
0x90: {  	(tm) =	ssettm $0x1  }
0x91: {  	s17 =	sld [smem:$0x3FFB];
	_ =	sdelay $0x3  }
0x92: {  	_ =	strace s17  }
0x93: {  	s2 =	sld [smem:$0x3FFC];
	_ =	sdelay $0x3  }
0x94: {  	_ =	strace s2  }
0x95: {  	s2 =	sld [smem:$0x3FFD];
	_ =	sdelay $0x3  }
0x96: {  	_ =	strace s2  }
0x97: {  	_ =	strace $0x8FFFFFFF  }
0x98: {  	s18 =	sld [smem:$0x3FDB];
	_ =	sdelay $0x1  }
0x99: {  	s19 =	simm.s32 $_scs_section_size  }
0x9a: {  	s4 =	simm.s32 $_size__tile_overlayer_lowered;
	s5 =	simm.s32 $_tile_overlayer_lowered  }
0x9b: {  	s22 =	simm.s32 $0x1BFF;
	s21 =	sshll.u32 s5, $0x1;
	s2 =	sadd.s32 s19, s18  }
0x9c: {  	s6 =	simm.s32 $0x0;
	s20 =	sshll.u32 s4, $0x1;
	s4 =	sadd.s32 s21, s2  }
0x9d: {  	[timem:s6], [sflag:s22] =	dma.local [hbm:s4], s20  }
0x9e: {  	_ =	swait.ge [sflag:s22], s20  }
0x9f: {  	s3 =	ssub.s32 $0x0, s20;
	[sflag:s22] =	ssyncset.done $0x0  }
0xa0: {  	[sflag:s22] =	ssyncadd.s32 s3;
	_ =	sdelay $0x1  }
0xa1: {  	s23 =	simm.s32 $0x1B8B  }
0xa2: {  	_ =	swait.ge [sflag:s23], $0x1  }
0xa3: {  	[sflag:s23] =	ssyncset.done $0x0  }
0xa4: {  	s25 =	simm.s32 $0x1B8E;
	s24 =	sld [smem:$0x3FFE];
	[sflag:s23] =	ssyncadd.s32 $0xFFFFFFFF  }
0xa5: {  	s26 =	simm.s32 $execute0_lowered;
	[smem:$0x3FD2] =	sst s25  }
0xa6: {  	s4 =	sshll.u32 s26, $0x1;
	_ =	strace $0x80000046;
	[dreg:$0x1] =	wrdreg $0xFFFFFFFF  }
0xa7: {  	s28 =	simm.s32 $_size_execute0_lowered;
	s2 =	sadd.s32 s2, s4;
	[dreg:$0x0] =	wrdreg $0x0  }
0xa8: {  	s4 =	sshll.u32 s28, $0x1;
	[dreg:$0x2] =	wrdreg s2  }
0xa9: {  	[dreg:$0x3] =	wrdreg s4  }
0xaa: {  	[dreg:$0x4] =	wrdreg $0xC0  }
0xab: {  	_ =	task [dreg:s6], $0x5FFFF  }
0xac: {  	[dreg:$0x1] =	wrdreg $0xFFFFFFFF  }
0xad: {  	[dreg:$0x0] =	wrdreg $0x60  }
0xae: {  	[dreg:$0x2] =	wrdreg s24  }
0xaf: {  	[dreg:$0x3] =	wrdreg $0x9  }
0xb0: {  	_ =	task.clear_ibuf [dreg:s6], $0x4FFFF;
	_ =	strace $0x90000046  }
0xb1: {  	s29 =	simm.s32 $0x9;
	_ =	strace $0x80000048  }
0xb2: {  	_ =	swait.ge [sflag:s29], $0x1  }
0xb3: {  	[sflag:s29] =	ssyncadd.s32 $0xFFFFFFFF  }
0xb4: {  	_ =	strace $0x90000048  }
0xb5: {  	_ =	sfence  }
0xb6: {  	s30 =	sld [smem:$0x0];
	_ =	sdelay $0x2  }
0xb7: {  	s31 =	sshll.u32 s1, $0xD;
	s1 =	sshrl.u32 s1, $0x2  }
0xb8: {  	s3 =	sand.u32 $0x4000, s31;
	s1 =	sadd.s32 s1, s30  }
0xb9: {  	s0 =	sor.u32 s3, s0;
	s1 =	sshll.u32 s1, $0x11  }
0xba: {  	s0 =	sor.u32 s1, s0  }
0xbb: {  	s0 =	sadd.s32 $0x8F2B, s0  }
0xbc: {  	[sflag:s0] =	ssyncadd.remote.s32 $0x1  }
0xbd: {  	_ =	sfence.sel $0xFFFF  }
0xbe: {  	[dreg:$0x0] =	wrdreg $0xFFFFFFFF;
	(pc) =	sbr.abs _section_cstart, $3  }
0xbf: {  	[dreg:$0x1] =	wrdreg $0xFFFFFFFF  }
0xc0: {  	_ =	task.clear_ibuf [dreg:s6], $0x2FFFF;
	_ =	strace $0x9FFFFFFF  }
0xc1: {  	(tm) =	ssettm $0x7FFFFFFF  }
tec
execute0_lowered:
.L_overlay_start_1:
0x0: {  	(tag) =	ssettag $0x1  }
0x1: {  	s0 =	srdreg.scid;
	s1 =	stileid.u32  }
0x2: {  	s2 =	rddreg [dreg:$0x0];
	s7 =	simm.s32 $0x0;
	s26 =	simm.s32 $0x1E80  }
0x3: {  	s9 =	simm.s32 $0x100;
	s10 =	simm.s32 $0x3680;
	s11 =	simm.s32 $0x180  }
0x4: {  	s12 =	simm.s32 $0x4E80;
	s13 =	simm.s32 $0x200;
	s14 =	simm.s32 $0x6680  }
0x5: {  	s15 =	simm.s32 $0x280;
	s16 =	simm.s32 $0x7E80;
	s17 =	simm.s32 $0x300  }
0x6: {  	s18 =	simm.s32 $0x9680;
	s19 =	simm.s32 $0x380;
	s20 =	simm.s32 $0xAE80  }
0x7: {  	s21 =	simm.s32 $0x400;
	s22 =	simm.s32 $0xC680;
	s23 =	simm.s32 $0x480  }
0x8: {  	s24 =	simm.s32 $0xDE80;
	s25 =	simm.s32 $0x500;
	p0 =	por $0x0, $0x0  }
0x9: {  	s28 =	simm.s32 $0x580;
	s0 =	sand.u32 $0x1, s0;
	s1 =	sshll.u32 s1, $0x1  }
0xa: {  	s29 =	simm.s32 $0x10E80;
	s1 =	sor.u32 s0, s1;
	s0 =	ssub.s32 $0x2, s0  }
0xb: {  	s30 =	simm.s32 $0x600;
	s31 =	simm.s32 $0x12680;
	s4 =	sshrl.u32 s0, $0x1  }
0xc: {  	s5 =	simm.s32 $0x1;
	s6 =	simm.s32 $0x30;
	s0 =	ssub.s32 s0, s4  }
0xd: {  	[smem:$0x7FF] =	sst s7;
	s3 =	smul.u32 $0xD0, s1;
	s0 =	smax.u32 s0, $0x1  }
0xe: {  	s8 =	sadd.s32 $0x1C00, s2;
	s1 =	smul.u32 $0x6800, s1;
	p1 =	sne.s32 s0, $0x1  }
.Ltmp0:
0xf: {  	_ =	strace $0x80000047;
	s3 =	sadd.s32 s3, s2;
	(pc) =	sbr.rel @!p1 .LBB2_3-.Ltmp0, $4  }
0x10: {  	[dreg:$0x4] =	wrdreg s26;
	s1 =	sadd.s32 s1, s2;
	s3 =	sadd.s32 $0x10800, s3  }
0x11: {  	s26 =	simm.s32 $0xF680;
	s1 =	sadd.s32 $0x12200, s1;
	[dreg:$0x2] =	wrdreg s3  }
0x12: {  	s4 =	simm.s32 $0x680;
	s2 =	simm.s32 $0x2;
	[dreg:$0x3] =	wrdreg s1  }
0x13: {  	s3 =	simm.s32 $0x80;
	s1 =	sadd.s32 $0xFFFFFFFF, s0;
	s0 =	rddreg [dreg:$0x2]  }
0x14: {  	[tilespmem:s7], [sflag:$0x2] =	stream.linear.gather [hbm4b:s0+s7], $0x680, $0x38;
	[tilespmem:$0x13E80] =	vst v63  }
0x15: {  	_ =	swait.ge [sflag:s2], $0x680  }
0x16: {  	[sflag:s2] =	ssyncset.done $0x0  }
0x17: {  	[sflag:s2] =	ssyncadd.s32 $0xFFFFF980  }
0x18: {  	[tilespmem:s4], [sflag:$0x1] =	stream.indirect.gather [hbm4b:s8+s3], $0x30, s7, s3, $0xb8;
	[tilespmem:$0x13E80] =	vst v63  }
0x19: {  	s0 =	rddreg [dreg:$0x4]  }
0x1a: {  	[tilespmem:s0], [sflag:$0x1] =	stream.indirect.gather [hbm4b:s8+s3], $0x30, s3, s3, $0xb8;
	[tilespmem:$0x13E80] =	vst v63  }
0x1b: {  	_ = 	snop  }
0x1c: {  	[tilespmem:s10], [sflag:$0x1] =	stream.indirect.gather [hbm4b:s8+s3], $0x30, s9, s3, $0xb8;
	[tilespmem:$0x13E80] =	vst v63  }
0x1d: {  	_ = 	snop  }
0x1e: {  	[tilespmem:s12], [sflag:$0x1] =	stream.indirect.gather [hbm4b:s8+s3], $0x30, s11, s3, $0xb8;
	[tilespmem:$0x13E80] =	vst v63  }
0x1f: {  	_ = 	snop  }
0x20: {  	[tilespmem:s14], [sflag:$0x1] =	stream.indirect.gather [hbm4b:s8+s3], $0x30, s13, s3, $0xb8;
	[tilespmem:$0x13E80] =	vst v63  }
0x21: {  	_ = 	snop  }
0x22: {  	[tilespmem:s16], [sflag:$0x1] =	stream.indirect.gather [hbm4b:s8+s3], $0x30, s15, s3, $0xb8;
	[tilespmem:$0x13E80] =	vst v63  }
0x23: {  	_ = 	snop  }
0x24: {  	[tilespmem:s18], [sflag:$0x1] =	stream.indirect.gather [hbm4b:s8+s3], $0x30, s17, s3, $0xb8;
	[tilespmem:$0x13E80] =	vst v63  }
0x25: {  	_ = 	snop  }
0x26: {  	[tilespmem:s20], [sflag:$0x1] =	stream.indirect.gather [hbm4b:s8+s3], $0x30, s19, s3, $0xb8;
	[tilespmem:$0x13E80] =	vst v63  }
0x27: {  	_ = 	snop  }
0x28: {  	[tilespmem:s22], [sflag:$0x1] =	stream.indirect.gather [hbm4b:s8+s3], $0x30, s21, s3, $0xb8;
	[tilespmem:$0x13E80] =	vst v63  }
0x29: {  	_ = 	snop  }
0x2a: {  	[tilespmem:s24], [sflag:$0x1] =	stream.indirect.gather [hbm4b:s8+s3], $0x30, s23, s3, $0xb8;
	[tilespmem:$0x13E80] =	vst v63  }
0x2b: {  	_ = 	snop  }
0x2c: {  	[tilespmem:s26], [sflag:$0x1] =	stream.indirect.gather [hbm4b:s8+s3], $0x30, s25, s3, $0xb8;
	[tilespmem:$0x13E80] =	vst v63  }
0x2d: {  	_ = 	snop  }
0x2e: {  	[tilespmem:s29], [sflag:$0x1] =	stream.indirect.gather [hbm4b:s8+s3], $0x30, s28, s3, $0xb8;
	[tilespmem:$0x13E80] =	vst v63  }
0x2f: {  	_ = 	snop  }
0x30: {  	[tilespmem:s31], [sflag:$0x1] =	stream.indirect.gather [hbm4b:s8+s3], $0x30, s30, s3, $0xb8;
	[tilespmem:$0x13E80] =	vst v63  }
0x31: {  	_ =	swait.ge [sflag:s5], $0x1800  }
0x32: {  	[sflag:s5] =	ssyncset.done $0x0  }
0x33: {  	[sflag:s5] =	ssyncadd.s32 $0xFFFFE800  }
0x34: {  	_ =	swait.ge [sflag:s5], $0x1800  }
0x35: {  	[sflag:s5] =	ssyncset.done $0x0  }
0x36: {  	[sflag:s5] =	ssyncadd.s32 $0xFFFFE800  }
0x37: {  	_ =	swait.ge [sflag:s5], $0x1800  }
0x38: {  	[sflag:s5] =	ssyncset.done $0x0  }
0x39: {  	[sflag:s5] =	ssyncadd.s32 $0xFFFFE800  }
0x3a: {  	_ =	swait.ge [sflag:s5], $0x1800  }
0x3b: {  	[sflag:s5] =	ssyncset.done $0x0  }
0x3c: {  	[sflag:s5] =	ssyncadd.s32 $0xFFFFE800  }
0x3d: {  	_ =	swait.ge [sflag:s5], $0x1800  }
0x3e: {  	[sflag:s5] =	ssyncset.done $0x0  }
0x3f: {  	[sflag:s5] =	ssyncadd.s32 $0xFFFFE800  }
0x40: {  	_ =	swait.ge [sflag:s5], $0x1800  }
0x41: {  	[sflag:s5] =	ssyncset.done $0x0  }
0x42: {  	[sflag:s5] =	ssyncadd.s32 $0xFFFFE800  }
0x43: {  	_ =	swait.ge [sflag:s5], $0x1800  }
0x44: {  	[sflag:s5] =	ssyncset.done $0x0  }
0x45: {  	[sflag:s5] =	ssyncadd.s32 $0xFFFFE800  }
0x46: {  	_ =	swait.ge [sflag:s5], $0x1800  }
0x47: {  	[sflag:s5] =	ssyncset.done $0x0  }
0x48: {  	[sflag:s5] =	ssyncadd.s32 $0xFFFFE800  }
0x49: {  	_ =	swait.ge [sflag:s5], $0x1800  }
0x4a: {  	[sflag:s5] =	ssyncset.done $0x0  }
0x4b: {  	[sflag:s5] =	ssyncadd.s32 $0xFFFFE800  }
0x4c: {  	_ =	swait.ge [sflag:s5], $0x1800  }
0x4d: {  	[sflag:s5] =	ssyncset.done $0x0  }
0x4e: {  	[sflag:s5] =	ssyncadd.s32 $0xFFFFE800  }
0x4f: {  	_ =	swait.ge [sflag:s5], $0x1800  }
0x50: {  	[sflag:s5] =	ssyncset.done $0x0  }
0x51: {  	[sflag:s5] =	ssyncadd.s32 $0xFFFFE800  }
0x52: {  	_ =	swait.ge [sflag:s5], $0x1800  }
0x53: {  	[sflag:s5] =	ssyncset.done $0x0  }
0x54: {  	[sflag:s5] =	ssyncadd.s32 $0xFFFFE800  }
0x55: {  	p1 =	sne.s32 s1, $0x1;
	_ =	swait.ge [sflag:s5], $0x1800  }
.Ltmp1:
0x56: {  	[sflag:s5] =	ssyncset.done $0x0;
	(pc) =	sbr.rel @!p1 .LBB2_3-.Ltmp1, $4  }
0x57: {  	s0 =	rddreg [dreg:$0x3];
	[sflag:s5] =	ssyncadd.s32 $0xFFFFE800  }
0x58: {  	[hbm4b:s0+s6] =	stream.strided.scatter [tilespmem:s4], [sflag:$0x2], $0x13800, s3, s6, $0x38;
	[tilespmem:$0x13E80] =	vst v63  }
0x59: {  	s1 =	sadd.s32 $0xFFFFFFFF, s1;
	_ =	swait.ge [sflag:s2], $0x13800  }
0x5a: {  	p0 =	por $0x1, $0x1;
	s0 =	rddreg [dreg:$0x2];
	[sflag:s2] =	ssyncset.done $0x0  }
.LBB2_2:
0x5b: {  	[sflag:s2] =	ssyncadd.s32 $0xFFFEC800  }
0x5c: {  	[tilespmem:s7], [sflag:$0x2] =	stream.linear.gather [hbm4b:s0+s7], $0x680, $0x38;
	[tilespmem:$0x13E80] =	vst v63  }
0x5d: {  	_ =	swait.ge [sflag:s2], $0x680  }
0x5e: {  	[sflag:s2] =	ssyncset.done $0x0  }
0x5f: {  	[sflag:s2] =	ssyncadd.s32 $0xFFFFF980  }
0x60: {  	[tilespmem:s4], [sflag:$0x1] =	stream.indirect.gather [hbm4b:s8+s3], $0x30, s7, s3, $0xb8;
	[tilespmem:$0x13E80] =	vst v63  }
0x61: {  	s0 =	rddreg [dreg:$0x4]  }
0x62: {  	[tilespmem:s0], [sflag:$0x1] =	stream.indirect.gather [hbm4b:s8+s3], $0x30, s3, s3, $0xb8;
	[tilespmem:$0x13E80] =	vst v63  }
0x63: {  	_ = 	snop  }
0x64: {  	[tilespmem:s10], [sflag:$0x1] =	stream.indirect.gather [hbm4b:s8+s3], $0x30, s9, s3, $0xb8;
	[tilespmem:$0x13E80] =	vst v63  }
0x65: {  	_ = 	snop  }
0x66: {  	[tilespmem:s12], [sflag:$0x1] =	stream.indirect.gather [hbm4b:s8+s3], $0x30, s11, s3, $0xb8;
	[tilespmem:$0x13E80] =	vst v63  }
0x67: {  	_ = 	snop  }
0x68: {  	[tilespmem:s14], [sflag:$0x1] =	stream.indirect.gather [hbm4b:s8+s3], $0x30, s13, s3, $0xb8;
	[tilespmem:$0x13E80] =	vst v63  }
0x69: {  	_ = 	snop  }
0x6a: {  	[tilespmem:s16], [sflag:$0x1] =	stream.indirect.gather [hbm4b:s8+s3], $0x30, s15, s3, $0xb8;
	[tilespmem:$0x13E80] =	vst v63  }
0x6b: {  	_ = 	snop  }
0x6c: {  	[tilespmem:s18], [sflag:$0x1] =	stream.indirect.gather [hbm4b:s8+s3], $0x30, s17, s3, $0xb8;
	[tilespmem:$0x13E80] =	vst v63  }
0x6d: {  	_ = 	snop  }
0x6e: {  	[tilespmem:s20], [sflag:$0x1] =	stream.indirect.gather [hbm4b:s8+s3], $0x30, s19, s3, $0xb8;
	[tilespmem:$0x13E80] =	vst v63  }
0x6f: {  	_ = 	snop  }
0x70: {  	[tilespmem:s22], [sflag:$0x1] =	stream.indirect.gather [hbm4b:s8+s3], $0x30, s21, s3, $0xb8;
	[tilespmem:$0x13E80] =	vst v63  }
0x71: {  	_ = 	snop  }
0x72: {  	[tilespmem:s24], [sflag:$0x1] =	stream.indirect.gather [hbm4b:s8+s3], $0x30, s23, s3, $0xb8;
	[tilespmem:$0x13E80] =	vst v63  }
0x73: {  	_ = 	snop  }
0x74: {  	[tilespmem:s26], [sflag:$0x1] =	stream.indirect.gather [hbm4b:s8+s3], $0x30, s25, s3, $0xb8;
	[tilespmem:$0x13E80] =	vst v63  }
0x75: {  	_ = 	snop  }
0x76: {  	[tilespmem:s29], [sflag:$0x1] =	stream.indirect.gather [hbm4b:s8+s3], $0x30, s28, s3, $0xb8;
	[tilespmem:$0x13E80] =	vst v63  }
0x77: {  	_ = 	snop  }
0x78: {  	[tilespmem:s31], [sflag:$0x1] =	stream.indirect.gather [hbm4b:s8+s3], $0x30, s30, s3, $0xb8;
	[tilespmem:$0x13E80] =	vst v63  }
0x79: {  	_ =	swait.ge [sflag:s5], $0x1800  }
0x7a: {  	[sflag:s5] =	ssyncset.done $0x0  }
0x7b: {  	[sflag:s5] =	ssyncadd.s32 $0xFFFFE800  }
0x7c: {  	_ =	swait.ge [sflag:s5], $0x1800  }
0x7d: {  	[sflag:s5] =	ssyncset.done $0x0  }
0x7e: {  	[sflag:s5] =	ssyncadd.s32 $0xFFFFE800  }
0x7f: {  	_ =	swait.ge [sflag:s5], $0x1800  }
0x80: {  	[sflag:s5] =	ssyncset.done $0x0  }
0x81: {  	[sflag:s5] =	ssyncadd.s32 $0xFFFFE800  }
0x82: {  	_ =	swait.ge [sflag:s5], $0x1800  }
0x83: {  	[sflag:s5] =	ssyncset.done $0x0  }
0x84: {  	[sflag:s5] =	ssyncadd.s32 $0xFFFFE800  }
0x85: {  	_ =	swait.ge [sflag:s5], $0x1800  }
0x86: {  	[sflag:s5] =	ssyncset.done $0x0  }
0x87: {  	[sflag:s5] =	ssyncadd.s32 $0xFFFFE800  }
0x88: {  	_ =	swait.ge [sflag:s5], $0x1800  }
0x89: {  	[sflag:s5] =	ssyncset.done $0x0  }
0x8a: {  	[sflag:s5] =	ssyncadd.s32 $0xFFFFE800  }
0x8b: {  	_ =	swait.ge [sflag:s5], $0x1800  }
0x8c: {  	[sflag:s5] =	ssyncset.done $0x0  }
0x8d: {  	[sflag:s5] =	ssyncadd.s32 $0xFFFFE800  }
0x8e: {  	_ =	swait.ge [sflag:s5], $0x1800  }
0x8f: {  	[sflag:s5] =	ssyncset.done $0x0  }
0x90: {  	[sflag:s5] =	ssyncadd.s32 $0xFFFFE800  }
0x91: {  	_ =	swait.ge [sflag:s5], $0x1800  }
0x92: {  	[sflag:s5] =	ssyncset.done $0x0  }
0x93: {  	[sflag:s5] =	ssyncadd.s32 $0xFFFFE800  }
0x94: {  	_ =	swait.ge [sflag:s5], $0x1800  }
0x95: {  	[sflag:s5] =	ssyncset.done $0x0  }
0x96: {  	[sflag:s5] =	ssyncadd.s32 $0xFFFFE800  }
0x97: {  	_ =	swait.ge [sflag:s5], $0x1800  }
0x98: {  	[sflag:s5] =	ssyncset.done $0x0  }
0x99: {  	[sflag:s5] =	ssyncadd.s32 $0xFFFFE800  }
0x9a: {  	_ =	swait.ge [sflag:s5], $0x1800  }
0x9b: {  	[sflag:s5] =	ssyncset.done $0x0  }
0x9c: {  	[sflag:s5] =	ssyncadd.s32 $0xFFFFE800  }
0x9d: {  	p1 =	sne.s32 s1, $0x1;
	_ =	swait.ge [sflag:s5], $0x1800  }
.Ltmp2:
0x9e: {  	[sflag:s5] =	ssyncset.done $0x0;
	(pc) =	sbr.rel @p1 .LBB2_2-.Ltmp2, $4  }
0x9f: {  	s0 =	rddreg [dreg:$0x3];
	[sflag:s5] =	ssyncadd.s32 $0xFFFFE800  }
0xa0: {  	[hbm4b:s0+s6] =	stream.strided.scatter [tilespmem:s4], [sflag:$0x2], $0x13800, s3, s6, $0x38;
	[tilespmem:$0x13E80] =	vst v63  }
0xa1: {  	_ =	swait.ge [sflag:s2], $0x13800  }
0xa2: {  	s1 =	sadd.s32 $0xFFFFFFFF, s1;
	s0 =	rddreg [dreg:$0x2];
	[sflag:s2] =	ssyncset.done $0x0  }
.LBB2_3:
0xa3: {  	[sflag:s2] =	ssyncadd.s32 @p0 $0xFFFEC800  }
0xa4: {  	[tilespmem:s7], [sflag:$0x2] =	stream.linear.gather [hbm4b:s0+s7], $0x680, $0x38;
	[tilespmem:$0x13E80] =	vst v63  }
0xa5: {  	_ =	swait.ge [sflag:s2], $0x680  }
0xa6: {  	[sflag:s2] =	ssyncset.done $0x0  }
0xa7: {  	[sflag:s2] =	ssyncadd.s32 $0xFFFFF980  }
0xa8: {  	[tilespmem:s4], [sflag:$0x1] =	stream.indirect.gather [hbm4b:s8+s3], $0x30, s7, s3, $0xb8;
	[tilespmem:$0x13E80] =	vst v63  }
0xa9: {  	s1 =	rddreg [dreg:$0x4]  }
0xaa: {  	[tilespmem:s1], [sflag:$0x1] =	stream.indirect.gather [hbm4b:s8+s3], $0x30, s3, s3, $0xb8;
	[tilespmem:$0x13E80] =	vst v63  }
0xab: {  	_ = 	snop  }
0xac: {  	[tilespmem:s10], [sflag:$0x1] =	stream.indirect.gather [hbm4b:s8+s3], $0x30, s9, s3, $0xb8;
	[tilespmem:$0x13E80] =	vst v63  }
0xad: {  	_ = 	snop  }
0xae: {  	[tilespmem:s12], [sflag:$0x1] =	stream.indirect.gather [hbm4b:s8+s3], $0x30, s11, s3, $0xb8;
	[tilespmem:$0x13E80] =	vst v63  }
0xaf: {  	_ = 	snop  }
0xb0: {  	[tilespmem:s14], [sflag:$0x1] =	stream.indirect.gather [hbm4b:s8+s3], $0x30, s13, s3, $0xb8;
	[tilespmem:$0x13E80] =	vst v63  }
0xb1: {  	_ = 	snop  }
0xb2: {  	[tilespmem:s16], [sflag:$0x1] =	stream.indirect.gather [hbm4b:s8+s3], $0x30, s15, s3, $0xb8;
	[tilespmem:$0x13E80] =	vst v63  }
0xb3: {  	_ = 	snop  }
0xb4: {  	[tilespmem:s18], [sflag:$0x1] =	stream.indirect.gather [hbm4b:s8+s3], $0x30, s17, s3, $0xb8;
	[tilespmem:$0x13E80] =	vst v63  }
0xb5: {  	_ = 	snop  }
0xb6: {  	[tilespmem:s20], [sflag:$0x1] =	stream.indirect.gather [hbm4b:s8+s3], $0x30, s19, s3, $0xb8;
	[tilespmem:$0x13E80] =	vst v63  }
0xb7: {  	_ = 	snop  }
0xb8: {  	[tilespmem:s22], [sflag:$0x1] =	stream.indirect.gather [hbm4b:s8+s3], $0x30, s21, s3, $0xb8;
	[tilespmem:$0x13E80] =	vst v63  }
0xb9: {  	_ = 	snop  }
0xba: {  	[tilespmem:s24], [sflag:$0x1] =	stream.indirect.gather [hbm4b:s8+s3], $0x30, s23, s3, $0xb8;
	[tilespmem:$0x13E80] =	vst v63  }
0xbb: {  	_ = 	snop  }
0xbc: {  	[tilespmem:s26], [sflag:$0x1] =	stream.indirect.gather [hbm4b:s8+s3], $0x30, s25, s3, $0xb8;
	[tilespmem:$0x13E80] =	vst v63  }
0xbd: {  	_ = 	snop  }
0xbe: {  	[tilespmem:s29], [sflag:$0x1] =	stream.indirect.gather [hbm4b:s8+s3], $0x30, s28, s3, $0xb8;
	[tilespmem:$0x13E80] =	vst v63  }
0xbf: {  	_ = 	snop  }
0xc0: {  	[tilespmem:s31], [sflag:$0x1] =	stream.indirect.gather [hbm4b:s8+s3], $0x30, s30, s3, $0xb8;
	[tilespmem:$0x13E80] =	vst v63  }
0xc1: {  	_ =	swait.ge [sflag:s5], $0x1800  }
0xc2: {  	[sflag:s5] =	ssyncset.done $0x0  }
0xc3: {  	[sflag:s5] =	ssyncadd.s32 $0xFFFFE800  }
0xc4: {  	_ =	swait.ge [sflag:s5], $0x1800  }
0xc5: {  	[sflag:s5] =	ssyncset.done $0x0  }
0xc6: {  	[sflag:s5] =	ssyncadd.s32 $0xFFFFE800  }
0xc7: {  	_ =	swait.ge [sflag:s5], $0x1800  }
0xc8: {  	[sflag:s5] =	ssyncset.done $0x0  }
0xc9: {  	[sflag:s5] =	ssyncadd.s32 $0xFFFFE800  }
0xca: {  	_ =	swait.ge [sflag:s5], $0x1800  }
0xcb: {  	[sflag:s5] =	ssyncset.done $0x0  }
0xcc: {  	[sflag:s5] =	ssyncadd.s32 $0xFFFFE800  }
0xcd: {  	_ =	swait.ge [sflag:s5], $0x1800  }
0xce: {  	[sflag:s5] =	ssyncset.done $0x0  }
0xcf: {  	[sflag:s5] =	ssyncadd.s32 $0xFFFFE800  }
0xd0: {  	_ =	swait.ge [sflag:s5], $0x1800  }
0xd1: {  	[sflag:s5] =	ssyncset.done $0x0  }
0xd2: {  	[sflag:s5] =	ssyncadd.s32 $0xFFFFE800  }
0xd3: {  	_ =	swait.ge [sflag:s5], $0x1800  }
0xd4: {  	[sflag:s5] =	ssyncset.done $0x0  }
0xd5: {  	[sflag:s5] =	ssyncadd.s32 $0xFFFFE800  }
0xd6: {  	_ =	swait.ge [sflag:s5], $0x1800  }
0xd7: {  	[sflag:s5] =	ssyncset.done $0x0  }
0xd8: {  	[sflag:s5] =	ssyncadd.s32 $0xFFFFE800  }
0xd9: {  	_ =	swait.ge [sflag:s5], $0x1800  }
0xda: {  	[sflag:s5] =	ssyncset.done $0x0  }
0xdb: {  	[sflag:s5] =	ssyncadd.s32 $0xFFFFE800  }
0xdc: {  	_ =	swait.ge [sflag:s5], $0x1800  }
0xdd: {  	[sflag:s5] =	ssyncset.done $0x0  }
0xde: {  	[sflag:s5] =	ssyncadd.s32 $0xFFFFE800  }
0xdf: {  	_ =	swait.ge [sflag:s5], $0x1800  }
0xe0: {  	[sflag:s5] =	ssyncset.done $0x0  }
0xe1: {  	[sflag:s5] =	ssyncadd.s32 $0xFFFFE800  }
0xe2: {  	_ =	swait.ge [sflag:s5], $0x1800  }
0xe3: {  	[sflag:s5] =	ssyncset.done $0x0  }
0xe4: {  	[sflag:s5] =	ssyncadd.s32 $0xFFFFE800  }
0xe5: {  	_ =	swait.ge [sflag:s5], $0x1800  }
0xe6: {  	[sflag:s5] =	ssyncset.done $0x0  }
0xe7: {  	s30 =	rddreg [dreg:$0x3];
	[sflag:s5] =	ssyncadd.s32 $0xFFFFE800  }
0xe8: {  	[hbm4b:s30+s6] =	stream.strided.scatter [tilespmem:s4], [sflag:$0x2], $0x13800, s3, s6, $0x38;
	[tilespmem:$0x13E80] =	vst v63  }
0xe9: {  	_ =	swait.ge [sflag:s2], $0x13800  }
0xea: {  	[sflag:s2] =	ssyncset.done $0x0  }
0xeb: {  	[sflag:s2] =	ssyncadd.s32 $0xFFFEC800  }
0xec: {  	_ =	sfence.sel $0x180000  }
0xed: {  	[bflag:$0x0] =	sbarrier.arrive $0xFFFF  }
0xee: {  	_ =	strace $0x90000047  }
0xef: {  	s31 =	stileid.u32;
	[bflag:$0x2] =	sbarrier.arrive $0xFFFF  }
0xf0: {  	p0 =	sne.s32 s31, $0x0;
	s0 =	rddreg [dreg:$0x1]  }
0xf1: {  	s0 =	sadd.s32 @!p0 $0x100000, s0  }
0xf2: {  	[sflag:s0] =	ssyncadd.tile.s32 @!p0 $0x1;
	_ =	shalt  }
.Lfunc_end2:
_tile_overlayer_lowered:
.L_overlay_start_2:
0xf3: {  	(tag) =	ssettag $0x2  }
0xf4: {  	s0 =	rddreg [dreg:$0x0];
	s2 =	stileid.u32  }
0xf5: {  	s1 =	rddreg [dreg:$0x1];
	p0 =	sne.s32 s2, $0x0  }
0xf6: {  	s3 =	rddreg [dreg:$0x2];
	[bflag:$0x3] =	sbarrier.arrive $0xFFFF;
	s2 =	simm.s32 @!p0 $0x1C02  }
0xf7: {  	[timem:s3], [sflag:s2] =	dma.local @!p0 [hbm:s0], s1  }
0xf8: {  	s0 =	simm.s32 @!p0 $0x2  }
0xf9: {  	_ =	swait.ge @!p0 [sflag:s0], s1  }
0xfa: {  	s1 =	ssub.s32 @!p0 $0x0, s1;
	[sflag:s0] =	ssyncset.done @!p0 $0x0  }
0xfb: {  	[sflag:s0] =	ssyncadd.s32 @!p0 s1  }
0xfc: {  	[bflag:$0x3] =	sbarrier.arrive $0xFFFF  }
0xfd: {  	_ =	shalt  }

// kernel: kernel.13.cloned.1.call-start
scs
__scs_entry_jumppad:
0x0: {  	(pc) =	sbr.rel $0x88, $3  }
0x1: {  	(tag) =	ssettag $0x0;
	lr =	simm.s32 $0x1  }
0x2: {  	[smem:$0x3F92] =	sst lr;
	_ =	strace $0xD0000000  }
0x3: {  	_ = 	snop  }
0x4: {  	_ = 	snop  }
0x5: {  	_ = 	snop  }
0x6: {  	_ = 	snop  }
0x7: {  	_ = 	snop  }
__scs_overlays_trampoline_lowered:
0x8: {  	[smem:$0x3FA1] =	sst s0  }
0x9: {  	[smem:$0x3FA2] =	sst s1  }
0xa: {  	[smem:$0x3FA3] =	sst s2  }
0xb: {  	[smem:$0x3FA4] =	sst s3  }
0xc: {  	[smem:$0x3FA5] =	sst s4  }
0xd: {  	[smem:$0x3FA6] =	sst s5  }
0xe: {  	[smem:$0x3FA7] =	sst s6  }
0xf: {  	[smem:$0x3FA8] =	sst s7  }
0x10: {  	[smem:$0x3FA9] =	sst s8  }
0x11: {  	[smem:$0x3FAA] =	sst s9;
	s0 =	simm.s32 @!p0 $0x0  }
0x12: {  	s1 =	sld [smem:$0x3F90];
	s0 =	simm.s32 @p0 $0x1  }
0x13: {  	[smem:$0x3FAB] =	sst s0;
	s0 =	simm.s32 @!p1 $0x0  }
0x14: {  	s2 =	sld [smem:$0x3F8F];
	s0 =	simm.s32 @p1 $0x1  }
0x15: {  	[smem:$0x3FAC] =	sst s0;
	s0 =	simm.s32 @!p2 $0x0  }
0x16: {  	s3 =	sld [smem:$0x3FDB];
	s0 =	simm.s32 @p2 $0x1  }
0x17: {  	s4 =	simm.s32 $0x1BF5;
	[smem:$0x3FAE] =	sst s0  }
0x18: {  	s0 =	sld [smem:$0x3F91];
	_ =	swait.ge [sflag:s4], $0x0  }
0x19: {  	s7 =	sld [smem:$0x3F92]  }
0x1a: {  	s8 =	sadd.s32 $0xFFFFE003, lr  }
0x1b: {  	s9 =	sadd.s32 $0xFFFFFEF7, lr;
	s5 =	simm.s32 $0xFFFFFFFF;
	p2 =	slt.u32 s8, $0xFFFFF086  }
0x1c: {  	p1 =	slt.u32 s9, $0xF7A;
	s5 =	simm.s32 @!p2 $0x0  }
0x1d: {  	s5 =	simm.s32 @p1 $0x1;
	p0 =	seq.s32 s7, s2  }
0x1e: {  	s7 =	smul.u32 @!p0 $0xF7A, s2;
	p2 =	seq.s32 @!p0 s5, $0x0  }
0x1f: {  	s9 =	smul.u32 $0xF7A, s1;
	s8 =	simm.s32 @!p0 $0x1BF5;
	p2 =	por !p2, p0  }
0x20: {  	[sflag:s8] =	ssyncset.s32 @!p0 $0xFFFFF086;
	s6 =	sadd.s32 @!p0 s3, s7;
	s7 =	simm.s32 @!p0 $0x108  }
0x21: {  	s3 =	sadd.s32 s3, s9;
	s6 =	sadd.s32 @!p0 $0x88, s6;
	s7 =	simm.s32 @p2 $0x1082  }
0x22: {  	[simem:s7], [sflag:s8] =	dma.local @!p0 [hbm:s6], $0xF7A  }
0x23: {  	s9 =	sor.u32 $0xD0000000, s2;
	s6 =	simm.s32 $0x108;
	_ =	swait.ge @!p0 [sflag:s8], $0x0  }
0x24: {  	s3 =	sadd.s32 $0x88, s3;
	s6 =	simm.s32 @!p1 $0x1082;
	[sflag:s4] =	ssyncset.s32 $0xFFFFF086  }
0x25: {  	[simem:s6], [sflag:s4] =	dma.local [hbm:s3], $0xF7A  }
0x26: {  	[smem:$0x3F92] =	sst s1;
	(tag) =	ssettag s2;
	_ =	strace s9  }
0x27: {  	s1 =	sld [smem:$0x3FA2]  }
0x28: {  	s2 =	sld [smem:$0x3FA3]  }
0x29: {  	s4 =	sld [smem:$0x3FA5]  }
0x2a: {  	p0 =	seq.s32 s5, $0x0;
	s5 =	sld [smem:$0x3FA6]  }
0x2b: {  	s6 =	sld [smem:$0x3FA7]  }
0x2c: {  	s7 =	sld [smem:$0x3FA8]  }
0x2d: {  	s3 =	simm.s32 $0x108;
	s8 =	sld [smem:$0x3FA9]  }
0x2e: {  	s3 =	simm.s32 @!p0 $0x1082;
	s9 =	sld [smem:$0x3FAA]  }
0x2f: {  	lr =	sadd.s32 s0, s3;
	s0 =	sld [smem:$0x3FA1]  }
0x30: {  	s3 =	sld [smem:$0x3FA4]  }
0x31: {  	[smem:$0x3FAD] =	sst s10  }
0x32: {  	s10 =	sld [smem:$0x3FAB];
	_ =	sdelay $0x3  }
0x33: {  	p0 =	seq.s32 s10, $0x1;
	s10 =	sld [smem:$0x3FAD];
	_ =	sdelay $0x3  }
0x34: {  	[smem:$0x3FAD] =	sst s10  }
0x35: {  	s10 =	sld [smem:$0x3FAC];
	_ =	sdelay $0x3  }
0x36: {  	p1 =	seq.s32 s10, $0x1;
	s10 =	sld [smem:$0x3FAD];
	_ =	sdelay $0x3  }
0x37: {  	[smem:$0x3FAD] =	sst s10  }
0x38: {  	s10 =	sld [smem:$0x3FAE]  }
0x39: {  	_ = 	snop;
	(pc) =	sbr.ind lr, $3  }
0x3a: {  	_ = 	snop  }
0x3b: {  	_ = 	snop  }
0x3c: {  	p2 =	seq.s32 s10, $0x1;
	s10 =	sld [smem:$0x3FAD]  }
0x3d: {  	_ =	shalt  }
0x3e: {  	_ =	shalt  }
0x3f: {  	_ =	shalt  }
0x40: {  	_ =	shalt  }
0x41: {  	_ =	shalt  }
0x42: {  	_ =	shalt  }
0x43: {  	_ =	shalt  }
0x44: {  	_ =	shalt  }
0x45: {  	_ =	shalt  }
0x46: {  	_ =	shalt  }
0x47: {  	_ =	shalt  }
0x48: {  	_ =	shalt  }
0x49: {  	_ =	shalt  }
0x4a: {  	_ =	shalt  }
0x4b: {  	_ =	shalt  }
0x4c: {  	_ =	shalt  }
0x4d: {  	_ =	shalt  }
0x4e: {  	_ =	shalt  }
0x4f: {  	_ =	shalt  }
0x50: {  	_ =	shalt  }
0x51: {  	_ =	shalt  }
0x52: {  	_ =	shalt  }
0x53: {  	_ =	shalt  }
0x54: {  	_ =	shalt  }
0x55: {  	_ =	shalt  }
0x56: {  	_ =	shalt  }
0x57: {  	_ =	shalt  }
0x58: {  	_ =	shalt  }
0x59: {  	_ =	shalt  }
0x5a: {  	_ =	shalt  }
0x5b: {  	_ =	shalt  }
0x5c: {  	_ =	shalt  }
0x5d: {  	_ =	shalt  }
0x5e: {  	_ =	shalt  }
0x5f: {  	_ =	shalt  }
0x60: {  	_ =	shalt  }
0x61: {  	_ =	shalt  }
0x62: {  	_ =	shalt  }
0x63: {  	_ =	shalt  }
0x64: {  	_ =	shalt  }
0x65: {  	_ =	shalt  }
0x66: {  	_ =	shalt  }
0x67: {  	_ =	shalt  }
0x68: {  	_ =	shalt  }
0x69: {  	_ =	shalt  }
0x6a: {  	_ =	shalt  }
0x6b: {  	_ =	shalt  }
0x6c: {  	_ =	shalt  }
0x6d: {  	_ =	shalt  }
0x6e: {  	_ =	shalt  }
0x6f: {  	_ =	shalt  }
0x70: {  	_ =	shalt  }
0x71: {  	_ =	shalt  }
0x72: {  	_ =	shalt  }
0x73: {  	_ =	shalt  }
0x74: {  	_ =	shalt  }
0x75: {  	_ =	shalt  }
0x76: {  	_ =	shalt  }
0x77: {  	_ =	shalt  }
0x78: {  	_ =	shalt  }
0x79: {  	_ =	shalt  }
0x7a: {  	_ =	shalt  }
0x7b: {  	_ =	shalt  }
0x7c: {  	_ =	shalt  }
0x7d: {  	_ =	shalt  }
0x7e: {  	_ =	shalt  }
0x7f: {  	_ =	shalt  }
0x80: {  	_ =	shalt  }
0x81: {  	_ =	shalt  }
0x82: {  	_ =	shalt  }
0x83: {  	_ =	shalt  }
0x84: {  	_ =	shalt  }
0x85: {  	_ =	shalt  }
0x86: {  	_ =	shalt  }
0x87: {  	_ =	shalt  }
.Lfunc_end0:
.L_simem_size_0:
called_computation.1_lowered:
.L_overlay_start_0:
0x88: {  	s2 =	sld [smem:$0x3FD9]  }
0x89: {  	s3 =	sld [smem:$0x3FFE];
	_ =	sdelay $0x1  }
0x8a: {  	s1 =	srdreg.scid  }
0x8b: {  	s0 =	sand.u32 $0x1, s1  }
0x8c: {  	s16 =	sshll.u32 s0, $0xA;
	s2 =	sadd.s32 s3, s2  }
0x8d: {  	s2 =	sadd.s32 s2, s16  }
0x8e: {  	[smem:$0x3FB9] =	sst s2  }
0x8f: {  	_ = 	snop  }
0x90: {  	(tm) =	ssettm $0x1  }
0x91: {  	s17 =	sld [smem:$0x3FFB];
	_ =	sdelay $0x3  }
0x92: {  	_ =	strace s17  }
0x93: {  	s2 =	sld [smem:$0x3FFC];
	_ =	sdelay $0x3  }
0x94: {  	_ =	strace s2  }
0x95: {  	s2 =	sld [smem:$0x3FFD];
	_ =	sdelay $0x3  }
0x96: {  	_ =	strace s2  }
0x97: {  	_ =	strace $0x8FFFFFFF  }
0x98: {  	s18 =	sld [smem:$0x3FDB];
	_ =	sdelay $0x1  }
0x99: {  	s19 =	simm.s32 $_scs_section_size  }
0x9a: {  	s4 =	simm.s32 $_size__tile_overlayer_lowered;
	s5 =	simm.s32 $_tile_overlayer_lowered  }
0x9b: {  	s22 =	simm.s32 $0x1BFF;
	s21 =	sshll.u32 s5, $0x1;
	s2 =	sadd.s32 s19, s18  }
0x9c: {  	s6 =	simm.s32 $0x0;
	s20 =	sshll.u32 s4, $0x1;
	s4 =	sadd.s32 s21, s2  }
0x9d: {  	[timem:s6], [sflag:s22] =	dma.local [hbm:s4], s20  }
0x9e: {  	_ =	swait.ge [sflag:s22], s20  }
0x9f: {  	s3 =	ssub.s32 $0x0, s20;
	[sflag:s22] =	ssyncset.done $0x0  }
0xa0: {  	[sflag:s22] =	ssyncadd.s32 s3;
	_ =	sdelay $0x1  }
0xa1: {  	s23 =	simm.s32 $0x1B8B  }
0xa2: {  	_ =	swait.ge [sflag:s23], $0x1  }
0xa3: {  	[sflag:s23] =	ssyncset.done $0x0  }
0xa4: {  	s25 =	simm.s32 $0x1B8E;
	s24 =	sld [smem:$0x3FFE];
	[sflag:s23] =	ssyncadd.s32 $0xFFFFFFFF  }
0xa5: {  	s26 =	simm.s32 $execute0_lowered;
	[smem:$0x3FD2] =	sst s25  }
0xa6: {  	s4 =	sshll.u32 s26, $0x1;
	_ =	strace $0x80000049;
	[dreg:$0x1] =	wrdreg $0xFFFFFFFF  }
0xa7: {  	s28 =	simm.s32 $_size_execute0_lowered;
	s2 =	sadd.s32 s2, s4;
	[dreg:$0x0] =	wrdreg $0x0  }
0xa8: {  	s4 =	sshll.u32 s28, $0x1;
	[dreg:$0x2] =	wrdreg s2  }
0xa9: {  	[dreg:$0x3] =	wrdreg s4  }
0xaa: {  	[dreg:$0x4] =	wrdreg $0xC0  }
0xab: {  	_ =	task [dreg:s6], $0x5FFFF  }
0xac: {  	[dreg:$0x1] =	wrdreg $0xFFFFFFFF  }
0xad: {  	[dreg:$0x0] =	wrdreg $0x60  }
0xae: {  	[dreg:$0x2] =	wrdreg s24  }
0xaf: {  	[dreg:$0x3] =	wrdreg $0x46800  }
0xb0: {  	[dreg:$0x4] =	wrdreg $0x9  }
0xb1: {  	_ =	task.clear_ibuf [dreg:s6], $0x5FFFF;
	_ =	strace $0x90000049  }
0xb2: {  	s29 =	simm.s32 $0x9;
	_ =	strace $0x8000004B  }
0xb3: {  	_ =	swait.ge [sflag:s29], $0x1  }
0xb4: {  	[sflag:s29] =	ssyncadd.s32 $0xFFFFFFFF  }
0xb5: {  	_ =	strace $0x9000004B  }
0xb6: {  	_ =	sfence  }
0xb7: {  	s30 =	sld [smem:$0x0];
	_ =	sdelay $0x2  }
0xb8: {  	s31 =	sshll.u32 s1, $0xD;
	s1 =	sshrl.u32 s1, $0x2  }
0xb9: {  	s3 =	sand.u32 $0x4000, s31;
	s1 =	sadd.s32 s1, s30  }
0xba: {  	s0 =	sor.u32 s3, s0;
	s1 =	sshll.u32 s1, $0x11  }
0xbb: {  	s0 =	sor.u32 s1, s0  }
0xbc: {  	s0 =	sadd.s32 $0x8F2B, s0  }
0xbd: {  	[sflag:s0] =	ssyncadd.remote.s32 $0x1  }
0xbe: {  	_ =	sfence.sel $0xFFFF  }
0xbf: {  	[dreg:$0x0] =	wrdreg $0xFFFFFFFF;
	(pc) =	sbr.abs _section_cstart, $3  }
0xc0: {  	[dreg:$0x1] =	wrdreg $0xFFFFFFFF  }
0xc1: {  	_ =	task.clear_ibuf [dreg:s6], $0x2FFFF;
	_ =	strace $0x9FFFFFFF  }
0xc2: {  	(tm) =	ssettm $0x7FFFFFFF  }
0xc3: {  	_ =	shalt  }
tec
execute0_lowered:
.L_overlay_start_1:
0x0: {  	(tag) =	ssettag $0x1  }
0x1: {  	s2 =	srdreg.scid  }
0x2: {  	s0 =	stileid.u32;
	s1 =	rddreg [dreg:$0x0]  }
0x3: {  	s31 =	sand.u32 $0x1, s2;
	s3 =	sshll.u32 s0, $0x1;
	s6 =	smul.u32 $0x13C00, s0  }
0x4: {  	s2 =	rddreg [dreg:$0x1];
	s9 =	sadd.s32 $0xE3C00, s1;
	s4 =	sor.u32 s31, s3  }
0x5: {  	s3 =	simm.s32 $0x0;
	s5 =	smul.u32 $0xD0, s4;
	s7 =	sshrl.u32 s6, $0x3  }
0x6: {  	[smem:$0x7FF] =	sst s3;
	s8 =	smul.u32 $0x6800, s4;
	s7 =	sadd.s32 s7, s1  }
0x7: {  	s4 =	smul.u32 $0x34000, s4;
	_ =	strace $0x8000004A;
	s18 =	sadd.s32 $0x12200, s7  }
0x8: {  	s5 =	sadd.s32 s5, s1;
	s19 =	sadd.s32 s9, s8;
	[dreg:$0x4] =	wrdreg s18  }
0x9: {  	s4 =	sshrl.u32 s4, $0x3;
	s5 =	sadd.s32 $0xE2200, s5;
	[dreg:$0x5] =	wrdreg s19  }
0xa: {  	s29 =	sadd.s32 s9, s4;
	[dreg:$0x3] =	wrdreg s5  }
0xb: {  	s4 =	sadd.s32 $0x800, s29;
	s20 =	rddreg [dreg:$0x3]  }
0xc: {  	s21 =	sadd.s32 $0x1000, s29;
	[dreg:$0x6] =	wrdreg s4  }
0xd: {  	[dreg:$0x7] =	wrdreg s21;
	s4 =	simm.s32 $0x1  }
0xe: {  	[tilespmem:s3], [sflag:$0x1] =	stream.linear.gather [hbm4b:s20+s3], $0x680, $0x38;
	[tilespmem:$0x18280] =	vst v63  }
0xf: {  	s6 =	sadd.s32 s6, s2;
	_ =	swait.ge [sflag:s4], $0x680  }
0x10: {  	s23 =	sshll.u32 s0, $0x6;
	s6 =	sshrl.u32 s6, $0x3;
	[sflag:s4] =	ssyncset.done $0x0  }
0x11: {  	s5 =	sor.u32 $0x1C01, s23;
	s22 =	rddreg [dreg:$0x4];
	[sflag:s4] =	ssyncadd.s32 $0xFFFFF980  }
0x12: {  	[spmem:s6], [sflag:s5] =	dma.local [hbm:s22], $0x2780  }
0x13: {  	_ =	swait.ge [sflag:s4], $0x2780  }
0x14: {  	[sflag:s4] =	ssyncset.done $0x0  }
0x15: {  	[sflag:s4] =	ssyncadd.s32 $0xFFFFD880  }
0x16: {  	[bflag:$0x0] =	sbarrier.arrive $0xFFFF  }
0x17: {  	s7 =	simm.s32 $0x680;
	s24 =	rddreg [dreg:$0x5]  }
0x18: {  	[tilespmem:s7], [sflag:$0x1] =	stream.linear.gather [hbm4b:s24+s3], $0x4000, $0x38;
	[tilespmem:$0x18280] =	vst v63  }
0x19: {  	_ =	swait.ge [sflag:s4], $0x4000  }
0x1a: {  	[sflag:s4] =	ssyncset.done $0x0  }
0x1b: {  	s8 =	simm.s32 $0x80;
	[sflag:s4] =	ssyncadd.s32 $0xFFFFC000  }
0x1c: {  	[spmem:s2] =	stream.indirect.scatter.add.f32 [tilespmem:s7], [sflag:$0x1], $0x80, s3, s8, $0xb8;
	[tilespmem:$0x18280] =	vst v63  }
0x1d: {  	_ =	swait.ge [sflag:s4], $0x4000  }
0x1e: {  	[sflag:s4] =	ssyncset.done $0x0  }
0x1f: {  	s25 =	rddreg [dreg:$0x6];
	[sflag:s4] =	ssyncadd.s32 $0xFFFFC000  }
0x20: {  	[tilespmem:s7], [sflag:$0x1] =	stream.linear.gather [hbm4b:s25+s3], $0x4000, $0x38;
	[tilespmem:$0x18280] =	vst v63  }
0x21: {  	_ =	swait.ge [sflag:s4], $0x4000  }
0x22: {  	[sflag:s4] =	ssyncset.done $0x0  }
0x23: {  	[sflag:s4] =	ssyncadd.s32 $0xFFFFC000  }
0x24: {  	[spmem:s2] =	stream.indirect.scatter.add.f32 [tilespmem:s7], [sflag:$0x1], $0x80, s8, s8, $0xb8;
	[tilespmem:$0x18280] =	vst v63  }
0x25: {  	_ =	swait.ge [sflag:s4], $0x4000  }
0x26: {  	[sflag:s4] =	ssyncset.done $0x0  }
0x27: {  	s26 =	rddreg [dreg:$0x7];
	[sflag:s4] =	ssyncadd.s32 $0xFFFFC000  }
0x28: {  	[tilespmem:s7], [sflag:$0x1] =	stream.linear.gather [hbm4b:s26+s3], $0x4000, $0x38;
	[tilespmem:$0x18280] =	vst v63  }
0x29: {  	_ =	swait.ge [sflag:s4], $0x4000  }
0x2a: {  	[sflag:s4] =	ssyncset.done $0x0  }
0x2b: {  	s9 =	simm.s32 $0x100;
	[sflag:s4] =	ssyncadd.s32 $0xFFFFC000  }
0x2c: {  	[spmem:s2] =	stream.indirect.scatter.add.f32 [tilespmem:s7], [sflag:$0x1], $0x80, s9, s8, $0xb8;
	[tilespmem:$0x18280] =	vst v63  }
0x2d: {  	_ =	swait.ge [sflag:s4], $0x4000  }
0x2e: {  	[sflag:s4] =	ssyncset.done $0x0  }
0x2f: {  	s10 =	sadd.s32 $0x1800, s29;
	[sflag:s4] =	ssyncadd.s32 $0xFFFFC000  }
0x30: {  	[tilespmem:s7], [sflag:$0x1] =	stream.linear.gather [hbm4b:s10+s3], $0x4000, $0x38;
	[tilespmem:$0x18280] =	vst v63  }
0x31: {  	_ =	swait.ge [sflag:s4], $0x4000  }
0x32: {  	[sflag:s4] =	ssyncset.done $0x0  }
0x33: {  	s11 =	simm.s32 $0x180;
	[sflag:s4] =	ssyncadd.s32 $0xFFFFC000  }
0x34: {  	[spmem:s2] =	stream.indirect.scatter.add.f32 [tilespmem:s7], [sflag:$0x1], $0x80, s11, s8, $0xb8;
	[tilespmem:$0x18280] =	vst v63  }
0x35: {  	_ =	swait.ge [sflag:s4], $0x4000  }
0x36: {  	[sflag:s4] =	ssyncset.done $0x0  }
0x37: {  	s12 =	sadd.s32 $0x2000, s29;
	[sflag:s4] =	ssyncadd.s32 $0xFFFFC000  }
0x38: {  	[tilespmem:s7], [sflag:$0x1] =	stream.linear.gather [hbm4b:s12+s3], $0x4000, $0x38;
	[tilespmem:$0x18280] =	vst v63  }
0x39: {  	_ =	swait.ge [sflag:s4], $0x4000  }
0x3a: {  	[sflag:s4] =	ssyncset.done $0x0  }
0x3b: {  	s13 =	simm.s32 $0x200;
	[sflag:s4] =	ssyncadd.s32 $0xFFFFC000  }
0x3c: {  	[spmem:s2] =	stream.indirect.scatter.add.f32 [tilespmem:s7], [sflag:$0x1], $0x80, s13, s8, $0xb8;
	[tilespmem:$0x18280] =	vst v63  }
0x3d: {  	_ =	swait.ge [sflag:s4], $0x4000  }
0x3e: {  	[sflag:s4] =	ssyncset.done $0x0  }
0x3f: {  	s14 =	sadd.s32 $0x2800, s29;
	[sflag:s4] =	ssyncadd.s32 $0xFFFFC000  }
0x40: {  	[tilespmem:s7], [sflag:$0x1] =	stream.linear.gather [hbm4b:s14+s3], $0x4000, $0x38;
	[tilespmem:$0x18280] =	vst v63  }
0x41: {  	_ =	swait.ge [sflag:s4], $0x4000  }
0x42: {  	[sflag:s4] =	ssyncset.done $0x0  }
0x43: {  	s15 =	simm.s32 $0x280;
	[sflag:s4] =	ssyncadd.s32 $0xFFFFC000  }
0x44: {  	[spmem:s2] =	stream.indirect.scatter.add.f32 [tilespmem:s7], [sflag:$0x1], $0x80, s15, s8, $0xb8;
	[tilespmem:$0x18280] =	vst v63  }
0x45: {  	_ =	swait.ge [sflag:s4], $0x4000  }
0x46: {  	[sflag:s4] =	ssyncset.done $0x0  }
0x47: {  	s16 =	sadd.s32 $0x3000, s29;
	[sflag:s4] =	ssyncadd.s32 $0xFFFFC000  }
0x48: {  	[tilespmem:s7], [sflag:$0x1] =	stream.linear.gather [hbm4b:s16+s3], $0x4000, $0x38;
	[tilespmem:$0x18280] =	vst v63  }
0x49: {  	_ =	swait.ge [sflag:s4], $0x4000  }
0x4a: {  	[sflag:s4] =	ssyncset.done $0x0  }
0x4b: {  	s17 =	simm.s32 $0x300;
	[sflag:s4] =	ssyncadd.s32 $0xFFFFC000  }
0x4c: {  	[spmem:s2] =	stream.indirect.scatter.add.f32 [tilespmem:s7], [sflag:$0x1], $0x80, s17, s8, $0xb8;
	[tilespmem:$0x18280] =	vst v63  }
0x4d: {  	_ =	swait.ge [sflag:s4], $0x4000  }
0x4e: {  	[sflag:s4] =	ssyncset.done $0x0  }
0x4f: {  	s18 =	sadd.s32 $0x3800, s29;
	[sflag:s4] =	ssyncadd.s32 $0xFFFFC000  }
0x50: {  	[tilespmem:s7], [sflag:$0x1] =	stream.linear.gather [hbm4b:s18+s3], $0x4000, $0x38;
	[tilespmem:$0x18280] =	vst v63  }
0x51: {  	_ =	swait.ge [sflag:s4], $0x4000  }
0x52: {  	[sflag:s4] =	ssyncset.done $0x0  }
0x53: {  	s19 =	simm.s32 $0x380;
	[sflag:s4] =	ssyncadd.s32 $0xFFFFC000  }
0x54: {  	[spmem:s2] =	stream.indirect.scatter.add.f32 [tilespmem:s7], [sflag:$0x1], $0x80, s19, s8, $0xb8;
	[tilespmem:$0x18280] =	vst v63  }
0x55: {  	_ =	swait.ge [sflag:s4], $0x4000  }
0x56: {  	[sflag:s4] =	ssyncset.done $0x0  }
0x57: {  	s20 =	sadd.s32 $0x4000, s29;
	[sflag:s4] =	ssyncadd.s32 $0xFFFFC000  }
0x58: {  	[tilespmem:s7], [sflag:$0x1] =	stream.linear.gather [hbm4b:s20+s3], $0x4000, $0x38;
	[tilespmem:$0x18280] =	vst v63  }
0x59: {  	_ =	swait.ge [sflag:s4], $0x4000  }
0x5a: {  	[sflag:s4] =	ssyncset.done $0x0  }
0x5b: {  	s21 =	simm.s32 $0x400;
	[sflag:s4] =	ssyncadd.s32 $0xFFFFC000  }
0x5c: {  	[spmem:s2] =	stream.indirect.scatter.add.f32 [tilespmem:s7], [sflag:$0x1], $0x80, s21, s8, $0xb8;
	[tilespmem:$0x18280] =	vst v63  }
0x5d: {  	_ =	swait.ge [sflag:s4], $0x4000  }
0x5e: {  	[sflag:s4] =	ssyncset.done $0x0  }
0x5f: {  	s22 =	sadd.s32 $0x4800, s29;
	[sflag:s4] =	ssyncadd.s32 $0xFFFFC000  }
0x60: {  	[tilespmem:s7], [sflag:$0x1] =	stream.linear.gather [hbm4b:s22+s3], $0x4000, $0x38;
	[tilespmem:$0x18280] =	vst v63  }
0x61: {  	_ =	swait.ge [sflag:s4], $0x4000  }
0x62: {  	[sflag:s4] =	ssyncset.done $0x0  }
0x63: {  	s23 =	simm.s32 $0x480;
	[sflag:s4] =	ssyncadd.s32 $0xFFFFC000  }
0x64: {  	[spmem:s2] =	stream.indirect.scatter.add.f32 [tilespmem:s7], [sflag:$0x1], $0x80, s23, s8, $0xb8;
	[tilespmem:$0x18280] =	vst v63  }
0x65: {  	_ =	swait.ge [sflag:s4], $0x4000  }
0x66: {  	[sflag:s4] =	ssyncset.done $0x0  }
0x67: {  	s24 =	sadd.s32 $0x5000, s29;
	[sflag:s4] =	ssyncadd.s32 $0xFFFFC000  }
0x68: {  	[tilespmem:s7], [sflag:$0x1] =	stream.linear.gather [hbm4b:s24+s3], $0x4000, $0x38;
	[tilespmem:$0x18280] =	vst v63  }
0x69: {  	_ =	swait.ge [sflag:s4], $0x4000  }
0x6a: {  	[sflag:s4] =	ssyncset.done $0x0  }
0x6b: {  	s25 =	simm.s32 $0x500;
	[sflag:s4] =	ssyncadd.s32 $0xFFFFC000  }
0x6c: {  	[spmem:s2] =	stream.indirect.scatter.add.f32 [tilespmem:s7], [sflag:$0x1], $0x80, s25, s8, $0xb8;
	[tilespmem:$0x18280] =	vst v63  }
0x6d: {  	_ =	swait.ge [sflag:s4], $0x4000  }
0x6e: {  	[sflag:s4] =	ssyncset.done $0x0  }
0x6f: {  	s26 =	sadd.s32 $0x5800, s29;
	[sflag:s4] =	ssyncadd.s32 $0xFFFFC000  }
0x70: {  	[tilespmem:s7], [sflag:$0x1] =	stream.linear.gather [hbm4b:s26+s3], $0x4000, $0x38;
	[tilespmem:$0x18280] =	vst v63  }
0x71: {  	_ =	swait.ge [sflag:s4], $0x4000  }
0x72: {  	[sflag:s4] =	ssyncset.done $0x0  }
0x73: {  	s28 =	simm.s32 $0x580;
	[sflag:s4] =	ssyncadd.s32 $0xFFFFC000  }
0x74: {  	[spmem:s2] =	stream.indirect.scatter.add.f32 [tilespmem:s7], [sflag:$0x1], $0x80, s28, s8, $0xb8;
	[tilespmem:$0x18280] =	vst v63  }
0x75: {  	_ =	swait.ge [sflag:s4], $0x4000  }
0x76: {  	[sflag:s4] =	ssyncset.done $0x0  }
0x77: {  	s1 =	smul.u32 $0x2780, s0;
	s29 =	sadd.s32 $0x6000, s29;
	[sflag:s4] =	ssyncadd.s32 $0xFFFFC000  }
0x78: {  	[tilespmem:s7], [sflag:$0x1] =	stream.linear.gather [hbm4b:s29+s3], $0x4000, $0x38;
	[tilespmem:$0x18280] =	vst v63  }
0x79: {  	s0 =	smul.u32 $0x27800, s31;
	_ =	swait.ge [sflag:s4], $0x4000  }
0x7a: {  	s30 =	simm.s32 $0x600;
	[sflag:s4] =	ssyncset.done $0x0  }
0x7b: {  	s31 =	ssub.s32 $0x2, s31;
	s0 =	sadd.s32 s1, s0;
	[sflag:s4] =	ssyncadd.s32 $0xFFFFC000  }
0x7c: {  	[spmem:s2] =	stream.indirect.scatter.add.f32 [tilespmem:s7], [sflag:$0x1], $0x80, s30, s8, $0xb8;
	[tilespmem:$0x18280] =	vst v63  }
0x7d: {  	s1 =	sshrl.u32 s31, $0x1;
	_ =	swait.ge [sflag:s4], $0x4000;
	[dreg:$0x8] =	wrdreg s0  }
0x7e: {  	[dreg:$0x9] =	wrdreg s1  }
0x7f: {  	[sflag:s4] =	ssyncset.done $0x0;
	s1 =	rddreg [dreg:$0x8]  }
0x80: {  	s0 =	rddreg [dreg:$0x0]  }
0x81: {  	s0 =	sadd.s32 s1, s0;
	s1 =	rddreg [dreg:$0x9]  }
0x82: {  	s1 =	ssub.s32 s31, s1  }
0x83: {  	s1 =	smax.u32 s1, $0x1  }
0x84: {  	p0 =	sne.s32 s1, $0x1  }
.Ltmp0:
0x85: {  	_ = 	snop;
	(pc) =	sbr.rel @!p0 .LBB2_2-.Ltmp0, $4  }
0x86: {  	[sflag:s4] =	ssyncadd.s32 $0xFFFFC000  }
0x87: {  	[bflag:$0x0] =	sbarrier.arrive $0xFFFF;
	s31 =	sadd.s32 $0x39A00, s0  }
0x88: {  	[hbm:s31], [sflag:s5] =	dma.local [spmem:s6], $0x2780  }
0x89: {  	s1 =	sadd.s32 $0xFFFFFFFF, s1;
	_ =	swait.ge [sflag:s4], $0x2780  }
.LBB2_1:
0x8a: {  	[sflag:s4] =	ssyncset.done $0x0  }
0x8b: {  	s0 =	rddreg [dreg:$0x3];
	[sflag:s4] =	ssyncadd.s32 $0xFFFFD880  }
0x8c: {  	[tilespmem:s3], [sflag:$0x1] =	stream.linear.gather [hbm4b:s0+s3], $0x680, $0x38;
	[tilespmem:$0x18280] =	vst v63  }
0x8d: {  	_ =	swait.ge [sflag:s4], $0x680  }
0x8e: {  	[sflag:s4] =	ssyncset.done $0x0  }
0x8f: {  	s0 =	rddreg [dreg:$0x4];
	[sflag:s4] =	ssyncadd.s32 $0xFFFFF980  }
0x90: {  	[spmem:s6], [sflag:s5] =	dma.local [hbm:s0], $0x2780  }
0x91: {  	_ =	swait.ge [sflag:s4], $0x2780  }
0x92: {  	[sflag:s4] =	ssyncset.done $0x0  }
0x93: {  	[sflag:s4] =	ssyncadd.s32 $0xFFFFD880  }
0x94: {  	[bflag:$0x0] =	sbarrier.arrive $0xFFFF  }
0x95: {  	s0 =	rddreg [dreg:$0x5]  }
0x96: {  	[tilespmem:s7], [sflag:$0x1] =	stream.linear.gather [hbm4b:s0+s3], $0x4000, $0x38;
	[tilespmem:$0x18280] =	vst v63  }
0x97: {  	_ =	swait.ge [sflag:s4], $0x4000  }
0x98: {  	[sflag:s4] =	ssyncset.done $0x0  }
0x99: {  	[sflag:s4] =	ssyncadd.s32 $0xFFFFC000  }
0x9a: {  	[spmem:s2] =	stream.indirect.scatter.add.f32 [tilespmem:s7], [sflag:$0x1], $0x80, s3, s8, $0xb8;
	[tilespmem:$0x18280] =	vst v63  }
0x9b: {  	_ =	swait.ge [sflag:s4], $0x4000  }
0x9c: {  	[sflag:s4] =	ssyncset.done $0x0  }
0x9d: {  	s0 =	rddreg [dreg:$0x6];
	[sflag:s4] =	ssyncadd.s32 $0xFFFFC000  }
0x9e: {  	[tilespmem:s7], [sflag:$0x1] =	stream.linear.gather [hbm4b:s0+s3], $0x4000, $0x38;
	[tilespmem:$0x18280] =	vst v63  }
0x9f: {  	_ =	swait.ge [sflag:s4], $0x4000  }
0xa0: {  	[sflag:s4] =	ssyncset.done $0x0  }
0xa1: {  	[sflag:s4] =	ssyncadd.s32 $0xFFFFC000  }
0xa2: {  	[spmem:s2] =	stream.indirect.scatter.add.f32 [tilespmem:s7], [sflag:$0x1], $0x80, s8, s8, $0xb8;
	[tilespmem:$0x18280] =	vst v63  }
0xa3: {  	_ =	swait.ge [sflag:s4], $0x4000  }
0xa4: {  	[sflag:s4] =	ssyncset.done $0x0  }
0xa5: {  	s0 =	rddreg [dreg:$0x7];
	[sflag:s4] =	ssyncadd.s32 $0xFFFFC000  }
0xa6: {  	[tilespmem:s7], [sflag:$0x1] =	stream.linear.gather [hbm4b:s0+s3], $0x4000, $0x38;
	[tilespmem:$0x18280] =	vst v63  }
0xa7: {  	_ =	swait.ge [sflag:s4], $0x4000  }
0xa8: {  	[sflag:s4] =	ssyncset.done $0x0  }
0xa9: {  	[sflag:s4] =	ssyncadd.s32 $0xFFFFC000  }
0xaa: {  	[spmem:s2] =	stream.indirect.scatter.add.f32 [tilespmem:s7], [sflag:$0x1], $0x80, s9, s8, $0xb8;
	[tilespmem:$0x18280] =	vst v63  }
0xab: {  	_ =	swait.ge [sflag:s4], $0x4000  }
0xac: {  	[sflag:s4] =	ssyncset.done $0x0  }
0xad: {  	[sflag:s4] =	ssyncadd.s32 $0xFFFFC000  }
0xae: {  	[tilespmem:s7], [sflag:$0x1] =	stream.linear.gather [hbm4b:s10+s3], $0x4000, $0x38;
	[tilespmem:$0x18280] =	vst v63  }
0xaf: {  	_ =	swait.ge [sflag:s4], $0x4000  }
0xb0: {  	[sflag:s4] =	ssyncset.done $0x0  }
0xb1: {  	[sflag:s4] =	ssyncadd.s32 $0xFFFFC000  }
0xb2: {  	[spmem:s2] =	stream.indirect.scatter.add.f32 [tilespmem:s7], [sflag:$0x1], $0x80, s11, s8, $0xb8;
	[tilespmem:$0x18280] =	vst v63  }
0xb3: {  	_ =	swait.ge [sflag:s4], $0x4000  }
0xb4: {  	[sflag:s4] =	ssyncset.done $0x0  }
0xb5: {  	[sflag:s4] =	ssyncadd.s32 $0xFFFFC000  }
0xb6: {  	[tilespmem:s7], [sflag:$0x1] =	stream.linear.gather [hbm4b:s12+s3], $0x4000, $0x38;
	[tilespmem:$0x18280] =	vst v63  }
0xb7: {  	_ =	swait.ge [sflag:s4], $0x4000  }
0xb8: {  	[sflag:s4] =	ssyncset.done $0x0  }
0xb9: {  	[sflag:s4] =	ssyncadd.s32 $0xFFFFC000  }
0xba: {  	[spmem:s2] =	stream.indirect.scatter.add.f32 [tilespmem:s7], [sflag:$0x1], $0x80, s13, s8, $0xb8;
	[tilespmem:$0x18280] =	vst v63  }
0xbb: {  	_ =	swait.ge [sflag:s4], $0x4000  }
0xbc: {  	[sflag:s4] =	ssyncset.done $0x0  }
0xbd: {  	[sflag:s4] =	ssyncadd.s32 $0xFFFFC000  }
0xbe: {  	[tilespmem:s7], [sflag:$0x1] =	stream.linear.gather [hbm4b:s14+s3], $0x4000, $0x38;
	[tilespmem:$0x18280] =	vst v63  }
0xbf: {  	_ =	swait.ge [sflag:s4], $0x4000  }
0xc0: {  	[sflag:s4] =	ssyncset.done $0x0  }
0xc1: {  	[sflag:s4] =	ssyncadd.s32 $0xFFFFC000  }
0xc2: {  	[spmem:s2] =	stream.indirect.scatter.add.f32 [tilespmem:s7], [sflag:$0x1], $0x80, s15, s8, $0xb8;
	[tilespmem:$0x18280] =	vst v63  }
0xc3: {  	_ =	swait.ge [sflag:s4], $0x4000  }
0xc4: {  	[sflag:s4] =	ssyncset.done $0x0  }
0xc5: {  	[sflag:s4] =	ssyncadd.s32 $0xFFFFC000  }
0xc6: {  	[tilespmem:s7], [sflag:$0x1] =	stream.linear.gather [hbm4b:s16+s3], $0x4000, $0x38;
	[tilespmem:$0x18280] =	vst v63  }
0xc7: {  	_ =	swait.ge [sflag:s4], $0x4000  }
0xc8: {  	[sflag:s4] =	ssyncset.done $0x0  }
0xc9: {  	[sflag:s4] =	ssyncadd.s32 $0xFFFFC000  }
0xca: {  	[spmem:s2] =	stream.indirect.scatter.add.f32 [tilespmem:s7], [sflag:$0x1], $0x80, s17, s8, $0xb8;
	[tilespmem:$0x18280] =	vst v63  }
0xcb: {  	_ =	swait.ge [sflag:s4], $0x4000  }
0xcc: {  	[sflag:s4] =	ssyncset.done $0x0  }
0xcd: {  	[sflag:s4] =	ssyncadd.s32 $0xFFFFC000  }
0xce: {  	[tilespmem:s7], [sflag:$0x1] =	stream.linear.gather [hbm4b:s18+s3], $0x4000, $0x38;
	[tilespmem:$0x18280] =	vst v63  }
0xcf: {  	_ =	swait.ge [sflag:s4], $0x4000  }
0xd0: {  	[sflag:s4] =	ssyncset.done $0x0  }
0xd1: {  	[sflag:s4] =	ssyncadd.s32 $0xFFFFC000  }
0xd2: {  	[spmem:s2] =	stream.indirect.scatter.add.f32 [tilespmem:s7], [sflag:$0x1], $0x80, s19, s8, $0xb8;
	[tilespmem:$0x18280] =	vst v63  }
0xd3: {  	_ =	swait.ge [sflag:s4], $0x4000  }
0xd4: {  	[sflag:s4] =	ssyncset.done $0x0  }
0xd5: {  	[sflag:s4] =	ssyncadd.s32 $0xFFFFC000  }
0xd6: {  	[tilespmem:s7], [sflag:$0x1] =	stream.linear.gather [hbm4b:s20+s3], $0x4000, $0x38;
	[tilespmem:$0x18280] =	vst v63  }
0xd7: {  	_ =	swait.ge [sflag:s4], $0x4000  }
0xd8: {  	[sflag:s4] =	ssyncset.done $0x0  }
0xd9: {  	[sflag:s4] =	ssyncadd.s32 $0xFFFFC000  }
0xda: {  	[spmem:s2] =	stream.indirect.scatter.add.f32 [tilespmem:s7], [sflag:$0x1], $0x80, s21, s8, $0xb8;
	[tilespmem:$0x18280] =	vst v63  }
0xdb: {  	_ =	swait.ge [sflag:s4], $0x4000  }
0xdc: {  	[sflag:s4] =	ssyncset.done $0x0  }
0xdd: {  	[sflag:s4] =	ssyncadd.s32 $0xFFFFC000  }
0xde: {  	[tilespmem:s7], [sflag:$0x1] =	stream.linear.gather [hbm4b:s22+s3], $0x4000, $0x38;
	[tilespmem:$0x18280] =	vst v63  }
0xdf: {  	_ =	swait.ge [sflag:s4], $0x4000  }
0xe0: {  	[sflag:s4] =	ssyncset.done $0x0  }
0xe1: {  	[sflag:s4] =	ssyncadd.s32 $0xFFFFC000  }
0xe2: {  	[spmem:s2] =	stream.indirect.scatter.add.f32 [tilespmem:s7], [sflag:$0x1], $0x80, s23, s8, $0xb8;
	[tilespmem:$0x18280] =	vst v63  }
0xe3: {  	_ =	swait.ge [sflag:s4], $0x4000  }
0xe4: {  	[sflag:s4] =	ssyncset.done $0x0  }
0xe5: {  	[sflag:s4] =	ssyncadd.s32 $0xFFFFC000  }
0xe6: {  	[tilespmem:s7], [sflag:$0x1] =	stream.linear.gather [hbm4b:s24+s3], $0x4000, $0x38;
	[tilespmem:$0x18280] =	vst v63  }
0xe7: {  	_ =	swait.ge [sflag:s4], $0x4000  }
0xe8: {  	[sflag:s4] =	ssyncset.done $0x0  }
0xe9: {  	[sflag:s4] =	ssyncadd.s32 $0xFFFFC000  }
0xea: {  	[spmem:s2] =	stream.indirect.scatter.add.f32 [tilespmem:s7], [sflag:$0x1], $0x80, s25, s8, $0xb8;
	[tilespmem:$0x18280] =	vst v63  }
0xeb: {  	_ =	swait.ge [sflag:s4], $0x4000  }
0xec: {  	[sflag:s4] =	ssyncset.done $0x0  }
0xed: {  	[sflag:s4] =	ssyncadd.s32 $0xFFFFC000  }
0xee: {  	[tilespmem:s7], [sflag:$0x1] =	stream.linear.gather [hbm4b:s26+s3], $0x4000, $0x38;
	[tilespmem:$0x18280] =	vst v63  }
0xef: {  	_ =	swait.ge [sflag:s4], $0x4000  }
0xf0: {  	[sflag:s4] =	ssyncset.done $0x0  }
0xf1: {  	[sflag:s4] =	ssyncadd.s32 $0xFFFFC000  }
0xf2: {  	[spmem:s2] =	stream.indirect.scatter.add.f32 [tilespmem:s7], [sflag:$0x1], $0x80, s28, s8, $0xb8;
	[tilespmem:$0x18280] =	vst v63  }
0xf3: {  	_ =	swait.ge [sflag:s4], $0x4000  }
0xf4: {  	[sflag:s4] =	ssyncset.done $0x0  }
0xf5: {  	[sflag:s4] =	ssyncadd.s32 $0xFFFFC000  }
0xf6: {  	[tilespmem:s7], [sflag:$0x1] =	stream.linear.gather [hbm4b:s29+s3], $0x4000, $0x38;
	[tilespmem:$0x18280] =	vst v63  }
0xf7: {  	_ =	swait.ge [sflag:s4], $0x4000  }
0xf8: {  	[sflag:s4] =	ssyncset.done $0x0  }
0xf9: {  	[sflag:s4] =	ssyncadd.s32 $0xFFFFC000  }
0xfa: {  	[spmem:s2] =	stream.indirect.scatter.add.f32 [tilespmem:s7], [sflag:$0x1], $0x80, s30, s8, $0xb8;
	[tilespmem:$0x18280] =	vst v63  }
0xfb: {  	p0 =	sne.s32 s1, $0x1;
	_ =	swait.ge [sflag:s4], $0x4000  }
.Ltmp1:
0xfc: {  	[sflag:s4] =	ssyncset.done $0x0;
	(pc) =	sbr.rel @p0 .LBB2_1-.Ltmp1, $4  }
0xfd: {  	[sflag:s4] =	ssyncadd.s32 $0xFFFFC000  }
0xfe: {  	[bflag:$0x0] =	sbarrier.arrive $0xFFFF  }
0xff: {  	[hbm:s31], [sflag:s5] =	dma.local [spmem:s6], $0x2780  }
0x100: {  	s1 =	sadd.s32 $0xFFFFFFFF, s1;
	_ =	swait.ge [sflag:s4], $0x2780  }
.LBB2_2:
0x101: {  	[sflag:s4] =	ssyncset.done $0x0  }
0x102: {  	[sflag:s4] =	ssyncadd.s32 $0xFFFFD880  }
0x103: {  	_ =	sfence.sel $0x180000  }
0x104: {  	[bflag:$0x0] =	sbarrier.arrive $0xFFFF  }
0x105: {  	_ =	strace $0x9000004A  }
0x106: {  	s0 =	stileid.u32;
	[bflag:$0x2] =	sbarrier.arrive $0xFFFF  }
0x107: {  	p0 =	sne.s32 s0, $0x0;
	s0 =	rddreg [dreg:$0x2]  }
0x108: {  	s0 =	sadd.s32 @!p0 $0x100000, s0  }
0x109: {  	[sflag:s0] =	ssyncadd.tile.s32 @!p0 $0x1;
	_ =	shalt  }
.Lfunc_end2:
_tile_overlayer_lowered:
.L_overlay_start_2:
0x10a: {  	(tag) =	ssettag $0x2  }
0x10b: {  	s0 =	rddreg [dreg:$0x0];
	s2 =	stileid.u32  }
0x10c: {  	s1 =	rddreg [dreg:$0x1];
	p0 =	sne.s32 s2, $0x0  }
0x10d: {  	s3 =	rddreg [dreg:$0x2];
	[bflag:$0x3] =	sbarrier.arrive $0xFFFF;
	s2 =	simm.s32 @!p0 $0x1C01  }
0x10e: {  	[timem:s3], [sflag:s2] =	dma.local @!p0 [hbm:s0], s1  }
0x10f: {  	s0 =	simm.s32 @!p0 $0x1  }
0x110: {  	_ =	swait.ge @!p0 [sflag:s0], s1  }
0x111: {  	s1 =	ssub.s32 @!p0 $0x0, s1;
	[sflag:s0] =	ssyncset.done @!p0 $0x0  }
0x112: {  	[sflag:s0] =	ssyncadd.s32 @!p0 s1  }
0x113: {  	[bflag:$0x3] =	sbarrier.arrive $0xFFFF  }
0x114: {  	_ =	shalt  }

// kernel: kernel.16.cloned.1.call-start
scs
__scs_entry_jumppad:
0x0: {  	(pc) =	sbr.rel $0x88, $3  }
0x1: {  	(tag) =	ssettag $0x0;
	lr =	simm.s32 $0x1  }
0x2: {  	[smem:$0x3F92] =	sst lr;
	_ =	strace $0xD0000000  }
0x3: {  	_ = 	snop  }
0x4: {  	_ = 	snop  }
0x5: {  	_ = 	snop  }
0x6: {  	_ = 	snop  }
0x7: {  	_ = 	snop  }
__scs_overlays_trampoline_lowered:
0x8: {  	[smem:$0x3FA1] =	sst s0  }
0x9: {  	[smem:$0x3FA2] =	sst s1  }
0xa: {  	[smem:$0x3FA3] =	sst s2  }
0xb: {  	[smem:$0x3FA4] =	sst s3  }
0xc: {  	[smem:$0x3FA5] =	sst s4  }
0xd: {  	[smem:$0x3FA6] =	sst s5  }
0xe: {  	[smem:$0x3FA7] =	sst s6  }
0xf: {  	[smem:$0x3FA8] =	sst s7  }
0x10: {  	[smem:$0x3FA9] =	sst s8  }
0x11: {  	[smem:$0x3FAA] =	sst s9;
	s0 =	simm.s32 @!p0 $0x0  }
0x12: {  	s1 =	sld [smem:$0x3F90];
	s0 =	simm.s32 @p0 $0x1  }
0x13: {  	[smem:$0x3FAB] =	sst s0;
	s0 =	simm.s32 @!p1 $0x0  }
0x14: {  	s2 =	sld [smem:$0x3F8F];
	s0 =	simm.s32 @p1 $0x1  }
0x15: {  	[smem:$0x3FAC] =	sst s0;
	s0 =	simm.s32 @!p2 $0x0  }
0x16: {  	s3 =	sld [smem:$0x3FDB];
	s0 =	simm.s32 @p2 $0x1  }
0x17: {  	s4 =	simm.s32 $0x1BF5;
	[smem:$0x3FAE] =	sst s0  }
0x18: {  	s0 =	sld [smem:$0x3F91];
	_ =	swait.ge [sflag:s4], $0x0  }
0x19: {  	s7 =	sld [smem:$0x3F92]  }
0x1a: {  	s8 =	sadd.s32 $0xFFFFE003, lr  }
0x1b: {  	s9 =	sadd.s32 $0xFFFFFEF7, lr;
	s5 =	simm.s32 $0xFFFFFFFF;
	p2 =	slt.u32 s8, $0xFFFFF086  }
0x1c: {  	p1 =	slt.u32 s9, $0xF7A;
	s5 =	simm.s32 @!p2 $0x0  }
0x1d: {  	s5 =	simm.s32 @p1 $0x1;
	p0 =	seq.s32 s7, s2  }
0x1e: {  	s7 =	smul.u32 @!p0 $0xF7A, s2;
	p2 =	seq.s32 @!p0 s5, $0x0  }
0x1f: {  	s9 =	smul.u32 $0xF7A, s1;
	s8 =	simm.s32 @!p0 $0x1BF5;
	p2 =	por !p2, p0  }
0x20: {  	[sflag:s8] =	ssyncset.s32 @!p0 $0xFFFFF086;
	s6 =	sadd.s32 @!p0 s3, s7;
	s7 =	simm.s32 @!p0 $0x108  }
0x21: {  	s3 =	sadd.s32 s3, s9;
	s6 =	sadd.s32 @!p0 $0x88, s6;
	s7 =	simm.s32 @p2 $0x1082  }
0x22: {  	[simem:s7], [sflag:s8] =	dma.local @!p0 [hbm:s6], $0xF7A  }
0x23: {  	s9 =	sor.u32 $0xD0000000, s2;
	s6 =	simm.s32 $0x108;
	_ =	swait.ge @!p0 [sflag:s8], $0x0  }
0x24: {  	s3 =	sadd.s32 $0x88, s3;
	s6 =	simm.s32 @!p1 $0x1082;
	[sflag:s4] =	ssyncset.s32 $0xFFFFF086  }
0x25: {  	[simem:s6], [sflag:s4] =	dma.local [hbm:s3], $0xF7A  }
0x26: {  	[smem:$0x3F92] =	sst s1;
	(tag) =	ssettag s2;
	_ =	strace s9  }
0x27: {  	s1 =	sld [smem:$0x3FA2]  }
0x28: {  	s2 =	sld [smem:$0x3FA3]  }
0x29: {  	s4 =	sld [smem:$0x3FA5]  }
0x2a: {  	p0 =	seq.s32 s5, $0x0;
	s5 =	sld [smem:$0x3FA6]  }
0x2b: {  	s6 =	sld [smem:$0x3FA7]  }
0x2c: {  	s7 =	sld [smem:$0x3FA8]  }
0x2d: {  	s3 =	simm.s32 $0x108;
	s8 =	sld [smem:$0x3FA9]  }
0x2e: {  	s3 =	simm.s32 @!p0 $0x1082;
	s9 =	sld [smem:$0x3FAA]  }
0x2f: {  	lr =	sadd.s32 s0, s3;
	s0 =	sld [smem:$0x3FA1]  }
0x30: {  	s3 =	sld [smem:$0x3FA4]  }
0x31: {  	[smem:$0x3FAD] =	sst s10  }
0x32: {  	s10 =	sld [smem:$0x3FAB];
	_ =	sdelay $0x3  }
0x33: {  	p0 =	seq.s32 s10, $0x1;
	s10 =	sld [smem:$0x3FAD];
	_ =	sdelay $0x3  }
0x34: {  	[smem:$0x3FAD] =	sst s10  }
0x35: {  	s10 =	sld [smem:$0x3FAC];
	_ =	sdelay $0x3  }
0x36: {  	p1 =	seq.s32 s10, $0x1;
	s10 =	sld [smem:$0x3FAD];
	_ =	sdelay $0x3  }
0x37: {  	[smem:$0x3FAD] =	sst s10  }
0x38: {  	s10 =	sld [smem:$0x3FAE]  }
0x39: {  	_ = 	snop;
	(pc) =	sbr.ind lr, $3  }
0x3a: {  	_ = 	snop  }
0x3b: {  	_ = 	snop  }
0x3c: {  	p2 =	seq.s32 s10, $0x1;
	s10 =	sld [smem:$0x3FAD]  }
0x3d: {  	_ =	shalt  }
0x3e: {  	_ =	shalt  }
0x3f: {  	_ =	shalt  }
0x40: {  	_ =	shalt  }
0x41: {  	_ =	shalt  }
0x42: {  	_ =	shalt  }
0x43: {  	_ =	shalt  }
0x44: {  	_ =	shalt  }
0x45: {  	_ =	shalt  }
0x46: {  	_ =	shalt  }
0x47: {  	_ =	shalt  }
0x48: {  	_ =	shalt  }
0x49: {  	_ =	shalt  }
0x4a: {  	_ =	shalt  }
0x4b: {  	_ =	shalt  }
0x4c: {  	_ =	shalt  }
0x4d: {  	_ =	shalt  }
0x4e: {  	_ =	shalt  }
0x4f: {  	_ =	shalt  }
0x50: {  	_ =	shalt  }
0x51: {  	_ =	shalt  }
0x52: {  	_ =	shalt  }
0x53: {  	_ =	shalt  }
0x54: {  	_ =	shalt  }
0x55: {  	_ =	shalt  }
0x56: {  	_ =	shalt  }
0x57: {  	_ =	shalt  }
0x58: {  	_ =	shalt  }
0x59: {  	_ =	shalt  }
0x5a: {  	_ =	shalt  }
0x5b: {  	_ =	shalt  }
0x5c: {  	_ =	shalt  }
0x5d: {  	_ =	shalt  }
0x5e: {  	_ =	shalt  }
0x5f: {  	_ =	shalt  }
0x60: {  	_ =	shalt  }
0x61: {  	_ =	shalt  }
0x62: {  	_ =	shalt  }
0x63: {  	_ =	shalt  }
0x64: {  	_ =	shalt  }
0x65: {  	_ =	shalt  }
0x66: {  	_ =	shalt  }
0x67: {  	_ =	shalt  }
0x68: {  	_ =	shalt  }
0x69: {  	_ =	shalt  }
0x6a: {  	_ =	shalt  }
0x6b: {  	_ =	shalt  }
0x6c: {  	_ =	shalt  }
0x6d: {  	_ =	shalt  }
0x6e: {  	_ =	shalt  }
0x6f: {  	_ =	shalt  }
0x70: {  	_ =	shalt  }
0x71: {  	_ =	shalt  }
0x72: {  	_ =	shalt  }
0x73: {  	_ =	shalt  }
0x74: {  	_ =	shalt  }
0x75: {  	_ =	shalt  }
0x76: {  	_ =	shalt  }
0x77: {  	_ =	shalt  }
0x78: {  	_ =	shalt  }
0x79: {  	_ =	shalt  }
0x7a: {  	_ =	shalt  }
0x7b: {  	_ =	shalt  }
0x7c: {  	_ =	shalt  }
0x7d: {  	_ =	shalt  }
0x7e: {  	_ =	shalt  }
0x7f: {  	_ =	shalt  }
0x80: {  	_ =	shalt  }
0x81: {  	_ =	shalt  }
0x82: {  	_ =	shalt  }
0x83: {  	_ =	shalt  }
0x84: {  	_ =	shalt  }
0x85: {  	_ =	shalt  }
0x86: {  	_ =	shalt  }
0x87: {  	_ =	shalt  }
.Lfunc_end0:
.L_simem_size_0:
called_computation.2_lowered:
.L_overlay_start_0:
0x88: {  	s2 =	sld [smem:$0x3FD9]  }
0x89: {  	s3 =	sld [smem:$0x3FFE];
	_ =	sdelay $0x1  }
0x8a: {  	s1 =	srdreg.scid  }
0x8b: {  	s0 =	sand.u32 $0x1, s1  }
0x8c: {  	s16 =	sshll.u32 s0, $0xA;
	s2 =	sadd.s32 s3, s2  }
0x8d: {  	s2 =	sadd.s32 s2, s16  }
0x8e: {  	[smem:$0x3FB9] =	sst s2  }
0x8f: {  	_ = 	snop  }
0x90: {  	(tm) =	ssettm $0x1  }
0x91: {  	s17 =	sld [smem:$0x3FFB];
	_ =	sdelay $0x3  }
0x92: {  	_ =	strace s17  }
0x93: {  	s2 =	sld [smem:$0x3FFC];
	_ =	sdelay $0x3  }
0x94: {  	_ =	strace s2  }
0x95: {  	s2 =	sld [smem:$0x3FFD];
	_ =	sdelay $0x3  }
0x96: {  	_ =	strace s2  }
0x97: {  	_ =	strace $0x8FFFFFFF  }
0x98: {  	s18 =	sld [smem:$0x3FDB];
	_ =	sdelay $0x1  }
0x99: {  	s19 =	simm.s32 $_scs_section_size  }
0x9a: {  	s4 =	simm.s32 $_size__tile_overlayer_lowered;
	s5 =	simm.s32 $_tile_overlayer_lowered  }
0x9b: {  	s22 =	simm.s32 $0x1BFF;
	s21 =	sshll.u32 s5, $0x1;
	s2 =	sadd.s32 s19, s18  }
0x9c: {  	s6 =	simm.s32 $0x0;
	s20 =	sshll.u32 s4, $0x1;
	s4 =	sadd.s32 s21, s2  }
0x9d: {  	[timem:s6], [sflag:s22] =	dma.local [hbm:s4], s20  }
0x9e: {  	_ =	swait.ge [sflag:s22], s20  }
0x9f: {  	s3 =	ssub.s32 $0x0, s20;
	[sflag:s22] =	ssyncset.done $0x0  }
0xa0: {  	[sflag:s22] =	ssyncadd.s32 s3;
	_ =	sdelay $0x1  }
0xa1: {  	s23 =	simm.s32 $0x1B8B  }
0xa2: {  	_ =	swait.ge [sflag:s23], $0x1  }
0xa3: {  	[sflag:s23] =	ssyncset.done $0x0  }
0xa4: {  	s25 =	simm.s32 $0x1B8E;
	s24 =	sld [smem:$0x3FFE];
	[sflag:s23] =	ssyncadd.s32 $0xFFFFFFFF  }
0xa5: {  	s26 =	simm.s32 $execute0_lowered;
	[smem:$0x3FD2] =	sst s25  }
0xa6: {  	s4 =	sshll.u32 s26, $0x1;
	_ =	strace $0x8000004C;
	[dreg:$0x1] =	wrdreg $0xFFFFFFFF  }
0xa7: {  	s28 =	simm.s32 $_size_execute0_lowered;
	s2 =	sadd.s32 s2, s4;
	[dreg:$0x0] =	wrdreg $0x0  }
0xa8: {  	s4 =	sshll.u32 s28, $0x1;
	[dreg:$0x2] =	wrdreg s2  }
0xa9: {  	[dreg:$0x3] =	wrdreg s4  }
0xaa: {  	[dreg:$0x4] =	wrdreg $0xC0  }
0xab: {  	_ =	task [dreg:s6], $0x5FFFF  }
0xac: {  	[dreg:$0x1] =	wrdreg $0xFFFFFFFF  }
0xad: {  	[dreg:$0x0] =	wrdreg $0x60  }
0xae: {  	[dreg:$0x2] =	wrdreg s24  }
0xaf: {  	[dreg:$0x3] =	wrdreg $0x9  }
0xb0: {  	_ =	task.clear_ibuf [dreg:s6], $0x4FFFF;
	_ =	strace $0x9000004C  }
0xb1: {  	s29 =	simm.s32 $0x9;
	_ =	strace $0x8000004E  }
0xb2: {  	_ =	swait.ge [sflag:s29], $0x1  }
0xb3: {  	[sflag:s29] =	ssyncadd.s32 $0xFFFFFFFF  }
0xb4: {  	_ =	strace $0x9000004E  }
0xb5: {  	_ =	sfence  }
0xb6: {  	s30 =	sld [smem:$0x0];
	_ =	sdelay $0x2  }
0xb7: {  	s31 =	sshll.u32 s1, $0xD;
	s1 =	sshrl.u32 s1, $0x2  }
0xb8: {  	s3 =	sand.u32 $0x4000, s31;
	s1 =	sadd.s32 s1, s30  }
0xb9: {  	s0 =	sor.u32 s3, s0;
	s1 =	sshll.u32 s1, $0x11  }
0xba: {  	s0 =	sor.u32 s1, s0  }
0xbb: {  	s0 =	sadd.s32 $0x8F2B, s0  }
0xbc: {  	[sflag:s0] =	ssyncadd.remote.s32 $0x1  }
0xbd: {  	_ =	sfence.sel $0xFFFF  }
0xbe: {  	[dreg:$0x0] =	wrdreg $0xFFFFFFFF;
	(pc) =	sbr.abs _section_cstart, $3  }
0xbf: {  	[dreg:$0x1] =	wrdreg $0xFFFFFFFF  }
0xc0: {  	_ =	task.clear_ibuf [dreg:s6], $0x2FFFF;
	_ =	strace $0x9FFFFFFF  }
0xc1: {  	(tm) =	ssettm $0x7FFFFFFF  }
tec
execute0_lowered:
.L_overlay_start_1:
0x0: {  	(tag) =	ssettag $0x1  }
0x1: {  	s0 =	srdreg.scid;
	s1 =	stileid.u32  }
0x2: {  	s2 =	rddreg [dreg:$0x0];
	s7 =	simm.s32 $0x0;
	s26 =	simm.s32 $0x1E80  }
0x3: {  	s9 =	simm.s32 $0x100;
	s10 =	simm.s32 $0x3680;
	s11 =	simm.s32 $0x180  }
0x4: {  	s12 =	simm.s32 $0x4E80;
	s13 =	simm.s32 $0x200;
	s14 =	simm.s32 $0x6680  }
0x5: {  	s15 =	simm.s32 $0x280;
	s16 =	simm.s32 $0x7E80;
	s17 =	simm.s32 $0x300  }
0x6: {  	s18 =	simm.s32 $0x9680;
	s19 =	simm.s32 $0x380;
	s20 =	simm.s32 $0xAE80  }
0x7: {  	s21 =	simm.s32 $0x400;
	s22 =	simm.s32 $0xC680;
	s23 =	simm.s32 $0x480  }
0x8: {  	s24 =	simm.s32 $0xDE80;
	s25 =	simm.s32 $0x500;
	p0 =	por $0x0, $0x0  }
0x9: {  	s28 =	simm.s32 $0x580;
	s0 =	sand.u32 $0x1, s0;
	s1 =	sshll.u32 s1, $0x1  }
0xa: {  	s29 =	simm.s32 $0x10E80;
	s1 =	sor.u32 s0, s1;
	s0 =	ssub.s32 $0x2, s0  }
0xb: {  	s30 =	simm.s32 $0x600;
	s31 =	simm.s32 $0x12680;
	s4 =	sshrl.u32 s0, $0x1  }
0xc: {  	s5 =	simm.s32 $0x1;
	s6 =	simm.s32 $0x30;
	s0 =	ssub.s32 s0, s4  }
0xd: {  	[smem:$0x7FF] =	sst s7;
	s3 =	smul.u32 $0xD0, s1;
	s0 =	smax.u32 s0, $0x1  }
0xe: {  	s8 =	sadd.s32 $0x1C00, s2;
	s1 =	smul.u32 $0x6800, s1;
	p1 =	sne.s32 s0, $0x1  }
.Ltmp0:
0xf: {  	_ =	strace $0x8000004D;
	s3 =	sadd.s32 s3, s2;
	(pc) =	sbr.rel @!p1 .LBB2_3-.Ltmp0, $4  }
0x10: {  	[dreg:$0x4] =	wrdreg s26;
	s1 =	sadd.s32 s1, s2;
	s3 =	sadd.s32 $0x10800, s3  }
0x11: {  	s26 =	simm.s32 $0xF680;
	s1 =	sadd.s32 $0xE3C00, s1;
	[dreg:$0x2] =	wrdreg s3  }
0x12: {  	s4 =	simm.s32 $0x680;
	s2 =	simm.s32 $0x2;
	[dreg:$0x3] =	wrdreg s1  }
0x13: {  	s3 =	simm.s32 $0x80;
	s1 =	sadd.s32 $0xFFFFFFFF, s0;
	s0 =	rddreg [dreg:$0x2]  }
0x14: {  	[tilespmem:s7], [sflag:$0x2] =	stream.linear.gather [hbm4b:s0+s7], $0x680, $0x38;
	[tilespmem:$0x13E80] =	vst v63  }
0x15: {  	_ =	swait.ge [sflag:s2], $0x680  }
0x16: {  	[sflag:s2] =	ssyncset.done $0x0  }
0x17: {  	[sflag:s2] =	ssyncadd.s32 $0xFFFFF980  }
0x18: {  	[tilespmem:s4], [sflag:$0x1] =	stream.indirect.gather [hbm4b:s8+s3], $0x30, s7, s3, $0xb8;
	[tilespmem:$0x13E80] =	vst v63  }
0x19: {  	s0 =	rddreg [dreg:$0x4]  }
0x1a: {  	[tilespmem:s0], [sflag:$0x1] =	stream.indirect.gather [hbm4b:s8+s3], $0x30, s3, s3, $0xb8;
	[tilespmem:$0x13E80] =	vst v63  }
0x1b: {  	_ = 	snop  }
0x1c: {  	[tilespmem:s10], [sflag:$0x1] =	stream.indirect.gather [hbm4b:s8+s3], $0x30, s9, s3, $0xb8;
	[tilespmem:$0x13E80] =	vst v63  }
0x1d: {  	_ = 	snop  }
0x1e: {  	[tilespmem:s12], [sflag:$0x1] =	stream.indirect.gather [hbm4b:s8+s3], $0x30, s11, s3, $0xb8;
	[tilespmem:$0x13E80] =	vst v63  }
0x1f: {  	_ = 	snop  }
0x20: {  	[tilespmem:s14], [sflag:$0x1] =	stream.indirect.gather [hbm4b:s8+s3], $0x30, s13, s3, $0xb8;
	[tilespmem:$0x13E80] =	vst v63  }
0x21: {  	_ = 	snop  }
0x22: {  	[tilespmem:s16], [sflag:$0x1] =	stream.indirect.gather [hbm4b:s8+s3], $0x30, s15, s3, $0xb8;
	[tilespmem:$0x13E80] =	vst v63  }
0x23: {  	_ = 	snop  }
0x24: {  	[tilespmem:s18], [sflag:$0x1] =	stream.indirect.gather [hbm4b:s8+s3], $0x30, s17, s3, $0xb8;
	[tilespmem:$0x13E80] =	vst v63  }
0x25: {  	_ = 	snop  }
0x26: {  	[tilespmem:s20], [sflag:$0x1] =	stream.indirect.gather [hbm4b:s8+s3], $0x30, s19, s3, $0xb8;
	[tilespmem:$0x13E80] =	vst v63  }
0x27: {  	_ = 	snop  }
0x28: {  	[tilespmem:s22], [sflag:$0x1] =	stream.indirect.gather [hbm4b:s8+s3], $0x30, s21, s3, $0xb8;
	[tilespmem:$0x13E80] =	vst v63  }
0x29: {  	_ = 	snop  }
0x2a: {  	[tilespmem:s24], [sflag:$0x1] =	stream.indirect.gather [hbm4b:s8+s3], $0x30, s23, s3, $0xb8;
	[tilespmem:$0x13E80] =	vst v63  }
0x2b: {  	_ = 	snop  }
0x2c: {  	[tilespmem:s26], [sflag:$0x1] =	stream.indirect.gather [hbm4b:s8+s3], $0x30, s25, s3, $0xb8;
	[tilespmem:$0x13E80] =	vst v63  }
0x2d: {  	_ = 	snop  }
0x2e: {  	[tilespmem:s29], [sflag:$0x1] =	stream.indirect.gather [hbm4b:s8+s3], $0x30, s28, s3, $0xb8;
	[tilespmem:$0x13E80] =	vst v63  }
0x2f: {  	_ = 	snop  }
0x30: {  	[tilespmem:s31], [sflag:$0x1] =	stream.indirect.gather [hbm4b:s8+s3], $0x30, s30, s3, $0xb8;
	[tilespmem:$0x13E80] =	vst v63  }
0x31: {  	_ =	swait.ge [sflag:s5], $0x1800  }
0x32: {  	[sflag:s5] =	ssyncset.done $0x0  }
0x33: {  	[sflag:s5] =	ssyncadd.s32 $0xFFFFE800  }
0x34: {  	_ =	swait.ge [sflag:s5], $0x1800  }
0x35: {  	[sflag:s5] =	ssyncset.done $0x0  }
0x36: {  	[sflag:s5] =	ssyncadd.s32 $0xFFFFE800  }
0x37: {  	_ =	swait.ge [sflag:s5], $0x1800  }
0x38: {  	[sflag:s5] =	ssyncset.done $0x0  }
0x39: {  	[sflag:s5] =	ssyncadd.s32 $0xFFFFE800  }
0x3a: {  	_ =	swait.ge [sflag:s5], $0x1800  }
0x3b: {  	[sflag:s5] =	ssyncset.done $0x0  }
0x3c: {  	[sflag:s5] =	ssyncadd.s32 $0xFFFFE800  }
0x3d: {  	_ =	swait.ge [sflag:s5], $0x1800  }
0x3e: {  	[sflag:s5] =	ssyncset.done $0x0  }
0x3f: {  	[sflag:s5] =	ssyncadd.s32 $0xFFFFE800  }
0x40: {  	_ =	swait.ge [sflag:s5], $0x1800  }
0x41: {  	[sflag:s5] =	ssyncset.done $0x0  }
0x42: {  	[sflag:s5] =	ssyncadd.s32 $0xFFFFE800  }
0x43: {  	_ =	swait.ge [sflag:s5], $0x1800  }
0x44: {  	[sflag:s5] =	ssyncset.done $0x0  }
0x45: {  	[sflag:s5] =	ssyncadd.s32 $0xFFFFE800  }
0x46: {  	_ =	swait.ge [sflag:s5], $0x1800  }
0x47: {  	[sflag:s5] =	ssyncset.done $0x0  }
0x48: {  	[sflag:s5] =	ssyncadd.s32 $0xFFFFE800  }
0x49: {  	_ =	swait.ge [sflag:s5], $0x1800  }
0x4a: {  	[sflag:s5] =	ssyncset.done $0x0  }
0x4b: {  	[sflag:s5] =	ssyncadd.s32 $0xFFFFE800  }
0x4c: {  	_ =	swait.ge [sflag:s5], $0x1800  }
0x4d: {  	[sflag:s5] =	ssyncset.done $0x0  }
0x4e: {  	[sflag:s5] =	ssyncadd.s32 $0xFFFFE800  }
0x4f: {  	_ =	swait.ge [sflag:s5], $0x1800  }
0x50: {  	[sflag:s5] =	ssyncset.done $0x0  }
0x51: {  	[sflag:s5] =	ssyncadd.s32 $0xFFFFE800  }
0x52: {  	_ =	swait.ge [sflag:s5], $0x1800  }
0x53: {  	[sflag:s5] =	ssyncset.done $0x0  }
0x54: {  	[sflag:s5] =	ssyncadd.s32 $0xFFFFE800  }
0x55: {  	p1 =	sne.s32 s1, $0x1;
	_ =	swait.ge [sflag:s5], $0x1800  }
.Ltmp1:
0x56: {  	[sflag:s5] =	ssyncset.done $0x0;
	(pc) =	sbr.rel @!p1 .LBB2_3-.Ltmp1, $4  }
0x57: {  	s0 =	rddreg [dreg:$0x3];
	[sflag:s5] =	ssyncadd.s32 $0xFFFFE800  }
0x58: {  	[hbm4b:s0+s6] =	stream.strided.scatter [tilespmem:s4], [sflag:$0x2], $0x13800, s3, s6, $0x38;
	[tilespmem:$0x13E80] =	vst v63  }
0x59: {  	s1 =	sadd.s32 $0xFFFFFFFF, s1;
	_ =	swait.ge [sflag:s2], $0x13800  }
0x5a: {  	p0 =	por $0x1, $0x1;
	s0 =	rddreg [dreg:$0x2];
	[sflag:s2] =	ssyncset.done $0x0  }
.LBB2_2:
0x5b: {  	[sflag:s2] =	ssyncadd.s32 $0xFFFEC800  }
0x5c: {  	[tilespmem:s7], [sflag:$0x2] =	stream.linear.gather [hbm4b:s0+s7], $0x680, $0x38;
	[tilespmem:$0x13E80] =	vst v63  }
0x5d: {  	_ =	swait.ge [sflag:s2], $0x680  }
0x5e: {  	[sflag:s2] =	ssyncset.done $0x0  }
0x5f: {  	[sflag:s2] =	ssyncadd.s32 $0xFFFFF980  }
0x60: {  	[tilespmem:s4], [sflag:$0x1] =	stream.indirect.gather [hbm4b:s8+s3], $0x30, s7, s3, $0xb8;
	[tilespmem:$0x13E80] =	vst v63  }
0x61: {  	s0 =	rddreg [dreg:$0x4]  }
0x62: {  	[tilespmem:s0], [sflag:$0x1] =	stream.indirect.gather [hbm4b:s8+s3], $0x30, s3, s3, $0xb8;
	[tilespmem:$0x13E80] =	vst v63  }
0x63: {  	_ = 	snop  }
0x64: {  	[tilespmem:s10], [sflag:$0x1] =	stream.indirect.gather [hbm4b:s8+s3], $0x30, s9, s3, $0xb8;
	[tilespmem:$0x13E80] =	vst v63  }
0x65: {  	_ = 	snop  }
0x66: {  	[tilespmem:s12], [sflag:$0x1] =	stream.indirect.gather [hbm4b:s8+s3], $0x30, s11, s3, $0xb8;
	[tilespmem:$0x13E80] =	vst v63  }
0x67: {  	_ = 	snop  }
0x68: {  	[tilespmem:s14], [sflag:$0x1] =	stream.indirect.gather [hbm4b:s8+s3], $0x30, s13, s3, $0xb8;
	[tilespmem:$0x13E80] =	vst v63  }
0x69: {  	_ = 	snop  }
0x6a: {  	[tilespmem:s16], [sflag:$0x1] =	stream.indirect.gather [hbm4b:s8+s3], $0x30, s15, s3, $0xb8;
	[tilespmem:$0x13E80] =	vst v63  }
0x6b: {  	_ = 	snop  }
0x6c: {  	[tilespmem:s18], [sflag:$0x1] =	stream.indirect.gather [hbm4b:s8+s3], $0x30, s17, s3, $0xb8;
	[tilespmem:$0x13E80] =	vst v63  }
0x6d: {  	_ = 	snop  }
0x6e: {  	[tilespmem:s20], [sflag:$0x1] =	stream.indirect.gather [hbm4b:s8+s3], $0x30, s19, s3, $0xb8;
	[tilespmem:$0x13E80] =	vst v63  }
0x6f: {  	_ = 	snop  }
0x70: {  	[tilespmem:s22], [sflag:$0x1] =	stream.indirect.gather [hbm4b:s8+s3], $0x30, s21, s3, $0xb8;
	[tilespmem:$0x13E80] =	vst v63  }
0x71: {  	_ = 	snop  }
0x72: {  	[tilespmem:s24], [sflag:$0x1] =	stream.indirect.gather [hbm4b:s8+s3], $0x30, s23, s3, $0xb8;
	[tilespmem:$0x13E80] =	vst v63  }
0x73: {  	_ = 	snop  }
0x74: {  	[tilespmem:s26], [sflag:$0x1] =	stream.indirect.gather [hbm4b:s8+s3], $0x30, s25, s3, $0xb8;
	[tilespmem:$0x13E80] =	vst v63  }
0x75: {  	_ = 	snop  }
0x76: {  	[tilespmem:s29], [sflag:$0x1] =	stream.indirect.gather [hbm4b:s8+s3], $0x30, s28, s3, $0xb8;
	[tilespmem:$0x13E80] =	vst v63  }
0x77: {  	_ = 	snop  }
0x78: {  	[tilespmem:s31], [sflag:$0x1] =	stream.indirect.gather [hbm4b:s8+s3], $0x30, s30, s3, $0xb8;
	[tilespmem:$0x13E80] =	vst v63  }
0x79: {  	_ =	swait.ge [sflag:s5], $0x1800  }
0x7a: {  	[sflag:s5] =	ssyncset.done $0x0  }
0x7b: {  	[sflag:s5] =	ssyncadd.s32 $0xFFFFE800  }
0x7c: {  	_ =	swait.ge [sflag:s5], $0x1800  }
0x7d: {  	[sflag:s5] =	ssyncset.done $0x0  }
0x7e: {  	[sflag:s5] =	ssyncadd.s32 $0xFFFFE800  }
0x7f: {  	_ =	swait.ge [sflag:s5], $0x1800  }
0x80: {  	[sflag:s5] =	ssyncset.done $0x0  }
0x81: {  	[sflag:s5] =	ssyncadd.s32 $0xFFFFE800  }
0x82: {  	_ =	swait.ge [sflag:s5], $0x1800  }
0x83: {  	[sflag:s5] =	ssyncset.done $0x0  }
0x84: {  	[sflag:s5] =	ssyncadd.s32 $0xFFFFE800  }
0x85: {  	_ =	swait.ge [sflag:s5], $0x1800  }
0x86: {  	[sflag:s5] =	ssyncset.done $0x0  }
0x87: {  	[sflag:s5] =	ssyncadd.s32 $0xFFFFE800  }
0x88: {  	_ =	swait.ge [sflag:s5], $0x1800  }
0x89: {  	[sflag:s5] =	ssyncset.done $0x0  }
0x8a: {  	[sflag:s5] =	ssyncadd.s32 $0xFFFFE800  }
0x8b: {  	_ =	swait.ge [sflag:s5], $0x1800  }
0x8c: {  	[sflag:s5] =	ssyncset.done $0x0  }
0x8d: {  	[sflag:s5] =	ssyncadd.s32 $0xFFFFE800  }
0x8e: {  	_ =	swait.ge [sflag:s5], $0x1800  }
0x8f: {  	[sflag:s5] =	ssyncset.done $0x0  }
0x90: {  	[sflag:s5] =	ssyncadd.s32 $0xFFFFE800  }
0x91: {  	_ =	swait.ge [sflag:s5], $0x1800  }
0x92: {  	[sflag:s5] =	ssyncset.done $0x0  }
0x93: {  	[sflag:s5] =	ssyncadd.s32 $0xFFFFE800  }
0x94: {  	_ =	swait.ge [sflag:s5], $0x1800  }
0x95: {  	[sflag:s5] =	ssyncset.done $0x0  }
0x96: {  	[sflag:s5] =	ssyncadd.s32 $0xFFFFE800  }
0x97: {  	_ =	swait.ge [sflag:s5], $0x1800  }
0x98: {  	[sflag:s5] =	ssyncset.done $0x0  }
0x99: {  	[sflag:s5] =	ssyncadd.s32 $0xFFFFE800  }
0x9a: {  	_ =	swait.ge [sflag:s5], $0x1800  }
0x9b: {  	[sflag:s5] =	ssyncset.done $0x0  }
0x9c: {  	[sflag:s5] =	ssyncadd.s32 $0xFFFFE800  }
0x9d: {  	p1 =	sne.s32 s1, $0x1;
	_ =	swait.ge [sflag:s5], $0x1800  }
.Ltmp2:
0x9e: {  	[sflag:s5] =	ssyncset.done $0x0;
	(pc) =	sbr.rel @p1 .LBB2_2-.Ltmp2, $4  }
0x9f: {  	s0 =	rddreg [dreg:$0x3];
	[sflag:s5] =	ssyncadd.s32 $0xFFFFE800  }
0xa0: {  	[hbm4b:s0+s6] =	stream.strided.scatter [tilespmem:s4], [sflag:$0x2], $0x13800, s3, s6, $0x38;
	[tilespmem:$0x13E80] =	vst v63  }
0xa1: {  	_ =	swait.ge [sflag:s2], $0x13800  }
0xa2: {  	s1 =	sadd.s32 $0xFFFFFFFF, s1;
	s0 =	rddreg [dreg:$0x2];
	[sflag:s2] =	ssyncset.done $0x0  }
.LBB2_3:
0xa3: {  	[sflag:s2] =	ssyncadd.s32 @p0 $0xFFFEC800  }
0xa4: {  	[tilespmem:s7], [sflag:$0x2] =	stream.linear.gather [hbm4b:s0+s7], $0x680, $0x38;
	[tilespmem:$0x13E80] =	vst v63  }
0xa5: {  	_ =	swait.ge [sflag:s2], $0x680  }
0xa6: {  	[sflag:s2] =	ssyncset.done $0x0  }
0xa7: {  	[sflag:s2] =	ssyncadd.s32 $0xFFFFF980  }
0xa8: {  	[tilespmem:s4], [sflag:$0x1] =	stream.indirect.gather [hbm4b:s8+s3], $0x30, s7, s3, $0xb8;
	[tilespmem:$0x13E80] =	vst v63  }
0xa9: {  	s1 =	rddreg [dreg:$0x4]  }
0xaa: {  	[tilespmem:s1], [sflag:$0x1] =	stream.indirect.gather [hbm4b:s8+s3], $0x30, s3, s3, $0xb8;
	[tilespmem:$0x13E80] =	vst v63  }
0xab: {  	_ = 	snop  }
0xac: {  	[tilespmem:s10], [sflag:$0x1] =	stream.indirect.gather [hbm4b:s8+s3], $0x30, s9, s3, $0xb8;
	[tilespmem:$0x13E80] =	vst v63  }
0xad: {  	_ = 	snop  }
0xae: {  	[tilespmem:s12], [sflag:$0x1] =	stream.indirect.gather [hbm4b:s8+s3], $0x30, s11, s3, $0xb8;
	[tilespmem:$0x13E80] =	vst v63  }
0xaf: {  	_ = 	snop  }
0xb0: {  	[tilespmem:s14], [sflag:$0x1] =	stream.indirect.gather [hbm4b:s8+s3], $0x30, s13, s3, $0xb8;
	[tilespmem:$0x13E80] =	vst v63  }
0xb1: {  	_ = 	snop  }
0xb2: {  	[tilespmem:s16], [sflag:$0x1] =	stream.indirect.gather [hbm4b:s8+s3], $0x30, s15, s3, $0xb8;
	[tilespmem:$0x13E80] =	vst v63  }
0xb3: {  	_ = 	snop  }
0xb4: {  	[tilespmem:s18], [sflag:$0x1] =	stream.indirect.gather [hbm4b:s8+s3], $0x30, s17, s3, $0xb8;
	[tilespmem:$0x13E80] =	vst v63  }
0xb5: {  	_ = 	snop  }
0xb6: {  	[tilespmem:s20], [sflag:$0x1] =	stream.indirect.gather [hbm4b:s8+s3], $0x30, s19, s3, $0xb8;
	[tilespmem:$0x13E80] =	vst v63  }
0xb7: {  	_ = 	snop  }
0xb8: {  	[tilespmem:s22], [sflag:$0x1] =	stream.indirect.gather [hbm4b:s8+s3], $0x30, s21, s3, $0xb8;
	[tilespmem:$0x13E80] =	vst v63  }
0xb9: {  	_ = 	snop  }
0xba: {  	[tilespmem:s24], [sflag:$0x1] =	stream.indirect.gather [hbm4b:s8+s3], $0x30, s23, s3, $0xb8;
	[tilespmem:$0x13E80] =	vst v63  }
0xbb: {  	_ = 	snop  }
0xbc: {  	[tilespmem:s26], [sflag:$0x1] =	stream.indirect.gather [hbm4b:s8+s3], $0x30, s25, s3, $0xb8;
	[tilespmem:$0x13E80] =	vst v63  }
0xbd: {  	_ = 	snop  }
0xbe: {  	[tilespmem:s29], [sflag:$0x1] =	stream.indirect.gather [hbm4b:s8+s3], $0x30, s28, s3, $0xb8;
	[tilespmem:$0x13E80] =	vst v63  }
0xbf: {  	_ = 	snop  }
0xc0: {  	[tilespmem:s31], [sflag:$0x1] =	stream.indirect.gather [hbm4b:s8+s3], $0x30, s30, s3, $0xb8;
	[tilespmem:$0x13E80] =	vst v63  }
0xc1: {  	_ =	swait.ge [sflag:s5], $0x1800  }
0xc2: {  	[sflag:s5] =	ssyncset.done $0x0  }
0xc3: {  	[sflag:s5] =	ssyncadd.s32 $0xFFFFE800  }
0xc4: {  	_ =	swait.ge [sflag:s5], $0x1800  }
0xc5: {  	[sflag:s5] =	ssyncset.done $0x0  }
0xc6: {  	[sflag:s5] =	ssyncadd.s32 $0xFFFFE800  }
0xc7: {  	_ =	swait.ge [sflag:s5], $0x1800  }
0xc8: {  	[sflag:s5] =	ssyncset.done $0x0  }
0xc9: {  	[sflag:s5] =	ssyncadd.s32 $0xFFFFE800  }
0xca: {  	_ =	swait.ge [sflag:s5], $0x1800  }
0xcb: {  	[sflag:s5] =	ssyncset.done $0x0  }
0xcc: {  	[sflag:s5] =	ssyncadd.s32 $0xFFFFE800  }
0xcd: {  	_ =	swait.ge [sflag:s5], $0x1800  }
0xce: {  	[sflag:s5] =	ssyncset.done $0x0  }
0xcf: {  	[sflag:s5] =	ssyncadd.s32 $0xFFFFE800  }
0xd0: {  	_ =	swait.ge [sflag:s5], $0x1800  }
0xd1: {  	[sflag:s5] =	ssyncset.done $0x0  }
0xd2: {  	[sflag:s5] =	ssyncadd.s32 $0xFFFFE800  }
0xd3: {  	_ =	swait.ge [sflag:s5], $0x1800  }
0xd4: {  	[sflag:s5] =	ssyncset.done $0x0  }
0xd5: {  	[sflag:s5] =	ssyncadd.s32 $0xFFFFE800  }
0xd6: {  	_ =	swait.ge [sflag:s5], $0x1800  }
0xd7: {  	[sflag:s5] =	ssyncset.done $0x0  }
0xd8: {  	[sflag:s5] =	ssyncadd.s32 $0xFFFFE800  }
0xd9: {  	_ =	swait.ge [sflag:s5], $0x1800  }
0xda: {  	[sflag:s5] =	ssyncset.done $0x0  }
0xdb: {  	[sflag:s5] =	ssyncadd.s32 $0xFFFFE800  }
0xdc: {  	_ =	swait.ge [sflag:s5], $0x1800  }
0xdd: {  	[sflag:s5] =	ssyncset.done $0x0  }
0xde: {  	[sflag:s5] =	ssyncadd.s32 $0xFFFFE800  }
0xdf: {  	_ =	swait.ge [sflag:s5], $0x1800  }
0xe0: {  	[sflag:s5] =	ssyncset.done $0x0  }
0xe1: {  	[sflag:s5] =	ssyncadd.s32 $0xFFFFE800  }
0xe2: {  	_ =	swait.ge [sflag:s5], $0x1800  }
0xe3: {  	[sflag:s5] =	ssyncset.done $0x0  }
0xe4: {  	[sflag:s5] =	ssyncadd.s32 $0xFFFFE800  }
0xe5: {  	_ =	swait.ge [sflag:s5], $0x1800  }
0xe6: {  	[sflag:s5] =	ssyncset.done $0x0  }
0xe7: {  	s30 =	rddreg [dreg:$0x3];
	[sflag:s5] =	ssyncadd.s32 $0xFFFFE800  }
0xe8: {  	[hbm4b:s30+s6] =	stream.strided.scatter [tilespmem:s4], [sflag:$0x2], $0x13800, s3, s6, $0x38;
	[tilespmem:$0x13E80] =	vst v63  }
0xe9: {  	_ =	swait.ge [sflag:s2], $0x13800  }
0xea: {  	[sflag:s2] =	ssyncset.done $0x0  }
0xeb: {  	[sflag:s2] =	ssyncadd.s32 $0xFFFEC800  }
0xec: {  	_ =	sfence.sel $0x180000  }
0xed: {  	[bflag:$0x0] =	sbarrier.arrive $0xFFFF  }
0xee: {  	_ =	strace $0x9000004D  }
0xef: {  	s31 =	stileid.u32;
	[bflag:$0x2] =	sbarrier.arrive $0xFFFF  }
0xf0: {  	p0 =	sne.s32 s31, $0x0;
	s0 =	rddreg [dreg:$0x1]  }
0xf1: {  	s0 =	sadd.s32 @!p0 $0x100000, s0  }
0xf2: {  	[sflag:s0] =	ssyncadd.tile.s32 @!p0 $0x1;
	_ =	shalt  }
.Lfunc_end2:
_tile_overlayer_lowered:
.L_overlay_start_2:
0xf3: {  	(tag) =	ssettag $0x2  }
0xf4: {  	s0 =	rddreg [dreg:$0x0];
	s2 =	stileid.u32  }
0xf5: {  	s1 =	rddreg [dreg:$0x1];
	p0 =	sne.s32 s2, $0x0  }
0xf6: {  	s3 =	rddreg [dreg:$0x2];
	[bflag:$0x3] =	sbarrier.arrive $0xFFFF;
	s2 =	simm.s32 @!p0 $0x1C02  }
0xf7: {  	[timem:s3], [sflag:s2] =	dma.local @!p0 [hbm:s0], s1  }
0xf8: {  	s0 =	simm.s32 @!p0 $0x2  }
0xf9: {  	_ =	swait.ge @!p0 [sflag:s0], s1  }
0xfa: {  	s1 =	ssub.s32 @!p0 $0x0, s1;
	[sflag:s0] =	ssyncset.done @!p0 $0x0  }
0xfb: {  	[sflag:s0] =	ssyncadd.s32 @!p0 s1  }
0xfc: {  	[bflag:$0x3] =	sbarrier.arrive $0xFFFF  }
0xfd: {  	_ =	shalt  }

// kernel: kernel.19.cloned.1.call-start
scs
__scs_entry_jumppad:
0x0: {  	(pc) =	sbr.rel $0x88, $3  }
0x1: {  	(tag) =	ssettag $0x0;
	lr =	simm.s32 $0x1  }
0x2: {  	[smem:$0x3F92] =	sst lr;
	_ =	strace $0xD0000000  }
0x3: {  	_ = 	snop  }
0x4: {  	_ = 	snop  }
0x5: {  	_ = 	snop  }
0x6: {  	_ = 	snop  }
0x7: {  	_ = 	snop  }
__scs_overlays_trampoline_lowered:
0x8: {  	[smem:$0x3FA1] =	sst s0  }
0x9: {  	[smem:$0x3FA2] =	sst s1  }
0xa: {  	[smem:$0x3FA3] =	sst s2  }
0xb: {  	[smem:$0x3FA4] =	sst s3  }
0xc: {  	[smem:$0x3FA5] =	sst s4  }
0xd: {  	[smem:$0x3FA6] =	sst s5  }
0xe: {  	[smem:$0x3FA7] =	sst s6  }
0xf: {  	[smem:$0x3FA8] =	sst s7  }
0x10: {  	[smem:$0x3FA9] =	sst s8  }
0x11: {  	[smem:$0x3FAA] =	sst s9;
	s0 =	simm.s32 @!p0 $0x0  }
0x12: {  	s1 =	sld [smem:$0x3F90];
	s0 =	simm.s32 @p0 $0x1  }
0x13: {  	[smem:$0x3FAB] =	sst s0;
	s0 =	simm.s32 @!p1 $0x0  }
0x14: {  	s2 =	sld [smem:$0x3F8F];
	s0 =	simm.s32 @p1 $0x1  }
0x15: {  	[smem:$0x3FAC] =	sst s0;
	s0 =	simm.s32 @!p2 $0x0  }
0x16: {  	s3 =	sld [smem:$0x3FDB];
	s0 =	simm.s32 @p2 $0x1  }
0x17: {  	s4 =	simm.s32 $0x1BF5;
	[smem:$0x3FAE] =	sst s0  }
0x18: {  	s0 =	sld [smem:$0x3F91];
	_ =	swait.ge [sflag:s4], $0x0  }
0x19: {  	s7 =	sld [smem:$0x3F92]  }
0x1a: {  	s8 =	sadd.s32 $0xFFFFE003, lr  }
0x1b: {  	s9 =	sadd.s32 $0xFFFFFEF7, lr;
	s5 =	simm.s32 $0xFFFFFFFF;
	p2 =	slt.u32 s8, $0xFFFFF086  }
0x1c: {  	p1 =	slt.u32 s9, $0xF7A;
	s5 =	simm.s32 @!p2 $0x0  }
0x1d: {  	s5 =	simm.s32 @p1 $0x1;
	p0 =	seq.s32 s7, s2  }
0x1e: {  	s7 =	smul.u32 @!p0 $0xF7A, s2;
	p2 =	seq.s32 @!p0 s5, $0x0  }
0x1f: {  	s9 =	smul.u32 $0xF7A, s1;
	s8 =	simm.s32 @!p0 $0x1BF5;
	p2 =	por !p2, p0  }
0x20: {  	[sflag:s8] =	ssyncset.s32 @!p0 $0xFFFFF086;
	s6 =	sadd.s32 @!p0 s3, s7;
	s7 =	simm.s32 @!p0 $0x108  }
0x21: {  	s3 =	sadd.s32 s3, s9;
	s6 =	sadd.s32 @!p0 $0x88, s6;
	s7 =	simm.s32 @p2 $0x1082  }
0x22: {  	[simem:s7], [sflag:s8] =	dma.local @!p0 [hbm:s6], $0xF7A  }
0x23: {  	s9 =	sor.u32 $0xD0000000, s2;
	s6 =	simm.s32 $0x108;
	_ =	swait.ge @!p0 [sflag:s8], $0x0  }
0x24: {  	s3 =	sadd.s32 $0x88, s3;
	s6 =	simm.s32 @!p1 $0x1082;
	[sflag:s4] =	ssyncset.s32 $0xFFFFF086  }
0x25: {  	[simem:s6], [sflag:s4] =	dma.local [hbm:s3], $0xF7A  }
0x26: {  	[smem:$0x3F92] =	sst s1;
	(tag) =	ssettag s2;
	_ =	strace s9  }
0x27: {  	s1 =	sld [smem:$0x3FA2]  }
0x28: {  	s2 =	sld [smem:$0x3FA3]  }
0x29: {  	s4 =	sld [smem:$0x3FA5]  }
0x2a: {  	p0 =	seq.s32 s5, $0x0;
	s5 =	sld [smem:$0x3FA6]  }
0x2b: {  	s6 =	sld [smem:$0x3FA7]  }
0x2c: {  	s7 =	sld [smem:$0x3FA8]  }
0x2d: {  	s3 =	simm.s32 $0x108;
	s8 =	sld [smem:$0x3FA9]  }
0x2e: {  	s3 =	simm.s32 @!p0 $0x1082;
	s9 =	sld [smem:$0x3FAA]  }
0x2f: {  	lr =	sadd.s32 s0, s3;
	s0 =	sld [smem:$0x3FA1]  }
0x30: {  	s3 =	sld [smem:$0x3FA4]  }
0x31: {  	[smem:$0x3FAD] =	sst s10  }
0x32: {  	s10 =	sld [smem:$0x3FAB];
	_ =	sdelay $0x3  }
0x33: {  	p0 =	seq.s32 s10, $0x1;
	s10 =	sld [smem:$0x3FAD];
	_ =	sdelay $0x3  }
0x34: {  	[smem:$0x3FAD] =	sst s10  }
0x35: {  	s10 =	sld [smem:$0x3FAC];
	_ =	sdelay $0x3  }
0x36: {  	p1 =	seq.s32 s10, $0x1;
	s10 =	sld [smem:$0x3FAD];
	_ =	sdelay $0x3  }
0x37: {  	[smem:$0x3FAD] =	sst s10  }
0x38: {  	s10 =	sld [smem:$0x3FAE]  }
0x39: {  	_ = 	snop;
	(pc) =	sbr.ind lr, $3  }
0x3a: {  	_ = 	snop  }
0x3b: {  	_ = 	snop  }
0x3c: {  	p2 =	seq.s32 s10, $0x1;
	s10 =	sld [smem:$0x3FAD]  }
0x3d: {  	_ =	shalt  }
0x3e: {  	_ =	shalt  }
0x3f: {  	_ =	shalt  }
0x40: {  	_ =	shalt  }
0x41: {  	_ =	shalt  }
0x42: {  	_ =	shalt  }
0x43: {  	_ =	shalt  }
0x44: {  	_ =	shalt  }
0x45: {  	_ =	shalt  }
0x46: {  	_ =	shalt  }
0x47: {  	_ =	shalt  }
0x48: {  	_ =	shalt  }
0x49: {  	_ =	shalt  }
0x4a: {  	_ =	shalt  }
0x4b: {  	_ =	shalt  }
0x4c: {  	_ =	shalt  }
0x4d: {  	_ =	shalt  }
0x4e: {  	_ =	shalt  }
0x4f: {  	_ =	shalt  }
0x50: {  	_ =	shalt  }
0x51: {  	_ =	shalt  }
0x52: {  	_ =	shalt  }
0x53: {  	_ =	shalt  }
0x54: {  	_ =	shalt  }
0x55: {  	_ =	shalt  }
0x56: {  	_ =	shalt  }
0x57: {  	_ =	shalt  }
0x58: {  	_ =	shalt  }
0x59: {  	_ =	shalt  }
0x5a: {  	_ =	shalt  }
0x5b: {  	_ =	shalt  }
0x5c: {  	_ =	shalt  }
0x5d: {  	_ =	shalt  }
0x5e: {  	_ =	shalt  }
0x5f: {  	_ =	shalt  }
0x60: {  	_ =	shalt  }
0x61: {  	_ =	shalt  }
0x62: {  	_ =	shalt  }
0x63: {  	_ =	shalt  }
0x64: {  	_ =	shalt  }
0x65: {  	_ =	shalt  }
0x66: {  	_ =	shalt  }
0x67: {  	_ =	shalt  }
0x68: {  	_ =	shalt  }
0x69: {  	_ =	shalt  }
0x6a: {  	_ =	shalt  }
0x6b: {  	_ =	shalt  }
0x6c: {  	_ =	shalt  }
0x6d: {  	_ =	shalt  }
0x6e: {  	_ =	shalt  }
0x6f: {  	_ =	shalt  }
0x70: {  	_ =	shalt  }
0x71: {  	_ =	shalt  }
0x72: {  	_ =	shalt  }
0x73: {  	_ =	shalt  }
0x74: {  	_ =	shalt  }
0x75: {  	_ =	shalt  }
0x76: {  	_ =	shalt  }
0x77: {  	_ =	shalt  }
0x78: {  	_ =	shalt  }
0x79: {  	_ =	shalt  }
0x7a: {  	_ =	shalt  }
0x7b: {  	_ =	shalt  }
0x7c: {  	_ =	shalt  }
0x7d: {  	_ =	shalt  }
0x7e: {  	_ =	shalt  }
0x7f: {  	_ =	shalt  }
0x80: {  	_ =	shalt  }
0x81: {  	_ =	shalt  }
0x82: {  	_ =	shalt  }
0x83: {  	_ =	shalt  }
0x84: {  	_ =	shalt  }
0x85: {  	_ =	shalt  }
0x86: {  	_ =	shalt  }
0x87: {  	_ =	shalt  }
.Lfunc_end0:
.L_simem_size_0:
called_computation.3_lowered:
.L_overlay_start_0:
0x88: {  	s2 =	sld [smem:$0x3FD9]  }
0x89: {  	s3 =	sld [smem:$0x3FFE];
	_ =	sdelay $0x1  }
0x8a: {  	s1 =	srdreg.scid  }
0x8b: {  	s0 =	sand.u32 $0x1, s1  }
0x8c: {  	s16 =	sshll.u32 s0, $0xA;
	s2 =	sadd.s32 s3, s2  }
0x8d: {  	s2 =	sadd.s32 s2, s16  }
0x8e: {  	[smem:$0x3FB9] =	sst s2  }
0x8f: {  	_ = 	snop  }
0x90: {  	(tm) =	ssettm $0x1  }
0x91: {  	s17 =	sld [smem:$0x3FFB];
	_ =	sdelay $0x3  }
0x92: {  	_ =	strace s17  }
0x93: {  	s2 =	sld [smem:$0x3FFC];
	_ =	sdelay $0x3  }
0x94: {  	_ =	strace s2  }
0x95: {  	s2 =	sld [smem:$0x3FFD];
	_ =	sdelay $0x3  }
0x96: {  	_ =	strace s2  }
0x97: {  	_ =	strace $0x8FFFFFFF  }
0x98: {  	s18 =	sld [smem:$0x3FDB];
	_ =	sdelay $0x1  }
0x99: {  	s19 =	simm.s32 $_scs_section_size  }
0x9a: {  	s4 =	simm.s32 $_size__tile_overlayer_lowered;
	s5 =	simm.s32 $_tile_overlayer_lowered  }
0x9b: {  	s22 =	simm.s32 $0x1BFF;
	s21 =	sshll.u32 s5, $0x1;
	s2 =	sadd.s32 s19, s18  }
0x9c: {  	s6 =	simm.s32 $0x0;
	s20 =	sshll.u32 s4, $0x1;
	s4 =	sadd.s32 s21, s2  }
0x9d: {  	[timem:s6], [sflag:s22] =	dma.local [hbm:s4], s20  }
0x9e: {  	_ =	swait.ge [sflag:s22], s20  }
0x9f: {  	s3 =	ssub.s32 $0x0, s20;
	[sflag:s22] =	ssyncset.done $0x0  }
0xa0: {  	[sflag:s22] =	ssyncadd.s32 s3;
	_ =	sdelay $0x1  }
0xa1: {  	s23 =	simm.s32 $0x1B8B  }
0xa2: {  	_ =	swait.ge [sflag:s23], $0x1  }
0xa3: {  	[sflag:s23] =	ssyncset.done $0x0  }
0xa4: {  	s25 =	simm.s32 $0x1B8E;
	s24 =	sld [smem:$0x3FFE];
	[sflag:s23] =	ssyncadd.s32 $0xFFFFFFFF  }
0xa5: {  	s26 =	simm.s32 $execute0_lowered;
	[smem:$0x3FD2] =	sst s25  }
0xa6: {  	s4 =	sshll.u32 s26, $0x1;
	_ =	strace $0x8000004F;
	[dreg:$0x1] =	wrdreg $0xFFFFFFFF  }
0xa7: {  	s28 =	simm.s32 $_size_execute0_lowered;
	s2 =	sadd.s32 s2, s4;
	[dreg:$0x0] =	wrdreg $0x0  }
0xa8: {  	s4 =	sshll.u32 s28, $0x1;
	[dreg:$0x2] =	wrdreg s2  }
0xa9: {  	[dreg:$0x3] =	wrdreg s4  }
0xaa: {  	[dreg:$0x4] =	wrdreg $0xC0  }
0xab: {  	_ =	task [dreg:s6], $0x5FFFF  }
0xac: {  	[dreg:$0x1] =	wrdreg $0xFFFFFFFF  }
0xad: {  	[dreg:$0x0] =	wrdreg $0x60  }
0xae: {  	[dreg:$0x2] =	wrdreg s24  }
0xaf: {  	[dreg:$0x3] =	wrdreg $0x46800  }
0xb0: {  	[dreg:$0x4] =	wrdreg $0x192800  }
0xb1: {  	[dreg:$0x5] =	wrdreg $0x9  }
0xb2: {  	_ =	task.clear_ibuf [dreg:s6], $0x6FFFF;
	_ =	strace $0x9000004F  }
0xb3: {  	s29 =	simm.s32 $0x9;
	_ =	strace $0x80000051  }
0xb4: {  	_ =	swait.ge [sflag:s29], $0x1  }
0xb5: {  	[sflag:s29] =	ssyncadd.s32 $0xFFFFFFFF  }
0xb6: {  	_ =	strace $0x90000051  }
0xb7: {  	_ =	sfence  }
0xb8: {  	s30 =	sld [smem:$0x0];
	_ =	sdelay $0x2  }
0xb9: {  	s31 =	sshll.u32 s1, $0xD;
	s1 =	sshrl.u32 s1, $0x2  }
0xba: {  	s3 =	sand.u32 $0x4000, s31;
	s1 =	sadd.s32 s1, s30  }
0xbb: {  	s0 =	sor.u32 s3, s0;
	s1 =	sshll.u32 s1, $0x11  }
0xbc: {  	s0 =	sor.u32 s1, s0  }
0xbd: {  	s0 =	sadd.s32 $0x8F2B, s0  }
0xbe: {  	[sflag:s0] =	ssyncadd.remote.s32 $0x1  }
0xbf: {  	_ =	sfence.sel $0xFFFF  }
0xc0: {  	[dreg:$0x0] =	wrdreg $0xFFFFFFFF;
	(pc) =	sbr.abs _section_cstart, $3  }
0xc1: {  	[dreg:$0x1] =	wrdreg $0xFFFFFFFF  }
0xc2: {  	_ =	task.clear_ibuf [dreg:s6], $0x2FFFF;
	_ =	strace $0x9FFFFFFF  }
0xc3: {  	(tm) =	ssettm $0x7FFFFFFF  }
tec
execute0_lowered:
.L_overlay_start_1:
0x0: {  	(tag) =	ssettag $0x1  }
0x1: {  	s10 =	rddreg [dreg:$0x0]  }
0x2: {  	s1 =	srdreg.scid;
	s0 =	stileid.u32  }
0x3: {  	s3 =	rddreg [dreg:$0x1];
	s9 =	sand.u32 $0x1, s1;
	s5 =	sshll.u32 s0, $0x1  }
0x4: {  	s2 =	rddreg [dreg:$0x2];
	s4 =	simm.s32 $0x0;
	s6 =	sor.u32 s9, s5  }
0x5: {  	[smem:$0x7FF] =	sst s4;
	s7 =	smul.u32 $0xD0, s6  }
0x6: {  	s1 =	rddreg [dreg:$0x3];
	_ =	strace $0x80000050;
	s11 =	smul.u32 $0x6800, s6  }
0x7: {  	s5 =	sadd.s32 $0x1B3C00, s10;
	s8 =	smul.u32 $0x34000, s6  }
0x8: {  	s6 =	sadd.s32 $0x283C00, s10;
	s7 =	sadd.s32 s7, s10;
	s18 =	sadd.s32 s5, s11  }
0x9: {  	s8 =	sshrl.u32 s8, $0x3;
	s11 =	sadd.s32 s6, s11;
	[dreg:$0x5] =	wrdreg s18  }
0xa: {  	s7 =	sadd.s32 $0xE2200, s7;
	s12 =	sadd.s32 $0x800, s8;
	[dreg:$0x6] =	wrdreg s11  }
0xb: {  	[dreg:$0x4] =	wrdreg s7;
	s19 =	sadd.s32 s5, s12  }
0xc: {  	s21 =	sadd.s32 $0x1000, s8;
	s20 =	sadd.s32 s6, s12;
	[dreg:$0x7] =	wrdreg s19  }
0xd: {  	s22 =	sadd.s32 s5, s21;
	[dreg:$0x8] =	wrdreg s20  }
0xe: {  	s24 =	sadd.s32 $0x1800, s8;
	s23 =	sadd.s32 s6, s21;
	[dreg:$0x9] =	wrdreg s22  }
0xf: {  	p0 =	por $0x0, $0x0;
	s25 =	sadd.s32 s5, s24;
	[dreg:$0xa] =	wrdreg s23  }
0x10: {  	s29 =	sadd.s32 $0x2000, s8;
	s26 =	sadd.s32 s6, s24;
	[dreg:$0xb] =	wrdreg s25  }
0x11: {  	s14 =	smul.u32 $0x278, s0;
	s15 =	sadd.s32 s5, s29;
	[dreg:$0xc] =	wrdreg s26  }
0x12: {  	s17 =	sadd.s32 $0x2800, s8;
	s16 =	sadd.s32 s6, s29;
	[dreg:$0xd] =	wrdreg s15  }
0x13: {  	s7 =	smul.u32 $0x13C00, s0;
	s18 =	sadd.s32 s5, s17;
	[dreg:$0xe] =	wrdreg s16  }
0x14: {  	s12 =	simm.s32 $0x80;
	s15 =	smul.u32 $0x2780, s9;
	[dreg:$0xf] =	wrdreg s18  }
0x15: {  	s19 =	sadd.s32 s6, s17;
	s20 =	sadd.s32 $0x3000, s8;
	s23 =	sadd.s32 $0x3800, s8  }
0x16: {  	s26 =	sadd.s32 $0x4000, s8;
	s9 =	ssub.s32 $0x2, s9;
	s31 =	rddreg [dreg:$0x4]  }
0x17: {  	s18 =	sadd.s32 $0x5000, s8;
	[dreg:$0x10] =	wrdreg s19;
	s21 =	sadd.s32 s5, s20  }
0x18: {  	s13 =	sshrl.u32 s7, $0x3;
	s22 =	sadd.s32 s6, s20;
	[dreg:$0x11] =	wrdreg s21  }
0x19: {  	s24 =	sadd.s32 s5, s23;
	s25 =	sadd.s32 s6, s23;
	[dreg:$0x12] =	wrdreg s22  }
0x1a: {  	s29 =	sadd.s32 s5, s26;
	s19 =	sshrl.u32 s9, $0x1;
	[dreg:$0x13] =	wrdreg s24  }
0x1b: {  	s20 =	sadd.s32 s5, s18;
	s13 =	sadd.s32 s13, s10;
	[dreg:$0x14] =	wrdreg s25  }
0x1c: {  	s14 =	sadd.s32 s14, s15;
	[dreg:$0x15] =	wrdreg s29;
	s15 =	sadd.s32 $0x4800, s8  }
0x1d: {  	[dreg:$0x19] =	wrdreg s20;
	s21 =	sadd.s32 s6, s18;
	s22 =	sadd.s32 $0x5800, s8  }
0x1e: {  	s9 =	ssub.s32 s9, s19;
	s8 =	sadd.s32 $0x6000, s8;
	s25 =	sadd.s32 s7, s3  }
0x1f: {  	s7 =	sshrl.u32 s7, $0x2;
	s20 =	simm.s32 $0x400;
	s19 =	simm.s32 $0x480  }
0x20: {  	s18 =	simm.s32 $0x500;
	s14 =	sshll.u32 s14, $0x4;
	s16 =	sadd.s32 s5, s15  }
0x21: {  	s17 =	sadd.s32 s6, s15;
	[dreg:$0x1a] =	wrdreg s21;
	s23 =	sadd.s32 s5, s22  }
0x22: {  	s24 =	sadd.s32 s6, s22;
	s5 =	sadd.s32 s5, s8;
	s28 =	sadd.s32 $0x12200, s13  }
0x23: {  	s29 =	sadd.s32 s7, s2;
	s11 =	sshrl.u32 s25, $0x3;
	[dreg:$0x17] =	wrdreg s16  }
0x24: {  	s15 =	simm.s32 $0x680;
	s13 =	simm.s32 $0x18280;
	[dreg:$0x18] =	wrdreg s17  }
0x25: {  	s25 =	simm.s32 $0x180;
	s22 =	simm.s32 $0x300;
	[dreg:$0x1b] =	wrdreg s23  }
0x26: {  	s21 =	simm.s32 $0x380;
	s10 =	sadd.s32 s14, s10;
	[dreg:$0x1c] =	wrdreg s24  }
0x27: {  	s14 =	sadd.s32 s6, s26;
	[dreg:$0x1d] =	wrdreg s5;
	s16 =	smax.u32 s9, $0x1  }
0x28: {  	s26 =	sadd.s32 s6, s8;
	s5 =	simm.s32 $0x1;
	p1 =	sne.s32 s16, $0x1  }
.Ltmp0:
0x29: {  	s8 =	sshrl.u32 s29, $0x3;
	s9 =	simm.s32 $0x4;
	(pc) =	sbr.rel @!p1 .LBB2_3-.Ltmp0, $4  }
0x2a: {  	s24 =	simm.s32 $0x200;
	s23 =	simm.s32 $0x280;
	[dreg:$0x16] =	wrdreg s14  }
0x2b: {  	s17 =	simm.s32 $0x580;
	[dreg:$0x1e] =	wrdreg s26;
	s7 =	sadd.s32 $0x39A00, s10  }
0x2c: {  	s6 =	sadd.s32 $0x88A00, s10;
	s10 =	simm.s32 $0x10;
	s14 =	simm.s32 $0x20  }
0x2d: {  	s26 =	simm.s32 $0x100;
	s30 =	sadd.s32 $0xFFFFFFFF, s16;
	s16 =	simm.s32 $0x600  }
0x2e: {  	[tilespmem:s4], [sflag:$0x1] =	stream.linear.gather [hbm4b:s31+s4], $0x680, $0x38;
	[tilespmem:$0x1E180] =	vst v63  }
0x2f: {  	_ =	swait.ge [sflag:s5], $0x680  }
0x30: {  	s29 =	sshll.u32 s0, $0x6;
	[sflag:s5] =	ssyncset.done $0x0  }
0x31: {  	s29 =	sor.u32 $0x1C01, s29;
	[sflag:s5] =	ssyncadd.s32 $0xFFFFF980  }
0x32: {  	[spmem:s11], [sflag:s29] =	dma.local [hbm:s28], $0x2780  }
0x33: {  	_ =	swait.ge [sflag:s5], $0x2780  }
0x34: {  	[sflag:s5] =	ssyncset.done $0x0  }
0x35: {  	[sflag:s5] =	ssyncadd.s32 $0xFFFFD880  }
0x36: {  	[spmem:s8@s9], [sflag:s29] =	dma.strided [hbm:s28@s10], $0x9E0, s5, $0x4   }
0x37: {  	_ =	swait.ge [sflag:s5], $0x9E0  }
0x38: {  	[sflag:s5] =	ssyncset.done $0x0  }
0x39: {  	[sflag:s5] =	ssyncadd.s32 $0xFFFFF620  }
0x3a: {  	[bflag:$0x0] =	sbarrier.arrive $0xFFFF  }
0x3b: {  	s31 =	rddreg [dreg:$0x5]  }
0x3c: {  	[tilespmem:s15], [sflag:$0x1] =	stream.linear.gather [hbm4b:s31+s4], $0x4000, $0x38;
	[tilespmem:$0x1E180] =	vst v63  }
0x3d: {  	_ =	swait.ge [sflag:s5], $0x4000  }
0x3e: {  	[sflag:s5] =	ssyncset.done $0x0  }
0x3f: {  	[sflag:s5] =	ssyncadd.s32 $0xFFFFC000  }
0x40: {  	[spmem:s3] =	stream.indirect.scatter.add.f32 [tilespmem:s15], [sflag:$0x1], $0x80, s4, s12, $0xb8;
	[tilespmem:$0x1E180] =	vst v63  }
0x41: {  	_ =	swait.ge [sflag:s5], $0x4000  }
0x42: {  	[sflag:s5] =	ssyncset.done $0x0  }
0x43: {  	s31 =	rddreg [dreg:$0x6];
	[sflag:s5] =	ssyncadd.s32 $0xFFFFC000  }
0x44: {  	[tilespmem:s13], [sflag:$0x1] =	stream.strided.gather [hbm4b:s31+s14], $0x1000, s12, s14, $0x38;
	[tilespmem:$0x1E180] =	vst v63  }
0x45: {  	_ =	swait.ge [sflag:s5], $0x1000  }
0x46: {  	[sflag:s5] =	ssyncset.done $0x0  }
0x47: {  	[sflag:s5] =	ssyncadd.s32 $0xFFFFF000  }
0x48: {  	[spmem:s2] =	stream.indirect.scatter.add.f32 [tilespmem:s13], [sflag:$0x1], $0x20, s4, s12, $0xb8;
	[tilespmem:$0x1E180] =	vst v63  }
0x49: {  	_ =	swait.ge [sflag:s5], $0x1000  }
0x4a: {  	[sflag:s5] =	ssyncset.done $0x0  }
0x4b: {  	s31 =	rddreg [dreg:$0x7];
	[sflag:s5] =	ssyncadd.s32 $0xFFFFF000  }
0x4c: {  	[tilespmem:s15], [sflag:$0x1] =	stream.linear.gather [hbm4b:s31+s4], $0x4000, $0x38;
	[tilespmem:$0x1E180] =	vst v63  }
0x4d: {  	_ =	swait.ge [sflag:s5], $0x4000  }
0x4e: {  	[sflag:s5] =	ssyncset.done $0x0  }
0x4f: {  	[sflag:s5] =	ssyncadd.s32 $0xFFFFC000  }
0x50: {  	[spmem:s3] =	stream.indirect.scatter.add.f32 [tilespmem:s15], [sflag:$0x1], $0x80, s12, s12, $0xb8;
	[tilespmem:$0x1E180] =	vst v63  }
0x51: {  	_ =	swait.ge [sflag:s5], $0x4000  }
0x52: {  	[sflag:s5] =	ssyncset.done $0x0  }
0x53: {  	s31 =	rddreg [dreg:$0x8];
	[sflag:s5] =	ssyncadd.s32 $0xFFFFC000  }
0x54: {  	[tilespmem:s13], [sflag:$0x1] =	stream.strided.gather [hbm4b:s31+s14], $0x1000, s12, s14, $0x38;
	[tilespmem:$0x1E180] =	vst v63  }
0x55: {  	_ =	swait.ge [sflag:s5], $0x1000  }
0x56: {  	[sflag:s5] =	ssyncset.done $0x0  }
0x57: {  	[sflag:s5] =	ssyncadd.s32 $0xFFFFF000  }
0x58: {  	[spmem:s2] =	stream.indirect.scatter.add.f32 [tilespmem:s13], [sflag:$0x1], $0x20, s12, s12, $0xb8;
	[tilespmem:$0x1E180] =	vst v63  }
0x59: {  	_ =	swait.ge [sflag:s5], $0x1000  }
0x5a: {  	[sflag:s5] =	ssyncset.done $0x0  }
0x5b: {  	s31 =	rddreg [dreg:$0x9];
	[sflag:s5] =	ssyncadd.s32 $0xFFFFF000  }
0x5c: {  	[tilespmem:s15], [sflag:$0x1] =	stream.linear.gather [hbm4b:s31+s4], $0x4000, $0x38;
	[tilespmem:$0x1E180] =	vst v63  }
0x5d: {  	_ =	swait.ge [sflag:s5], $0x4000  }
0x5e: {  	[sflag:s5] =	ssyncset.done $0x0  }
0x5f: {  	[sflag:s5] =	ssyncadd.s32 $0xFFFFC000  }
0x60: {  	[spmem:s3] =	stream.indirect.scatter.add.f32 [tilespmem:s15], [sflag:$0x1], $0x80, s26, s12, $0xb8;
	[tilespmem:$0x1E180] =	vst v63  }
0x61: {  	_ =	swait.ge [sflag:s5], $0x4000  }
0x62: {  	[sflag:s5] =	ssyncset.done $0x0  }
0x63: {  	s31 =	rddreg [dreg:$0xa];
	[sflag:s5] =	ssyncadd.s32 $0xFFFFC000  }
0x64: {  	[tilespmem:s13], [sflag:$0x1] =	stream.strided.gather [hbm4b:s31+s14], $0x1000, s12, s14, $0x38;
	[tilespmem:$0x1E180] =	vst v63  }
0x65: {  	_ =	swait.ge [sflag:s5], $0x1000  }
0x66: {  	[sflag:s5] =	ssyncset.done $0x0  }
0x67: {  	[sflag:s5] =	ssyncadd.s32 $0xFFFFF000  }
0x68: {  	[spmem:s2] =	stream.indirect.scatter.add.f32 [tilespmem:s13], [sflag:$0x1], $0x20, s26, s12, $0xb8;
	[tilespmem:$0x1E180] =	vst v63  }
0x69: {  	_ =	swait.ge [sflag:s5], $0x1000  }
0x6a: {  	[sflag:s5] =	ssyncset.done $0x0  }
0x6b: {  	s31 =	rddreg [dreg:$0xb];
	[sflag:s5] =	ssyncadd.s32 $0xFFFFF000  }
0x6c: {  	[tilespmem:s15], [sflag:$0x1] =	stream.linear.gather [hbm4b:s31+s4], $0x4000, $0x38;
	[tilespmem:$0x1E180] =	vst v63  }
0x6d: {  	_ =	swait.ge [sflag:s5], $0x4000  }
0x6e: {  	[sflag:s5] =	ssyncset.done $0x0  }
0x6f: {  	[sflag:s5] =	ssyncadd.s32 $0xFFFFC000  }
0x70: {  	[spmem:s3] =	stream.indirect.scatter.add.f32 [tilespmem:s15], [sflag:$0x1], $0x80, s25, s12, $0xb8;
	[tilespmem:$0x1E180] =	vst v63  }
0x71: {  	_ =	swait.ge [sflag:s5], $0x4000  }
0x72: {  	[sflag:s5] =	ssyncset.done $0x0  }
0x73: {  	s31 =	rddreg [dreg:$0xc];
	[sflag:s5] =	ssyncadd.s32 $0xFFFFC000  }
0x74: {  	[tilespmem:s13], [sflag:$0x1] =	stream.strided.gather [hbm4b:s31+s14], $0x1000, s12, s14, $0x38;
	[tilespmem:$0x1E180] =	vst v63  }
0x75: {  	_ =	swait.ge [sflag:s5], $0x1000  }
0x76: {  	[sflag:s5] =	ssyncset.done $0x0  }
0x77: {  	[sflag:s5] =	ssyncadd.s32 $0xFFFFF000  }
0x78: {  	[spmem:s2] =	stream.indirect.scatter.add.f32 [tilespmem:s13], [sflag:$0x1], $0x20, s25, s12, $0xb8;
	[tilespmem:$0x1E180] =	vst v63  }
0x79: {  	_ =	swait.ge [sflag:s5], $0x1000  }
0x7a: {  	[sflag:s5] =	ssyncset.done $0x0  }
0x7b: {  	s31 =	rddreg [dreg:$0xd];
	[sflag:s5] =	ssyncadd.s32 $0xFFFFF000  }
0x7c: {  	[tilespmem:s15], [sflag:$0x1] =	stream.linear.gather [hbm4b:s31+s4], $0x4000, $0x38;
	[tilespmem:$0x1E180] =	vst v63  }
0x7d: {  	_ =	swait.ge [sflag:s5], $0x4000  }
0x7e: {  	[sflag:s5] =	ssyncset.done $0x0  }
0x7f: {  	[sflag:s5] =	ssyncadd.s32 $0xFFFFC000  }
0x80: {  	[spmem:s3] =	stream.indirect.scatter.add.f32 [tilespmem:s15], [sflag:$0x1], $0x80, s24, s12, $0xb8;
	[tilespmem:$0x1E180] =	vst v63  }
0x81: {  	_ =	swait.ge [sflag:s5], $0x4000  }
0x82: {  	[sflag:s5] =	ssyncset.done $0x0  }
0x83: {  	s31 =	rddreg [dreg:$0xe];
	[sflag:s5] =	ssyncadd.s32 $0xFFFFC000  }
0x84: {  	[tilespmem:s13], [sflag:$0x1] =	stream.strided.gather [hbm4b:s31+s14], $0x1000, s12, s14, $0x38;
	[tilespmem:$0x1E180] =	vst v63  }
0x85: {  	_ =	swait.ge [sflag:s5], $0x1000  }
0x86: {  	[sflag:s5] =	ssyncset.done $0x0  }
0x87: {  	[sflag:s5] =	ssyncadd.s32 $0xFFFFF000  }
0x88: {  	[spmem:s2] =	stream.indirect.scatter.add.f32 [tilespmem:s13], [sflag:$0x1], $0x20, s24, s12, $0xb8;
	[tilespmem:$0x1E180] =	vst v63  }
0x89: {  	_ =	swait.ge [sflag:s5], $0x1000  }
0x8a: {  	[sflag:s5] =	ssyncset.done $0x0  }
0x8b: {  	s31 =	rddreg [dreg:$0xf];
	[sflag:s5] =	ssyncadd.s32 $0xFFFFF000  }
0x8c: {  	[tilespmem:s15], [sflag:$0x1] =	stream.linear.gather [hbm4b:s31+s4], $0x4000, $0x38;
	[tilespmem:$0x1E180] =	vst v63  }
0x8d: {  	_ =	swait.ge [sflag:s5], $0x4000  }
0x8e: {  	[sflag:s5] =	ssyncset.done $0x0  }
0x8f: {  	[sflag:s5] =	ssyncadd.s32 $0xFFFFC000  }
0x90: {  	[spmem:s3] =	stream.indirect.scatter.add.f32 [tilespmem:s15], [sflag:$0x1], $0x80, s23, s12, $0xb8;
	[tilespmem:$0x1E180] =	vst v63  }
0x91: {  	_ =	swait.ge [sflag:s5], $0x4000  }
0x92: {  	[sflag:s5] =	ssyncset.done $0x0  }
0x93: {  	s31 =	rddreg [dreg:$0x10];
	[sflag:s5] =	ssyncadd.s32 $0xFFFFC000  }
0x94: {  	[tilespmem:s13], [sflag:$0x1] =	stream.strided.gather [hbm4b:s31+s14], $0x1000, s12, s14, $0x38;
	[tilespmem:$0x1E180] =	vst v63  }
0x95: {  	_ =	swait.ge [sflag:s5], $0x1000  }
0x96: {  	[sflag:s5] =	ssyncset.done $0x0  }
0x97: {  	[sflag:s5] =	ssyncadd.s32 $0xFFFFF000  }
0x98: {  	[spmem:s2] =	stream.indirect.scatter.add.f32 [tilespmem:s13], [sflag:$0x1], $0x20, s23, s12, $0xb8;
	[tilespmem:$0x1E180] =	vst v63  }
0x99: {  	_ =	swait.ge [sflag:s5], $0x1000  }
0x9a: {  	[sflag:s5] =	ssyncset.done $0x0  }
0x9b: {  	s31 =	rddreg [dreg:$0x11];
	[sflag:s5] =	ssyncadd.s32 $0xFFFFF000  }
0x9c: {  	[tilespmem:s15], [sflag:$0x1] =	stream.linear.gather [hbm4b:s31+s4], $0x4000, $0x38;
	[tilespmem:$0x1E180] =	vst v63  }
0x9d: {  	_ =	swait.ge [sflag:s5], $0x4000  }
0x9e: {  	[sflag:s5] =	ssyncset.done $0x0  }
0x9f: {  	[sflag:s5] =	ssyncadd.s32 $0xFFFFC000  }
0xa0: {  	[spmem:s3] =	stream.indirect.scatter.add.f32 [tilespmem:s15], [sflag:$0x1], $0x80, s22, s12, $0xb8;
	[tilespmem:$0x1E180] =	vst v63  }
0xa1: {  	_ =	swait.ge [sflag:s5], $0x4000  }
0xa2: {  	[sflag:s5] =	ssyncset.done $0x0  }
0xa3: {  	s31 =	rddreg [dreg:$0x12];
	[sflag:s5] =	ssyncadd.s32 $0xFFFFC000  }
0xa4: {  	[tilespmem:s13], [sflag:$0x1] =	stream.strided.gather [hbm4b:s31+s14], $0x1000, s12, s14, $0x38;
	[tilespmem:$0x1E180] =	vst v63  }
0xa5: {  	_ =	swait.ge [sflag:s5], $0x1000  }
0xa6: {  	[sflag:s5] =	ssyncset.done $0x0  }
0xa7: {  	[sflag:s5] =	ssyncadd.s32 $0xFFFFF000  }
0xa8: {  	[spmem:s2] =	stream.indirect.scatter.add.f32 [tilespmem:s13], [sflag:$0x1], $0x20, s22, s12, $0xb8;
	[tilespmem:$0x1E180] =	vst v63  }
0xa9: {  	_ =	swait.ge [sflag:s5], $0x1000  }
0xaa: {  	[sflag:s5] =	ssyncset.done $0x0  }
0xab: {  	s31 =	rddreg [dreg:$0x13];
	[sflag:s5] =	ssyncadd.s32 $0xFFFFF000  }
0xac: {  	[tilespmem:s15], [sflag:$0x1] =	stream.linear.gather [hbm4b:s31+s4], $0x4000, $0x38;
	[tilespmem:$0x1E180] =	vst v63  }
0xad: {  	_ =	swait.ge [sflag:s5], $0x4000  }
0xae: {  	[sflag:s5] =	ssyncset.done $0x0  }
0xaf: {  	[sflag:s5] =	ssyncadd.s32 $0xFFFFC000  }
0xb0: {  	[spmem:s3] =	stream.indirect.scatter.add.f32 [tilespmem:s15], [sflag:$0x1], $0x80, s21, s12, $0xb8;
	[tilespmem:$0x1E180] =	vst v63  }
0xb1: {  	_ =	swait.ge [sflag:s5], $0x4000  }
0xb2: {  	[sflag:s5] =	ssyncset.done $0x0  }
0xb3: {  	s31 =	rddreg [dreg:$0x14];
	[sflag:s5] =	ssyncadd.s32 $0xFFFFC000  }
0xb4: {  	[tilespmem:s13], [sflag:$0x1] =	stream.strided.gather [hbm4b:s31+s14], $0x1000, s12, s14, $0x38;
	[tilespmem:$0x1E180] =	vst v63  }
0xb5: {  	_ =	swait.ge [sflag:s5], $0x1000  }
0xb6: {  	[sflag:s5] =	ssyncset.done $0x0  }
0xb7: {  	[sflag:s5] =	ssyncadd.s32 $0xFFFFF000  }
0xb8: {  	[spmem:s2] =	stream.indirect.scatter.add.f32 [tilespmem:s13], [sflag:$0x1], $0x20, s21, s12, $0xb8;
	[tilespmem:$0x1E180] =	vst v63  }
0xb9: {  	_ =	swait.ge [sflag:s5], $0x1000  }
0xba: {  	[sflag:s5] =	ssyncset.done $0x0  }
0xbb: {  	s31 =	rddreg [dreg:$0x15];
	[sflag:s5] =	ssyncadd.s32 $0xFFFFF000  }
0xbc: {  	[tilespmem:s15], [sflag:$0x1] =	stream.linear.gather [hbm4b:s31+s4], $0x4000, $0x38;
	[tilespmem:$0x1E180] =	vst v63  }
0xbd: {  	_ =	swait.ge [sflag:s5], $0x4000  }
0xbe: {  	[sflag:s5] =	ssyncset.done $0x0  }
0xbf: {  	[sflag:s5] =	ssyncadd.s32 $0xFFFFC000  }
0xc0: {  	[spmem:s3] =	stream.indirect.scatter.add.f32 [tilespmem:s15], [sflag:$0x1], $0x80, s20, s12, $0xb8;
	[tilespmem:$0x1E180] =	vst v63  }
0xc1: {  	_ =	swait.ge [sflag:s5], $0x4000  }
0xc2: {  	[sflag:s5] =	ssyncset.done $0x0  }
0xc3: {  	s31 =	rddreg [dreg:$0x16];
	[sflag:s5] =	ssyncadd.s32 $0xFFFFC000  }
0xc4: {  	[tilespmem:s13], [sflag:$0x1] =	stream.strided.gather [hbm4b:s31+s14], $0x1000, s12, s14, $0x38;
	[tilespmem:$0x1E180] =	vst v63  }
0xc5: {  	_ =	swait.ge [sflag:s5], $0x1000  }
0xc6: {  	[sflag:s5] =	ssyncset.done $0x0  }
0xc7: {  	[sflag:s5] =	ssyncadd.s32 $0xFFFFF000  }
0xc8: {  	[spmem:s2] =	stream.indirect.scatter.add.f32 [tilespmem:s13], [sflag:$0x1], $0x20, s20, s12, $0xb8;
	[tilespmem:$0x1E180] =	vst v63  }
0xc9: {  	_ =	swait.ge [sflag:s5], $0x1000  }
0xca: {  	[sflag:s5] =	ssyncset.done $0x0  }
0xcb: {  	s31 =	rddreg [dreg:$0x17];
	[sflag:s5] =	ssyncadd.s32 $0xFFFFF000  }
0xcc: {  	[tilespmem:s15], [sflag:$0x1] =	stream.linear.gather [hbm4b:s31+s4], $0x4000, $0x38;
	[tilespmem:$0x1E180] =	vst v63  }
0xcd: {  	_ =	swait.ge [sflag:s5], $0x4000  }
0xce: {  	[sflag:s5] =	ssyncset.done $0x0  }
0xcf: {  	[sflag:s5] =	ssyncadd.s32 $0xFFFFC000  }
0xd0: {  	[spmem:s3] =	stream.indirect.scatter.add.f32 [tilespmem:s15], [sflag:$0x1], $0x80, s19, s12, $0xb8;
	[tilespmem:$0x1E180] =	vst v63  }
0xd1: {  	_ =	swait.ge [sflag:s5], $0x4000  }
0xd2: {  	[sflag:s5] =	ssyncset.done $0x0  }
0xd3: {  	s31 =	rddreg [dreg:$0x18];
	[sflag:s5] =	ssyncadd.s32 $0xFFFFC000  }
0xd4: {  	[tilespmem:s13], [sflag:$0x1] =	stream.strided.gather [hbm4b:s31+s14], $0x1000, s12, s14, $0x38;
	[tilespmem:$0x1E180] =	vst v63  }
0xd5: {  	_ =	swait.ge [sflag:s5], $0x1000  }
0xd6: {  	[sflag:s5] =	ssyncset.done $0x0  }
0xd7: {  	[sflag:s5] =	ssyncadd.s32 $0xFFFFF000  }
0xd8: {  	[spmem:s2] =	stream.indirect.scatter.add.f32 [tilespmem:s13], [sflag:$0x1], $0x20, s19, s12, $0xb8;
	[tilespmem:$0x1E180] =	vst v63  }
0xd9: {  	_ =	swait.ge [sflag:s5], $0x1000  }
0xda: {  	[sflag:s5] =	ssyncset.done $0x0  }
0xdb: {  	s31 =	rddreg [dreg:$0x19];
	[sflag:s5] =	ssyncadd.s32 $0xFFFFF000  }
0xdc: {  	[tilespmem:s15], [sflag:$0x1] =	stream.linear.gather [hbm4b:s31+s4], $0x4000, $0x38;
	[tilespmem:$0x1E180] =	vst v63  }
0xdd: {  	_ =	swait.ge [sflag:s5], $0x4000  }
0xde: {  	[sflag:s5] =	ssyncset.done $0x0  }
0xdf: {  	[sflag:s5] =	ssyncadd.s32 $0xFFFFC000  }
0xe0: {  	[spmem:s3] =	stream.indirect.scatter.add.f32 [tilespmem:s15], [sflag:$0x1], $0x80, s18, s12, $0xb8;
	[tilespmem:$0x1E180] =	vst v63  }
0xe1: {  	_ =	swait.ge [sflag:s5], $0x4000  }
0xe2: {  	[sflag:s5] =	ssyncset.done $0x0  }
0xe3: {  	s31 =	rddreg [dreg:$0x1a];
	[sflag:s5] =	ssyncadd.s32 $0xFFFFC000  }
0xe4: {  	[tilespmem:s13], [sflag:$0x1] =	stream.strided.gather [hbm4b:s31+s14], $0x1000, s12, s14, $0x38;
	[tilespmem:$0x1E180] =	vst v63  }
0xe5: {  	_ =	swait.ge [sflag:s5], $0x1000  }
0xe6: {  	[sflag:s5] =	ssyncset.done $0x0  }
0xe7: {  	[sflag:s5] =	ssyncadd.s32 $0xFFFFF000  }
0xe8: {  	[spmem:s2] =	stream.indirect.scatter.add.f32 [tilespmem:s13], [sflag:$0x1], $0x20, s18, s12, $0xb8;
	[tilespmem:$0x1E180] =	vst v63  }
0xe9: {  	_ =	swait.ge [sflag:s5], $0x1000  }
0xea: {  	[sflag:s5] =	ssyncset.done $0x0  }
0xeb: {  	s31 =	rddreg [dreg:$0x1b];
	[sflag:s5] =	ssyncadd.s32 $0xFFFFF000  }
0xec: {  	[tilespmem:s15], [sflag:$0x1] =	stream.linear.gather [hbm4b:s31+s4], $0x4000, $0x38;
	[tilespmem:$0x1E180] =	vst v63  }
0xed: {  	_ =	swait.ge [sflag:s5], $0x4000  }
0xee: {  	[sflag:s5] =	ssyncset.done $0x0  }
0xef: {  	[sflag:s5] =	ssyncadd.s32 $0xFFFFC000  }
0xf0: {  	[spmem:s3] =	stream.indirect.scatter.add.f32 [tilespmem:s15], [sflag:$0x1], $0x80, s17, s12, $0xb8;
	[tilespmem:$0x1E180] =	vst v63  }
0xf1: {  	_ =	swait.ge [sflag:s5], $0x4000  }
0xf2: {  	[sflag:s5] =	ssyncset.done $0x0  }
0xf3: {  	s31 =	rddreg [dreg:$0x1c];
	[sflag:s5] =	ssyncadd.s32 $0xFFFFC000  }
0xf4: {  	[tilespmem:s13], [sflag:$0x1] =	stream.strided.gather [hbm4b:s31+s14], $0x1000, s12, s14, $0x38;
	[tilespmem:$0x1E180] =	vst v63  }
0xf5: {  	_ =	swait.ge [sflag:s5], $0x1000  }
0xf6: {  	[sflag:s5] =	ssyncset.done $0x0  }
0xf7: {  	[sflag:s5] =	ssyncadd.s32 $0xFFFFF000  }
0xf8: {  	[spmem:s2] =	stream.indirect.scatter.add.f32 [tilespmem:s13], [sflag:$0x1], $0x20, s17, s12, $0xb8;
	[tilespmem:$0x1E180] =	vst v63  }
0xf9: {  	_ =	swait.ge [sflag:s5], $0x1000  }
0xfa: {  	[sflag:s5] =	ssyncset.done $0x0  }
0xfb: {  	s31 =	rddreg [dreg:$0x1d];
	[sflag:s5] =	ssyncadd.s32 $0xFFFFF000  }
0xfc: {  	[tilespmem:s15], [sflag:$0x1] =	stream.linear.gather [hbm4b:s31+s4], $0x4000, $0x38;
	[tilespmem:$0x1E180] =	vst v63  }
0xfd: {  	_ =	swait.ge [sflag:s5], $0x4000  }
0xfe: {  	[sflag:s5] =	ssyncset.done $0x0  }
0xff: {  	[sflag:s5] =	ssyncadd.s32 $0xFFFFC000  }
0x100: {  	[spmem:s3] =	stream.indirect.scatter.add.f32 [tilespmem:s15], [sflag:$0x1], $0x80, s16, s12, $0xb8;
	[tilespmem:$0x1E180] =	vst v63  }
0x101: {  	_ =	swait.ge [sflag:s5], $0x4000  }
0x102: {  	[sflag:s5] =	ssyncset.done $0x0  }
0x103: {  	s31 =	rddreg [dreg:$0x1e];
	[sflag:s5] =	ssyncadd.s32 $0xFFFFC000  }
0x104: {  	[tilespmem:s13], [sflag:$0x1] =	stream.strided.gather [hbm4b:s31+s14], $0x1000, s12, s14, $0x38;
	[tilespmem:$0x1E180] =	vst v63  }
0x105: {  	_ =	swait.ge [sflag:s5], $0x1000  }
0x106: {  	[sflag:s5] =	ssyncset.done $0x0  }
0x107: {  	[sflag:s5] =	ssyncadd.s32 $0xFFFFF000  }
0x108: {  	[spmem:s2] =	stream.indirect.scatter.add.f32 [tilespmem:s13], [sflag:$0x1], $0x20, s16, s12, $0xb8;
	[tilespmem:$0x1E180] =	vst v63  }
0x109: {  	_ =	swait.ge [sflag:s5], $0x1000  }
0x10a: {  	[sflag:s5] =	ssyncset.done $0x0  }
0x10b: {  	[sflag:s5] =	ssyncadd.s32 $0xFFFFF000  }
0x10c: {  	[bflag:$0x0] =	sbarrier.arrive $0xFFFF  }
0x10d: {  	[hbm:s7], [sflag:s29] =	dma.local [spmem:s11], $0x2780  }
0x10e: {  	p1 =	sne.s32 s30, $0x1;
	_ =	swait.ge [sflag:s5], $0x2780  }
.Ltmp1:
0x10f: {  	[sflag:s5] =	ssyncset.done $0x0;
	(pc) =	sbr.rel @!p1 .LBB2_3-.Ltmp1, $4  }
0x110: {  	[sflag:s5] =	ssyncadd.s32 $0xFFFFD880  }
0x111: {  	[hbm:s6@s10], [sflag:s29] =	dma.strided [spmem:s8@s9], $0x9E0, s5, $0x4   }
0x112: {  	s30 =	sadd.s32 $0xFFFFFFFF, s30;
	_ =	swait.ge [sflag:s5], $0x9E0  }
0x113: {  	p0 =	por $0x1, $0x1;
	s31 =	rddreg [dreg:$0x4];
	[sflag:s5] =	ssyncset.done $0x0  }
.LBB2_2:
0x114: {  	[sflag:s5] =	ssyncadd.s32 $0xFFFFF620  }
0x115: {  	[tilespmem:s4], [sflag:$0x1] =	stream.linear.gather [hbm4b:s31+s4], $0x680, $0x38;
	[tilespmem:$0x1E180] =	vst v63  }
0x116: {  	_ =	swait.ge [sflag:s5], $0x680  }
0x117: {  	[sflag:s5] =	ssyncset.done $0x0  }
0x118: {  	[sflag:s5] =	ssyncadd.s32 $0xFFFFF980  }
0x119: {  	[spmem:s11], [sflag:s29] =	dma.local [hbm:s28], $0x2780  }
0x11a: {  	_ =	swait.ge [sflag:s5], $0x2780  }
0x11b: {  	[sflag:s5] =	ssyncset.done $0x0  }
0x11c: {  	[sflag:s5] =	ssyncadd.s32 $0xFFFFD880  }
0x11d: {  	[spmem:s8@s9], [sflag:s29] =	dma.strided [hbm:s28@s10], $0x9E0, s5, $0x4   }
0x11e: {  	_ =	swait.ge [sflag:s5], $0x9E0  }
0x11f: {  	[sflag:s5] =	ssyncset.done $0x0  }
0x120: {  	[sflag:s5] =	ssyncadd.s32 $0xFFFFF620  }
0x121: {  	[bflag:$0x0] =	sbarrier.arrive $0xFFFF  }
0x122: {  	s31 =	rddreg [dreg:$0x5]  }
0x123: {  	[tilespmem:s15], [sflag:$0x1] =	stream.linear.gather [hbm4b:s31+s4], $0x4000, $0x38;
	[tilespmem:$0x1E180] =	vst v63  }
0x124: {  	_ =	swait.ge [sflag:s5], $0x4000  }
0x125: {  	[sflag:s5] =	ssyncset.done $0x0  }
0x126: {  	[sflag:s5] =	ssyncadd.s32 $0xFFFFC000  }
0x127: {  	[spmem:s3] =	stream.indirect.scatter.add.f32 [tilespmem:s15], [sflag:$0x1], $0x80, s4, s12, $0xb8;
	[tilespmem:$0x1E180] =	vst v63  }
0x128: {  	_ =	swait.ge [sflag:s5], $0x4000  }
0x129: {  	[sflag:s5] =	ssyncset.done $0x0  }
0x12a: {  	s31 =	rddreg [dreg:$0x6];
	[sflag:s5] =	ssyncadd.s32 $0xFFFFC000  }
0x12b: {  	[tilespmem:s13], [sflag:$0x1] =	stream.strided.gather [hbm4b:s31+s14], $0x1000, s12, s14, $0x38;
	[tilespmem:$0x1E180] =	vst v63  }
0x12c: {  	_ =	swait.ge [sflag:s5], $0x1000  }
0x12d: {  	[sflag:s5] =	ssyncset.done $0x0  }
0x12e: {  	[sflag:s5] =	ssyncadd.s32 $0xFFFFF000  }
0x12f: {  	[spmem:s2] =	stream.indirect.scatter.add.f32 [tilespmem:s13], [sflag:$0x1], $0x20, s4, s12, $0xb8;
	[tilespmem:$0x1E180] =	vst v63  }
0x130: {  	_ =	swait.ge [sflag:s5], $0x1000  }
0x131: {  	[sflag:s5] =	ssyncset.done $0x0  }
0x132: {  	s31 =	rddreg [dreg:$0x7];
	[sflag:s5] =	ssyncadd.s32 $0xFFFFF000  }
0x133: {  	[tilespmem:s15], [sflag:$0x1] =	stream.linear.gather [hbm4b:s31+s4], $0x4000, $0x38;
	[tilespmem:$0x1E180] =	vst v63  }
0x134: {  	_ =	swait.ge [sflag:s5], $0x4000  }
0x135: {  	[sflag:s5] =	ssyncset.done $0x0  }
0x136: {  	[sflag:s5] =	ssyncadd.s32 $0xFFFFC000  }
0x137: {  	[spmem:s3] =	stream.indirect.scatter.add.f32 [tilespmem:s15], [sflag:$0x1], $0x80, s12, s12, $0xb8;
	[tilespmem:$0x1E180] =	vst v63  }
0x138: {  	_ =	swait.ge [sflag:s5], $0x4000  }
0x139: {  	[sflag:s5] =	ssyncset.done $0x0  }
0x13a: {  	s31 =	rddreg [dreg:$0x8];
	[sflag:s5] =	ssyncadd.s32 $0xFFFFC000  }
0x13b: {  	[tilespmem:s13], [sflag:$0x1] =	stream.strided.gather [hbm4b:s31+s14], $0x1000, s12, s14, $0x38;
	[tilespmem:$0x1E180] =	vst v63  }
0x13c: {  	_ =	swait.ge [sflag:s5], $0x1000  }
0x13d: {  	[sflag:s5] =	ssyncset.done $0x0  }
0x13e: {  	[sflag:s5] =	ssyncadd.s32 $0xFFFFF000  }
0x13f: {  	[spmem:s2] =	stream.indirect.scatter.add.f32 [tilespmem:s13], [sflag:$0x1], $0x20, s12, s12, $0xb8;
	[tilespmem:$0x1E180] =	vst v63  }
0x140: {  	_ =	swait.ge [sflag:s5], $0x1000  }
0x141: {  	[sflag:s5] =	ssyncset.done $0x0  }
0x142: {  	s31 =	rddreg [dreg:$0x9];
	[sflag:s5] =	ssyncadd.s32 $0xFFFFF000  }
0x143: {  	[tilespmem:s15], [sflag:$0x1] =	stream.linear.gather [hbm4b:s31+s4], $0x4000, $0x38;
	[tilespmem:$0x1E180] =	vst v63  }
0x144: {  	_ =	swait.ge [sflag:s5], $0x4000  }
0x145: {  	[sflag:s5] =	ssyncset.done $0x0  }
0x146: {  	[sflag:s5] =	ssyncadd.s32 $0xFFFFC000  }
0x147: {  	[spmem:s3] =	stream.indirect.scatter.add.f32 [tilespmem:s15], [sflag:$0x1], $0x80, s26, s12, $0xb8;
	[tilespmem:$0x1E180] =	vst v63  }
0x148: {  	_ =	swait.ge [sflag:s5], $0x4000  }
0x149: {  	[sflag:s5] =	ssyncset.done $0x0  }
0x14a: {  	s31 =	rddreg [dreg:$0xa];
	[sflag:s5] =	ssyncadd.s32 $0xFFFFC000  }
0x14b: {  	[tilespmem:s13], [sflag:$0x1] =	stream.strided.gather [hbm4b:s31+s14], $0x1000, s12, s14, $0x38;
	[tilespmem:$0x1E180] =	vst v63  }
0x14c: {  	_ =	swait.ge [sflag:s5], $0x1000  }
0x14d: {  	[sflag:s5] =	ssyncset.done $0x0  }
0x14e: {  	[sflag:s5] =	ssyncadd.s32 $0xFFFFF000  }
0x14f: {  	[spmem:s2] =	stream.indirect.scatter.add.f32 [tilespmem:s13], [sflag:$0x1], $0x20, s26, s12, $0xb8;
	[tilespmem:$0x1E180] =	vst v63  }
0x150: {  	_ =	swait.ge [sflag:s5], $0x1000  }
0x151: {  	[sflag:s5] =	ssyncset.done $0x0  }
0x152: {  	s31 =	rddreg [dreg:$0xb];
	[sflag:s5] =	ssyncadd.s32 $0xFFFFF000  }
0x153: {  	[tilespmem:s15], [sflag:$0x1] =	stream.linear.gather [hbm4b:s31+s4], $0x4000, $0x38;
	[tilespmem:$0x1E180] =	vst v63  }
0x154: {  	_ =	swait.ge [sflag:s5], $0x4000  }
0x155: {  	[sflag:s5] =	ssyncset.done $0x0  }
0x156: {  	[sflag:s5] =	ssyncadd.s32 $0xFFFFC000  }
0x157: {  	[spmem:s3] =	stream.indirect.scatter.add.f32 [tilespmem:s15], [sflag:$0x1], $0x80, s25, s12, $0xb8;
	[tilespmem:$0x1E180] =	vst v63  }
0x158: {  	_ =	swait.ge [sflag:s5], $0x4000  }
0x159: {  	[sflag:s5] =	ssyncset.done $0x0  }
0x15a: {  	s31 =	rddreg [dreg:$0xc];
	[sflag:s5] =	ssyncadd.s32 $0xFFFFC000  }
0x15b: {  	[tilespmem:s13], [sflag:$0x1] =	stream.strided.gather [hbm4b:s31+s14], $0x1000, s12, s14, $0x38;
	[tilespmem:$0x1E180] =	vst v63  }
0x15c: {  	_ =	swait.ge [sflag:s5], $0x1000  }
0x15d: {  	[sflag:s5] =	ssyncset.done $0x0  }
0x15e: {  	[sflag:s5] =	ssyncadd.s32 $0xFFFFF000  }
0x15f: {  	[spmem:s2] =	stream.indirect.scatter.add.f32 [tilespmem:s13], [sflag:$0x1], $0x20, s25, s12, $0xb8;
	[tilespmem:$0x1E180] =	vst v63  }
0x160: {  	_ =	swait.ge [sflag:s5], $0x1000  }
0x161: {  	[sflag:s5] =	ssyncset.done $0x0  }
0x162: {  	s31 =	rddreg [dreg:$0xd];
	[sflag:s5] =	ssyncadd.s32 $0xFFFFF000  }
0x163: {  	[tilespmem:s15], [sflag:$0x1] =	stream.linear.gather [hbm4b:s31+s4], $0x4000, $0x38;
	[tilespmem:$0x1E180] =	vst v63  }
0x164: {  	_ =	swait.ge [sflag:s5], $0x4000  }
0x165: {  	[sflag:s5] =	ssyncset.done $0x0  }
0x166: {  	[sflag:s5] =	ssyncadd.s32 $0xFFFFC000  }
0x167: {  	[spmem:s3] =	stream.indirect.scatter.add.f32 [tilespmem:s15], [sflag:$0x1], $0x80, s24, s12, $0xb8;
	[tilespmem:$0x1E180] =	vst v63  }
0x168: {  	_ =	swait.ge [sflag:s5], $0x4000  }
0x169: {  	[sflag:s5] =	ssyncset.done $0x0  }
0x16a: {  	s31 =	rddreg [dreg:$0xe];
	[sflag:s5] =	ssyncadd.s32 $0xFFFFC000  }
0x16b: {  	[tilespmem:s13], [sflag:$0x1] =	stream.strided.gather [hbm4b:s31+s14], $0x1000, s12, s14, $0x38;
	[tilespmem:$0x1E180] =	vst v63  }
0x16c: {  	_ =	swait.ge [sflag:s5], $0x1000  }
0x16d: {  	[sflag:s5] =	ssyncset.done $0x0  }
0x16e: {  	[sflag:s5] =	ssyncadd.s32 $0xFFFFF000  }
0x16f: {  	[spmem:s2] =	stream.indirect.scatter.add.f32 [tilespmem:s13], [sflag:$0x1], $0x20, s24, s12, $0xb8;
	[tilespmem:$0x1E180] =	vst v63  }
0x170: {  	_ =	swait.ge [sflag:s5], $0x1000  }
0x171: {  	[sflag:s5] =	ssyncset.done $0x0  }
0x172: {  	s31 =	rddreg [dreg:$0xf];
	[sflag:s5] =	ssyncadd.s32 $0xFFFFF000  }
0x173: {  	[tilespmem:s15], [sflag:$0x1] =	stream.linear.gather [hbm4b:s31+s4], $0x4000, $0x38;
	[tilespmem:$0x1E180] =	vst v63  }
0x174: {  	_ =	swait.ge [sflag:s5], $0x4000  }
0x175: {  	[sflag:s5] =	ssyncset.done $0x0  }
0x176: {  	[sflag:s5] =	ssyncadd.s32 $0xFFFFC000  }
0x177: {  	[spmem:s3] =	stream.indirect.scatter.add.f32 [tilespmem:s15], [sflag:$0x1], $0x80, s23, s12, $0xb8;
	[tilespmem:$0x1E180] =	vst v63  }
0x178: {  	_ =	swait.ge [sflag:s5], $0x4000  }
0x179: {  	[sflag:s5] =	ssyncset.done $0x0  }
0x17a: {  	s31 =	rddreg [dreg:$0x10];
	[sflag:s5] =	ssyncadd.s32 $0xFFFFC000  }
0x17b: {  	[tilespmem:s13], [sflag:$0x1] =	stream.strided.gather [hbm4b:s31+s14], $0x1000, s12, s14, $0x38;
	[tilespmem:$0x1E180] =	vst v63  }
0x17c: {  	_ =	swait.ge [sflag:s5], $0x1000  }
0x17d: {  	[sflag:s5] =	ssyncset.done $0x0  }
0x17e: {  	[sflag:s5] =	ssyncadd.s32 $0xFFFFF000  }
0x17f: {  	[spmem:s2] =	stream.indirect.scatter.add.f32 [tilespmem:s13], [sflag:$0x1], $0x20, s23, s12, $0xb8;
	[tilespmem:$0x1E180] =	vst v63  }
0x180: {  	_ =	swait.ge [sflag:s5], $0x1000  }
0x181: {  	[sflag:s5] =	ssyncset.done $0x0  }
0x182: {  	s31 =	rddreg [dreg:$0x11];
	[sflag:s5] =	ssyncadd.s32 $0xFFFFF000  }
0x183: {  	[tilespmem:s15], [sflag:$0x1] =	stream.linear.gather [hbm4b:s31+s4], $0x4000, $0x38;
	[tilespmem:$0x1E180] =	vst v63  }
0x184: {  	_ =	swait.ge [sflag:s5], $0x4000  }
0x185: {  	[sflag:s5] =	ssyncset.done $0x0  }
0x186: {  	[sflag:s5] =	ssyncadd.s32 $0xFFFFC000  }
0x187: {  	[spmem:s3] =	stream.indirect.scatter.add.f32 [tilespmem:s15], [sflag:$0x1], $0x80, s22, s12, $0xb8;
	[tilespmem:$0x1E180] =	vst v63  }
0x188: {  	_ =	swait.ge [sflag:s5], $0x4000  }
0x189: {  	[sflag:s5] =	ssyncset.done $0x0  }
0x18a: {  	s31 =	rddreg [dreg:$0x12];
	[sflag:s5] =	ssyncadd.s32 $0xFFFFC000  }
0x18b: {  	[tilespmem:s13], [sflag:$0x1] =	stream.strided.gather [hbm4b:s31+s14], $0x1000, s12, s14, $0x38;
	[tilespmem:$0x1E180] =	vst v63  }
0x18c: {  	_ =	swait.ge [sflag:s5], $0x1000  }
0x18d: {  	[sflag:s5] =	ssyncset.done $0x0  }
0x18e: {  	[sflag:s5] =	ssyncadd.s32 $0xFFFFF000  }
0x18f: {  	[spmem:s2] =	stream.indirect.scatter.add.f32 [tilespmem:s13], [sflag:$0x1], $0x20, s22, s12, $0xb8;
	[tilespmem:$0x1E180] =	vst v63  }
0x190: {  	_ =	swait.ge [sflag:s5], $0x1000  }
0x191: {  	[sflag:s5] =	ssyncset.done $0x0  }
0x192: {  	s31 =	rddreg [dreg:$0x13];
	[sflag:s5] =	ssyncadd.s32 $0xFFFFF000  }
0x193: {  	[tilespmem:s15], [sflag:$0x1] =	stream.linear.gather [hbm4b:s31+s4], $0x4000, $0x38;
	[tilespmem:$0x1E180] =	vst v63  }
0x194: {  	_ =	swait.ge [sflag:s5], $0x4000  }
0x195: {  	[sflag:s5] =	ssyncset.done $0x0  }
0x196: {  	[sflag:s5] =	ssyncadd.s32 $0xFFFFC000  }
0x197: {  	[spmem:s3] =	stream.indirect.scatter.add.f32 [tilespmem:s15], [sflag:$0x1], $0x80, s21, s12, $0xb8;
	[tilespmem:$0x1E180] =	vst v63  }
0x198: {  	_ =	swait.ge [sflag:s5], $0x4000  }
0x199: {  	[sflag:s5] =	ssyncset.done $0x0  }
0x19a: {  	s31 =	rddreg [dreg:$0x14];
	[sflag:s5] =	ssyncadd.s32 $0xFFFFC000  }
0x19b: {  	[tilespmem:s13], [sflag:$0x1] =	stream.strided.gather [hbm4b:s31+s14], $0x1000, s12, s14, $0x38;
	[tilespmem:$0x1E180] =	vst v63  }
0x19c: {  	_ =	swait.ge [sflag:s5], $0x1000  }
0x19d: {  	[sflag:s5] =	ssyncset.done $0x0  }
0x19e: {  	[sflag:s5] =	ssyncadd.s32 $0xFFFFF000  }
0x19f: {  	[spmem:s2] =	stream.indirect.scatter.add.f32 [tilespmem:s13], [sflag:$0x1], $0x20, s21, s12, $0xb8;
	[tilespmem:$0x1E180] =	vst v63  }
0x1a0: {  	_ =	swait.ge [sflag:s5], $0x1000  }
0x1a1: {  	[sflag:s5] =	ssyncset.done $0x0  }
0x1a2: {  	s31 =	rddreg [dreg:$0x15];
	[sflag:s5] =	ssyncadd.s32 $0xFFFFF000  }
0x1a3: {  	[tilespmem:s15], [sflag:$0x1] =	stream.linear.gather [hbm4b:s31+s4], $0x4000, $0x38;
	[tilespmem:$0x1E180] =	vst v63  }
0x1a4: {  	_ =	swait.ge [sflag:s5], $0x4000  }
0x1a5: {  	[sflag:s5] =	ssyncset.done $0x0  }
0x1a6: {  	[sflag:s5] =	ssyncadd.s32 $0xFFFFC000  }
0x1a7: {  	[spmem:s3] =	stream.indirect.scatter.add.f32 [tilespmem:s15], [sflag:$0x1], $0x80, s20, s12, $0xb8;
	[tilespmem:$0x1E180] =	vst v63  }
0x1a8: {  	_ =	swait.ge [sflag:s5], $0x4000  }
0x1a9: {  	[sflag:s5] =	ssyncset.done $0x0  }
0x1aa: {  	s31 =	rddreg [dreg:$0x16];
	[sflag:s5] =	ssyncadd.s32 $0xFFFFC000  }
0x1ab: {  	[tilespmem:s13], [sflag:$0x1] =	stream.strided.gather [hbm4b:s31+s14], $0x1000, s12, s14, $0x38;
	[tilespmem:$0x1E180] =	vst v63  }
0x1ac: {  	_ =	swait.ge [sflag:s5], $0x1000  }
0x1ad: {  	[sflag:s5] =	ssyncset.done $0x0  }
0x1ae: {  	[sflag:s5] =	ssyncadd.s32 $0xFFFFF000  }
0x1af: {  	[spmem:s2] =	stream.indirect.scatter.add.f32 [tilespmem:s13], [sflag:$0x1], $0x20, s20, s12, $0xb8;
	[tilespmem:$0x1E180] =	vst v63  }
0x1b0: {  	_ =	swait.ge [sflag:s5], $0x1000  }
0x1b1: {  	[sflag:s5] =	ssyncset.done $0x0  }
0x1b2: {  	s31 =	rddreg [dreg:$0x17];
	[sflag:s5] =	ssyncadd.s32 $0xFFFFF000  }
0x1b3: {  	[tilespmem:s15], [sflag:$0x1] =	stream.linear.gather [hbm4b:s31+s4], $0x4000, $0x38;
	[tilespmem:$0x1E180] =	vst v63  }
0x1b4: {  	_ =	swait.ge [sflag:s5], $0x4000  }
0x1b5: {  	[sflag:s5] =	ssyncset.done $0x0  }
0x1b6: {  	[sflag:s5] =	ssyncadd.s32 $0xFFFFC000  }
0x1b7: {  	[spmem:s3] =	stream.indirect.scatter.add.f32 [tilespmem:s15], [sflag:$0x1], $0x80, s19, s12, $0xb8;
	[tilespmem:$0x1E180] =	vst v63  }
0x1b8: {  	_ =	swait.ge [sflag:s5], $0x4000  }
0x1b9: {  	[sflag:s5] =	ssyncset.done $0x0  }
0x1ba: {  	s31 =	rddreg [dreg:$0x18];
	[sflag:s5] =	ssyncadd.s32 $0xFFFFC000  }
0x1bb: {  	[tilespmem:s13], [sflag:$0x1] =	stream.strided.gather [hbm4b:s31+s14], $0x1000, s12, s14, $0x38;
	[tilespmem:$0x1E180] =	vst v63  }
0x1bc: {  	_ =	swait.ge [sflag:s5], $0x1000  }
0x1bd: {  	[sflag:s5] =	ssyncset.done $0x0  }
0x1be: {  	[sflag:s5] =	ssyncadd.s32 $0xFFFFF000  }
0x1bf: {  	[spmem:s2] =	stream.indirect.scatter.add.f32 [tilespmem:s13], [sflag:$0x1], $0x20, s19, s12, $0xb8;
	[tilespmem:$0x1E180] =	vst v63  }
0x1c0: {  	_ =	swait.ge [sflag:s5], $0x1000  }
0x1c1: {  	[sflag:s5] =	ssyncset.done $0x0  }
0x1c2: {  	s31 =	rddreg [dreg:$0x19];
	[sflag:s5] =	ssyncadd.s32 $0xFFFFF000  }
0x1c3: {  	[tilespmem:s15], [sflag:$0x1] =	stream.linear.gather [hbm4b:s31+s4], $0x4000, $0x38;
	[tilespmem:$0x1E180] =	vst v63  }
0x1c4: {  	_ =	swait.ge [sflag:s5], $0x4000  }
0x1c5: {  	[sflag:s5] =	ssyncset.done $0x0  }
0x1c6: {  	[sflag:s5] =	ssyncadd.s32 $0xFFFFC000  }
0x1c7: {  	[spmem:s3] =	stream.indirect.scatter.add.f32 [tilespmem:s15], [sflag:$0x1], $0x80, s18, s12, $0xb8;
	[tilespmem:$0x1E180] =	vst v63  }
0x1c8: {  	_ =	swait.ge [sflag:s5], $0x4000  }
0x1c9: {  	[sflag:s5] =	ssyncset.done $0x0  }
0x1ca: {  	s31 =	rddreg [dreg:$0x1a];
	[sflag:s5] =	ssyncadd.s32 $0xFFFFC000  }
0x1cb: {  	[tilespmem:s13], [sflag:$0x1] =	stream.strided.gather [hbm4b:s31+s14], $0x1000, s12, s14, $0x38;
	[tilespmem:$0x1E180] =	vst v63  }
0x1cc: {  	_ =	swait.ge [sflag:s5], $0x1000  }
0x1cd: {  	[sflag:s5] =	ssyncset.done $0x0  }
0x1ce: {  	[sflag:s5] =	ssyncadd.s32 $0xFFFFF000  }
0x1cf: {  	[spmem:s2] =	stream.indirect.scatter.add.f32 [tilespmem:s13], [sflag:$0x1], $0x20, s18, s12, $0xb8;
	[tilespmem:$0x1E180] =	vst v63  }
0x1d0: {  	_ =	swait.ge [sflag:s5], $0x1000  }
0x1d1: {  	[sflag:s5] =	ssyncset.done $0x0  }
0x1d2: {  	s31 =	rddreg [dreg:$0x1b];
	[sflag:s5] =	ssyncadd.s32 $0xFFFFF000  }
0x1d3: {  	[tilespmem:s15], [sflag:$0x1] =	stream.linear.gather [hbm4b:s31+s4], $0x4000, $0x38;
	[tilespmem:$0x1E180] =	vst v63  }
0x1d4: {  	_ =	swait.ge [sflag:s5], $0x4000  }
0x1d5: {  	[sflag:s5] =	ssyncset.done $0x0  }
0x1d6: {  	[sflag:s5] =	ssyncadd.s32 $0xFFFFC000  }
0x1d7: {  	[spmem:s3] =	stream.indirect.scatter.add.f32 [tilespmem:s15], [sflag:$0x1], $0x80, s17, s12, $0xb8;
	[tilespmem:$0x1E180] =	vst v63  }
0x1d8: {  	_ =	swait.ge [sflag:s5], $0x4000  }
0x1d9: {  	[sflag:s5] =	ssyncset.done $0x0  }
0x1da: {  	s31 =	rddreg [dreg:$0x1c];
	[sflag:s5] =	ssyncadd.s32 $0xFFFFC000  }
0x1db: {  	[tilespmem:s13], [sflag:$0x1] =	stream.strided.gather [hbm4b:s31+s14], $0x1000, s12, s14, $0x38;
	[tilespmem:$0x1E180] =	vst v63  }
0x1dc: {  	_ =	swait.ge [sflag:s5], $0x1000  }
0x1dd: {  	[sflag:s5] =	ssyncset.done $0x0  }
0x1de: {  	[sflag:s5] =	ssyncadd.s32 $0xFFFFF000  }
0x1df: {  	[spmem:s2] =	stream.indirect.scatter.add.f32 [tilespmem:s13], [sflag:$0x1], $0x20, s17, s12, $0xb8;
	[tilespmem:$0x1E180] =	vst v63  }
0x1e0: {  	_ =	swait.ge [sflag:s5], $0x1000  }
0x1e1: {  	[sflag:s5] =	ssyncset.done $0x0  }
0x1e2: {  	s31 =	rddreg [dreg:$0x1d];
	[sflag:s5] =	ssyncadd.s32 $0xFFFFF000  }
0x1e3: {  	[tilespmem:s15], [sflag:$0x1] =	stream.linear.gather [hbm4b:s31+s4], $0x4000, $0x38;
	[tilespmem:$0x1E180] =	vst v63  }
0x1e4: {  	_ =	swait.ge [sflag:s5], $0x4000  }
0x1e5: {  	[sflag:s5] =	ssyncset.done $0x0  }
0x1e6: {  	[sflag:s5] =	ssyncadd.s32 $0xFFFFC000  }
0x1e7: {  	[spmem:s3] =	stream.indirect.scatter.add.f32 [tilespmem:s15], [sflag:$0x1], $0x80, s16, s12, $0xb8;
	[tilespmem:$0x1E180] =	vst v63  }
0x1e8: {  	_ =	swait.ge [sflag:s5], $0x4000  }
0x1e9: {  	[sflag:s5] =	ssyncset.done $0x0  }
0x1ea: {  	s31 =	rddreg [dreg:$0x1e];
	[sflag:s5] =	ssyncadd.s32 $0xFFFFC000  }
0x1eb: {  	[tilespmem:s13], [sflag:$0x1] =	stream.strided.gather [hbm4b:s31+s14], $0x1000, s12, s14, $0x38;
	[tilespmem:$0x1E180] =	vst v63  }
0x1ec: {  	_ =	swait.ge [sflag:s5], $0x1000  }
0x1ed: {  	[sflag:s5] =	ssyncset.done $0x0  }
0x1ee: {  	[sflag:s5] =	ssyncadd.s32 $0xFFFFF000  }
0x1ef: {  	[spmem:s2] =	stream.indirect.scatter.add.f32 [tilespmem:s13], [sflag:$0x1], $0x20, s16, s12, $0xb8;
	[tilespmem:$0x1E180] =	vst v63  }
0x1f0: {  	_ =	swait.ge [sflag:s5], $0x1000  }
0x1f1: {  	[sflag:s5] =	ssyncset.done $0x0  }
0x1f2: {  	[sflag:s5] =	ssyncadd.s32 $0xFFFFF000  }
0x1f3: {  	[bflag:$0x0] =	sbarrier.arrive $0xFFFF  }
0x1f4: {  	[hbm:s7], [sflag:s29] =	dma.local [spmem:s11], $0x2780  }
0x1f5: {  	p1 =	sne.s32 s30, $0x1;
	_ =	swait.ge [sflag:s5], $0x2780  }
.Ltmp2:
0x1f6: {  	[sflag:s5] =	ssyncset.done $0x0;
	(pc) =	sbr.rel @p1 .LBB2_2-.Ltmp2, $4  }
0x1f7: {  	[sflag:s5] =	ssyncadd.s32 $0xFFFFD880  }
0x1f8: {  	[hbm:s6@s10], [sflag:s29] =	dma.strided [spmem:s8@s9], $0x9E0, s5, $0x4   }
0x1f9: {  	_ =	swait.ge [sflag:s5], $0x9E0  }
0x1fa: {  	s30 =	sadd.s32 $0xFFFFFFFF, s30;
	s31 =	rddreg [dreg:$0x4];
	[sflag:s5] =	ssyncset.done $0x0  }
.LBB2_3:
0x1fb: {  	[sflag:s5] =	ssyncadd.s32 @p0 $0xFFFFF620  }
0x1fc: {  	[tilespmem:s4], [sflag:$0x1] =	stream.linear.gather [hbm4b:s31+s4], $0x680, $0x38;
	[tilespmem:$0x1E180] =	vst v63  }
0x1fd: {  	_ =	swait.ge [sflag:s5], $0x680  }
0x1fe: {  	s29 =	sshll.u32 s0, $0x6;
	[sflag:s5] =	ssyncset.done $0x0  }
0x1ff: {  	s29 =	sor.u32 $0x1C01, s29;
	[sflag:s5] =	ssyncadd.s32 $0xFFFFF980  }
0x200: {  	[spmem:s11], [sflag:s29] =	dma.local [hbm:s28], $0x2780  }
0x201: {  	_ =	swait.ge [sflag:s5], $0x2780  }
0x202: {  	[sflag:s5] =	ssyncset.done $0x0  }
0x203: {  	[sflag:s5] =	ssyncadd.s32 $0xFFFFD880  }
0x204: {  	[spmem:s8@s9], [sflag:s29] =	dma.strided [hbm:s28@s10], $0x9E0, s5, $0x4   }
0x205: {  	_ =	swait.ge [sflag:s5], $0x9E0  }
0x206: {  	[sflag:s5] =	ssyncset.done $0x0  }
0x207: {  	[sflag:s5] =	ssyncadd.s32 $0xFFFFF620  }
0x208: {  	[bflag:$0x0] =	sbarrier.arrive $0xFFFF  }
0x209: {  	s30 =	rddreg [dreg:$0x5]  }
0x20a: {  	[tilespmem:s15], [sflag:$0x1] =	stream.linear.gather [hbm4b:s30+s4], $0x4000, $0x38;
	[tilespmem:$0x1E180] =	vst v63  }
0x20b: {  	_ =	swait.ge [sflag:s5], $0x4000  }
0x20c: {  	[sflag:s5] =	ssyncset.done $0x0  }
0x20d: {  	[sflag:s5] =	ssyncadd.s32 $0xFFFFC000  }
0x20e: {  	[spmem:s3] =	stream.indirect.scatter.add.f32 [tilespmem:s15], [sflag:$0x1], $0x80, s4, s12, $0xb8;
	[tilespmem:$0x1E180] =	vst v63  }
0x20f: {  	_ =	swait.ge [sflag:s5], $0x4000  }
0x210: {  	[sflag:s5] =	ssyncset.done $0x0  }
0x211: {  	s31 =	rddreg [dreg:$0x6];
	[sflag:s5] =	ssyncadd.s32 $0xFFFFC000  }
0x212: {  	[tilespmem:s13], [sflag:$0x1] =	stream.strided.gather [hbm4b:s31+s14], $0x1000, s12, s14, $0x38;
	[tilespmem:$0x1E180] =	vst v63  }
0x213: {  	_ =	swait.ge [sflag:s5], $0x1000  }
0x214: {  	[sflag:s5] =	ssyncset.done $0x0  }
0x215: {  	[sflag:s5] =	ssyncadd.s32 $0xFFFFF000  }
0x216: {  	[spmem:s2] =	stream.indirect.scatter.add.f32 [tilespmem:s13], [sflag:$0x1], $0x20, s4, s12, $0xb8;
	[tilespmem:$0x1E180] =	vst v63  }
0x217: {  	_ =	swait.ge [sflag:s5], $0x1000  }
0x218: {  	[sflag:s5] =	ssyncset.done $0x0  }
0x219: {  	s30 =	rddreg [dreg:$0x7];
	[sflag:s5] =	ssyncadd.s32 $0xFFFFF000  }
0x21a: {  	[tilespmem:s15], [sflag:$0x1] =	stream.linear.gather [hbm4b:s30+s4], $0x4000, $0x38;
	[tilespmem:$0x1E180] =	vst v63  }
0x21b: {  	_ =	swait.ge [sflag:s5], $0x4000  }
0x21c: {  	[sflag:s5] =	ssyncset.done $0x0  }
0x21d: {  	[sflag:s5] =	ssyncadd.s32 $0xFFFFC000  }
0x21e: {  	[spmem:s3] =	stream.indirect.scatter.add.f32 [tilespmem:s15], [sflag:$0x1], $0x80, s12, s12, $0xb8;
	[tilespmem:$0x1E180] =	vst v63  }
0x21f: {  	_ =	swait.ge [sflag:s5], $0x4000  }
0x220: {  	[sflag:s5] =	ssyncset.done $0x0  }
0x221: {  	s31 =	rddreg [dreg:$0x8];
	[sflag:s5] =	ssyncadd.s32 $0xFFFFC000  }
0x222: {  	[tilespmem:s13], [sflag:$0x1] =	stream.strided.gather [hbm4b:s31+s14], $0x1000, s12, s14, $0x38;
	[tilespmem:$0x1E180] =	vst v63  }
0x223: {  	_ =	swait.ge [sflag:s5], $0x1000  }
0x224: {  	[sflag:s5] =	ssyncset.done $0x0  }
0x225: {  	[sflag:s5] =	ssyncadd.s32 $0xFFFFF000  }
0x226: {  	[spmem:s2] =	stream.indirect.scatter.add.f32 [tilespmem:s13], [sflag:$0x1], $0x20, s12, s12, $0xb8;
	[tilespmem:$0x1E180] =	vst v63  }
0x227: {  	_ =	swait.ge [sflag:s5], $0x1000  }
0x228: {  	[sflag:s5] =	ssyncset.done $0x0  }
0x229: {  	s30 =	rddreg [dreg:$0x9];
	[sflag:s5] =	ssyncadd.s32 $0xFFFFF000  }
0x22a: {  	[tilespmem:s15], [sflag:$0x1] =	stream.linear.gather [hbm4b:s30+s4], $0x4000, $0x38;
	[tilespmem:$0x1E180] =	vst v63  }
0x22b: {  	_ =	swait.ge [sflag:s5], $0x4000  }
0x22c: {  	[sflag:s5] =	ssyncset.done $0x0  }
0x22d: {  	[sflag:s5] =	ssyncadd.s32 $0xFFFFC000  }
0x22e: {  	[spmem:s3] =	stream.indirect.scatter.add.f32 [tilespmem:s15], [sflag:$0x1], $0x80, s26, s12, $0xb8;
	[tilespmem:$0x1E180] =	vst v63  }
0x22f: {  	_ =	swait.ge [sflag:s5], $0x4000  }
0x230: {  	[sflag:s5] =	ssyncset.done $0x0  }
0x231: {  	s31 =	rddreg [dreg:$0xa];
	[sflag:s5] =	ssyncadd.s32 $0xFFFFC000  }
0x232: {  	[tilespmem:s13], [sflag:$0x1] =	stream.strided.gather [hbm4b:s31+s14], $0x1000, s12, s14, $0x38;
	[tilespmem:$0x1E180] =	vst v63  }
0x233: {  	_ =	swait.ge [sflag:s5], $0x1000  }
0x234: {  	[sflag:s5] =	ssyncset.done $0x0  }
0x235: {  	[sflag:s5] =	ssyncadd.s32 $0xFFFFF000  }
0x236: {  	[spmem:s2] =	stream.indirect.scatter.add.f32 [tilespmem:s13], [sflag:$0x1], $0x20, s26, s12, $0xb8;
	[tilespmem:$0x1E180] =	vst v63  }
0x237: {  	_ =	swait.ge [sflag:s5], $0x1000  }
0x238: {  	[sflag:s5] =	ssyncset.done $0x0  }
0x239: {  	s30 =	rddreg [dreg:$0xb];
	[sflag:s5] =	ssyncadd.s32 $0xFFFFF000  }
0x23a: {  	[tilespmem:s15], [sflag:$0x1] =	stream.linear.gather [hbm4b:s30+s4], $0x4000, $0x38;
	[tilespmem:$0x1E180] =	vst v63  }
0x23b: {  	_ =	swait.ge [sflag:s5], $0x4000  }
0x23c: {  	[sflag:s5] =	ssyncset.done $0x0  }
0x23d: {  	[sflag:s5] =	ssyncadd.s32 $0xFFFFC000  }
0x23e: {  	[spmem:s3] =	stream.indirect.scatter.add.f32 [tilespmem:s15], [sflag:$0x1], $0x80, s25, s12, $0xb8;
	[tilespmem:$0x1E180] =	vst v63  }
0x23f: {  	_ =	swait.ge [sflag:s5], $0x4000  }
0x240: {  	[sflag:s5] =	ssyncset.done $0x0  }
0x241: {  	s31 =	rddreg [dreg:$0xc];
	[sflag:s5] =	ssyncadd.s32 $0xFFFFC000  }
0x242: {  	[tilespmem:s13], [sflag:$0x1] =	stream.strided.gather [hbm4b:s31+s14], $0x1000, s12, s14, $0x38;
	[tilespmem:$0x1E180] =	vst v63  }
0x243: {  	_ =	swait.ge [sflag:s5], $0x1000  }
0x244: {  	[sflag:s5] =	ssyncset.done $0x0  }
0x245: {  	[sflag:s5] =	ssyncadd.s32 $0xFFFFF000  }
0x246: {  	[spmem:s2] =	stream.indirect.scatter.add.f32 [tilespmem:s13], [sflag:$0x1], $0x20, s25, s12, $0xb8;
	[tilespmem:$0x1E180] =	vst v63  }
0x247: {  	_ =	swait.ge [sflag:s5], $0x1000  }
0x248: {  	[sflag:s5] =	ssyncset.done $0x0  }
0x249: {  	s26 =	rddreg [dreg:$0xd];
	[sflag:s5] =	ssyncadd.s32 $0xFFFFF000  }
0x24a: {  	[tilespmem:s15], [sflag:$0x1] =	stream.linear.gather [hbm4b:s26+s4], $0x4000, $0x38;
	[tilespmem:$0x1E180] =	vst v63  }
0x24b: {  	_ =	swait.ge [sflag:s5], $0x4000  }
0x24c: {  	[sflag:s5] =	ssyncset.done $0x0  }
0x24d: {  	[sflag:s5] =	ssyncadd.s32 $0xFFFFC000  }
0x24e: {  	[spmem:s3] =	stream.indirect.scatter.add.f32 [tilespmem:s15], [sflag:$0x1], $0x80, s24, s12, $0xb8;
	[tilespmem:$0x1E180] =	vst v63  }
0x24f: {  	_ =	swait.ge [sflag:s5], $0x4000  }
0x250: {  	[sflag:s5] =	ssyncset.done $0x0  }
0x251: {  	s28 =	rddreg [dreg:$0xe];
	[sflag:s5] =	ssyncadd.s32 $0xFFFFC000  }
0x252: {  	[tilespmem:s13], [sflag:$0x1] =	stream.strided.gather [hbm4b:s28+s14], $0x1000, s12, s14, $0x38;
	[tilespmem:$0x1E180] =	vst v63  }
0x253: {  	_ =	swait.ge [sflag:s5], $0x1000  }
0x254: {  	[sflag:s5] =	ssyncset.done $0x0  }
0x255: {  	[sflag:s5] =	ssyncadd.s32 $0xFFFFF000  }
0x256: {  	[spmem:s2] =	stream.indirect.scatter.add.f32 [tilespmem:s13], [sflag:$0x1], $0x20, s24, s12, $0xb8;
	[tilespmem:$0x1E180] =	vst v63  }
0x257: {  	_ =	swait.ge [sflag:s5], $0x1000  }
0x258: {  	[sflag:s5] =	ssyncset.done $0x0  }
0x259: {  	s30 =	rddreg [dreg:$0xf];
	[sflag:s5] =	ssyncadd.s32 $0xFFFFF000  }
0x25a: {  	[tilespmem:s15], [sflag:$0x1] =	stream.linear.gather [hbm4b:s30+s4], $0x4000, $0x38;
	[tilespmem:$0x1E180] =	vst v63  }
0x25b: {  	_ =	swait.ge [sflag:s5], $0x4000  }
0x25c: {  	[sflag:s5] =	ssyncset.done $0x0  }
0x25d: {  	[sflag:s5] =	ssyncadd.s32 $0xFFFFC000  }
0x25e: {  	[spmem:s3] =	stream.indirect.scatter.add.f32 [tilespmem:s15], [sflag:$0x1], $0x80, s23, s12, $0xb8;
	[tilespmem:$0x1E180] =	vst v63  }
0x25f: {  	_ =	swait.ge [sflag:s5], $0x4000  }
0x260: {  	[sflag:s5] =	ssyncset.done $0x0  }
0x261: {  	s31 =	rddreg [dreg:$0x10];
	[sflag:s5] =	ssyncadd.s32 $0xFFFFC000  }
0x262: {  	[tilespmem:s13], [sflag:$0x1] =	stream.strided.gather [hbm4b:s31+s14], $0x1000, s12, s14, $0x38;
	[tilespmem:$0x1E180] =	vst v63  }
0x263: {  	_ =	swait.ge [sflag:s5], $0x1000  }
0x264: {  	[sflag:s5] =	ssyncset.done $0x0  }
0x265: {  	[sflag:s5] =	ssyncadd.s32 $0xFFFFF000  }
0x266: {  	[spmem:s2] =	stream.indirect.scatter.add.f32 [tilespmem:s13], [sflag:$0x1], $0x20, s23, s12, $0xb8;
	[tilespmem:$0x1E180] =	vst v63  }
0x267: {  	_ =	swait.ge [sflag:s5], $0x1000  }
0x268: {  	[sflag:s5] =	ssyncset.done $0x0  }
0x269: {  	s24 =	rddreg [dreg:$0x11];
	[sflag:s5] =	ssyncadd.s32 $0xFFFFF000  }
0x26a: {  	[tilespmem:s15], [sflag:$0x1] =	stream.linear.gather [hbm4b:s24+s4], $0x4000, $0x38;
	[tilespmem:$0x1E180] =	vst v63  }
0x26b: {  	_ =	swait.ge [sflag:s5], $0x4000  }
0x26c: {  	[sflag:s5] =	ssyncset.done $0x0  }
0x26d: {  	[sflag:s5] =	ssyncadd.s32 $0xFFFFC000  }
0x26e: {  	[spmem:s3] =	stream.indirect.scatter.add.f32 [tilespmem:s15], [sflag:$0x1], $0x80, s22, s12, $0xb8;
	[tilespmem:$0x1E180] =	vst v63  }
0x26f: {  	_ =	swait.ge [sflag:s5], $0x4000  }
0x270: {  	[sflag:s5] =	ssyncset.done $0x0  }
0x271: {  	s25 =	rddreg [dreg:$0x12];
	[sflag:s5] =	ssyncadd.s32 $0xFFFFC000  }
0x272: {  	[tilespmem:s13], [sflag:$0x1] =	stream.strided.gather [hbm4b:s25+s14], $0x1000, s12, s14, $0x38;
	[tilespmem:$0x1E180] =	vst v63  }
0x273: {  	_ =	swait.ge [sflag:s5], $0x1000  }
0x274: {  	[sflag:s5] =	ssyncset.done $0x0  }
0x275: {  	[sflag:s5] =	ssyncadd.s32 $0xFFFFF000  }
0x276: {  	[spmem:s2] =	stream.indirect.scatter.add.f32 [tilespmem:s13], [sflag:$0x1], $0x20, s22, s12, $0xb8;
	[tilespmem:$0x1E180] =	vst v63  }
0x277: {  	_ =	swait.ge [sflag:s5], $0x1000  }
0x278: {  	[sflag:s5] =	ssyncset.done $0x0  }
0x279: {  	s26 =	rddreg [dreg:$0x13];
	[sflag:s5] =	ssyncadd.s32 $0xFFFFF000  }
0x27a: {  	[tilespmem:s15], [sflag:$0x1] =	stream.linear.gather [hbm4b:s26+s4], $0x4000, $0x38;
	[tilespmem:$0x1E180] =	vst v63  }
0x27b: {  	_ =	swait.ge [sflag:s5], $0x4000  }
0x27c: {  	[sflag:s5] =	ssyncset.done $0x0  }
0x27d: {  	[sflag:s5] =	ssyncadd.s32 $0xFFFFC000  }
0x27e: {  	[spmem:s3] =	stream.indirect.scatter.add.f32 [tilespmem:s15], [sflag:$0x1], $0x80, s21, s12, $0xb8;
	[tilespmem:$0x1E180] =	vst v63  }
0x27f: {  	_ =	swait.ge [sflag:s5], $0x4000  }
0x280: {  	[sflag:s5] =	ssyncset.done $0x0  }
0x281: {  	s28 =	rddreg [dreg:$0x14];
	[sflag:s5] =	ssyncadd.s32 $0xFFFFC000  }
0x282: {  	[tilespmem:s13], [sflag:$0x1] =	stream.strided.gather [hbm4b:s28+s14], $0x1000, s12, s14, $0x38;
	[tilespmem:$0x1E180] =	vst v63  }
0x283: {  	_ =	swait.ge [sflag:s5], $0x1000  }
0x284: {  	[sflag:s5] =	ssyncset.done $0x0  }
0x285: {  	[sflag:s5] =	ssyncadd.s32 $0xFFFFF000  }
0x286: {  	[spmem:s2] =	stream.indirect.scatter.add.f32 [tilespmem:s13], [sflag:$0x1], $0x20, s21, s12, $0xb8;
	[tilespmem:$0x1E180] =	vst v63  }
0x287: {  	_ =	swait.ge [sflag:s5], $0x1000  }
0x288: {  	[sflag:s5] =	ssyncset.done $0x0  }
0x289: {  	s30 =	rddreg [dreg:$0x15];
	[sflag:s5] =	ssyncadd.s32 $0xFFFFF000  }
0x28a: {  	[tilespmem:s15], [sflag:$0x1] =	stream.linear.gather [hbm4b:s30+s4], $0x4000, $0x38;
	[tilespmem:$0x1E180] =	vst v63  }
0x28b: {  	_ =	swait.ge [sflag:s5], $0x4000  }
0x28c: {  	[sflag:s5] =	ssyncset.done $0x0  }
0x28d: {  	[sflag:s5] =	ssyncadd.s32 $0xFFFFC000  }
0x28e: {  	[spmem:s3] =	stream.indirect.scatter.add.f32 [tilespmem:s15], [sflag:$0x1], $0x80, s20, s12, $0xb8;
	[tilespmem:$0x1E180] =	vst v63  }
0x28f: {  	_ =	swait.ge [sflag:s5], $0x4000  }
0x290: {  	[sflag:s5] =	ssyncset.done $0x0  }
0x291: {  	s31 =	rddreg [dreg:$0x16];
	[sflag:s5] =	ssyncadd.s32 $0xFFFFC000  }
0x292: {  	[tilespmem:s13], [sflag:$0x1] =	stream.strided.gather [hbm4b:s31+s14], $0x1000, s12, s14, $0x38;
	[tilespmem:$0x1E180] =	vst v63  }
0x293: {  	_ =	swait.ge [sflag:s5], $0x1000  }
0x294: {  	[sflag:s5] =	ssyncset.done $0x0  }
0x295: {  	[sflag:s5] =	ssyncadd.s32 $0xFFFFF000  }
0x296: {  	[spmem:s2] =	stream.indirect.scatter.add.f32 [tilespmem:s13], [sflag:$0x1], $0x20, s20, s12, $0xb8;
	[tilespmem:$0x1E180] =	vst v63  }
0x297: {  	_ =	swait.ge [sflag:s5], $0x1000  }
0x298: {  	[sflag:s5] =	ssyncset.done $0x0  }
0x299: {  	s22 =	rddreg [dreg:$0x17];
	[sflag:s5] =	ssyncadd.s32 $0xFFFFF000  }
0x29a: {  	[tilespmem:s15], [sflag:$0x1] =	stream.linear.gather [hbm4b:s22+s4], $0x4000, $0x38;
	[tilespmem:$0x1E180] =	vst v63  }
0x29b: {  	_ =	swait.ge [sflag:s5], $0x4000  }
0x29c: {  	[sflag:s5] =	ssyncset.done $0x0  }
0x29d: {  	[sflag:s5] =	ssyncadd.s32 $0xFFFFC000  }
0x29e: {  	[spmem:s3] =	stream.indirect.scatter.add.f32 [tilespmem:s15], [sflag:$0x1], $0x80, s19, s12, $0xb8;
	[tilespmem:$0x1E180] =	vst v63  }
0x29f: {  	_ =	swait.ge [sflag:s5], $0x4000  }
0x2a0: {  	[sflag:s5] =	ssyncset.done $0x0  }
0x2a1: {  	s23 =	rddreg [dreg:$0x18];
	[sflag:s5] =	ssyncadd.s32 $0xFFFFC000  }
0x2a2: {  	[tilespmem:s13], [sflag:$0x1] =	stream.strided.gather [hbm4b:s23+s14], $0x1000, s12, s14, $0x38;
	[tilespmem:$0x1E180] =	vst v63  }
0x2a3: {  	_ =	swait.ge [sflag:s5], $0x1000  }
0x2a4: {  	[sflag:s5] =	ssyncset.done $0x0  }
0x2a5: {  	[sflag:s5] =	ssyncadd.s32 $0xFFFFF000  }
0x2a6: {  	[spmem:s2] =	stream.indirect.scatter.add.f32 [tilespmem:s13], [sflag:$0x1], $0x20, s19, s12, $0xb8;
	[tilespmem:$0x1E180] =	vst v63  }
0x2a7: {  	_ =	swait.ge [sflag:s5], $0x1000  }
0x2a8: {  	[sflag:s5] =	ssyncset.done $0x0  }
0x2a9: {  	s24 =	rddreg [dreg:$0x19];
	[sflag:s5] =	ssyncadd.s32 $0xFFFFF000  }
0x2aa: {  	[tilespmem:s15], [sflag:$0x1] =	stream.linear.gather [hbm4b:s24+s4], $0x4000, $0x38;
	[tilespmem:$0x1E180] =	vst v63  }
0x2ab: {  	_ =	swait.ge [sflag:s5], $0x4000  }
0x2ac: {  	[sflag:s5] =	ssyncset.done $0x0  }
0x2ad: {  	[sflag:s5] =	ssyncadd.s32 $0xFFFFC000  }
0x2ae: {  	[spmem:s3] =	stream.indirect.scatter.add.f32 [tilespmem:s15], [sflag:$0x1], $0x80, s18, s12, $0xb8;
	[tilespmem:$0x1E180] =	vst v63  }
0x2af: {  	_ =	swait.ge [sflag:s5], $0x4000  }
0x2b0: {  	[sflag:s5] =	ssyncset.done $0x0  }
0x2b1: {  	s25 =	rddreg [dreg:$0x1a];
	[sflag:s5] =	ssyncadd.s32 $0xFFFFC000  }
0x2b2: {  	[tilespmem:s13], [sflag:$0x1] =	stream.strided.gather [hbm4b:s25+s14], $0x1000, s12, s14, $0x38;
	[tilespmem:$0x1E180] =	vst v63  }
0x2b3: {  	_ =	swait.ge [sflag:s5], $0x1000  }
0x2b4: {  	[sflag:s5] =	ssyncset.done $0x0  }
0x2b5: {  	[sflag:s5] =	ssyncadd.s32 $0xFFFFF000  }
0x2b6: {  	[spmem:s2] =	stream.indirect.scatter.add.f32 [tilespmem:s13], [sflag:$0x1], $0x20, s18, s12, $0xb8;
	[tilespmem:$0x1E180] =	vst v63  }
0x2b7: {  	_ =	swait.ge [sflag:s5], $0x1000  }
0x2b8: {  	[sflag:s5] =	ssyncset.done $0x0  }
0x2b9: {  	s26 =	rddreg [dreg:$0x1b];
	[sflag:s5] =	ssyncadd.s32 $0xFFFFF000  }
0x2ba: {  	[tilespmem:s15], [sflag:$0x1] =	stream.linear.gather [hbm4b:s26+s4], $0x4000, $0x38;
	[tilespmem:$0x1E180] =	vst v63  }
0x2bb: {  	_ =	swait.ge [sflag:s5], $0x4000  }
0x2bc: {  	[sflag:s5] =	ssyncset.done $0x0  }
0x2bd: {  	[sflag:s5] =	ssyncadd.s32 $0xFFFFC000  }
0x2be: {  	[spmem:s3] =	stream.indirect.scatter.add.f32 [tilespmem:s15], [sflag:$0x1], $0x80, s17, s12, $0xb8;
	[tilespmem:$0x1E180] =	vst v63  }
0x2bf: {  	_ =	swait.ge [sflag:s5], $0x4000  }
0x2c0: {  	[sflag:s5] =	ssyncset.done $0x0  }
0x2c1: {  	s28 =	rddreg [dreg:$0x1c];
	[sflag:s5] =	ssyncadd.s32 $0xFFFFC000  }
0x2c2: {  	[tilespmem:s13], [sflag:$0x1] =	stream.strided.gather [hbm4b:s28+s14], $0x1000, s12, s14, $0x38;
	[tilespmem:$0x1E180] =	vst v63  }
0x2c3: {  	_ =	swait.ge [sflag:s5], $0x1000  }
0x2c4: {  	[sflag:s5] =	ssyncset.done $0x0  }
0x2c5: {  	[sflag:s5] =	ssyncadd.s32 $0xFFFFF000  }
0x2c6: {  	[spmem:s2] =	stream.indirect.scatter.add.f32 [tilespmem:s13], [sflag:$0x1], $0x20, s17, s12, $0xb8;
	[tilespmem:$0x1E180] =	vst v63  }
0x2c7: {  	_ =	swait.ge [sflag:s5], $0x1000  }
0x2c8: {  	[sflag:s5] =	ssyncset.done $0x0  }
0x2c9: {  	s30 =	rddreg [dreg:$0x1d];
	[sflag:s5] =	ssyncadd.s32 $0xFFFFF000  }
0x2ca: {  	[tilespmem:s15], [sflag:$0x1] =	stream.linear.gather [hbm4b:s30+s4], $0x4000, $0x38;
	[tilespmem:$0x1E180] =	vst v63  }
0x2cb: {  	_ =	swait.ge [sflag:s5], $0x4000  }
0x2cc: {  	[sflag:s5] =	ssyncset.done $0x0  }
0x2cd: {  	[sflag:s5] =	ssyncadd.s32 $0xFFFFC000  }
0x2ce: {  	[spmem:s3] =	stream.indirect.scatter.add.f32 [tilespmem:s15], [sflag:$0x1], $0x80, s16, s12, $0xb8;
	[tilespmem:$0x1E180] =	vst v63  }
0x2cf: {  	_ =	swait.ge [sflag:s5], $0x4000  }
0x2d0: {  	[sflag:s5] =	ssyncset.done $0x0  }
0x2d1: {  	s31 =	rddreg [dreg:$0x1e];
	[sflag:s5] =	ssyncadd.s32 $0xFFFFC000  }
0x2d2: {  	[tilespmem:s13], [sflag:$0x1] =	stream.strided.gather [hbm4b:s31+s14], $0x1000, s12, s14, $0x38;
	[tilespmem:$0x1E180] =	vst v63  }
0x2d3: {  	_ =	swait.ge [sflag:s5], $0x1000  }
0x2d4: {  	[sflag:s5] =	ssyncset.done $0x0  }
0x2d5: {  	[sflag:s5] =	ssyncadd.s32 $0xFFFFF000  }
0x2d6: {  	[spmem:s2] =	stream.indirect.scatter.add.f32 [tilespmem:s13], [sflag:$0x1], $0x20, s16, s12, $0xb8;
	[tilespmem:$0x1E180] =	vst v63  }
0x2d7: {  	_ =	swait.ge [sflag:s5], $0x1000  }
0x2d8: {  	[sflag:s5] =	ssyncset.done $0x0  }
0x2d9: {  	[sflag:s5] =	ssyncadd.s32 $0xFFFFF000  }
0x2da: {  	[bflag:$0x0] =	sbarrier.arrive $0xFFFF  }
0x2db: {  	[hbm:s7], [sflag:s29] =	dma.local [spmem:s11], $0x2780  }
0x2dc: {  	_ =	swait.ge [sflag:s5], $0x2780  }
0x2dd: {  	[sflag:s5] =	ssyncset.done $0x0  }
0x2de: {  	[sflag:s5] =	ssyncadd.s32 $0xFFFFD880  }
0x2df: {  	[hbm:s6@s10], [sflag:s29] =	dma.strided [spmem:s8@s9], $0x9E0, s5, $0x4   }
0x2e0: {  	_ =	swait.ge [sflag:s5], $0x9E0  }
0x2e1: {  	[sflag:s5] =	ssyncset.done $0x0  }
0x2e2: {  	[sflag:s5] =	ssyncadd.s32 $0xFFFFF620  }
0x2e3: {  	_ =	sfence.sel $0x180000  }
0x2e4: {  	[bflag:$0x0] =	sbarrier.arrive $0xFFFF  }
0x2e5: {  	p0 =	sne.s32 s0, $0x0;
	_ =	strace $0x90000050  }
0x2e6: {  	s0 =	sadd.s32 @!p0 $0x100000, s1;
	[bflag:$0x2] =	sbarrier.arrive $0xFFFF  }
0x2e7: {  	[sflag:s0] =	ssyncadd.tile.s32 @!p0 $0x1;
	_ =	shalt  }
.Lfunc_end2:
_tile_overlayer_lowered:
.L_overlay_start_2:
0x2e8: {  	(tag) =	ssettag $0x2  }
0x2e9: {  	s0 =	rddreg [dreg:$0x0];
	s2 =	stileid.u32  }
0x2ea: {  	s1 =	rddreg [dreg:$0x1];
	p0 =	sne.s32 s2, $0x0  }
0x2eb: {  	s3 =	rddreg [dreg:$0x2];
	[bflag:$0x3] =	sbarrier.arrive $0xFFFF;
	s2 =	simm.s32 @!p0 $0x1C01  }
0x2ec: {  	[timem:s3], [sflag:s2] =	dma.local @!p0 [hbm:s0], s1  }
0x2ed: {  	s0 =	simm.s32 @!p0 $0x1  }
0x2ee: {  	_ =	swait.ge @!p0 [sflag:s0], s1  }
0x2ef: {  	s1 =	ssub.s32 @!p0 $0x0, s1;
	[sflag:s0] =	ssyncset.done @!p0 $0x0  }
0x2f0: {  	[sflag:s0] =	ssyncadd.s32 @!p0 s1  }
0x2f1: {  	[bflag:$0x3] =	sbarrier.arrive $0xFFFF  }
0x2f2: {  	_ =	shalt  }

</sc_bundles>
